<compile_context>
chip_gen: v7x
topology: tpu7x:2x2x1
jax: 0.10.2.dev20260603
libtpu: 0.0.44.dev20260713+nightly
codegen_flags: <defaults>
</compile_context>

<pallas_src>
import functools

import jax
import jax.numpy as jnp
from jax import lax
from jax.experimental import pallas as pl
from jax.experimental.pallas import tpu as pltpu
from jax.experimental.pallas import tpu_sc as plsc

FN = jnp.float32

N = 10000
NP = 10240
NT = 16
RPT = NP // NT
E_RAW = 160000
EF = E_RAW + N
K = 112
NB = 96
NB2 = NB // 2
W = 4
NW = NB // W
NW2 = NW // 2
EP = NT * NB * K
R = 1024
GRID = NP // R
EPS = 1e-3
CLS = 40



def _prop_body(cps, hp, idx_cw, zeros, out, win_a, win_b,
               rows_a, rows_b, sem_da, sem_db, sem_a, sem_b, acc):
    cid = lax.axis_index("c")
    tid = lax.axis_index("s")

    def pair(j_unused, win, ta, tb, win2, t2, last):
        pltpu.async_copy(hp.at[win.at[0, tb]], rows_b, sem_b)
        pltpu.make_async_copy(hp.at[win.at[0, ta]], rows_a, sem_a).wait()
        pltpu.sync_copy(rows_a, acc.at[win.at[1, ta]], add=True)
        if last:
            @pl.when(j_unused)
            def _():
                pltpu.async_copy(hp.at[win2.at[0, t2]], rows_a, sem_a)
        else:
            pltpu.async_copy(hp.at[win2.at[0, t2]], rows_a, sem_a)
        pltpu.make_async_copy(hp.at[win.at[0, tb]], rows_b, sem_b).wait()
        pltpu.sync_copy(rows_b, acc.at[win.at[1, tb]], add=True)

    for lc in range(cps):
        chunk = cid * cps + lc
        wbase = (chunk * NT + tid) * NW
        pltpu.sync_copy(idx_cw.at[wbase], win_a)
        pltpu.async_copy(hp.at[win_a.at[0, 0]], rows_a, sem_a)
        pltpu.sync_copy(zeros.at[pl.ds(tid * RPT, RPT)],
                        acc.at[pl.ds(tid * RPT, RPT)])
        plsc.subcore_barrier()

        @pl.loop(0, NW2, unroll=False)
        def outer(w2):
            wa = 2 * w2
            more = w2 < NW2 - 1
            pltpu.async_copy(idx_cw.at[wbase + wa + 1], win_b, sem_db)
            pair(None, win_a, 0, 1, win_a, 2, False)
            pltpu.make_async_copy(idx_cw.at[wbase], win_b, sem_db).wait()
            pair(None, win_a, 2, 3, win_b, 0, False)

            @pl.when(more)
            def _():
                pltpu.async_copy(idx_cw.at[wbase + wa + 2], win_a, sem_da)

            pair(None, win_b, 0, 1, win_b, 2, False)

            @pl.when(more)
            def _():
                pltpu.make_async_copy(idx_cw.at[wbase], win_a, sem_da).wait()

            pair(more, win_b, 2, 3, win_a, 0, True)

        plsc.subcore_barrier()
        pltpu.sync_copy(acc.at[pl.ds(tid * RPT, RPT)],
                        out.at[pl.ds(chunk * NP + tid * RPT, RPT)])


def _sc_propagate(hp_flat, idx_cw, zeros, n_chunks):
    cps = n_chunks // 2
    mesh = plsc.VectorSubcoreMesh(core_axis_name="c", subcore_axis_name="s")
    kern = functools.partial(
        pl.kernel,
        mesh=mesh,
        out_type=jax.ShapeDtypeStruct((n_chunks * NP, 128), FN),
        scratch_types=[
            pltpu.VMEM((2, W, K), jnp.int32),
            pltpu.VMEM((2, W, K), jnp.int32),
            pltpu.VMEM((K, 128), FN),
            pltpu.VMEM((K, 128), FN),
            pltpu.SemaphoreType.DMA,
            pltpu.SemaphoreType.DMA,
            pltpu.SemaphoreType.DMA,
            pltpu.SemaphoreType.DMA,
            pltpu.VMEM_SHARED((NP, 128), FN),
        ],
    )(functools.partial(_prop_body, cps))
    return kern(hp_flat, idx_cw, zeros)


NB_HALF = NB // 2


def _deg_body(dst_t, ones_hbm, zeros, out, dst_v, ones_v, sem, acc):
    cid = lax.axis_index("c")
    tid = lax.axis_index("s")
    pltpu.sync_copy(dst_t.at[tid], dst_v)
    pltpu.sync_copy(ones_hbm, ones_v)
    pltpu.sync_copy(zeros.at[pl.ds(tid * RPT, RPT)],
                    acc.at[pl.ds(tid * RPT, RPT)])
    plsc.subcore_barrier()

    lo = cid * NB_HALF
    hi = lo + NB_HALF

    @pl.loop(lo, hi, unroll=False)
    def step(j):
        pltpu.async_copy(ones_v, acc.at[dst_v.at[j]], sem, add=True)

        @pl.when(j >= lo + 4)
        def _():
            pltpu.make_async_copy(ones_v, acc.at[dst_v.at[lo]], sem).wait()
    for _ in range(4):
        pltpu.make_async_copy(ones_v, acc.at[dst_v.at[lo]], sem).wait()
    plsc.subcore_barrier()
    pltpu.sync_copy(acc.at[pl.ds(tid * RPT, RPT)],
                    out.at[pl.ds(cid * NP + tid * RPT, RPT)])


def _sc_degree(dst_t, ones_hbm, zeros):
    mesh = plsc.VectorSubcoreMesh(core_axis_name="c", subcore_axis_name="s")
    kern = functools.partial(
        pl.kernel,
        mesh=mesh,
        out_type=jax.ShapeDtypeStruct((2 * NP, 128), FN),
        scratch_types=[
            pltpu.VMEM((NB, K), jnp.int32),
            pltpu.VMEM((K, 128), FN),
            pltpu.SemaphoreType.DMA,
            pltpu.VMEM_SHARED((NP, 128), FN),
        ],
    )(_deg_body)
    return kern(dst_t, ones_hbm, zeros)



def _rsqrt(x):
    r = lax.rsqrt(x)
    return r * (1.5 - 0.5 * x * r * r)


def _m0_body(x_ref, w_ref, out_ref):
    out_ref[...] = jnp.dot(x_ref[...], w_ref[...], preferred_element_type=FN)


def _tc_m0(xp, w0):
    return pl.pallas_call(
        _m0_body,
        grid=(GRID,),
        in_specs=[
            pl.BlockSpec((R, 256), lambda i: (i, 0)),
            pl.BlockSpec((256, 512), lambda i: (0, 0)),
        ],
        out_specs=pl.BlockSpec((R, 512), lambda i: (i, 0)),
        out_shape=jax.ShapeDtypeStruct((NP, 512), FN),
    )(xp, w0)


def _pre_body(deg_ref, m_ref, hp_ref, dis_ref):
    deg = deg_ref[0, :, 0:1] + deg_ref[1, :, 0:1]
    dis = jnp.where(deg > 0.0, _rsqrt(deg), 0.0)
    dis_ref[...] = jnp.broadcast_to(dis, (R, 128))
    for c in range(4):
        hp_ref[c] = m_ref[:, c * 128:(c + 1) * 128] * dis


def _tc_pre(deg, m0):
    return pl.pallas_call(
        _pre_body,
        grid=(GRID,),
        in_specs=[
            pl.BlockSpec((2, R, 128), lambda i: (0, i, 0)),
            pl.BlockSpec((R, 512), lambda i: (i, 0)),
        ],
        out_specs=[
            pl.BlockSpec((4, R, 128), lambda i: (0, i, 0)),
            pl.BlockSpec((R, 128), lambda i: (i, 0)),
        ],
        out_shape=[
            jax.ShapeDtypeStruct((4, NP, 128), FN),
            jax.ShapeDtypeStruct((NP, 128), FN),
        ],
    )(deg, m0)


def _mm_stats_body(c_in, prop_ref, dis_ref, b_ref, y_ref, s1_ref, s2_ref):
    i = pl.program_id(0)
    xg = jnp.concatenate([prop_ref[c] * dis_ref[...] for c in range(c_in)],
                         axis=1)
    y = xg + b_ref[...]
    y = jnp.maximum(y, 0.0)
    rows = lax.broadcasted_iota(jnp.int32, (R, 1), 0) + i * R
    y = jnp.where(rows < N, y, 0.0)
    y_ref[...] = y

    @pl.when(i == 0)
    def _():
        s1_ref[...] = jnp.zeros_like(s1_ref)
        s2_ref[...] = jnp.zeros_like(s2_ref)

    s1_ref[...] += jnp.sum(y, axis=0, keepdims=True)
    s2_ref[...] += jnp.sum(y * y, axis=0, keepdims=True)


def _tc_mm_stats(prop, dis, b, c_in, f_out):
    body = functools.partial(_mm_stats_body, c_in)
    return pl.pallas_call(
        body,
        grid=(GRID,),
        in_specs=[
            pl.BlockSpec((c_in, R, 128), lambda i: (0, i, 0)),
            pl.BlockSpec((R, 128), lambda i: (i, 0)),
            pl.BlockSpec((1, f_out), lambda i: (0, 0)),
        ],
        out_specs=[
            pl.BlockSpec((R, f_out), lambda i: (i, 0)),
            pl.BlockSpec((1, f_out), lambda i: (0, 0)),
            pl.BlockSpec((1, f_out), lambda i: (0, 0)),
        ],
        out_shape=[
            jax.ShapeDtypeStruct((NP, f_out), FN),
            jax.ShapeDtypeStruct((1, f_out), FN),
            jax.ShapeDtypeStruct((1, f_out), FN),
        ],
    )(prop, dis, b)


def _bn_next_body(relu_bn, c_out, w2, y_ref, s1_ref, s2_ref, g_ref, be_ref,
                  dis_ref, *rest):
    if w2:
        w2_ref, hp_ref = rest
    else:
        (hp_ref,) = rest
    mean = s1_ref[...] * (1.0 / N)
    var = s2_ref[...] * (1.0 / N) - mean * mean
    inv = _rsqrt(var + EPS)
    h = (y_ref[...] - mean) * inv * g_ref[...] + be_ref[...]
    if relu_bn:
        h = jnp.maximum(h, 0.0)
    if w2:
        h = jnp.dot(h, w2_ref[...], preferred_element_type=FN)
    dis = dis_ref[...]
    for c in range(c_out):
        hp_ref[c] = h[:, c * 128:(c + 1) * 128] * dis


def _tc_bn_next(y, s1, s2, g, be, dis, c_out, relu_bn, w2=None):
    f_in = y.shape[1]
    body = functools.partial(_bn_next_body, relu_bn, c_out,
                             w2 is not None)
    in_specs = [
        pl.BlockSpec((R, f_in), lambda i: (i, 0)),
        pl.BlockSpec((1, f_in), lambda i: (0, 0)),
        pl.BlockSpec((1, f_in), lambda i: (0, 0)),
        pl.BlockSpec((1, f_in), lambda i: (0, 0)),
        pl.BlockSpec((1, f_in), lambda i: (0, 0)),
        pl.BlockSpec((R, 128), lambda i: (i, 0)),
    ]
    args = [y, s1, s2, g, be, dis]
    if w2 is not None:
        in_specs.append(pl.BlockSpec(w2.shape, lambda i: (0, 0)))
        args.append(w2)
    return pl.pallas_call(
        body,
        grid=(GRID,),
        in_specs=in_specs,
        out_specs=[pl.BlockSpec((c_out, R, 128), lambda i: (0, i, 0))],
        out_shape=[jax.ShapeDtypeStruct((c_out, NP, 128), FN)],
    )(*args)[0]


def _final_body(y_ref, s1_ref, s2_ref, g_ref, be_ref, w3_ref, b3_ref,
                out_ref):
    mean = s1_ref[...] * (1.0 / N)
    var = s2_ref[...] * (1.0 / N) - mean * mean
    inv = _rsqrt(var + EPS)
    h = (y_ref[...] - mean) * inv * g_ref[...] + be_ref[...]
    h = jnp.maximum(h, 0.0)
    out = jnp.dot(h, w3_ref[...], preferred_element_type=FN) + b3_ref[...]
    out_ref[...] = jnp.maximum(out, 0.0)


def _tc_final(y, s1, s2, g, be, w3p, b3p):
    return pl.pallas_call(
        _final_body,
        grid=(GRID,),
        in_specs=[
            pl.BlockSpec((R, 256), lambda i: (i, 0)),
            pl.BlockSpec((1, 256), lambda i: (0, 0)),
            pl.BlockSpec((1, 256), lambda i: (0, 0)),
            pl.BlockSpec((1, 256), lambda i: (0, 0)),
            pl.BlockSpec((1, 256), lambda i: (0, 0)),
            pl.BlockSpec((256, 128), lambda i: (0, 0)),
            pl.BlockSpec((1, 128), lambda i: (0, 0)),
        ],
        out_specs=pl.BlockSpec((R, 128), lambda i: (i, 0)),
        out_shape=jax.ShapeDtypeStruct((NP, 128), FN),
    )(y, s1, s2, g, be, w3p, b3p)



def kernel(x, edge_index, W0, b0, g0, be0, W1, b1, g1, be1, W2, b2, g2, be2,
           W3, b3):
    si = jnp.arange(N, dtype=jnp.int32)
    src = jnp.concatenate([edge_index[0].astype(jnp.int32), si])
    dst = jnp.concatenate([edge_index[1].astype(jnp.int32), si])
    pad = EP - EF
    src = jnp.pad(src, (0, pad))
    dst = jnp.pad(dst, (0, pad), constant_values=N)
    dst_t = dst.reshape(NT, NB, K)
    src_w = src.reshape(NT, NW, W, K)
    dst_w = dst.reshape(NT, NW, W, K)

    def make_idx(c):
        s = (src_w[None] +
             (jnp.arange(c, dtype=jnp.int32) * NP)[:, None, None, None, None])
        d = jnp.broadcast_to(dst_w[None], (c,) + dst_w.shape)
        return jnp.stack([s, d], axis=3).reshape(c * NT * NW, 2, W, K)

    idx4 = make_idx(4)
    idx2 = idx4[:2 * NT * NW]

    zeros128 = jnp.zeros((NP, 128), FN)
    ones_k = jnp.ones((K, 128), FN)
    xp = jnp.pad(x, ((0, NP - N), (0, 0)))

    deg = _sc_degree(dst_t, ones_k, zeros128)
    m0 = _tc_m0(xp, W0)
    hp0, dis = _tc_pre(deg.reshape(2, NP, 128), m0)

    p0 = _sc_propagate(hp0.reshape(4 * NP, 128), idx4, zeros128, 4)
    y0, s01, s02 = _tc_mm_stats(p0.reshape(4, NP, 128), dis,
                                b0.reshape(1, -1), 4, 512)
    hp1 = _tc_bn_next(y0, s01, s02, g0.reshape(1, -1), be0.reshape(1, -1),
                      dis, 4, relu_bn=True, w2=W1)

    p1 = _sc_propagate(hp1.reshape(4 * NP, 128), idx4, zeros128, 4)
    y1, s11, s12 = _tc_mm_stats(p1.reshape(4, NP, 128), dis,
                                b1.reshape(1, -1), 4, 512)
    hp2 = _tc_bn_next(y1, s11, s12, g1.reshape(1, -1), be1.reshape(1, -1),
                      dis, 2, relu_bn=False, w2=W2)

    p2 = _sc_propagate(hp2.reshape(2 * NP, 128), idx2, zeros128, 2)
    y2, s21, s22 = _tc_mm_stats(p2.reshape(2, NP, 128), dis,
                                b2.reshape(1, -1), 2, 256)

    w3p = jnp.pad(W3, ((0, 0), (0, 128 - CLS)))
    b3p = jnp.pad(b3, (0, 128 - CLS)).reshape(1, 128)
    out = _tc_final(y2, s21, s22, g2.reshape(1, -1), be2.reshape(1, -1),
                    w3p, b3p)
    return out[:N, :CLS]

# --- scband reference (transcript-rebuilt; emitter-appended) ---
"""Pipeline reference for scband-bruno-20100446945846 (READ-ONLY COPY).

The authoritative reference and input builder live on the scoring server;
editing this copy changes nothing except your own understanding.
"""

import jax, jax.numpy as jnp
import numpy as np

N = 10000
E = 160000
UNITS = [256, 512, 512, 256]
NUM_CLASSES = 40
EPS = 1e-3


def gcn_conv(x, src, dst, W, b, n):
    # GCNConv: symmetric normalization with self-loops (loops already appended to src/dst)
    h = x @ W
    deg = jnp.zeros((n,), dtype=x.dtype).at[dst].add(1.0)
    dis = jnp.where(deg > 0, 1.0 / jnp.sqrt(deg), 0.0)
    norm = dis[src] * dis[dst]
    msg = h[src] * norm[:, None]
    out = jax.ops.segment_sum(msg, dst, num_segments=n)
    return out + b


def batch_norm(h, gamma, beta):
    # BatchNorm1d in training mode: batch statistics, eps=0.001
    mean = h.mean(axis=0)
    var = h.var(axis=0)
    return (h - mean) / jnp.sqrt(var + EPS) * gamma + beta


def setup_inputs(seed: int = 0) -> dict:
    key = jax.random.key(seed)
    ks = jax.random.split(key, 20)
    x = jax.random.normal(ks[0], (N, UNITS[0]), dtype=jnp.float32)
    edge_index = jax.random.randint(ks[1], (2, E), 0, N, dtype=jnp.int32)
    inp = {"x": x, "edge_index": edge_index}
    # GCN block params
    dims = list(zip(UNITS[:-1], UNITS[1:]))
    for i, (fi, fo) in enumerate(dims):
        inp[f"W{i}"] = jax.random.normal(ks[2 + 4 * i], (fi, fo), dtype=jnp.float32) / np.sqrt(fi)
        inp[f"b{i}"] = jnp.zeros((fo,), dtype=jnp.float32)
        inp[f"g{i}"] = jnp.ones((fo,), dtype=jnp.float32)
        inp[f"be{i}"] = jnp.zeros((fo,), dtype=jnp.float32)
    # final Linear
    inp["W3"] = jax.random.normal(ks[15], (UNITS[-1], NUM_CLASSES), dtype=jnp.float32) / np.sqrt(UNITS[-1])
    inp["b3"] = jnp.zeros((NUM_CLASSES,), dtype=jnp.float32)
    return inp


def reference(x, edge_index, W0, b0, g0, be0, W1, b1, g1, be1, W2, b2, g2, be2, W3, b3):
    src, dst = edge_index[0], edge_index[1]
    si = jnp.arange(N, dtype=src.dtype)
    src = jnp.concatenate([src, si])
    dst = jnp.concatenate([dst, si])
    # block 0 (i=0): relu(GCN), relu(BN)
    h = jax.nn.relu(gcn_conv(x, src, dst, W0, b0, N))
    h = jax.nn.relu(batch_norm(h, g0, be0))
    # block 1 (i=1 == len(inner)-1): relu(GCN), BN without relu (faithful to original bug)
    h = jax.nn.relu(gcn_conv(h, src, dst, W1, b1, N))
    h = batch_norm(h, g1, be1)
    # block 2 (i=2): relu(GCN), relu(BN)
    h = jax.nn.relu(gcn_conv(h, src, dst, W2, b2, N))
    h = jax.nn.relu(batch_norm(h, g2, be2))
    # final linear block (i=3, len(inner)=1, condition false -> relu applied)
    out = jax.nn.relu(h @ W3 + b3)
    return out

if __name__ == "__main__":
    import jax
    _d = setup_inputs()
    print(jax.jit(kernel)(*tuple(_d.values())))

</pallas_src>

<mosaic_0001>
#map = affine_map<(d0, d1) -> (0, 0, 0)>
#map1 = affine_map<(d0, d1) -> (0, 0)>
module attributes {stable_mosaic.version = 14 : i64} {
  func.func @_deg_body(%arg0: i32, %arg1: i32, %arg2: memref<16x96x112xi32, #tpu.memory_space<hbm>>, %arg3: memref<112x128xf32, #tpu.memory_space<hbm>>, %arg4: memref<10240x128xf32, #tpu.memory_space<hbm>>, %arg5: memref<20480x128xf32, #tpu.memory_space<hbm>>, %arg6: memref<96x112xi32, #tpu.memory_space<vmem>>, %arg7: memref<112x128xf32, #tpu.memory_space<vmem>>, %arg8: memref<!tpu.dma_semaphore, #tpu.memory_space<semaphore_mem>>, %arg9: memref<10240x128xf32, #tpu.memory_space<vmem_shared>>) attributes {dimension_semantics = [#tpu.dimension_semantics<core_parallel>, #tpu.dimension_semantics<subcore_parallel>], iteration_bounds = array<i64: 2, 16>, scalar_prefetch = 0 : i64, scratch_operands = 4 : i64, tpu.core_type = #tpu.core_type<sc_vector_subcore>, window_params = [{transform_indices = #map}, {transform_indices = #map1}, {transform_indices = #map1}, {transform_indices = #map1}]} {
    "tpu.region"() ({
      %run_scoped3A = tpu.sem_alloc : memref<!tpu.dma_semaphore, #tpu.memory_space<semaphore_mem>>
      %dma_start3A = arith.constant 0 : i32
      %dma_start3A_51 = arith.constant 0 : i32
      %dma_start3A_52 = tpu.memref_slice %arg2[%arg1, %dma_start3A, %dma_start3A_51] : memref<16x96x112xi32, #tpu.memory_space<hbm>> -> memref<1x96x112xi32, #tpu.memory_space<hbm>>
      %dma_start3A_53 = tpu.memref_squeeze %dma_start3A_52 : memref<1x96x112xi32, #tpu.memory_space<hbm>> -> memref<96x112xi32, #tpu.memory_space<hbm>>
      %dma_start3A_54 = arith.constant 0 : i32
      %dma_start3A_55 = arith.constant 0 : i32
      %dma_start3A_56 = tpu.memref_slice %arg2[%arg1, %dma_start3A_54, %dma_start3A_55] : memref<16x96x112xi32, #tpu.memory_space<hbm>> -> memref<1x96x112xi32, #tpu.memory_space<hbm>>
      %dma_start3A_57 = tpu.memref_squeeze %dma_start3A_56 : memref<1x96x112xi32, #tpu.memory_space<hbm>> -> memref<96x112xi32, #tpu.memory_space<hbm>>
      tpu.enqueue_dma source(%dma_start3A_57 : memref<96x112xi32, #tpu.memory_space<hbm>>) target(%arg6 : memref<96x112xi32, #tpu.memory_space<vmem>>) target_semaphore(%run_scoped3A : memref<!tpu.dma_semaphore, #tpu.memory_space<semaphore_mem>>)
      %dma_wait3A_58 = arith.constant 0 : i32
      %dma_wait3A_59 = arith.constant 0 : i32
      %dma_wait3A_60 = tpu.memref_slice %arg2[%arg1, %dma_wait3A_58, %dma_wait3A_59] : memref<16x96x112xi32, #tpu.memory_space<hbm>> -> memref<1x96x112xi32, #tpu.memory_space<hbm>>
      %dma_wait3A_61 = tpu.memref_squeeze %dma_wait3A_60 : memref<1x96x112xi32, #tpu.memory_space<hbm>> -> memref<96x112xi32, #tpu.memory_space<hbm>>
      %dma_wait3A_62 = arith.constant 0 : i32
      %dma_wait3A_63 = arith.constant 0 : i32
      %dma_wait3A_64 = tpu.memref_slice %arg2[%arg1, %dma_wait3A_62, %dma_wait3A_63] : memref<16x96x112xi32, #tpu.memory_space<hbm>> -> memref<1x96x112xi32, #tpu.memory_space<hbm>>
      %dma_wait3A_65 = tpu.memref_squeeze %dma_wait3A_64 : memref<1x96x112xi32, #tpu.memory_space<hbm>> -> memref<96x112xi32, #tpu.memory_space<hbm>>
      tpu.wait_dma2 semaphore(%run_scoped3A : memref<!tpu.dma_semaphore, #tpu.memory_space<semaphore_mem>>) src(%dma_wait3A_65 : memref<96x112xi32, #tpu.memory_space<hbm>>) dst(%arg6 : memref<96x112xi32, #tpu.memory_space<vmem>>)
      tpu.yield
    }) : () -> ()
    "tpu.region"() ({
      %run_scoped3A = tpu.sem_alloc : memref<!tpu.dma_semaphore, #tpu.memory_space<semaphore_mem>>
      tpu.enqueue_dma source(%arg3 : memref<112x128xf32, #tpu.memory_space<hbm>>) target(%arg7 : memref<112x128xf32, #tpu.memory_space<vmem>>) target_semaphore(%run_scoped3A : memref<!tpu.dma_semaphore, #tpu.memory_space<semaphore_mem>>)
      tpu.wait_dma2 semaphore(%run_scoped3A : memref<!tpu.dma_semaphore, #tpu.memory_space<semaphore_mem>>) src(%arg3 : memref<112x128xf32, #tpu.memory_space<hbm>>) dst(%arg7 : memref<112x128xf32, #tpu.memory_space<vmem>>)
      tpu.yield
    }) : () -> ()
    %mul3A = arith.constant 640 : i32
    %mul3A_0 = arith.muli %arg1, %mul3A : i32
    %mul3A_1 = arith.constant 640 : i32
    %mul3A_2 = arith.muli %arg1, %mul3A_1 : i32
    "tpu.region"() ({
      %run_scoped3A = tpu.sem_alloc : memref<!tpu.dma_semaphore, #tpu.memory_space<semaphore_mem>>
      %dma_start3A = arith.constant 0 : i32
      %dma_start3A_51 = tpu.memref_slice %arg9[%mul3A_2, %dma_start3A] : memref<10240x128xf32, #tpu.memory_space<vmem_shared>> -> memref<640x128xf32, #tpu.memory_space<vmem_shared>>
      %dma_start3A_52 = arith.constant 0 : i32
      %dma_start3A_53 = tpu.memref_slice %arg4[%mul3A_0, %dma_start3A_52] : memref<10240x128xf32, #tpu.memory_space<hbm>> -> memref<640x128xf32, #tpu.memory_space<hbm>>
      tpu.enqueue_dma source(%dma_start3A_53 : memref<640x128xf32, #tpu.memory_space<hbm>>) target(%dma_start3A_51 : memref<640x128xf32, #tpu.memory_space<vmem_shared>>) target_semaphore(%run_scoped3A : memref<!tpu.dma_semaphore, #tpu.memory_space<semaphore_mem>>)
      %dma_wait3A_54 = arith.constant 0 : i32
      %dma_wait3A_55 = tpu.memref_slice %arg9[%mul3A_2, %dma_wait3A_54] : memref<10240x128xf32, #tpu.memory_space<vmem_shared>> -> memref<640x128xf32, #tpu.memory_space<vmem_shared>>
      %dma_wait3A_56 = arith.constant 0 : i32
      %dma_wait3A_57 = tpu.memref_slice %arg4[%mul3A_0, %dma_wait3A_56] : memref<10240x128xf32, #tpu.memory_space<hbm>> -> memref<640x128xf32, #tpu.memory_space<hbm>>
      tpu.wait_dma2 semaphore(%run_scoped3A : memref<!tpu.dma_semaphore, #tpu.memory_space<semaphore_mem>>) src(%dma_wait3A_57 : memref<640x128xf32, #tpu.memory_space<hbm>>) dst(%dma_wait3A_55 : memref<640x128xf32, #tpu.memory_space<vmem_shared>>)
      tpu.yield
    }) : () -> ()
    %barrier3A = arith.constant 0 : index
    tpu.barrier barrier_id(%barrier3A)
    %mul3A_3 = arith.constant 48 : i32
    %mul3A_4 = arith.muli %arg0, %mul3A_3 : i32
    %add3A = arith.constant 48 : i32
    %add3A_5 = arith.addi %mul3A_4, %add3A : i32
    %sub3A = arith.subi %add3A_5, %mul3A_4 : i32
    %sub3A_6 = arith.constant 1 : i32
    %sub3A_7 = arith.constant 1 : i32
    %sub3A_8 = arith.subi %sub3A_6, %sub3A_7 : i32
    %add3A_9 = arith.addi %sub3A, %sub3A_8 : i32
    %div3A = arith.constant 1 : i32
    %div3A_10 = arith.divsi %add3A_9, %div3A : i32
    %while3A = arith.constant 1 : i32
    %while3A_11 = arith.constant 0 : i32
    %while3A_12 = arith.subi %div3A_10, %while3A_11 : i32
    %while3A_13 = arith.addi %while3A_11, %while3A_12 : i32
    %while3A_14 = arith.constant 1 : i32
    %while3A_15 = arith.divsi %while3A_12, %while3A_14 : i32
    %while3A_16 = arith.muli %while3A_15, %while3A_14 : i32
    %while3A_17 = arith.addi %while3A_11, %while3A_16 : i32
    %while3A_18 = arith.constant 1 : i32
    scf.for %while3A_51 = %while3A_11 to %while3A_17 step %while3A_18  : i32 {
      %mul3A_52 = arith.muli %while3A_51, %while3A : i32
      %add3A_53 = arith.addi %mul3A_4, %mul3A_52 : i32
      %dma_start3A = arith.constant 0 : i32
      %dma_start3A_54 = tpu.memref_slice %arg6[%add3A_53, %dma_start3A] : memref<96x112xi32, #tpu.memory_space<vmem>> -> memref<1x112xi32, #tpu.memory_space<vmem>>
      %dma_start3A_55 = tpu.memref_squeeze %dma_start3A_54 : memref<1x112xi32, #tpu.memory_space<vmem>> -> memref<112xi32, #tpu.memory_space<vmem>>
      %dma_start3A_56 = arith.constant 0 : i32
      %dma_start3A_57 = arith.constant 0 : i32
      %dma_start3A_58 = tpu.memref_slice %arg9[%dma_start3A_56, %dma_start3A_57] : memref<10240x128xf32, #tpu.memory_space<vmem_shared>> -> memref<10240x128xf32, #tpu.memory_space<vmem_shared>>
      tpu.enqueue_indirect_dma source(%arg7 : memref<112x128xf32, #tpu.memory_space<vmem>>) target(%dma_start3A_58 : memref<10240x128xf32, #tpu.memory_space<vmem_shared>>) offsets(%dma_start3A_55 : memref<112xi32, #tpu.memory_space<vmem>>) semaphore(%arg8 : memref<!tpu.dma_semaphore, #tpu.memory_space<semaphore_mem>>) {add = true}
      %add3A_59 = arith.constant 4 : i32
      %add3A_60 = arith.addi %mul3A_4, %add3A_59 : i32
      %ge3A = arith.cmpi sge, %add3A_53, %add3A_60 : i32
      %convert_element_type3A = arith.extui %ge3A : i1 to i32
      %cond3A = arith.constant 0 : i32
      %cond3A_61 = arith.cmpi ne, %convert_element_type3A, %cond3A : i32
      scf.if %cond3A_61 {
        %dma_wait3A_62 = arith.constant 0 : i32
        %dma_wait3A_63 = tpu.memref_slice %arg6[%mul3A_4, %dma_wait3A_62] : memref<96x112xi32, #tpu.memory_space<vmem>> -> memref<1x112xi32, #tpu.memory_space<vmem>>
        %dma_wait3A_64 = tpu.memref_squeeze %dma_wait3A_63 : memref<1x112xi32, #tpu.memory_space<vmem>> -> memref<112xi32, #tpu.memory_space<vmem>>
        %dma_wait3A_65 = arith.constant 0 : i32
        %dma_wait3A_66 = arith.constant 0 : i32
        %dma_wait3A_67 = tpu.memref_slice %arg9[%dma_wait3A_65, %dma_wait3A_66] : memref<10240x128xf32, #tpu.memory_space<vmem_shared>> -> memref<10240x128xf32, #tpu.memory_space<vmem_shared>>
        tpu.wait_indirect_dma semaphore(%arg8 : memref<!tpu.dma_semaphore, #tpu.memory_space<semaphore_mem>>) src(%arg7 : memref<112x128xf32, #tpu.memory_space<vmem>>) dst(%dma_wait3A_67 : memref<10240x128xf32, #tpu.memory_space<vmem_shared>>)
      } else {
      }
    }
    %while3A_19 = arith.constant 1 : i32
    scf.for %while3A_51 = %while3A_17 to %while3A_13 step %while3A_19  : i32 {
      %mul3A_52 = arith.muli %while3A_51, %while3A : i32
      %add3A_53 = arith.addi %mul3A_4, %mul3A_52 : i32
      %dma_start3A = arith.constant 0 : i32
      %dma_start3A_54 = tpu.memref_slice %arg6[%add3A_53, %dma_start3A] : memref<96x112xi32, #tpu.memory_space<vmem>> -> memref<1x112xi32, #tpu.memory_space<vmem>>
      %dma_start3A_55 = tpu.memref_squeeze %dma_start3A_54 : memref<1x112xi32, #tpu.memory_space<vmem>> -> memref<112xi32, #tpu.memory_space<vmem>>
      %dma_start3A_56 = arith.constant 0 : i32
      %dma_start3A_57 = arith.constant 0 : i32
      %dma_start3A_58 = tpu.memref_slice %arg9[%dma_start3A_56, %dma_start3A_57] : memref<10240x128xf32, #tpu.memory_space<vmem_shared>> -> memref<10240x128xf32, #tpu.memory_space<vmem_shared>>
      tpu.enqueue_indirect_dma source(%arg7 : memref<112x128xf32, #tpu.memory_space<vmem>>) target(%dma_start3A_58 : memref<10240x128xf32, #tpu.memory_space<vmem_shared>>) offsets(%dma_start3A_55 : memref<112xi32, #tpu.memory_space<vmem>>) semaphore(%arg8 : memref<!tpu.dma_semaphore, #tpu.memory_space<semaphore_mem>>) {add = true}
      %add3A_59 = arith.constant 4 : i32
      %add3A_60 = arith.addi %mul3A_4, %add3A_59 : i32
      %ge3A = arith.cmpi sge, %add3A_53, %add3A_60 : i32
      %convert_element_type3A = arith.extui %ge3A : i1 to i32
      %cond3A = arith.constant 0 : i32
      %cond3A_61 = arith.cmpi ne, %convert_element_type3A, %cond3A : i32
      scf.if %cond3A_61 {
        %dma_wait3A_62 = arith.constant 0 : i32
        %dma_wait3A_63 = tpu.memref_slice %arg6[%mul3A_4, %dma_wait3A_62] : memref<96x112xi32, #tpu.memory_space<vmem>> -> memref<1x112xi32, #tpu.memory_space<vmem>>
        %dma_wait3A_64 = tpu.memref_squeeze %dma_wait3A_63 : memref<1x112xi32, #tpu.memory_space<vmem>> -> memref<112xi32, #tpu.memory_space<vmem>>
        %dma_wait3A_65 = arith.constant 0 : i32
        %dma_wait3A_66 = arith.constant 0 : i32
        %dma_wait3A_67 = tpu.memref_slice %arg9[%dma_wait3A_65, %dma_wait3A_66] : memref<10240x128xf32, #tpu.memory_space<vmem_shared>> -> memref<10240x128xf32, #tpu.memory_space<vmem_shared>>
        tpu.wait_indirect_dma semaphore(%arg8 : memref<!tpu.dma_semaphore, #tpu.memory_space<semaphore_mem>>) src(%arg7 : memref<112x128xf32, #tpu.memory_space<vmem>>) dst(%dma_wait3A_67 : memref<10240x128xf32, #tpu.memory_space<vmem_shared>>)
      } else {
      }
    }
    %dma_wait3A = arith.constant 0 : i32
    %dma_wait3A_20 = tpu.memref_slice %arg6[%mul3A_4, %dma_wait3A] : memref<96x112xi32, #tpu.memory_space<vmem>> -> memref<1x112xi32, #tpu.memory_space<vmem>>
    %dma_wait3A_21 = tpu.memref_squeeze %dma_wait3A_20 : memref<1x112xi32, #tpu.memory_space<vmem>> -> memref<112xi32, #tpu.memory_space<vmem>>
    %dma_wait3A_22 = arith.constant 0 : i32
    %dma_wait3A_23 = arith.constant 0 : i32
    %dma_wait3A_24 = tpu.memref_slice %arg9[%dma_wait3A_22, %dma_wait3A_23] : memref<10240x128xf32, #tpu.memory_space<vmem_shared>> -> memref<10240x128xf32, #tpu.memory_space<vmem_shared>>
    tpu.wait_indirect_dma semaphore(%arg8 : memref<!tpu.dma_semaphore, #tpu.memory_space<semaphore_mem>>) src(%arg7 : memref<112x128xf32, #tpu.memory_space<vmem>>) dst(%dma_wait3A_24 : memref<10240x128xf32, #tpu.memory_space<vmem_shared>>)
    %dma_wait3A_25 = arith.constant 0 : i32
    %dma_wait3A_26 = tpu.memref_slice %arg6[%mul3A_4, %dma_wait3A_25] : memref<96x112xi32, #tpu.memory_space<vmem>> -> memref<1x112xi32, #tpu.memory_space<vmem>>
    %dma_wait3A_27 = tpu.memref_squeeze %dma_wait3A_26 : memref<1x112xi32, #tpu.memory_space<vmem>> -> memref<112xi32, #tpu.memory_space<vmem>>
    %dma_wait3A_28 = arith.constant 0 : i32
    %dma_wait3A_29 = arith.constant 0 : i32
    %dma_wait3A_30 = tpu.memref_slice %arg9[%dma_wait3A_28, %dma_wait3A_29] : memref<10240x128xf32, #tpu.memory_space<vmem_shared>> -> memref<10240x128xf32, #tpu.memory_space<vmem_shared>>
    tpu.wait_indirect_dma semaphore(%arg8 : memref<!tpu.dma_semaphore, #tpu.memory_space<semaphore_mem>>) src(%arg7 : memref<112x128xf32, #tpu.memory_space<vmem>>) dst(%dma_wait3A_30 : memref<10240x128xf32, #tpu.memory_space<vmem_shared>>)
    %dma_wait3A_31 = arith.constant 0 : i32
    %dma_wait3A_32 = tpu.memref_slice %arg6[%mul3A_4, %dma_wait3A_31] : memref<96x112xi32, #tpu.memory_space<vmem>> -> memref<1x112xi32, #tpu.memory_space<vmem>>
    %dma_wait3A_33 = tpu.memref_squeeze %dma_wait3A_32 : memref<1x112xi32, #tpu.memory_space<vmem>> -> memref<112xi32, #tpu.memory_space<vmem>>
    %dma_wait3A_34 = arith.constant 0 : i32
    %dma_wait3A_35 = arith.constant 0 : i32
    %dma_wait3A_36 = tpu.memref_slice %arg9[%dma_wait3A_34, %dma_wait3A_35] : memref<10240x128xf32, #tpu.memory_space<vmem_shared>> -> memref<10240x128xf32, #tpu.memory_space<vmem_shared>>
    tpu.wait_indirect_dma semaphore(%arg8 : memref<!tpu.dma_semaphore, #tpu.memory_space<semaphore_mem>>) src(%arg7 : memref<112x128xf32, #tpu.memory_space<vmem>>) dst(%dma_wait3A_36 : memref<10240x128xf32, #tpu.memory_space<vmem_shared>>)
    %dma_wait3A_37 = arith.constant 0 : i32
    %dma_wait3A_38 = tpu.memref_slice %arg6[%mul3A_4, %dma_wait3A_37] : memref<96x112xi32, #tpu.memory_space<vmem>> -> memref<1x112xi32, #tpu.memory_space<vmem>>
    %dma_wait3A_39 = tpu.memref_squeeze %dma_wait3A_38 : memref<1x112xi32, #tpu.memory_space<vmem>> -> memref<112xi32, #tpu.memory_space<vmem>>
    %dma_wait3A_40 = arith.constant 0 : i32
    %dma_wait3A_41 = arith.constant 0 : i32
    %dma_wait3A_42 = tpu.memref_slice %arg9[%dma_wait3A_40, %dma_wait3A_41] : memref<10240x128xf32, #tpu.memory_space<vmem_shared>> -> memref<10240x128xf32, #tpu.memory_space<vmem_shared>>
    tpu.wait_indirect_dma semaphore(%arg8 : memref<!tpu.dma_semaphore, #tpu.memory_space<semaphore_mem>>) src(%arg7 : memref<112x128xf32, #tpu.memory_space<vmem>>) dst(%dma_wait3A_42 : memref<10240x128xf32, #tpu.memory_space<vmem_shared>>)
    %barrier3A_43 = arith.constant 0 : index
    tpu.barrier barrier_id(%barrier3A_43)
    %mul3A_44 = arith.constant 640 : i32
    %mul3A_45 = arith.muli %arg1, %mul3A_44 : i32
    %mul3A_46 = arith.constant 10240 : i32
    %mul3A_47 = arith.muli %arg0, %mul3A_46 : i32
    %mul3A_48 = arith.constant 640 : i32
    %mul3A_49 = arith.muli %arg1, %mul3A_48 : i32
    %add3A_50 = arith.addi %mul3A_47, %mul3A_49 : i32
    "tpu.region"() ({
      %run_scoped3A = tpu.sem_alloc : memref<!tpu.dma_semaphore, #tpu.memory_space<semaphore_mem>>
      %dma_start3A = arith.constant 0 : i32
      %dma_start3A_51 = tpu.memref_slice %arg5[%add3A_50, %dma_start3A] : memref<20480x128xf32, #tpu.memory_space<hbm>> -> memref<640x128xf32, #tpu.memory_space<hbm>>
      %dma_start3A_52 = arith.constant 0 : i32
      %dma_start3A_53 = tpu.memref_slice %arg9[%mul3A_45, %dma_start3A_52] : memref<10240x128xf32, #tpu.memory_space<vmem_shared>> -> memref<640x128xf32, #tpu.memory_space<vmem_shared>>
      tpu.enqueue_dma source(%dma_start3A_53 : memref<640x128xf32, #tpu.memory_space<vmem_shared>>) target(%dma_start3A_51 : memref<640x128xf32, #tpu.memory_space<hbm>>) target_semaphore(%run_scoped3A : memref<!tpu.dma_semaphore, #tpu.memory_space<semaphore_mem>>)
      %dma_wait3A_54 = arith.constant 0 : i32
      %dma_wait3A_55 = tpu.memref_slice %arg5[%add3A_50, %dma_wait3A_54] : memref<20480x128xf32, #tpu.memory_space<hbm>> -> memref<640x128xf32, #tpu.memory_space<hbm>>
      %dma_wait3A_56 = arith.constant 0 : i32
      %dma_wait3A_57 = tpu.memref_slice %arg9[%mul3A_45, %dma_wait3A_56] : memref<10240x128xf32, #tpu.memory_space<vmem_shared>> -> memref<640x128xf32, #tpu.memory_space<vmem_shared>>
      tpu.wait_dma2 semaphore(%run_scoped3A : memref<!tpu.dma_semaphore, #tpu.memory_space<semaphore_mem>>) src(%dma_wait3A_57 : memref<640x128xf32, #tpu.memory_space<vmem_shared>>) dst(%dma_wait3A_55 : memref<640x128xf32, #tpu.memory_space<hbm>>)
      tpu.yield
    }) : () -> ()
    return
  }
}

#map = affine_map<(d0, d1) -> (0, 0)>
#map1 = affine_map<(d0, d1) -> (0, 0, 0, 0)>
module attributes {stable_mosaic.version = 14 : i64} {
  func.func @_prop_body(%arg0: i32, %arg1: i32, %arg2: memref<40960x128xf32, #tpu.memory_space<hbm>>, %arg3: memref<1536x2x4x112xi32, #tpu.memory_space<hbm>>, %arg4: memref<10240x128xf32, #tpu.memory_space<hbm>>, %arg5: memref<40960x128xf32, #tpu.memory_space<hbm>>, %arg6: memref<2x4x112xi32, #tpu.memory_space<vmem>>, %arg7: memref<2x4x112xi32, #tpu.memory_space<vmem>>, %arg8: memref<112x128xf32, #tpu.memory_space<vmem>>, %arg9: memref<112x128xf32, #tpu.memory_space<vmem>>, %arg10: memref<!tpu.dma_semaphore, #tpu.memory_space<semaphore_mem>>, %arg11: memref<!tpu.dma_semaphore, #tpu.memory_space<semaphore_mem>>, %arg12: memref<!tpu.dma_semaphore, #tpu.memory_space<semaphore_mem>>, %arg13: memref<!tpu.dma_semaphore, #tpu.memory_space<semaphore_mem>>, %arg14: memref<10240x128xf32, #tpu.memory_space<vmem_shared>>) attributes {dimension_semantics = [#tpu.dimension_semantics<core_parallel>, #tpu.dimension_semantics<subcore_parallel>], iteration_bounds = array<i64: 2, 16>, scalar_prefetch = 0 : i64, scratch_operands = 9 : i64, tpu.core_type = #tpu.core_type<sc_vector_subcore>, window_params = [{transform_indices = #map}, {transform_indices = #map1}, {transform_indices = #map}, {transform_indices = #map}]} {
    %mul3A = arith.constant 2 : i32
    %mul3A_0 = arith.muli %arg0, %mul3A : i32
    %add3A = arith.constant 0 : i32
    %add3A_1 = arith.addi %mul3A_0, %add3A : i32
    %mul3A_2 = arith.constant 16 : i32
    %mul3A_3 = arith.muli %add3A_1, %mul3A_2 : i32
    %add3A_4 = arith.addi %mul3A_3, %arg1 : i32
    %mul3A_5 = arith.constant 24 : i32
    %mul3A_6 = arith.muli %add3A_4, %mul3A_5 : i32
    "tpu.region"() ({
      %run_scoped3A = tpu.sem_alloc : memref<!tpu.dma_semaphore, #tpu.memory_space<semaphore_mem>>
      %dma_start3A_65 = arith.constant 0 : i32
      %dma_start3A_66 = arith.constant 0 : i32
      %dma_start3A_67 = arith.constant 0 : i32
      %dma_start3A_68 = tpu.memref_slice %arg3[%mul3A_6, %dma_start3A_65, %dma_start3A_66, %dma_start3A_67] : memref<1536x2x4x112xi32, #tpu.memory_space<hbm>> -> memref<1x2x4x112xi32, #tpu.memory_space<hbm>>
      %dma_start3A_69 = tpu.memref_squeeze %dma_start3A_68 : memref<1x2x4x112xi32, #tpu.memory_space<hbm>> -> memref<2x4x112xi32, #tpu.memory_space<hbm>>
      %dma_start3A_70 = arith.constant 0 : i32
      %dma_start3A_71 = arith.constant 0 : i32
      %dma_start3A_72 = arith.constant 0 : i32
      %dma_start3A_73 = tpu.memref_slice %arg3[%mul3A_6, %dma_start3A_70, %dma_start3A_71, %dma_start3A_72] : memref<1536x2x4x112xi32, #tpu.memory_space<hbm>> -> memref<1x2x4x112xi32, #tpu.memory_space<hbm>>
      %dma_start3A_74 = tpu.memref_squeeze %dma_start3A_73 : memref<1x2x4x112xi32, #tpu.memory_space<hbm>> -> memref<2x4x112xi32, #tpu.memory_space<hbm>>
      tpu.enqueue_dma source(%dma_start3A_74 : memref<2x4x112xi32, #tpu.memory_space<hbm>>) target(%arg6 : memref<2x4x112xi32, #tpu.memory_space<vmem>>) target_semaphore(%run_scoped3A : memref<!tpu.dma_semaphore, #tpu.memory_space<semaphore_mem>>)
      %dma_wait3A = arith.constant 0 : i32
      %dma_wait3A_75 = arith.constant 0 : i32
      %dma_wait3A_76 = arith.constant 0 : i32
      %dma_wait3A_77 = tpu.memref_slice %arg3[%mul3A_6, %dma_wait3A, %dma_wait3A_75, %dma_wait3A_76] : memref<1536x2x4x112xi32, #tpu.memory_space<hbm>> -> memref<1x2x4x112xi32, #tpu.memory_space<hbm>>
      %dma_wait3A_78 = tpu.memref_squeeze %dma_wait3A_77 : memref<1x2x4x112xi32, #tpu.memory_space<hbm>> -> memref<2x4x112xi32, #tpu.memory_space<hbm>>
      %dma_wait3A_79 = arith.constant 0 : i32
      %dma_wait3A_80 = arith.constant 0 : i32
      %dma_wait3A_81 = arith.constant 0 : i32
      %dma_wait3A_82 = tpu.memref_slice %arg3[%mul3A_6, %dma_wait3A_79, %dma_wait3A_80, %dma_wait3A_81] : memref<1536x2x4x112xi32, #tpu.memory_space<hbm>> -> memref<1x2x4x112xi32, #tpu.memory_space<hbm>>
      %dma_wait3A_83 = tpu.memref_squeeze %dma_wait3A_82 : memref<1x2x4x112xi32, #tpu.memory_space<hbm>> -> memref<2x4x112xi32, #tpu.memory_space<hbm>>
      tpu.wait_dma2 semaphore(%run_scoped3A : memref<!tpu.dma_semaphore, #tpu.memory_space<semaphore_mem>>) src(%dma_wait3A_83 : memref<2x4x112xi32, #tpu.memory_space<hbm>>) dst(%arg6 : memref<2x4x112xi32, #tpu.memory_space<vmem>>)
      tpu.yield
    }) : () -> ()
    %dma_start3A = arith.constant 0 : i32
    %dma_start3A_7 = arith.constant 0 : i32
    %dma_start3A_8 = arith.constant 0 : i32
    %dma_start3A_9 = tpu.memref_slice %arg6[%dma_start3A, %dma_start3A_7, %dma_start3A_8] : memref<2x4x112xi32, #tpu.memory_space<vmem>> -> memref<1x1x112xi32, #tpu.memory_space<vmem>>
    %dma_start3A_10 = tpu.memref_squeeze %dma_start3A_9 : memref<1x1x112xi32, #tpu.memory_space<vmem>> -> memref<112xi32, #tpu.memory_space<vmem>>
    %dma_start3A_11 = arith.constant 0 : i32
    %dma_start3A_12 = arith.constant 0 : i32
    %dma_start3A_13 = tpu.memref_slice %arg2[%dma_start3A_11, %dma_start3A_12] : memref<40960x128xf32, #tpu.memory_space<hbm>> -> memref<40960x128xf32, #tpu.memory_space<hbm>>
    tpu.enqueue_indirect_dma source(%dma_start3A_13 : memref<40960x128xf32, #tpu.memory_space<hbm>>) target(%arg8 : memref<112x128xf32, #tpu.memory_space<vmem>>) offsets(%dma_start3A_10 : memref<112xi32, #tpu.memory_space<vmem>>) semaphore(%arg12 : memref<!tpu.dma_semaphore, #tpu.memory_space<semaphore_mem>>)
    %mul3A_14 = arith.constant 640 : i32
    %mul3A_15 = arith.muli %arg1, %mul3A_14 : i32
    %mul3A_16 = arith.constant 640 : i32
    %mul3A_17 = arith.muli %arg1, %mul3A_16 : i32
    "tpu.region"() ({
      %run_scoped3A = tpu.sem_alloc : memref<!tpu.dma_semaphore, #tpu.memory_space<semaphore_mem>>
      %dma_start3A_65 = arith.constant 0 : i32
      %dma_start3A_66 = tpu.memref_slice %arg14[%mul3A_17, %dma_start3A_65] : memref<10240x128xf32, #tpu.memory_space<vmem_shared>> -> memref<640x128xf32, #tpu.memory_space<vmem_shared>>
      %dma_start3A_67 = arith.constant 0 : i32
      %dma_start3A_68 = tpu.memref_slice %arg4[%mul3A_15, %dma_start3A_67] : memref<10240x128xf32, #tpu.memory_space<hbm>> -> memref<640x128xf32, #tpu.memory_space<hbm>>
      tpu.enqueue_dma source(%dma_start3A_68 : memref<640x128xf32, #tpu.memory_space<hbm>>) target(%dma_start3A_66 : memref<640x128xf32, #tpu.memory_space<vmem_shared>>) target_semaphore(%run_scoped3A : memref<!tpu.dma_semaphore, #tpu.memory_space<semaphore_mem>>)
      %dma_wait3A = arith.constant 0 : i32
      %dma_wait3A_69 = tpu.memref_slice %arg14[%mul3A_17, %dma_wait3A] : memref<10240x128xf32, #tpu.memory_space<vmem_shared>> -> memref<640x128xf32, #tpu.memory_space<vmem_shared>>
      %dma_wait3A_70 = arith.constant 0 : i32
      %dma_wait3A_71 = tpu.memref_slice %arg4[%mul3A_15, %dma_wait3A_70] : memref<10240x128xf32, #tpu.memory_space<hbm>> -> memref<640x128xf32, #tpu.memory_space<hbm>>
      tpu.wait_dma2 semaphore(%run_scoped3A : memref<!tpu.dma_semaphore, #tpu.memory_space<semaphore_mem>>) src(%dma_wait3A_71 : memref<640x128xf32, #tpu.memory_space<hbm>>) dst(%dma_wait3A_69 : memref<640x128xf32, #tpu.memory_space<vmem_shared>>)
      tpu.yield
    }) : () -> ()
    %barrier3A = arith.constant 0 : index
    tpu.barrier barrier_id(%barrier3A)
    %scan3A = arith.constant 0 : i32
    %scan3A_18 = arith.constant 12 : i32
    %scan3A_19 = arith.addi %scan3A, %scan3A_18 : i32
    %scan3A_20 = arith.constant 1 : i32
    scf.for %scan3A_65 = %scan3A to %scan3A_19 step %scan3A_20  : i32 {
      %mul3A_66 = arith.constant 1 : i32
      %mul3A_67 = arith.muli %scan3A_65, %mul3A_66 : i32
      %add3A_68 = arith.constant 0 : i32
      %add3A_69 = arith.addi %add3A_68, %mul3A_67 : i32
      %mul3A_70 = arith.constant 2 : i32
      %mul3A_71 = arith.muli %mul3A_70, %add3A_69 : i32
      %lt3A = arith.constant 11 : i32
      %lt3A_72 = arith.cmpi slt, %add3A_69, %lt3A : i32
      %add3A_73 = arith.addi %mul3A_6, %mul3A_71 : i32
      %add3A_74 = arith.constant 1 : i32
      %add3A_75 = arith.addi %add3A_73, %add3A_74 : i32
      %dma_start3A_76 = arith.constant 0 : i32
      %dma_start3A_77 = arith.constant 0 : i32
      %dma_start3A_78 = arith.constant 0 : i32
      %dma_start3A_79 = tpu.memref_slice %arg3[%add3A_75, %dma_start3A_76, %dma_start3A_77, %dma_start3A_78] : memref<1536x2x4x112xi32, #tpu.memory_space<hbm>> -> memref<1x2x4x112xi32, #tpu.memory_space<hbm>>
      %dma_start3A_80 = tpu.memref_squeeze %dma_start3A_79 : memref<1x2x4x112xi32, #tpu.memory_space<hbm>> -> memref<2x4x112xi32, #tpu.memory_space<hbm>>
      %dma_start3A_81 = arith.constant 0 : i32
      %dma_start3A_82 = arith.constant 0 : i32
      %dma_start3A_83 = arith.constant 0 : i32
      %dma_start3A_84 = tpu.memref_slice %arg3[%add3A_75, %dma_start3A_81, %dma_start3A_82, %dma_start3A_83] : memref<1536x2x4x112xi32, #tpu.memory_space<hbm>> -> memref<1x2x4x112xi32, #tpu.memory_space<hbm>>
      %dma_start3A_85 = tpu.memref_squeeze %dma_start3A_84 : memref<1x2x4x112xi32, #tpu.memory_space<hbm>> -> memref<2x4x112xi32, #tpu.memory_space<hbm>>
      tpu.enqueue_dma source(%dma_start3A_85 : memref<2x4x112xi32, #tpu.memory_space<hbm>>) target(%arg7 : memref<2x4x112xi32, #tpu.memory_space<vmem>>) target_semaphore(%arg11 : memref<!tpu.dma_semaphore, #tpu.memory_space<semaphore_mem>>)
      %dma_start3A_86 = arith.constant 0 : i32
      %dma_start3A_87 = arith.constant 1 : i32
      %dma_start3A_88 = arith.constant 0 : i32
      %dma_start3A_89 = tpu.memref_slice %arg6[%dma_start3A_86, %dma_start3A_87, %dma_start3A_88] : memref<2x4x112xi32, #tpu.memory_space<vmem>> -> memref<1x1x112xi32, #tpu.memory_space<vmem>>
      %dma_start3A_90 = tpu.memref_squeeze %dma_start3A_89 : memref<1x1x112xi32, #tpu.memory_space<vmem>> -> memref<112xi32, #tpu.memory_space<vmem>>
      %dma_start3A_91 = arith.constant 0 : i32
      %dma_start3A_92 = arith.constant 0 : i32
      %dma_start3A_93 = tpu.memref_slice %arg2[%dma_start3A_91, %dma_start3A_92] : memref<40960x128xf32, #tpu.memory_space<hbm>> -> memref<40960x128xf32, #tpu.memory_space<hbm>>
      tpu.enqueue_indirect_dma source(%dma_start3A_93 : memref<40960x128xf32, #tpu.memory_space<hbm>>) target(%arg9 : memref<112x128xf32, #tpu.memory_space<vmem>>) offsets(%dma_start3A_90 : memref<112xi32, #tpu.memory_space<vmem>>) semaphore(%arg13 : memref<!tpu.dma_semaphore, #tpu.memory_space<semaphore_mem>>)
      %dma_wait3A = arith.constant 0 : i32
      %dma_wait3A_94 = arith.constant 0 : i32
      %dma_wait3A_95 = arith.constant 0 : i32
      %dma_wait3A_96 = tpu.memref_slice %arg6[%dma_wait3A, %dma_wait3A_94, %dma_wait3A_95] : memref<2x4x112xi32, #tpu.memory_space<vmem>> -> memref<1x1x112xi32, #tpu.memory_space<vmem>>
      %dma_wait3A_97 = tpu.memref_squeeze %dma_wait3A_96 : memref<1x1x112xi32, #tpu.memory_space<vmem>> -> memref<112xi32, #tpu.memory_space<vmem>>
      %dma_wait3A_98 = arith.constant 0 : i32
      %dma_wait3A_99 = arith.constant 0 : i32
      %dma_wait3A_100 = tpu.memref_slice %arg2[%dma_wait3A_98, %dma_wait3A_99] : memref<40960x128xf32, #tpu.memory_space<hbm>> -> memref<40960x128xf32, #tpu.memory_space<hbm>>
      tpu.wait_indirect_dma semaphore(%arg12 : memref<!tpu.dma_semaphore, #tpu.memory_space<semaphore_mem>>) src(%dma_wait3A_100 : memref<40960x128xf32, #tpu.memory_space<hbm>>) dst(%arg8 : memref<112x128xf32, #tpu.memory_space<vmem>>)
      %run_scoped3A = arith.constant 1 : i32
      %run_scoped3A_101 = arith.constant 0 : i32
      "tpu.region"() ({
        %run_scoped3A_237 = tpu.sem_alloc : memref<!tpu.dma_semaphore, #tpu.memory_space<semaphore_mem>>
        %dma_start3A_238 = arith.constant 0 : i32
        %dma_start3A_239 = tpu.memref_slice %arg6[%run_scoped3A, %run_scoped3A_101, %dma_start3A_238] : memref<2x4x112xi32, #tpu.memory_space<vmem>> -> memref<1x1x112xi32, #tpu.memory_space<vmem>>
        %dma_start3A_240 = tpu.memref_squeeze %dma_start3A_239 : memref<1x1x112xi32, #tpu.memory_space<vmem>> -> memref<112xi32, #tpu.memory_space<vmem>>
        %dma_start3A_241 = arith.constant 0 : i32
        %dma_start3A_242 = arith.constant 0 : i32
        %dma_start3A_243 = tpu.memref_slice %arg14[%dma_start3A_241, %dma_start3A_242] : memref<10240x128xf32, #tpu.memory_space<vmem_shared>> -> memref<10240x128xf32, #tpu.memory_space<vmem_shared>>
        tpu.enqueue_indirect_dma source(%arg8 : memref<112x128xf32, #tpu.memory_space<vmem>>) target(%dma_start3A_243 : memref<10240x128xf32, #tpu.memory_space<vmem_shared>>) offsets(%dma_start3A_240 : memref<112xi32, #tpu.memory_space<vmem>>) semaphore(%run_scoped3A_237 : memref<!tpu.dma_semaphore, #tpu.memory_space<semaphore_mem>>) {add = true}
        %dma_wait3A_244 = arith.constant 0 : i32
        %dma_wait3A_245 = tpu.memref_slice %arg6[%run_scoped3A, %run_scoped3A_101, %dma_wait3A_244] : memref<2x4x112xi32, #tpu.memory_space<vmem>> -> memref<1x1x112xi32, #tpu.memory_space<vmem>>
        %dma_wait3A_246 = tpu.memref_squeeze %dma_wait3A_245 : memref<1x1x112xi32, #tpu.memory_space<vmem>> -> memref<112xi32, #tpu.memory_space<vmem>>
        %dma_wait3A_247 = arith.constant 0 : i32
        %dma_wait3A_248 = arith.constant 0 : i32
        %dma_wait3A_249 = tpu.memref_slice %arg14[%dma_wait3A_247, %dma_wait3A_248] : memref<10240x128xf32, #tpu.memory_space<vmem_shared>> -> memref<10240x128xf32, #tpu.memory_space<vmem_shared>>
        tpu.wait_indirect_dma semaphore(%run_scoped3A_237 : memref<!tpu.dma_semaphore, #tpu.memory_space<semaphore_mem>>) src(%arg8 : memref<112x128xf32, #tpu.memory_space<vmem>>) dst(%dma_wait3A_249 : memref<10240x128xf32, #tpu.memory_space<vmem_shared>>)
        tpu.yield
      }) : () -> ()
      %dma_start3A_102 = arith.constant 0 : i32
      %dma_start3A_103 = arith.constant 2 : i32
      %dma_start3A_104 = arith.constant 0 : i32
      %dma_start3A_105 = tpu.memref_slice %arg6[%dma_start3A_102, %dma_start3A_103, %dma_start3A_104] : memref<2x4x112xi32, #tpu.memory_space<vmem>> -> memref<1x1x112xi32, #tpu.memory_space<vmem>>
      %dma_start3A_106 = tpu.memref_squeeze %dma_start3A_105 : memref<1x1x112xi32, #tpu.memory_space<vmem>> -> memref<112xi32, #tpu.memory_space<vmem>>
      %dma_start3A_107 = arith.constant 0 : i32
      %dma_start3A_108 = arith.constant 0 : i32
      %dma_start3A_109 = tpu.memref_slice %arg2[%dma_start3A_107, %dma_start3A_108] : memref<40960x128xf32, #tpu.memory_space<hbm>> -> memref<40960x128xf32, #tpu.memory_space<hbm>>
      tpu.enqueue_indirect_dma source(%dma_start3A_109 : memref<40960x128xf32, #tpu.memory_space<hbm>>) target(%arg8 : memref<112x128xf32, #tpu.memory_space<vmem>>) offsets(%dma_start3A_106 : memref<112xi32, #tpu.memory_space<vmem>>) semaphore(%arg12 : memref<!tpu.dma_semaphore, #tpu.memory_space<semaphore_mem>>)
      %dma_wait3A_110 = arith.constant 0 : i32
      %dma_wait3A_111 = arith.constant 1 : i32
      %dma_wait3A_112 = arith.constant 0 : i32
      %dma_wait3A_113 = tpu.memref_slice %arg6[%dma_wait3A_110, %dma_wait3A_111, %dma_wait3A_112] : memref<2x4x112xi32, #tpu.memory_space<vmem>> -> memref<1x1x112xi32, #tpu.memory_space<vmem>>
      %dma_wait3A_114 = tpu.memref_squeeze %dma_wait3A_113 : memref<1x1x112xi32, #tpu.memory_space<vmem>> -> memref<112xi32, #tpu.memory_space<vmem>>
      %dma_wait3A_115 = arith.constant 0 : i32
      %dma_wait3A_116 = arith.constant 0 : i32
      %dma_wait3A_117 = tpu.memref_slice %arg2[%dma_wait3A_115, %dma_wait3A_116] : memref<40960x128xf32, #tpu.memory_space<hbm>> -> memref<40960x128xf32, #tpu.memory_space<hbm>>
      tpu.wait_indirect_dma semaphore(%arg13 : memref<!tpu.dma_semaphore, #tpu.memory_space<semaphore_mem>>) src(%dma_wait3A_117 : memref<40960x128xf32, #tpu.memory_space<hbm>>) dst(%arg9 : memref<112x128xf32, #tpu.memory_space<vmem>>)
      %run_scoped3A_118 = arith.constant 1 : i32
      %run_scoped3A_119 = arith.constant 1 : i32
      "tpu.region"() ({
        %run_scoped3A_237 = tpu.sem_alloc : memref<!tpu.dma_semaphore, #tpu.memory_space<semaphore_mem>>
        %dma_start3A_238 = arith.constant 0 : i32
        %dma_start3A_239 = tpu.memref_slice %arg6[%run_scoped3A_118, %run_scoped3A_119, %dma_start3A_238] : memref<2x4x112xi32, #tpu.memory_space<vmem>> -> memref<1x1x112xi32, #tpu.memory_space<vmem>>
        %dma_start3A_240 = tpu.memref_squeeze %dma_start3A_239 : memref<1x1x112xi32, #tpu.memory_space<vmem>> -> memref<112xi32, #tpu.memory_space<vmem>>
        %dma_start3A_241 = arith.constant 0 : i32
        %dma_start3A_242 = arith.constant 0 : i32
        %dma_start3A_243 = tpu.memref_slice %arg14[%dma_start3A_241, %dma_start3A_242] : memref<10240x128xf32, #tpu.memory_space<vmem_shared>> -> memref<10240x128xf32, #tpu.memory_space<vmem_shared>>
        tpu.enqueue_indirect_dma source(%arg9 : memref<112x128xf32, #tpu.memory_space<vmem>>) target(%dma_start3A_243 : memref<10240x128xf32, #tpu.memory_space<vmem_shared>>) offsets(%dma_start3A_240 : memref<112xi32, #tpu.memory_space<vmem>>) semaphore(%run_scoped3A_237 : memref<!tpu.dma_semaphore, #tpu.memory_space<semaphore_mem>>) {add = true}
        %dma_wait3A_244 = arith.constant 0 : i32
        %dma_wait3A_245 = tpu.memref_slice %arg6[%run_scoped3A_118, %run_scoped3A_119, %dma_wait3A_244] : memref<2x4x112xi32, #tpu.memory_space<vmem>> -> memref<1x1x112xi32, #tpu.memory_space<vmem>>
        %dma_wait3A_246 = tpu.memref_squeeze %dma_wait3A_245 : memref<1x1x112xi32, #tpu.memory_space<vmem>> -> memref<112xi32, #tpu.memory_space<vmem>>
        %dma_wait3A_247 = arith.constant 0 : i32
        %dma_wait3A_248 = arith.constant 0 : i32
        %dma_wait3A_249 = tpu.memref_slice %arg14[%dma_wait3A_247, %dma_wait3A_248] : memref<10240x128xf32, #tpu.memory_space<vmem_shared>> -> memref<10240x128xf32, #tpu.memory_space<vmem_shared>>
        tpu.wait_indirect_dma semaphore(%run_scoped3A_237 : memref<!tpu.dma_semaphore, #tpu.memory_space<semaphore_mem>>) src(%arg9 : memref<112x128xf32, #tpu.memory_space<vmem>>) dst(%dma_wait3A_249 : memref<10240x128xf32, #tpu.memory_space<vmem_shared>>)
        tpu.yield
      }) : () -> ()
      %dma_wait3A_120 = arith.constant 0 : i32
      %dma_wait3A_121 = arith.constant 0 : i32
      %dma_wait3A_122 = arith.constant 0 : i32
      %dma_wait3A_123 = tpu.memref_slice %arg3[%mul3A_6, %dma_wait3A_120, %dma_wait3A_121, %dma_wait3A_122] : memref<1536x2x4x112xi32, #tpu.memory_space<hbm>> -> memref<1x2x4x112xi32, #tpu.memory_space<hbm>>
      %dma_wait3A_124 = tpu.memref_squeeze %dma_wait3A_123 : memref<1x2x4x112xi32, #tpu.memory_space<hbm>> -> memref<2x4x112xi32, #tpu.memory_space<hbm>>
      %dma_wait3A_125 = arith.constant 0 : i32
      %dma_wait3A_126 = arith.constant 0 : i32
      %dma_wait3A_127 = arith.constant 0 : i32
      %dma_wait3A_128 = tpu.memref_slice %arg3[%mul3A_6, %dma_wait3A_125, %dma_wait3A_126, %dma_wait3A_127] : memref<1536x2x4x112xi32, #tpu.memory_space<hbm>> -> memref<1x2x4x112xi32, #tpu.memory_space<hbm>>
      %dma_wait3A_129 = tpu.memref_squeeze %dma_wait3A_128 : memref<1x2x4x112xi32, #tpu.memory_space<hbm>> -> memref<2x4x112xi32, #tpu.memory_space<hbm>>
      tpu.wait_dma2 semaphore(%arg11 : memref<!tpu.dma_semaphore, #tpu.memory_space<semaphore_mem>>) src(%dma_wait3A_129 : memref<2x4x112xi32, #tpu.memory_space<hbm>>) dst(%arg7 : memref<2x4x112xi32, #tpu.memory_space<vmem>>)
      %dma_start3A_130 = arith.constant 0 : i32
      %dma_start3A_131 = arith.constant 3 : i32
      %dma_start3A_132 = arith.constant 0 : i32
      %dma_start3A_133 = tpu.memref_slice %arg6[%dma_start3A_130, %dma_start3A_131, %dma_start3A_132] : memref<2x4x112xi32, #tpu.memory_space<vmem>> -> memref<1x1x112xi32, #tpu.memory_space<vmem>>
      %dma_start3A_134 = tpu.memref_squeeze %dma_start3A_133 : memref<1x1x112xi32, #tpu.memory_space<vmem>> -> memref<112xi32, #tpu.memory_space<vmem>>
      %dma_start3A_135 = arith.constant 0 : i32
      %dma_start3A_136 = arith.constant 0 : i32
      %dma_start3A_137 = tpu.memref_slice %arg2[%dma_start3A_135, %dma_start3A_136] : memref<40960x128xf32, #tpu.memory_space<hbm>> -> memref<40960x128xf32, #tpu.memory_space<hbm>>
      tpu.enqueue_indirect_dma source(%dma_start3A_137 : memref<40960x128xf32, #tpu.memory_space<hbm>>) target(%arg9 : memref<112x128xf32, #tpu.memory_space<vmem>>) offsets(%dma_start3A_134 : memref<112xi32, #tpu.memory_space<vmem>>) semaphore(%arg13 : memref<!tpu.dma_semaphore, #tpu.memory_space<semaphore_mem>>)
      %dma_wait3A_138 = arith.constant 0 : i32
      %dma_wait3A_139 = arith.constant 2 : i32
      %dma_wait3A_140 = arith.constant 0 : i32
      %dma_wait3A_141 = tpu.memref_slice %arg6[%dma_wait3A_138, %dma_wait3A_139, %dma_wait3A_140] : memref<2x4x112xi32, #tpu.memory_space<vmem>> -> memref<1x1x112xi32, #tpu.memory_space<vmem>>
      %dma_wait3A_142 = tpu.memref_squeeze %dma_wait3A_141 : memref<1x1x112xi32, #tpu.memory_space<vmem>> -> memref<112xi32, #tpu.memory_space<vmem>>
      %dma_wait3A_143 = arith.constant 0 : i32
      %dma_wait3A_144 = arith.constant 0 : i32
      %dma_wait3A_145 = tpu.memref_slice %arg2[%dma_wait3A_143, %dma_wait3A_144] : memref<40960x128xf32, #tpu.memory_space<hbm>> -> memref<40960x128xf32, #tpu.memory_space<hbm>>
      tpu.wait_indirect_dma semaphore(%arg12 : memref<!tpu.dma_semaphore, #tpu.memory_space<semaphore_mem>>) src(%dma_wait3A_145 : memref<40960x128xf32, #tpu.memory_space<hbm>>) dst(%arg8 : memref<112x128xf32, #tpu.memory_space<vmem>>)
      %run_scoped3A_146 = arith.constant 1 : i32
      %run_scoped3A_147 = arith.constant 2 : i32
      "tpu.region"() ({
        %run_scoped3A_237 = tpu.sem_alloc : memref<!tpu.dma_semaphore, #tpu.memory_space<semaphore_mem>>
        %dma_start3A_238 = arith.constant 0 : i32
        %dma_start3A_239 = tpu.memref_slice %arg6[%run_scoped3A_146, %run_scoped3A_147, %dma_start3A_238] : memref<2x4x112xi32, #tpu.memory_space<vmem>> -> memref<1x1x112xi32, #tpu.memory_space<vmem>>
        %dma_start3A_240 = tpu.memref_squeeze %dma_start3A_239 : memref<1x1x112xi32, #tpu.memory_space<vmem>> -> memref<112xi32, #tpu.memory_space<vmem>>
        %dma_start3A_241 = arith.constant 0 : i32
        %dma_start3A_242 = arith.constant 0 : i32
        %dma_start3A_243 = tpu.memref_slice %arg14[%dma_start3A_241, %dma_start3A_242] : memref<10240x128xf32, #tpu.memory_space<vmem_shared>> -> memref<10240x128xf32, #tpu.memory_space<vmem_shared>>
        tpu.enqueue_indirect_dma source(%arg8 : memref<112x128xf32, #tpu.memory_space<vmem>>) target(%dma_start3A_243 : memref<10240x128xf32, #tpu.memory_space<vmem_shared>>) offsets(%dma_start3A_240 : memref<112xi32, #tpu.memory_space<vmem>>) semaphore(%run_scoped3A_237 : memref<!tpu.dma_semaphore, #tpu.memory_space<semaphore_mem>>) {add = true}
        %dma_wait3A_244 = arith.constant 0 : i32
        %dma_wait3A_245 = tpu.memref_slice %arg6[%run_scoped3A_146, %run_scoped3A_147, %dma_wait3A_244] : memref<2x4x112xi32, #tpu.memory_space<vmem>> -> memref<1x1x112xi32, #tpu.memory_space<vmem>>
        %dma_wait3A_246 = tpu.memref_squeeze %dma_wait3A_245 : memref<1x1x112xi32, #tpu.memory_space<vmem>> -> memref<112xi32, #tpu.memory_space<vmem>>
        %dma_wait3A_247 = arith.constant 0 : i32
        %dma_wait3A_248 = arith.constant 0 : i32
        %dma_wait3A_249 = tpu.memref_slice %arg14[%dma_wait3A_247, %dma_wait3A_248] : memref<10240x128xf32, #tpu.memory_space<vmem_shared>> -> memref<10240x128xf32, #tpu.memory_space<vmem_shared>>
        tpu.wait_indirect_dma semaphore(%run_scoped3A_237 : memref<!tpu.dma_semaphore, #tpu.memory_space<semaphore_mem>>) src(%arg8 : memref<112x128xf32, #tpu.memory_space<vmem>>) dst(%dma_wait3A_249 : memref<10240x128xf32, #tpu.memory_space<vmem_shared>>)
        tpu.yield
      }) : () -> ()
      %dma_start3A_148 = arith.constant 0 : i32
      %dma_start3A_149 = arith.constant 0 : i32
      %dma_start3A_150 = arith.constant 0 : i32
      %dma_start3A_151 = tpu.memref_slice %arg7[%dma_start3A_148, %dma_start3A_149, %dma_start3A_150] : memref<2x4x112xi32, #tpu.memory_space<vmem>> -> memref<1x1x112xi32, #tpu.memory_space<vmem>>
      %dma_start3A_152 = tpu.memref_squeeze %dma_start3A_151 : memref<1x1x112xi32, #tpu.memory_space<vmem>> -> memref<112xi32, #tpu.memory_space<vmem>>
      %dma_start3A_153 = arith.constant 0 : i32
      %dma_start3A_154 = arith.constant 0 : i32
      %dma_start3A_155 = tpu.memref_slice %arg2[%dma_start3A_153, %dma_start3A_154] : memref<40960x128xf32, #tpu.memory_space<hbm>> -> memref<40960x128xf32, #tpu.memory_space<hbm>>
      tpu.enqueue_indirect_dma source(%dma_start3A_155 : memref<40960x128xf32, #tpu.memory_space<hbm>>) target(%arg8 : memref<112x128xf32, #tpu.memory_space<vmem>>) offsets(%dma_start3A_152 : memref<112xi32, #tpu.memory_space<vmem>>) semaphore(%arg12 : memref<!tpu.dma_semaphore, #tpu.memory_space<semaphore_mem>>)
      %dma_wait3A_156 = arith.constant 0 : i32
      %dma_wait3A_157 = arith.constant 3 : i32
      %dma_wait3A_158 = arith.constant 0 : i32
      %dma_wait3A_159 = tpu.memref_slice %arg6[%dma_wait3A_156, %dma_wait3A_157, %dma_wait3A_158] : memref<2x4x112xi32, #tpu.memory_space<vmem>> -> memref<1x1x112xi32, #tpu.memory_space<vmem>>
      %dma_wait3A_160 = tpu.memref_squeeze %dma_wait3A_159 : memref<1x1x112xi32, #tpu.memory_space<vmem>> -> memref<112xi32, #tpu.memory_space<vmem>>
      %dma_wait3A_161 = arith.constant 0 : i32
      %dma_wait3A_162 = arith.constant 0 : i32
      %dma_wait3A_163 = tpu.memref_slice %arg2[%dma_wait3A_161, %dma_wait3A_162] : memref<40960x128xf32, #tpu.memory_space<hbm>> -> memref<40960x128xf32, #tpu.memory_space<hbm>>
      tpu.wait_indirect_dma semaphore(%arg13 : memref<!tpu.dma_semaphore, #tpu.memory_space<semaphore_mem>>) src(%dma_wait3A_163 : memref<40960x128xf32, #tpu.memory_space<hbm>>) dst(%arg9 : memref<112x128xf32, #tpu.memory_space<vmem>>)
      %run_scoped3A_164 = arith.constant 1 : i32
      %run_scoped3A_165 = arith.constant 3 : i32
      "tpu.region"() ({
        %run_scoped3A_237 = tpu.sem_alloc : memref<!tpu.dma_semaphore, #tpu.memory_space<semaphore_mem>>
        %dma_start3A_238 = arith.constant 0 : i32
        %dma_start3A_239 = tpu.memref_slice %arg6[%run_scoped3A_164, %run_scoped3A_165, %dma_start3A_238] : memref<2x4x112xi32, #tpu.memory_space<vmem>> -> memref<1x1x112xi32, #tpu.memory_space<vmem>>
        %dma_start3A_240 = tpu.memref_squeeze %dma_start3A_239 : memref<1x1x112xi32, #tpu.memory_space<vmem>> -> memref<112xi32, #tpu.memory_space<vmem>>
        %dma_start3A_241 = arith.constant 0 : i32
        %dma_start3A_242 = arith.constant 0 : i32
        %dma_start3A_243 = tpu.memref_slice %arg14[%dma_start3A_241, %dma_start3A_242] : memref<10240x128xf32, #tpu.memory_space<vmem_shared>> -> memref<10240x128xf32, #tpu.memory_space<vmem_shared>>
        tpu.enqueue_indirect_dma source(%arg9 : memref<112x128xf32, #tpu.memory_space<vmem>>) target(%dma_start3A_243 : memref<10240x128xf32, #tpu.memory_space<vmem_shared>>) offsets(%dma_start3A_240 : memref<112xi32, #tpu.memory_space<vmem>>) semaphore(%run_scoped3A_237 : memref<!tpu.dma_semaphore, #tpu.memory_space<semaphore_mem>>) {add = true}
        %dma_wait3A_244 = arith.constant 0 : i32
        %dma_wait3A_245 = tpu.memref_slice %arg6[%run_scoped3A_164, %run_scoped3A_165, %dma_wait3A_244] : memref<2x4x112xi32, #tpu.memory_space<vmem>> -> memref<1x1x112xi32, #tpu.memory_space<vmem>>
        %dma_wait3A_246 = tpu.memref_squeeze %dma_wait3A_245 : memref<1x1x112xi32, #tpu.memory_space<vmem>> -> memref<112xi32, #tpu.memory_space<vmem>>
        %dma_wait3A_247 = arith.constant 0 : i32
        %dma_wait3A_248 = arith.constant 0 : i32
        %dma_wait3A_249 = tpu.memref_slice %arg14[%dma_wait3A_247, %dma_wait3A_248] : memref<10240x128xf32, #tpu.memory_space<vmem_shared>> -> memref<10240x128xf32, #tpu.memory_space<vmem_shared>>
        tpu.wait_indirect_dma semaphore(%run_scoped3A_237 : memref<!tpu.dma_semaphore, #tpu.memory_space<semaphore_mem>>) src(%arg9 : memref<112x128xf32, #tpu.memory_space<vmem>>) dst(%dma_wait3A_249 : memref<10240x128xf32, #tpu.memory_space<vmem_shared>>)
        tpu.yield
      }) : () -> ()
      %convert_element_type3A = arith.extui %lt3A_72 : i1 to i32
      %cond3A = arith.constant 0 : i32
      %cond3A_166 = arith.cmpi ne, %convert_element_type3A, %cond3A : i32
      scf.if %cond3A_166 {
        %add3A_237 = arith.addi %mul3A_6, %mul3A_71 : i32
        %add3A_238 = arith.constant 2 : i32
        %add3A_239 = arith.addi %add3A_237, %add3A_238 : i32
        %dma_start3A_240 = arith.constant 0 : i32
        %dma_start3A_241 = arith.constant 0 : i32
        %dma_start3A_242 = arith.constant 0 : i32
        %dma_start3A_243 = tpu.memref_slice %arg3[%add3A_239, %dma_start3A_240, %dma_start3A_241, %dma_start3A_242] : memref<1536x2x4x112xi32, #tpu.memory_space<hbm>> -> memref<1x2x4x112xi32, #tpu.memory_space<hbm>>
        %dma_start3A_244 = tpu.memref_squeeze %dma_start3A_243 : memref<1x2x4x112xi32, #tpu.memory_space<hbm>> -> memref<2x4x112xi32, #tpu.memory_space<hbm>>
        %dma_start3A_245 = arith.constant 0 : i32
        %dma_start3A_246 = arith.constant 0 : i32
        %dma_start3A_247 = arith.constant 0 : i32
        %dma_start3A_248 = tpu.memref_slice %arg3[%add3A_239, %dma_start3A_245, %dma_start3A_246, %dma_start3A_247] : memref<1536x2x4x112xi32, #tpu.memory_space<hbm>> -> memref<1x2x4x112xi32, #tpu.memory_space<hbm>>
        %dma_start3A_249 = tpu.memref_squeeze %dma_start3A_248 : memref<1x2x4x112xi32, #tpu.memory_space<hbm>> -> memref<2x4x112xi32, #tpu.memory_space<hbm>>
        tpu.enqueue_dma source(%dma_start3A_249 : memref<2x4x112xi32, #tpu.memory_space<hbm>>) target(%arg6 : memref<2x4x112xi32, #tpu.memory_space<vmem>>) target_semaphore(%arg10 : memref<!tpu.dma_semaphore, #tpu.memory_space<semaphore_mem>>)
      } else {
      }
      %dma_start3A_167 = arith.constant 0 : i32
      %dma_start3A_168 = arith.constant 1 : i32
      %dma_start3A_169 = arith.constant 0 : i32
      %dma_start3A_170 = tpu.memref_slice %arg7[%dma_start3A_167, %dma_start3A_168, %dma_start3A_169] : memref<2x4x112xi32, #tpu.memory_space<vmem>> -> memref<1x1x112xi32, #tpu.memory_space<vmem>>
      %dma_start3A_171 = tpu.memref_squeeze %dma_start3A_170 : memref<1x1x112xi32, #tpu.memory_space<vmem>> -> memref<112xi32, #tpu.memory_space<vmem>>
      %dma_start3A_172 = arith.constant 0 : i32
      %dma_start3A_173 = arith.constant 0 : i32
      %dma_start3A_174 = tpu.memref_slice %arg2[%dma_start3A_172, %dma_start3A_173] : memref<40960x128xf32, #tpu.memory_space<hbm>> -> memref<40960x128xf32, #tpu.memory_space<hbm>>
      tpu.enqueue_indirect_dma source(%dma_start3A_174 : memref<40960x128xf32, #tpu.memory_space<hbm>>) target(%arg9 : memref<112x128xf32, #tpu.memory_space<vmem>>) offsets(%dma_start3A_171 : memref<112xi32, #tpu.memory_space<vmem>>) semaphore(%arg13 : memref<!tpu.dma_semaphore, #tpu.memory_space<semaphore_mem>>)
      %dma_wait3A_175 = arith.constant 0 : i32
      %dma_wait3A_176 = arith.constant 0 : i32
      %dma_wait3A_177 = arith.constant 0 : i32
      %dma_wait3A_178 = tpu.memref_slice %arg7[%dma_wait3A_175, %dma_wait3A_176, %dma_wait3A_177] : memref<2x4x112xi32, #tpu.memory_space<vmem>> -> memref<1x1x112xi32, #tpu.memory_space<vmem>>
      %dma_wait3A_179 = tpu.memref_squeeze %dma_wait3A_178 : memref<1x1x112xi32, #tpu.memory_space<vmem>> -> memref<112xi32, #tpu.memory_space<vmem>>
      %dma_wait3A_180 = arith.constant 0 : i32
      %dma_wait3A_181 = arith.constant 0 : i32
      %dma_wait3A_182 = tpu.memref_slice %arg2[%dma_wait3A_180, %dma_wait3A_181] : memref<40960x128xf32, #tpu.memory_space<hbm>> -> memref<40960x128xf32, #tpu.memory_space<hbm>>
      tpu.wait_indirect_dma semaphore(%arg12 : memref<!tpu.dma_semaphore, #tpu.memory_space<semaphore_mem>>) src(%dma_wait3A_182 : memref<40960x128xf32, #tpu.memory_space<hbm>>) dst(%arg8 : memref<112x128xf32, #tpu.memory_space<vmem>>)
      %run_scoped3A_183 = arith.constant 1 : i32
      %run_scoped3A_184 = arith.constant 0 : i32
      "tpu.region"() ({
        %run_scoped3A_237 = tpu.sem_alloc : memref<!tpu.dma_semaphore, #tpu.memory_space<semaphore_mem>>
        %dma_start3A_238 = arith.constant 0 : i32
        %dma_start3A_239 = tpu.memref_slice %arg7[%run_scoped3A_183, %run_scoped3A_184, %dma_start3A_238] : memref<2x4x112xi32, #tpu.memory_space<vmem>> -> memref<1x1x112xi32, #tpu.memory_space<vmem>>
        %dma_start3A_240 = tpu.memref_squeeze %dma_start3A_239 : memref<1x1x112xi32, #tpu.memory_space<vmem>> -> memref<112xi32, #tpu.memory_space<vmem>>
        %dma_start3A_241 = arith.constant 0 : i32
        %dma_start3A_242 = arith.constant 0 : i32
        %dma_start3A_243 = tpu.memref_slice %arg14[%dma_start3A_241, %dma_start3A_242] : memref<10240x128xf32, #tpu.memory_space<vmem_shared>> -> memref<10240x128xf32, #tpu.memory_space<vmem_shared>>
        tpu.enqueue_indirect_dma source(%arg8 : memref<112x128xf32, #tpu.memory_space<vmem>>) target(%dma_start3A_243 : memref<10240x128xf32, #tpu.memory_space<vmem_shared>>) offsets(%dma_start3A_240 : memref<112xi32, #tpu.memory_space<vmem>>) semaphore(%run_scoped3A_237 : memref<!tpu.dma_semaphore, #tpu.memory_space<semaphore_mem>>) {add = true}
        %dma_wait3A_244 = arith.constant 0 : i32
        %dma_wait3A_245 = tpu.memref_slice %arg7[%run_scoped3A_183, %run_scoped3A_184, %dma_wait3A_244] : memref<2x4x112xi32, #tpu.memory_space<vmem>> -> memref<1x1x112xi32, #tpu.memory_space<vmem>>
        %dma_wait3A_246 = tpu.memref_squeeze %dma_wait3A_245 : memref<1x1x112xi32, #tpu.memory_space<vmem>> -> memref<112xi32, #tpu.memory_space<vmem>>
        %dma_wait3A_247 = arith.constant 0 : i32
        %dma_wait3A_248 = arith.constant 0 : i32
        %dma_wait3A_249 = tpu.memref_slice %arg14[%dma_wait3A_247, %dma_wait3A_248] : memref<10240x128xf32, #tpu.memory_space<vmem_shared>> -> memref<10240x128xf32, #tpu.memory_space<vmem_shared>>
        tpu.wait_indirect_dma semaphore(%run_scoped3A_237 : memref<!tpu.dma_semaphore, #tpu.memory_space<semaphore_mem>>) src(%arg8 : memref<112x128xf32, #tpu.memory_space<vmem>>) dst(%dma_wait3A_249 : memref<10240x128xf32, #tpu.memory_space<vmem_shared>>)
        tpu.yield
      }) : () -> ()
      %dma_start3A_185 = arith.constant 0 : i32
      %dma_start3A_186 = arith.constant 2 : i32
      %dma_start3A_187 = arith.constant 0 : i32
      %dma_start3A_188 = tpu.memref_slice %arg7[%dma_start3A_185, %dma_start3A_186, %dma_start3A_187] : memref<2x4x112xi32, #tpu.memory_space<vmem>> -> memref<1x1x112xi32, #tpu.memory_space<vmem>>
      %dma_start3A_189 = tpu.memref_squeeze %dma_start3A_188 : memref<1x1x112xi32, #tpu.memory_space<vmem>> -> memref<112xi32, #tpu.memory_space<vmem>>
      %dma_start3A_190 = arith.constant 0 : i32
      %dma_start3A_191 = arith.constant 0 : i32
      %dma_start3A_192 = tpu.memref_slice %arg2[%dma_start3A_190, %dma_start3A_191] : memref<40960x128xf32, #tpu.memory_space<hbm>> -> memref<40960x128xf32, #tpu.memory_space<hbm>>
      tpu.enqueue_indirect_dma source(%dma_start3A_192 : memref<40960x128xf32, #tpu.memory_space<hbm>>) target(%arg8 : memref<112x128xf32, #tpu.memory_space<vmem>>) offsets(%dma_start3A_189 : memref<112xi32, #tpu.memory_space<vmem>>) semaphore(%arg12 : memref<!tpu.dma_semaphore, #tpu.memory_space<semaphore_mem>>)
      %dma_wait3A_193 = arith.constant 0 : i32
      %dma_wait3A_194 = arith.constant 1 : i32
      %dma_wait3A_195 = arith.constant 0 : i32
      %dma_wait3A_196 = tpu.memref_slice %arg7[%dma_wait3A_193, %dma_wait3A_194, %dma_wait3A_195] : memref<2x4x112xi32, #tpu.memory_space<vmem>> -> memref<1x1x112xi32, #tpu.memory_space<vmem>>
      %dma_wait3A_197 = tpu.memref_squeeze %dma_wait3A_196 : memref<1x1x112xi32, #tpu.memory_space<vmem>> -> memref<112xi32, #tpu.memory_space<vmem>>
      %dma_wait3A_198 = arith.constant 0 : i32
      %dma_wait3A_199 = arith.constant 0 : i32
      %dma_wait3A_200 = tpu.memref_slice %arg2[%dma_wait3A_198, %dma_wait3A_199] : memref<40960x128xf32, #tpu.memory_space<hbm>> -> memref<40960x128xf32, #tpu.memory_space<hbm>>
      tpu.wait_indirect_dma semaphore(%arg13 : memref<!tpu.dma_semaphore, #tpu.memory_space<semaphore_mem>>) src(%dma_wait3A_200 : memref<40960x128xf32, #tpu.memory_space<hbm>>) dst(%arg9 : memref<112x128xf32, #tpu.memory_space<vmem>>)
      %run_scoped3A_201 = arith.constant 1 : i32
      %run_scoped3A_202 = arith.constant 1 : i32
      "tpu.region"() ({
        %run_scoped3A_237 = tpu.sem_alloc : memref<!tpu.dma_semaphore, #tpu.memory_space<semaphore_mem>>
        %dma_start3A_238 = arith.constant 0 : i32
        %dma_start3A_239 = tpu.memref_slice %arg7[%run_scoped3A_201, %run_scoped3A_202, %dma_start3A_238] : memref<2x4x112xi32, #tpu.memory_space<vmem>> -> memref<1x1x112xi32, #tpu.memory_space<vmem>>
        %dma_start3A_240 = tpu.memref_squeeze %dma_start3A_239 : memref<1x1x112xi32, #tpu.memory_space<vmem>> -> memref<112xi32, #tpu.memory_space<vmem>>
        %dma_start3A_241 = arith.constant 0 : i32
        %dma_start3A_242 = arith.constant 0 : i32
        %dma_start3A_243 = tpu.memref_slice %arg14[%dma_start3A_241, %dma_start3A_242] : memref<10240x128xf32, #tpu.memory_space<vmem_shared>> -> memref<10240x128xf32, #tpu.memory_space<vmem_shared>>
        tpu.enqueue_indirect_dma source(%arg9 : memref<112x128xf32, #tpu.memory_space<vmem>>) target(%dma_start3A_243 : memref<10240x128xf32, #tpu.memory_space<vmem_shared>>) offsets(%dma_start3A_240 : memref<112xi32, #tpu.memory_space<vmem>>) semaphore(%run_scoped3A_237 : memref<!tpu.dma_semaphore, #tpu.memory_space<semaphore_mem>>) {add = true}
        %dma_wait3A_244 = arith.constant 0 : i32
        %dma_wait3A_245 = tpu.memref_slice %arg7[%run_scoped3A_201, %run_scoped3A_202, %dma_wait3A_244] : memref<2x4x112xi32, #tpu.memory_space<vmem>> -> memref<1x1x112xi32, #tpu.memory_space<vmem>>
        %dma_wait3A_246 = tpu.memref_squeeze %dma_wait3A_245 : memref<1x1x112xi32, #tpu.memory_space<vmem>> -> memref<112xi32, #tpu.memory_space<vmem>>
        %dma_wait3A_247 = arith.constant 0 : i32
        %dma_wait3A_248 = arith.constant 0 : i32
        %dma_wait3A_249 = tpu.memref_slice %arg14[%dma_wait3A_247, %dma_wait3A_248] : memref<10240x128xf32, #tpu.memory_space<vmem_shared>> -> memref<10240x128xf32, #tpu.memory_space<vmem_shared>>
        tpu.wait_indirect_dma semaphore(%run_scoped3A_237 : memref<!tpu.dma_semaphore, #tpu.memory_space<semaphore_mem>>) src(%arg9 : memref<112x128xf32, #tpu.memory_space<vmem>>) dst(%dma_wait3A_249 : memref<10240x128xf32, #tpu.memory_space<vmem_shared>>)
        tpu.yield
      }) : () -> ()
      %convert_element_type3A_203 = arith.extui %lt3A_72 : i1 to i32
      %cond3A_204 = arith.constant 0 : i32
      %cond3A_205 = arith.cmpi ne, %convert_element_type3A_203, %cond3A_204 : i32
      scf.if %cond3A_205 {
        %dma_wait3A_237 = arith.constant 0 : i32
        %dma_wait3A_238 = arith.constant 0 : i32
        %dma_wait3A_239 = arith.constant 0 : i32
        %dma_wait3A_240 = tpu.memref_slice %arg3[%mul3A_6, %dma_wait3A_237, %dma_wait3A_238, %dma_wait3A_239] : memref<1536x2x4x112xi32, #tpu.memory_space<hbm>> -> memref<1x2x4x112xi32, #tpu.memory_space<hbm>>
        %dma_wait3A_241 = tpu.memref_squeeze %dma_wait3A_240 : memref<1x2x4x112xi32, #tpu.memory_space<hbm>> -> memref<2x4x112xi32, #tpu.memory_space<hbm>>
        %dma_wait3A_242 = arith.constant 0 : i32
        %dma_wait3A_243 = arith.constant 0 : i32
        %dma_wait3A_244 = arith.constant 0 : i32
        %dma_wait3A_245 = tpu.memref_slice %arg3[%mul3A_6, %dma_wait3A_242, %dma_wait3A_243, %dma_wait3A_244] : memref<1536x2x4x112xi32, #tpu.memory_space<hbm>> -> memref<1x2x4x112xi32, #tpu.memory_space<hbm>>
        %dma_wait3A_246 = tpu.memref_squeeze %dma_wait3A_245 : memref<1x2x4x112xi32, #tpu.memory_space<hbm>> -> memref<2x4x112xi32, #tpu.memory_space<hbm>>
        tpu.wait_dma2 semaphore(%arg10 : memref<!tpu.dma_semaphore, #tpu.memory_space<semaphore_mem>>) src(%dma_wait3A_246 : memref<2x4x112xi32, #tpu.memory_space<hbm>>) dst(%arg6 : memref<2x4x112xi32, #tpu.memory_space<vmem>>)
      } else {
      }
      %dma_start3A_206 = arith.constant 0 : i32
      %dma_start3A_207 = arith.constant 3 : i32
      %dma_start3A_208 = arith.constant 0 : i32
      %dma_start3A_209 = tpu.memref_slice %arg7[%dma_start3A_206, %dma_start3A_207, %dma_start3A_208] : memref<2x4x112xi32, #tpu.memory_space<vmem>> -> memref<1x1x112xi32, #tpu.memory_space<vmem>>
      %dma_start3A_210 = tpu.memref_squeeze %dma_start3A_209 : memref<1x1x112xi32, #tpu.memory_space<vmem>> -> memref<112xi32, #tpu.memory_space<vmem>>
      %dma_start3A_211 = arith.constant 0 : i32
      %dma_start3A_212 = arith.constant 0 : i32
      %dma_start3A_213 = tpu.memref_slice %arg2[%dma_start3A_211, %dma_start3A_212] : memref<40960x128xf32, #tpu.memory_space<hbm>> -> memref<40960x128xf32, #tpu.memory_space<hbm>>
      tpu.enqueue_indirect_dma source(%dma_start3A_213 : memref<40960x128xf32, #tpu.memory_space<hbm>>) target(%arg9 : memref<112x128xf32, #tpu.memory_space<vmem>>) offsets(%dma_start3A_210 : memref<112xi32, #tpu.memory_space<vmem>>) semaphore(%arg13 : memref<!tpu.dma_semaphore, #tpu.memory_space<semaphore_mem>>)
      %dma_wait3A_214 = arith.constant 0 : i32
      %dma_wait3A_215 = arith.constant 2 : i32
      %dma_wait3A_216 = arith.constant 0 : i32
      %dma_wait3A_217 = tpu.memref_slice %arg7[%dma_wait3A_214, %dma_wait3A_215, %dma_wait3A_216] : memref<2x4x112xi32, #tpu.memory_space<vmem>> -> memref<1x1x112xi32, #tpu.memory_space<vmem>>
      %dma_wait3A_218 = tpu.memref_squeeze %dma_wait3A_217 : memref<1x1x112xi32, #tpu.memory_space<vmem>> -> memref<112xi32, #tpu.memory_space<vmem>>
      %dma_wait3A_219 = arith.constant 0 : i32
      %dma_wait3A_220 = arith.constant 0 : i32
      %dma_wait3A_221 = tpu.memref_slice %arg2[%dma_wait3A_219, %dma_wait3A_220] : memref<40960x128xf32, #tpu.memory_space<hbm>> -> memref<40960x128xf32, #tpu.memory_space<hbm>>
      tpu.wait_indirect_dma semaphore(%arg12 : memref<!tpu.dma_semaphore, #tpu.memory_space<semaphore_mem>>) src(%dma_wait3A_221 : memref<40960x128xf32, #tpu.memory_space<hbm>>) dst(%arg8 : memref<112x128xf32, #tpu.memory_space<vmem>>)
      %run_scoped3A_222 = arith.constant 1 : i32
      %run_scoped3A_223 = arith.constant 2 : i32
      "tpu.region"() ({
        %run_scoped3A_237 = tpu.sem_alloc : memref<!tpu.dma_semaphore, #tpu.memory_space<semaphore_mem>>
        %dma_start3A_238 = arith.constant 0 : i32
        %dma_start3A_239 = tpu.memref_slice %arg7[%run_scoped3A_222, %run_scoped3A_223, %dma_start3A_238] : memref<2x4x112xi32, #tpu.memory_space<vmem>> -> memref<1x1x112xi32, #tpu.memory_space<vmem>>
        %dma_start3A_240 = tpu.memref_squeeze %dma_start3A_239 : memref<1x1x112xi32, #tpu.memory_space<vmem>> -> memref<112xi32, #tpu.memory_space<vmem>>
        %dma_start3A_241 = arith.constant 0 : i32
        %dma_start3A_242 = arith.constant 0 : i32
        %dma_start3A_243 = tpu.memref_slice %arg14[%dma_start3A_241, %dma_start3A_242] : memref<10240x128xf32, #tpu.memory_space<vmem_shared>> -> memref<10240x128xf32, #tpu.memory_space<vmem_shared>>
        tpu.enqueue_indirect_dma source(%arg8 : memref<112x128xf32, #tpu.memory_space<vmem>>) target(%dma_start3A_243 : memref<10240x128xf32, #tpu.memory_space<vmem_shared>>) offsets(%dma_start3A_240 : memref<112xi32, #tpu.memory_space<vmem>>) semaphore(%run_scoped3A_237 : memref<!tpu.dma_semaphore, #tpu.memory_space<semaphore_mem>>) {add = true}
        %dma_wait3A_244 = arith.constant 0 : i32
        %dma_wait3A_245 = tpu.memref_slice %arg7[%run_scoped3A_222, %run_scoped3A_223, %dma_wait3A_244] : memref<2x4x112xi32, #tpu.memory_space<vmem>> -> memref<1x1x112xi32, #tpu.memory_space<vmem>>
        %dma_wait3A_246 = tpu.memref_squeeze %dma_wait3A_245 : memref<1x1x112xi32, #tpu.memory_space<vmem>> -> memref<112xi32, #tpu.memory_space<vmem>>
        %dma_wait3A_247 = arith.constant 0 : i32
        %dma_wait3A_248 = arith.constant 0 : i32
        %dma_wait3A_249 = tpu.memref_slice %arg14[%dma_wait3A_247, %dma_wait3A_248] : memref<10240x128xf32, #tpu.memory_space<vmem_shared>> -> memref<10240x128xf32, #tpu.memory_space<vmem_shared>>
        tpu.wait_indirect_dma semaphore(%run_scoped3A_237 : memref<!tpu.dma_semaphore, #tpu.memory_space<semaphore_mem>>) src(%arg8 : memref<112x128xf32, #tpu.memory_space<vmem>>) dst(%dma_wait3A_249 : memref<10240x128xf32, #tpu.memory_space<vmem_shared>>)
        tpu.yield
      }) : () -> ()
      %convert_element_type3A_224 = arith.extui %lt3A_72 : i1 to i32
      %cond3A_225 = arith.constant 0 : i32
      %cond3A_226 = arith.cmpi ne, %convert_element_type3A_224, %cond3A_225 : i32
      scf.if %cond3A_226 {
        %dma_start3A_237 = arith.constant 0 : i32
        %dma_start3A_238 = arith.constant 0 : i32
        %dma_start3A_239 = arith.constant 0 : i32
        %dma_start3A_240 = tpu.memref_slice %arg6[%dma_start3A_237, %dma_start3A_238, %dma_start3A_239] : memref<2x4x112xi32, #tpu.memory_space<vmem>> -> memref<1x1x112xi32, #tpu.memory_space<vmem>>
        %dma_start3A_241 = tpu.memref_squeeze %dma_start3A_240 : memref<1x1x112xi32, #tpu.memory_space<vmem>> -> memref<112xi32, #tpu.memory_space<vmem>>
        %dma_start3A_242 = arith.constant 0 : i32
        %dma_start3A_243 = arith.constant 0 : i32
        %dma_start3A_244 = tpu.memref_slice %arg2[%dma_start3A_242, %dma_start3A_243] : memref<40960x128xf32, #tpu.memory_space<hbm>> -> memref<40960x128xf32, #tpu.memory_space<hbm>>
        tpu.enqueue_indirect_dma source(%dma_start3A_244 : memref<40960x128xf32, #tpu.memory_space<hbm>>) target(%arg8 : memref<112x128xf32, #tpu.memory_space<vmem>>) offsets(%dma_start3A_241 : memref<112xi32, #tpu.memory_space<vmem>>) semaphore(%arg12 : memref<!tpu.dma_semaphore, #tpu.memory_space<semaphore_mem>>)
      } else {
      }
      %dma_wait3A_227 = arith.constant 0 : i32
      %dma_wait3A_228 = arith.constant 3 : i32
      %dma_wait3A_229 = arith.constant 0 : i32
      %dma_wait3A_230 = tpu.memref_slice %arg7[%dma_wait3A_227, %dma_wait3A_228, %dma_wait3A_229] : memref<2x4x112xi32, #tpu.memory_space<vmem>> -> memref<1x1x112xi32, #tpu.memory_space<vmem>>
      %dma_wait3A_231 = tpu.memref_squeeze %dma_wait3A_230 : memref<1x1x112xi32, #tpu.memory_space<vmem>> -> memref<112xi32, #tpu.memory_space<vmem>>
      %dma_wait3A_232 = arith.constant 0 : i32
      %dma_wait3A_233 = arith.constant 0 : i32
      %dma_wait3A_234 = tpu.memref_slice %arg2[%dma_wait3A_232, %dma_wait3A_233] : memref<40960x128xf32, #tpu.memory_space<hbm>> -> memref<40960x128xf32, #tpu.memory_space<hbm>>
      tpu.wait_indirect_dma semaphore(%arg13 : memref<!tpu.dma_semaphore, #tpu.memory_space<semaphore_mem>>) src(%dma_wait3A_234 : memref<40960x128xf32, #tpu.memory_space<hbm>>) dst(%arg9 : memref<112x128xf32, #tpu.memory_space<vmem>>)
      %run_scoped3A_235 = arith.constant 1 : i32
      %run_scoped3A_236 = arith.constant 3 : i32
      "tpu.region"() ({
        %run_scoped3A_237 = tpu.sem_alloc : memref<!tpu.dma_semaphore, #tpu.memory_space<semaphore_mem>>
        %dma_start3A_238 = arith.constant 0 : i32
        %dma_start3A_239 = tpu.memref_slice %arg7[%run_scoped3A_235, %run_scoped3A_236, %dma_start3A_238] : memref<2x4x112xi32, #tpu.memory_space<vmem>> -> memref<1x1x112xi32, #tpu.memory_space<vmem>>
        %dma_start3A_240 = tpu.memref_squeeze %dma_start3A_239 : memref<1x1x112xi32, #tpu.memory_space<vmem>> -> memref<112xi32, #tpu.memory_space<vmem>>
        %dma_start3A_241 = arith.constant 0 : i32
        %dma_start3A_242 = arith.constant 0 : i32
        %dma_start3A_243 = tpu.memref_slice %arg14[%dma_start3A_241, %dma_start3A_242] : memref<10240x128xf32, #tpu.memory_space<vmem_shared>> -> memref<10240x128xf32, #tpu.memory_space<vmem_shared>>
        tpu.enqueue_indirect_dma source(%arg9 : memref<112x128xf32, #tpu.memory_space<vmem>>) target(%dma_start3A_243 : memref<10240x128xf32, #tpu.memory_space<vmem_shared>>) offsets(%dma_start3A_240 : memref<112xi32, #tpu.memory_space<vmem>>) semaphore(%run_scoped3A_237 : memref<!tpu.dma_semaphore, #tpu.memory_space<semaphore_mem>>) {add = true}
        %dma_wait3A_244 = arith.constant 0 : i32
        %dma_wait3A_245 = tpu.memref_slice %arg7[%run_scoped3A_235, %run_scoped3A_236, %dma_wait3A_244] : memref<2x4x112xi32, #tpu.memory_space<vmem>> -> memref<1x1x112xi32, #tpu.memory_space<vmem>>
        %dma_wait3A_246 = tpu.memref_squeeze %dma_wait3A_245 : memref<1x1x112xi32, #tpu.memory_space<vmem>> -> memref<112xi32, #tpu.memory_space<vmem>>
        %dma_wait3A_247 = arith.constant 0 : i32
        %dma_wait3A_248 = arith.constant 0 : i32
        %dma_wait3A_249 = tpu.memref_slice %arg14[%dma_wait3A_247, %dma_wait3A_248] : memref<10240x128xf32, #tpu.memory_space<vmem_shared>> -> memref<10240x128xf32, #tpu.memory_space<vmem_shared>>
        tpu.wait_indirect_dma semaphore(%run_scoped3A_237 : memref<!tpu.dma_semaphore, #tpu.memory_space<semaphore_mem>>) src(%arg9 : memref<112x128xf32, #tpu.memory_space<vmem>>) dst(%dma_wait3A_249 : memref<10240x128xf32, #tpu.memory_space<vmem_shared>>)
        tpu.yield
      }) : () -> ()
    }
    %scan3A_21 = arith.constant 12 : i32
    %barrier3A_22 = arith.constant 0 : index
    tpu.barrier barrier_id(%barrier3A_22)
    %mul3A_23 = arith.constant 640 : i32
    %mul3A_24 = arith.muli %arg1, %mul3A_23 : i32
    %mul3A_25 = arith.constant 10240 : i32
    %mul3A_26 = arith.muli %add3A_1, %mul3A_25 : i32
    %mul3A_27 = arith.constant 640 : i32
    %mul3A_28 = arith.muli %arg1, %mul3A_27 : i32
    %add3A_29 = arith.addi %mul3A_26, %mul3A_28 : i32
    "tpu.region"() ({
      %run_scoped3A = tpu.sem_alloc : memref<!tpu.dma_semaphore, #tpu.memory_space<semaphore_mem>>
      %dma_start3A_65 = arith.constant 0 : i32
      %dma_start3A_66 = tpu.memref_slice %arg5[%add3A_29, %dma_start3A_65] : memref<40960x128xf32, #tpu.memory_space<hbm>> -> memref<640x128xf32, #tpu.memory_space<hbm>>
      %dma_start3A_67 = arith.constant 0 : i32
      %dma_start3A_68 = tpu.memref_slice %arg14[%mul3A_24, %dma_start3A_67] : memref<10240x128xf32, #tpu.memory_space<vmem_shared>> -> memref<640x128xf32, #tpu.memory_space<vmem_shared>>
      tpu.enqueue_dma source(%dma_start3A_68 : memref<640x128xf32, #tpu.memory_space<vmem_shared>>) target(%dma_start3A_66 : memref<640x128xf32, #tpu.memory_space<hbm>>) target_semaphore(%run_scoped3A : memref<!tpu.dma_semaphore, #tpu.memory_space<semaphore_mem>>)
      %dma_wait3A = arith.constant 0 : i32
      %dma_wait3A_69 = tpu.memref_slice %arg5[%add3A_29, %dma_wait3A] : memref<40960x128xf32, #tpu.memory_space<hbm>> -> memref<640x128xf32, #tpu.memory_space<hbm>>
      %dma_wait3A_70 = arith.constant 0 : i32
      %dma_wait3A_71 = tpu.memref_slice %arg14[%mul3A_24, %dma_wait3A_70] : memref<10240x128xf32, #tpu.memory_space<vmem_shared>> -> memref<640x128xf32, #tpu.memory_space<vmem_shared>>
      tpu.wait_dma2 semaphore(%run_scoped3A : memref<!tpu.dma_semaphore, #tpu.memory_space<semaphore_mem>>) src(%dma_wait3A_71 : memref<640x128xf32, #tpu.memory_space<vmem_shared>>) dst(%dma_wait3A_69 : memref<640x128xf32, #tpu.memory_space<hbm>>)
      tpu.yield
    }) : () -> ()
    %mul3A_30 = arith.constant 2 : i32
    %mul3A_31 = arith.muli %arg0, %mul3A_30 : i32
    %add3A_32 = arith.constant 1 : i32
    %add3A_33 = arith.addi %mul3A_31, %add3A_32 : i32
    %mul3A_34 = arith.constant 16 : i32
    %mul3A_35 = arith.muli %add3A_33, %mul3A_34 : i32
    %add3A_36 = arith.addi %mul3A_35, %arg1 : i32
    %mul3A_37 = arith.constant 24 : i32
    %mul3A_38 = arith.muli %add3A_36, %mul3A_37 : i32
    "tpu.region"() ({
      %run_scoped3A = tpu.sem_alloc : memref<!tpu.dma_semaphore, #tpu.memory_space<semaphore_mem>>
      %dma_start3A_65 = arith.constant 0 : i32
      %dma_start3A_66 = arith.constant 0 : i32
      %dma_start3A_67 = arith.constant 0 : i32
      %dma_start3A_68 = tpu.memref_slice %arg3[%mul3A_38, %dma_start3A_65, %dma_start3A_66, %dma_start3A_67] : memref<1536x2x4x112xi32, #tpu.memory_space<hbm>> -> memref<1x2x4x112xi32, #tpu.memory_space<hbm>>
      %dma_start3A_69 = tpu.memref_squeeze %dma_start3A_68 : memref<1x2x4x112xi32, #tpu.memory_space<hbm>> -> memref<2x4x112xi32, #tpu.memory_space<hbm>>
      %dma_start3A_70 = arith.constant 0 : i32
      %dma_start3A_71 = arith.constant 0 : i32
      %dma_start3A_72 = arith.constant 0 : i32
      %dma_start3A_73 = tpu.memref_slice %arg3[%mul3A_38, %dma_start3A_70, %dma_start3A_71, %dma_start3A_72] : memref<1536x2x4x112xi32, #tpu.memory_space<hbm>> -> memref<1x2x4x112xi32, #tpu.memory_space<hbm>>
      %dma_start3A_74 = tpu.memref_squeeze %dma_start3A_73 : memref<1x2x4x112xi32, #tpu.memory_space<hbm>> -> memref<2x4x112xi32, #tpu.memory_space<hbm>>
      tpu.enqueue_dma source(%dma_start3A_74 : memref<2x4x112xi32, #tpu.memory_space<hbm>>) target(%arg6 : memref<2x4x112xi32, #tpu.memory_space<vmem>>) target_semaphore(%run_scoped3A : memref<!tpu.dma_semaphore, #tpu.memory_space<semaphore_mem>>)
      %dma_wait3A = arith.constant 0 : i32
      %dma_wait3A_75 = arith.constant 0 : i32
      %dma_wait3A_76 = arith.constant 0 : i32
      %dma_wait3A_77 = tpu.memref_slice %arg3[%mul3A_38, %dma_wait3A, %dma_wait3A_75, %dma_wait3A_76] : memref<1536x2x4x112xi32, #tpu.memory_space<hbm>> -> memref<1x2x4x112xi32, #tpu.memory_space<hbm>>
      %dma_wait3A_78 = tpu.memref_squeeze %dma_wait3A_77 : memref<1x2x4x112xi32, #tpu.memory_space<hbm>> -> memref<2x4x112xi32, #tpu.memory_space<hbm>>
      %dma_wait3A_79 = arith.constant 0 : i32
      %dma_wait3A_80 = arith.constant 0 : i32
      %dma_wait3A_81 = arith.constant 0 : i32
      %dma_wait3A_82 = tpu.memref_slice %arg3[%mul3A_38, %dma_wait3A_79, %dma_wait3A_80, %dma_wait3A_81] : memref<1536x2x4x112xi32, #tpu.memory_space<hbm>> -> memref<1x2x4x112xi32, #tpu.memory_space<hbm>>
      %dma_wait3A_83 = tpu.memref_squeeze %dma_wait3A_82 : memref<1x2x4x112xi32, #tpu.memory_space<hbm>> -> memref<2x4x112xi32, #tpu.memory_space<hbm>>
      tpu.wait_dma2 semaphore(%run_scoped3A : memref<!tpu.dma_semaphore, #tpu.memory_space<semaphore_mem>>) src(%dma_wait3A_83 : memref<2x4x112xi32, #tpu.memory_space<hbm>>) dst(%arg6 : memref<2x4x112xi32, #tpu.memory_space<vmem>>)
      tpu.yield
    }) : () -> ()
    %dma_start3A_39 = arith.constant 0 : i32
    %dma_start3A_40 = arith.constant 0 : i32
    %dma_start3A_41 = arith.constant 0 : i32
    %dma_start3A_42 = tpu.memref_slice %arg6[%dma_start3A_39, %dma_start3A_40, %dma_start3A_41] : memref<2x4x112xi32, #tpu.memory_space<vmem>> -> memref<1x1x112xi32, #tpu.memory_space<vmem>>
    %dma_start3A_43 = tpu.memref_squeeze %dma_start3A_42 : memref<1x1x112xi32, #tpu.memory_space<vmem>> -> memref<112xi32, #tpu.memory_space<vmem>>
    %dma_start3A_44 = arith.constant 0 : i32
    %dma_start3A_45 = arith.constant 0 : i32
    %dma_start3A_46 = tpu.memref_slice %arg2[%dma_start3A_44, %dma_start3A_45] : memref<40960x128xf32, #tpu.memory_space<hbm>> -> memref<40960x128xf32, #tpu.memory_space<hbm>>
    tpu.enqueue_indirect_dma source(%dma_start3A_46 : memref<40960x128xf32, #tpu.memory_space<hbm>>) target(%arg8 : memref<112x128xf32, #tpu.memory_space<vmem>>) offsets(%dma_start3A_43 : memref<112xi32, #tpu.memory_space<vmem>>) semaphore(%arg12 : memref<!tpu.dma_semaphore, #tpu.memory_space<semaphore_mem>>)
    %mul3A_47 = arith.constant 640 : i32
    %mul3A_48 = arith.muli %arg1, %mul3A_47 : i32
    %mul3A_49 = arith.constant 640 : i32
    %mul3A_50 = arith.muli %arg1, %mul3A_49 : i32
    "tpu.region"() ({
      %run_scoped3A = tpu.sem_alloc : memref<!tpu.dma_semaphore, #tpu.memory_space<semaphore_mem>>
      %dma_start3A_65 = arith.constant 0 : i32
      %dma_start3A_66 = tpu.memref_slice %arg14[%mul3A_50, %dma_start3A_65] : memref<10240x128xf32, #tpu.memory_space<vmem_shared>> -> memref<640x128xf32, #tpu.memory_space<vmem_shared>>
      %dma_start3A_67 = arith.constant 0 : i32
      %dma_start3A_68 = tpu.memref_slice %arg4[%mul3A_48, %dma_start3A_67] : memref<10240x128xf32, #tpu.memory_space<hbm>> -> memref<640x128xf32, #tpu.memory_space<hbm>>
      tpu.enqueue_dma source(%dma_start3A_68 : memref<640x128xf32, #tpu.memory_space<hbm>>) target(%dma_start3A_66 : memref<640x128xf32, #tpu.memory_space<vmem_shared>>) target_semaphore(%run_scoped3A : memref<!tpu.dma_semaphore, #tpu.memory_space<semaphore_mem>>)
      %dma_wait3A = arith.constant 0 : i32
      %dma_wait3A_69 = tpu.memref_slice %arg14[%mul3A_50, %dma_wait3A] : memref<10240x128xf32, #tpu.memory_space<vmem_shared>> -> memref<640x128xf32, #tpu.memory_space<vmem_shared>>
      %dma_wait3A_70 = arith.constant 0 : i32
      %dma_wait3A_71 = tpu.memref_slice %arg4[%mul3A_48, %dma_wait3A_70] : memref<10240x128xf32, #tpu.memory_space<hbm>> -> memref<640x128xf32, #tpu.memory_space<hbm>>
      tpu.wait_dma2 semaphore(%run_scoped3A : memref<!tpu.dma_semaphore, #tpu.memory_space<semaphore_mem>>) src(%dma_wait3A_71 : memref<640x128xf32, #tpu.memory_space<hbm>>) dst(%dma_wait3A_69 : memref<640x128xf32, #tpu.memory_space<vmem_shared>>)
      tpu.yield
    }) : () -> ()
    %barrier3A_51 = arith.constant 0 : index
    tpu.barrier barrier_id(%barrier3A_51)
    %scan3A_52 = arith.constant 0 : i32
    %scan3A_53 = arith.constant 12 : i32
    %scan3A_54 = arith.addi %scan3A_52, %scan3A_53 : i32
    %scan3A_55 = arith.constant 1 : i32
    scf.for %scan3A_65 = %scan3A_52 to %scan3A_54 step %scan3A_55  : i32 {
      %mul3A_66 = arith.constant 1 : i32
      %mul3A_67 = arith.muli %scan3A_65, %mul3A_66 : i32
      %add3A_68 = arith.constant 0 : i32
      %add3A_69 = arith.addi %add3A_68, %mul3A_67 : i32
      %mul3A_70 = arith.constant 2 : i32
      %mul3A_71 = arith.muli %mul3A_70, %add3A_69 : i32
      %lt3A = arith.constant 11 : i32
      %lt3A_72 = arith.cmpi slt, %add3A_69, %lt3A : i32
      %add3A_73 = arith.addi %mul3A_38, %mul3A_71 : i32
      %add3A_74 = arith.constant 1 : i32
      %add3A_75 = arith.addi %add3A_73, %add3A_74 : i32
      %dma_start3A_76 = arith.constant 0 : i32
      %dma_start3A_77 = arith.constant 0 : i32
      %dma_start3A_78 = arith.constant 0 : i32
      %dma_start3A_79 = tpu.memref_slice %arg3[%add3A_75, %dma_start3A_76, %dma_start3A_77, %dma_start3A_78] : memref<1536x2x4x112xi32, #tpu.memory_space<hbm>> -> memref<1x2x4x112xi32, #tpu.memory_space<hbm>>
      %dma_start3A_80 = tpu.memref_squeeze %dma_start3A_79 : memref<1x2x4x112xi32, #tpu.memory_space<hbm>> -> memref<2x4x112xi32, #tpu.memory_space<hbm>>
      %dma_start3A_81 = arith.constant 0 : i32
      %dma_start3A_82 = arith.constant 0 : i32
      %dma_start3A_83 = arith.constant 0 : i32
      %dma_start3A_84 = tpu.memref_slice %arg3[%add3A_75, %dma_start3A_81, %dma_start3A_82, %dma_start3A_83] : memref<1536x2x4x112xi32, #tpu.memory_space<hbm>> -> memref<1x2x4x112xi32, #tpu.memory_space<hbm>>
      %dma_start3A_85 = tpu.memref_squeeze %dma_start3A_84 : memref<1x2x4x112xi32, #tpu.memory_space<hbm>> -> memref<2x4x112xi32, #tpu.memory_space<hbm>>
      tpu.enqueue_dma source(%dma_start3A_85 : memref<2x4x112xi32, #tpu.memory_space<hbm>>) target(%arg7 : memref<2x4x112xi32, #tpu.memory_space<vmem>>) target_semaphore(%arg11 : memref<!tpu.dma_semaphore, #tpu.memory_space<semaphore_mem>>)
      %dma_start3A_86 = arith.constant 0 : i32
      %dma_start3A_87 = arith.constant 1 : i32
      %dma_start3A_88 = arith.constant 0 : i32
      %dma_start3A_89 = tpu.memref_slice %arg6[%dma_start3A_86, %dma_start3A_87, %dma_start3A_88] : memref<2x4x112xi32, #tpu.memory_space<vmem>> -> memref<1x1x112xi32, #tpu.memory_space<vmem>>
      %dma_start3A_90 = tpu.memref_squeeze %dma_start3A_89 : memref<1x1x112xi32, #tpu.memory_space<vmem>> -> memref<112xi32, #tpu.memory_space<vmem>>
      %dma_start3A_91 = arith.constant 0 : i32
      %dma_start3A_92 = arith.constant 0 : i32
      %dma_start3A_93 = tpu.memref_slice %arg2[%dma_start3A_91, %dma_start3A_92] : memref<40960x128xf32, #tpu.memory_space<hbm>> -> memref<40960x128xf32, #tpu.memory_space<hbm>>
      tpu.enqueue_indirect_dma source(%dma_start3A_93 : memref<40960x128xf32, #tpu.memory_space<hbm>>) target(%arg9 : memref<112x128xf32, #tpu.memory_space<vmem>>) offsets(%dma_start3A_90 : memref<112xi32, #tpu.memory_space<vmem>>) semaphore(%arg13 : memref<!tpu.dma_semaphore, #tpu.memory_space<semaphore_mem>>)
      %dma_wait3A = arith.constant 0 : i32
      %dma_wait3A_94 = arith.constant 0 : i32
      %dma_wait3A_95 = arith.constant 0 : i32
      %dma_wait3A_96 = tpu.memref_slice %arg6[%dma_wait3A, %dma_wait3A_94, %dma_wait3A_95] : memref<2x4x112xi32, #tpu.memory_space<vmem>> -> memref<1x1x112xi32, #tpu.memory_space<vmem>>
      %dma_wait3A_97 = tpu.memref_squeeze %dma_wait3A_96 : memref<1x1x112xi32, #tpu.memory_space<vmem>> -> memref<112xi32, #tpu.memory_space<vmem>>
      %dma_wait3A_98 = arith.constant 0 : i32
      %dma_wait3A_99 = arith.constant 0 : i32
      %dma_wait3A_100 = tpu.memref_slice %arg2[%dma_wait3A_98, %dma_wait3A_99] : memref<40960x128xf32, #tpu.memory_space<hbm>> -> memref<40960x128xf32, #tpu.memory_space<hbm>>
      tpu.wait_indirect_dma semaphore(%arg12 : memref<!tpu.dma_semaphore, #tpu.memory_space<semaphore_mem>>) src(%dma_wait3A_100 : memref<40960x128xf32, #tpu.memory_space<hbm>>) dst(%arg8 : memref<112x128xf32, #tpu.memory_space<vmem>>)
      %run_scoped3A = arith.constant 1 : i32
      %run_scoped3A_101 = arith.constant 0 : i32
      "tpu.region"() ({
        %run_scoped3A_237 = tpu.sem_alloc : memref<!tpu.dma_semaphore, #tpu.memory_space<semaphore_mem>>
        %dma_start3A_238 = arith.constant 0 : i32
        %dma_start3A_239 = tpu.memref_slice %arg6[%run_scoped3A, %run_scoped3A_101, %dma_start3A_238] : memref<2x4x112xi32, #tpu.memory_space<vmem>> -> memref<1x1x112xi32, #tpu.memory_space<vmem>>
        %dma_start3A_240 = tpu.memref_squeeze %dma_start3A_239 : memref<1x1x112xi32, #tpu.memory_space<vmem>> -> memref<112xi32, #tpu.memory_space<vmem>>
        %dma_start3A_241 = arith.constant 0 : i32
        %dma_start3A_242 = arith.constant 0 : i32
        %dma_start3A_243 = tpu.memref_slice %arg14[%dma_start3A_241, %dma_start3A_242] : memref<10240x128xf32, #tpu.memory_space<vmem_shared>> -> memref<10240x128xf32, #tpu.memory_space<vmem_shared>>
        tpu.enqueue_indirect_dma source(%arg8 : memref<112x128xf32, #tpu.memory_space<vmem>>) target(%dma_start3A_243 : memref<10240x128xf32, #tpu.memory_space<vmem_shared>>) offsets(%dma_start3A_240 : memref<112xi32, #tpu.memory_space<vmem>>) semaphore(%run_scoped3A_237 : memref<!tpu.dma_semaphore, #tpu.memory_space<semaphore_mem>>) {add = true}
        %dma_wait3A_244 = arith.constant 0 : i32
        %dma_wait3A_245 = tpu.memref_slice %arg6[%run_scoped3A, %run_scoped3A_101, %dma_wait3A_244] : memref<2x4x112xi32, #tpu.memory_space<vmem>> -> memref<1x1x112xi32, #tpu.memory_space<vmem>>
        %dma_wait3A_246 = tpu.memref_squeeze %dma_wait3A_245 : memref<1x1x112xi32, #tpu.memory_space<vmem>> -> memref<112xi32, #tpu.memory_space<vmem>>
        %dma_wait3A_247 = arith.constant 0 : i32
        %dma_wait3A_248 = arith.constant 0 : i32
        %dma_wait3A_249 = tpu.memref_slice %arg14[%dma_wait3A_247, %dma_wait3A_248] : memref<10240x128xf32, #tpu.memory_space<vmem_shared>> -> memref<10240x128xf32, #tpu.memory_space<vmem_shared>>
        tpu.wait_indirect_dma semaphore(%run_scoped3A_237 : memref<!tpu.dma_semaphore, #tpu.memory_space<semaphore_mem>>) src(%arg8 : memref<112x128xf32, #tpu.memory_space<vmem>>) dst(%dma_wait3A_249 : memref<10240x128xf32, #tpu.memory_space<vmem_shared>>)
        tpu.yield
      }) : () -> ()
      %dma_start3A_102 = arith.constant 0 : i32
      %dma_start3A_103 = arith.constant 2 : i32
      %dma_start3A_104 = arith.constant 0 : i32
      %dma_start3A_105 = tpu.memref_slice %arg6[%dma_start3A_102, %dma_start3A_103, %dma_start3A_104] : memref<2x4x112xi32, #tpu.memory_space<vmem>> -> memref<1x1x112xi32, #tpu.memory_space<vmem>>
      %dma_start3A_106 = tpu.memref_squeeze %dma_start3A_105 : memref<1x1x112xi32, #tpu.memory_space<vmem>> -> memref<112xi32, #tpu.memory_space<vmem>>
      %dma_start3A_107 = arith.constant 0 : i32
      %dma_start3A_108 = arith.constant 0 : i32
      %dma_start3A_109 = tpu.memref_slice %arg2[%dma_start3A_107, %dma_start3A_108] : memref<40960x128xf32, #tpu.memory_space<hbm>> -> memref<40960x128xf32, #tpu.memory_space<hbm>>
      tpu.enqueue_indirect_dma source(%dma_start3A_109 : memref<40960x128xf32, #tpu.memory_space<hbm>>) target(%arg8 : memref<112x128xf32, #tpu.memory_space<vmem>>) offsets(%dma_start3A_106 : memref<112xi32, #tpu.memory_space<vmem>>) semaphore(%arg12 : memref<!tpu.dma_semaphore, #tpu.memory_space<semaphore_mem>>)
      %dma_wait3A_110 = arith.constant 0 : i32
      %dma_wait3A_111 = arith.constant 1 : i32
      %dma_wait3A_112 = arith.constant 0 : i32
      %dma_wait3A_113 = tpu.memref_slice %arg6[%dma_wait3A_110, %dma_wait3A_111, %dma_wait3A_112] : memref<2x4x112xi32, #tpu.memory_space<vmem>> -> memref<1x1x112xi32, #tpu.memory_space<vmem>>
      %dma_wait3A_114 = tpu.memref_squeeze %dma_wait3A_113 : memref<1x1x112xi32, #tpu.memory_space<vmem>> -> memref<112xi32, #tpu.memory_space<vmem>>
      %dma_wait3A_115 = arith.constant 0 : i32
      %dma_wait3A_116 = arith.constant 0 : i32
      %dma_wait3A_117 = tpu.memref_slice %arg2[%dma_wait3A_115, %dma_wait3A_116] : memref<40960x128xf32, #tpu.memory_space<hbm>> -> memref<40960x128xf32, #tpu.memory_space<hbm>>
      tpu.wait_indirect_dma semaphore(%arg13 : memref<!tpu.dma_semaphore, #tpu.memory_space<semaphore_mem>>) src(%dma_wait3A_117 : memref<40960x128xf32, #tpu.memory_space<hbm>>) dst(%arg9 : memref<112x128xf32, #tpu.memory_space<vmem>>)
      %run_scoped3A_118 = arith.constant 1 : i32
      %run_scoped3A_119 = arith.constant 1 : i32
      "tpu.region"() ({
        %run_scoped3A_237 = tpu.sem_alloc : memref<!tpu.dma_semaphore, #tpu.memory_space<semaphore_mem>>
        %dma_start3A_238 = arith.constant 0 : i32
        %dma_start3A_239 = tpu.memref_slice %arg6[%run_scoped3A_118, %run_scoped3A_119, %dma_start3A_238] : memref<2x4x112xi32, #tpu.memory_space<vmem>> -> memref<1x1x112xi32, #tpu.memory_space<vmem>>
        %dma_start3A_240 = tpu.memref_squeeze %dma_start3A_239 : memref<1x1x112xi32, #tpu.memory_space<vmem>> -> memref<112xi32, #tpu.memory_space<vmem>>
        %dma_start3A_241 = arith.constant 0 : i32
        %dma_start3A_242 = arith.constant 0 : i32
        %dma_start3A_243 = tpu.memref_slice %arg14[%dma_start3A_241, %dma_start3A_242] : memref<10240x128xf32, #tpu.memory_space<vmem_shared>> -> memref<10240x128xf32, #tpu.memory_space<vmem_shared>>
        tpu.enqueue_indirect_dma source(%arg9 : memref<112x128xf32, #tpu.memory_space<vmem>>) target(%dma_start3A_243 : memref<10240x128xf32, #tpu.memory_space<vmem_shared>>) offsets(%dma_start3A_240 : memref<112xi32, #tpu.memory_space<vmem>>) semaphore(%run_scoped3A_237 : memref<!tpu.dma_semaphore, #tpu.memory_space<semaphore_mem>>) {add = true}
        %dma_wait3A_244 = arith.constant 0 : i32
        %dma_wait3A_245 = tpu.memref_slice %arg6[%run_scoped3A_118, %run_scoped3A_119, %dma_wait3A_244] : memref<2x4x112xi32, #tpu.memory_space<vmem>> -> memref<1x1x112xi32, #tpu.memory_space<vmem>>
        %dma_wait3A_246 = tpu.memref_squeeze %dma_wait3A_245 : memref<1x1x112xi32, #tpu.memory_space<vmem>> -> memref<112xi32, #tpu.memory_space<vmem>>
        %dma_wait3A_247 = arith.constant 0 : i32
        %dma_wait3A_248 = arith.constant 0 : i32
        %dma_wait3A_249 = tpu.memref_slice %arg14[%dma_wait3A_247, %dma_wait3A_248] : memref<10240x128xf32, #tpu.memory_space<vmem_shared>> -> memref<10240x128xf32, #tpu.memory_space<vmem_shared>>
        tpu.wait_indirect_dma semaphore(%run_scoped3A_237 : memref<!tpu.dma_semaphore, #tpu.memory_space<semaphore_mem>>) src(%arg9 : memref<112x128xf32, #tpu.memory_space<vmem>>) dst(%dma_wait3A_249 : memref<10240x128xf32, #tpu.memory_space<vmem_shared>>)
        tpu.yield
      }) : () -> ()
      %dma_wait3A_120 = arith.constant 0 : i32
      %dma_wait3A_121 = arith.constant 0 : i32
      %dma_wait3A_122 = arith.constant 0 : i32
      %dma_wait3A_123 = tpu.memref_slice %arg3[%mul3A_38, %dma_wait3A_120, %dma_wait3A_121, %dma_wait3A_122] : memref<1536x2x4x112xi32, #tpu.memory_space<hbm>> -> memref<1x2x4x112xi32, #tpu.memory_space<hbm>>
      %dma_wait3A_124 = tpu.memref_squeeze %dma_wait3A_123 : memref<1x2x4x112xi32, #tpu.memory_space<hbm>> -> memref<2x4x112xi32, #tpu.memory_space<hbm>>
      %dma_wait3A_125 = arith.constant 0 : i32
      %dma_wait3A_126 = arith.constant 0 : i32
      %dma_wait3A_127 = arith.constant 0 : i32
      %dma_wait3A_128 = tpu.memref_slice %arg3[%mul3A_38, %dma_wait3A_125, %dma_wait3A_126, %dma_wait3A_127] : memref<1536x2x4x112xi32, #tpu.memory_space<hbm>> -> memref<1x2x4x112xi32, #tpu.memory_space<hbm>>
      %dma_wait3A_129 = tpu.memref_squeeze %dma_wait3A_128 : memref<1x2x4x112xi32, #tpu.memory_space<hbm>> -> memref<2x4x112xi32, #tpu.memory_space<hbm>>
      tpu.wait_dma2 semaphore(%arg11 : memref<!tpu.dma_semaphore, #tpu.memory_space<semaphore_mem>>) src(%dma_wait3A_129 : memref<2x4x112xi32, #tpu.memory_space<hbm>>) dst(%arg7 : memref<2x4x112xi32, #tpu.memory_space<vmem>>)
      %dma_start3A_130 = arith.constant 0 : i32
      %dma_start3A_131 = arith.constant 3 : i32
      %dma_start3A_132 = arith.constant 0 : i32
      %dma_start3A_133 = tpu.memref_slice %arg6[%dma_start3A_130, %dma_start3A_131, %dma_start3A_132] : memref<2x4x112xi32, #tpu.memory_space<vmem>> -> memref<1x1x112xi32, #tpu.memory_space<vmem>>
      %dma_start3A_134 = tpu.memref_squeeze %dma_start3A_133 : memref<1x1x112xi32, #tpu.memory_space<vmem>> -> memref<112xi32, #tpu.memory_space<vmem>>
      %dma_start3A_135 = arith.constant 0 : i32
      %dma_start3A_136 = arith.constant 0 : i32
      %dma_start3A_137 = tpu.memref_slice %arg2[%dma_start3A_135, %dma_start3A_136] : memref<40960x128xf32, #tpu.memory_space<hbm>> -> memref<40960x128xf32, #tpu.memory_space<hbm>>
      tpu.enqueue_indirect_dma source(%dma_start3A_137 : memref<40960x128xf32, #tpu.memory_space<hbm>>) target(%arg9 : memref<112x128xf32, #tpu.memory_space<vmem>>) offsets(%dma_start3A_134 : memref<112xi32, #tpu.memory_space<vmem>>) semaphore(%arg13 : memref<!tpu.dma_semaphore, #tpu.memory_space<semaphore_mem>>)
      %dma_wait3A_138 = arith.constant 0 : i32
      %dma_wait3A_139 = arith.constant 2 : i32
      %dma_wait3A_140 = arith.constant 0 : i32
      %dma_wait3A_141 = tpu.memref_slice %arg6[%dma_wait3A_138, %dma_wait3A_139, %dma_wait3A_140] : memref<2x4x112xi32, #tpu.memory_space<vmem>> -> memref<1x1x112xi32, #tpu.memory_space<vmem>>
      %dma_wait3A_142 = tpu.memref_squeeze %dma_wait3A_141 : memref<1x1x112xi32, #tpu.memory_space<vmem>> -> memref<112xi32, #tpu.memory_space<vmem>>
      %dma_wait3A_143 = arith.constant 0 : i32
      %dma_wait3A_144 = arith.constant 0 : i32
      %dma_wait3A_145 = tpu.memref_slice %arg2[%dma_wait3A_143, %dma_wait3A_144] : memref<40960x128xf32, #tpu.memory_space<hbm>> -> memref<40960x128xf32, #tpu.memory_space<hbm>>
      tpu.wait_indirect_dma semaphore(%arg12 : memref<!tpu.dma_semaphore, #tpu.memory_space<semaphore_mem>>) src(%dma_wait3A_145 : memref<40960x128xf32, #tpu.memory_space<hbm>>) dst(%arg8 : memref<112x128xf32, #tpu.memory_space<vmem>>)
      %run_scoped3A_146 = arith.constant 1 : i32
      %run_scoped3A_147 = arith.constant 2 : i32
      "tpu.region"() ({
        %run_scoped3A_237 = tpu.sem_alloc : memref<!tpu.dma_semaphore, #tpu.memory_space<semaphore_mem>>
        %dma_start3A_238 = arith.constant 0 : i32
        %dma_start3A_239 = tpu.memref_slice %arg6[%run_scoped3A_146, %run_scoped3A_147, %dma_start3A_238] : memref<2x4x112xi32, #tpu.memory_space<vmem>> -> memref<1x1x112xi32, #tpu.memory_space<vmem>>
        %dma_start3A_240 = tpu.memref_squeeze %dma_start3A_239 : memref<1x1x112xi32, #tpu.memory_space<vmem>> -> memref<112xi32, #tpu.memory_space<vmem>>
        %dma_start3A_241 = arith.constant 0 : i32
        %dma_start3A_242 = arith.constant 0 : i32
        %dma_start3A_243 = tpu.memref_slice %arg14[%dma_start3A_241, %dma_start3A_242] : memref<10240x128xf32, #tpu.memory_space<vmem_shared>> -> memref<10240x128xf32, #tpu.memory_space<vmem_shared>>
        tpu.enqueue_indirect_dma source(%arg8 : memref<112x128xf32, #tpu.memory_space<vmem>>) target(%dma_start3A_243 : memref<10240x128xf32, #tpu.memory_space<vmem_shared>>) offsets(%dma_start3A_240 : memref<112xi32, #tpu.memory_space<vmem>>) semaphore(%run_scoped3A_237 : memref<!tpu.dma_semaphore, #tpu.memory_space<semaphore_mem>>) {add = true}
        %dma_wait3A_244 = arith.constant 0 : i32
        %dma_wait3A_245 = tpu.memref_slice %arg6[%run_scoped3A_146, %run_scoped3A_147, %dma_wait3A_244] : memref<2x4x112xi32, #tpu.memory_space<vmem>> -> memref<1x1x112xi32, #tpu.memory_space<vmem>>
        %dma_wait3A_246 = tpu.memref_squeeze %dma_wait3A_245 : memref<1x1x112xi32, #tpu.memory_space<vmem>> -> memref<112xi32, #tpu.memory_space<vmem>>
        %dma_wait3A_247 = arith.constant 0 : i32
        %dma_wait3A_248 = arith.constant 0 : i32
        %dma_wait3A_249 = tpu.memref_slice %arg14[%dma_wait3A_247, %dma_wait3A_248] : memref<10240x128xf32, #tpu.memory_space<vmem_shared>> -> memref<10240x128xf32, #tpu.memory_space<vmem_shared>>
        tpu.wait_indirect_dma semaphore(%run_scoped3A_237 : memref<!tpu.dma_semaphore, #tpu.memory_space<semaphore_mem>>) src(%arg8 : memref<112x128xf32, #tpu.memory_space<vmem>>) dst(%dma_wait3A_249 : memref<10240x128xf32, #tpu.memory_space<vmem_shared>>)
        tpu.yield
      }) : () -> ()
      %dma_start3A_148 = arith.constant 0 : i32
      %dma_start3A_149 = arith.constant 0 : i32
      %dma_start3A_150 = arith.constant 0 : i32
      %dma_start3A_151 = tpu.memref_slice %arg7[%dma_start3A_148, %dma_start3A_149, %dma_start3A_150] : memref<2x4x112xi32, #tpu.memory_space<vmem>> -> memref<1x1x112xi32, #tpu.memory_space<vmem>>
      %dma_start3A_152 = tpu.memref_squeeze %dma_start3A_151 : memref<1x1x112xi32, #tpu.memory_space<vmem>> -> memref<112xi32, #tpu.memory_space<vmem>>
      %dma_start3A_153 = arith.constant 0 : i32
      %dma_start3A_154 = arith.constant 0 : i32
      %dma_start3A_155 = tpu.memref_slice %arg2[%dma_start3A_153, %dma_start3A_154] : memref<40960x128xf32, #tpu.memory_space<hbm>> -> memref<40960x128xf32, #tpu.memory_space<hbm>>
      tpu.enqueue_indirect_dma source(%dma_start3A_155 : memref<40960x128xf32, #tpu.memory_space<hbm>>) target(%arg8 : memref<112x128xf32, #tpu.memory_space<vmem>>) offsets(%dma_start3A_152 : memref<112xi32, #tpu.memory_space<vmem>>) semaphore(%arg12 : memref<!tpu.dma_semaphore, #tpu.memory_space<semaphore_mem>>)
      %dma_wait3A_156 = arith.constant 0 : i32
      %dma_wait3A_157 = arith.constant 3 : i32
      %dma_wait3A_158 = arith.constant 0 : i32
      %dma_wait3A_159 = tpu.memref_slice %arg6[%dma_wait3A_156, %dma_wait3A_157, %dma_wait3A_158] : memref<2x4x112xi32, #tpu.memory_space<vmem>> -> memref<1x1x112xi32, #tpu.memory_space<vmem>>
      %dma_wait3A_160 = tpu.memref_squeeze %dma_wait3A_159 : memref<1x1x112xi32, #tpu.memory_space<vmem>> -> memref<112xi32, #tpu.memory_space<vmem>>
      %dma_wait3A_161 = arith.constant 0 : i32
      %dma_wait3A_162 = arith.constant 0 : i32
      %dma_wait3A_163 = tpu.memref_slice %arg2[%dma_wait3A_161, %dma_wait3A_162] : memref<40960x128xf32, #tpu.memory_space<hbm>> -> memref<40960x128xf32, #tpu.memory_space<hbm>>
      tpu.wait_indirect_dma semaphore(%arg13 : memref<!tpu.dma_semaphore, #tpu.memory_space<semaphore_mem>>) src(%dma_wait3A_163 : memref<40960x128xf32, #tpu.memory_space<hbm>>) dst(%arg9 : memref<112x128xf32, #tpu.memory_space<vmem>>)
      %run_scoped3A_164 = arith.constant 1 : i32
      %run_scoped3A_165 = arith.constant 3 : i32
      "tpu.region"() ({
        %run_scoped3A_237 = tpu.sem_alloc : memref<!tpu.dma_semaphore, #tpu.memory_space<semaphore_mem>>
        %dma_start3A_238 = arith.constant 0 : i32
        %dma_start3A_239 = tpu.memref_slice %arg6[%run_scoped3A_164, %run_scoped3A_165, %dma_start3A_238] : memref<2x4x112xi32, #tpu.memory_space<vmem>> -> memref<1x1x112xi32, #tpu.memory_space<vmem>>
        %dma_start3A_240 = tpu.memref_squeeze %dma_start3A_239 : memref<1x1x112xi32, #tpu.memory_space<vmem>> -> memref<112xi32, #tpu.memory_space<vmem>>
        %dma_start3A_241 = arith.constant 0 : i32
        %dma_start3A_242 = arith.constant 0 : i32
        %dma_start3A_243 = tpu.memref_slice %arg14[%dma_start3A_241, %dma_start3A_242] : memref<10240x128xf32, #tpu.memory_space<vmem_shared>> -> memref<10240x128xf32, #tpu.memory_space<vmem_shared>>
        tpu.enqueue_indirect_dma source(%arg9 : memref<112x128xf32, #tpu.memory_space<vmem>>) target(%dma_start3A_243 : memref<10240x128xf32, #tpu.memory_space<vmem_shared>>) offsets(%dma_start3A_240 : memref<112xi32, #tpu.memory_space<vmem>>) semaphore(%run_scoped3A_237 : memref<!tpu.dma_semaphore, #tpu.memory_space<semaphore_mem>>) {add = true}
        %dma_wait3A_244 = arith.constant 0 : i32
        %dma_wait3A_245 = tpu.memref_slice %arg6[%run_scoped3A_164, %run_scoped3A_165, %dma_wait3A_244] : memref<2x4x112xi32, #tpu.memory_space<vmem>> -> memref<1x1x112xi32, #tpu.memory_space<vmem>>
        %dma_wait3A_246 = tpu.memref_squeeze %dma_wait3A_245 : memref<1x1x112xi32, #tpu.memory_space<vmem>> -> memref<112xi32, #tpu.memory_space<vmem>>
        %dma_wait3A_247 = arith.constant 0 : i32
        %dma_wait3A_248 = arith.constant 0 : i32
        %dma_wait3A_249 = tpu.memref_slice %arg14[%dma_wait3A_247, %dma_wait3A_248] : memref<10240x128xf32, #tpu.memory_space<vmem_shared>> -> memref<10240x128xf32, #tpu.memory_space<vmem_shared>>
        tpu.wait_indirect_dma semaphore(%run_scoped3A_237 : memref<!tpu.dma_semaphore, #tpu.memory_space<semaphore_mem>>) src(%arg9 : memref<112x128xf32, #tpu.memory_space<vmem>>) dst(%dma_wait3A_249 : memref<10240x128xf32, #tpu.memory_space<vmem_shared>>)
        tpu.yield
      }) : () -> ()
      %convert_element_type3A = arith.extui %lt3A_72 : i1 to i32
      %cond3A = arith.constant 0 : i32
      %cond3A_166 = arith.cmpi ne, %convert_element_type3A, %cond3A : i32
      scf.if %cond3A_166 {
        %add3A_237 = arith.addi %mul3A_38, %mul3A_71 : i32
        %add3A_238 = arith.constant 2 : i32
        %add3A_239 = arith.addi %add3A_237, %add3A_238 : i32
        %dma_start3A_240 = arith.constant 0 : i32
        %dma_start3A_241 = arith.constant 0 : i32
        %dma_start3A_242 = arith.constant 0 : i32
        %dma_start3A_243 = tpu.memref_slice %arg3[%add3A_239, %dma_start3A_240, %dma_start3A_241, %dma_start3A_242] : memref<1536x2x4x112xi32, #tpu.memory_space<hbm>> -> memref<1x2x4x112xi32, #tpu.memory_space<hbm>>
        %dma_start3A_244 = tpu.memref_squeeze %dma_start3A_243 : memref<1x2x4x112xi32, #tpu.memory_space<hbm>> -> memref<2x4x112xi32, #tpu.memory_space<hbm>>
        %dma_start3A_245 = arith.constant 0 : i32
        %dma_start3A_246 = arith.constant 0 : i32
        %dma_start3A_247 = arith.constant 0 : i32
        %dma_start3A_248 = tpu.memref_slice %arg3[%add3A_239, %dma_start3A_245, %dma_start3A_246, %dma_start3A_247] : memref<1536x2x4x112xi32, #tpu.memory_space<hbm>> -> memref<1x2x4x112xi32, #tpu.memory_space<hbm>>
        %dma_start3A_249 = tpu.memref_squeeze %dma_start3A_248 : memref<1x2x4x112xi32, #tpu.memory_space<hbm>> -> memref<2x4x112xi32, #tpu.memory_space<hbm>>
        tpu.enqueue_dma source(%dma_start3A_249 : memref<2x4x112xi32, #tpu.memory_space<hbm>>) target(%arg6 : memref<2x4x112xi32, #tpu.memory_space<vmem>>) target_semaphore(%arg10 : memref<!tpu.dma_semaphore, #tpu.memory_space<semaphore_mem>>)
      } else {
      }
      %dma_start3A_167 = arith.constant 0 : i32
      %dma_start3A_168 = arith.constant 1 : i32
      %dma_start3A_169 = arith.constant 0 : i32
      %dma_start3A_170 = tpu.memref_slice %arg7[%dma_start3A_167, %dma_start3A_168, %dma_start3A_169] : memref<2x4x112xi32, #tpu.memory_space<vmem>> -> memref<1x1x112xi32, #tpu.memory_space<vmem>>
      %dma_start3A_171 = tpu.memref_squeeze %dma_start3A_170 : memref<1x1x112xi32, #tpu.memory_space<vmem>> -> memref<112xi32, #tpu.memory_space<vmem>>
      %dma_start3A_172 = arith.constant 0 : i32
      %dma_start3A_173 = arith.constant 0 : i32
      %dma_start3A_174 = tpu.memref_slice %arg2[%dma_start3A_172, %dma_start3A_173] : memref<40960x128xf32, #tpu.memory_space<hbm>> -> memref<40960x128xf32, #tpu.memory_space<hbm>>
      tpu.enqueue_indirect_dma source(%dma_start3A_174 : memref<40960x128xf32, #tpu.memory_space<hbm>>) target(%arg9 : memref<112x128xf32, #tpu.memory_space<vmem>>) offsets(%dma_start3A_171 : memref<112xi32, #tpu.memory_space<vmem>>) semaphore(%arg13 : memref<!tpu.dma_semaphore, #tpu.memory_space<semaphore_mem>>)
      %dma_wait3A_175 = arith.constant 0 : i32
      %dma_wait3A_176 = arith.constant 0 : i32
      %dma_wait3A_177 = arith.constant 0 : i32
      %dma_wait3A_178 = tpu.memref_slice %arg7[%dma_wait3A_175, %dma_wait3A_176, %dma_wait3A_177] : memref<2x4x112xi32, #tpu.memory_space<vmem>> -> memref<1x1x112xi32, #tpu.memory_space<vmem>>
      %dma_wait3A_179 = tpu.memref_squeeze %dma_wait3A_178 : memref<1x1x112xi32, #tpu.memory_space<vmem>> -> memref<112xi32, #tpu.memory_space<vmem>>
      %dma_wait3A_180 = arith.constant 0 : i32
      %dma_wait3A_181 = arith.constant 0 : i32
      %dma_wait3A_182 = tpu.memref_slice %arg2[%dma_wait3A_180, %dma_wait3A_181] : memref<40960x128xf32, #tpu.memory_space<hbm>> -> memref<40960x128xf32, #tpu.memory_space<hbm>>
      tpu.wait_indirect_dma semaphore(%arg12 : memref<!tpu.dma_semaphore, #tpu.memory_space<semaphore_mem>>) src(%dma_wait3A_182 : memref<40960x128xf32, #tpu.memory_space<hbm>>) dst(%arg8 : memref<112x128xf32, #tpu.memory_space<vmem>>)
      %run_scoped3A_183 = arith.constant 1 : i32
      %run_scoped3A_184 = arith.constant 0 : i32
      "tpu.region"() ({
        %run_scoped3A_237 = tpu.sem_alloc : memref<!tpu.dma_semaphore, #tpu.memory_space<semaphore_mem>>
        %dma_start3A_238 = arith.constant 0 : i32
        %dma_start3A_239 = tpu.memref_slice %arg7[%run_scoped3A_183, %run_scoped3A_184, %dma_start3A_238] : memref<2x4x112xi32, #tpu.memory_space<vmem>> -> memref<1x1x112xi32, #tpu.memory_space<vmem>>
        %dma_start3A_240 = tpu.memref_squeeze %dma_start3A_239 : memref<1x1x112xi32, #tpu.memory_space<vmem>> -> memref<112xi32, #tpu.memory_space<vmem>>
        %dma_start3A_241 = arith.constant 0 : i32
        %dma_start3A_242 = arith.constant 0 : i32
        %dma_start3A_243 = tpu.memref_slice %arg14[%dma_start3A_241, %dma_start3A_242] : memref<10240x128xf32, #tpu.memory_space<vmem_shared>> -> memref<10240x128xf32, #tpu.memory_space<vmem_shared>>
        tpu.enqueue_indirect_dma source(%arg8 : memref<112x128xf32, #tpu.memory_space<vmem>>) target(%dma_start3A_243 : memref<10240x128xf32, #tpu.memory_space<vmem_shared>>) offsets(%dma_start3A_240 : memref<112xi32, #tpu.memory_space<vmem>>) semaphore(%run_scoped3A_237 : memref<!tpu.dma_semaphore, #tpu.memory_space<semaphore_mem>>) {add = true}
        %dma_wait3A_244 = arith.constant 0 : i32
        %dma_wait3A_245 = tpu.memref_slice %arg7[%run_scoped3A_183, %run_scoped3A_184, %dma_wait3A_244] : memref<2x4x112xi32, #tpu.memory_space<vmem>> -> memref<1x1x112xi32, #tpu.memory_space<vmem>>
        %dma_wait3A_246 = tpu.memref_squeeze %dma_wait3A_245 : memref<1x1x112xi32, #tpu.memory_space<vmem>> -> memref<112xi32, #tpu.memory_space<vmem>>
        %dma_wait3A_247 = arith.constant 0 : i32
        %dma_wait3A_248 = arith.constant 0 : i32
        %dma_wait3A_249 = tpu.memref_slice %arg14[%dma_wait3A_247, %dma_wait3A_248] : memref<10240x128xf32, #tpu.memory_space<vmem_shared>> -> memref<10240x128xf32, #tpu.memory_space<vmem_shared>>
        tpu.wait_indirect_dma semaphore(%run_scoped3A_237 : memref<!tpu.dma_semaphore, #tpu.memory_space<semaphore_mem>>) src(%arg8 : memref<112x128xf32, #tpu.memory_space<vmem>>) dst(%dma_wait3A_249 : memref<10240x128xf32, #tpu.memory_space<vmem_shared>>)
        tpu.yield
      }) : () -> ()
      %dma_start3A_185 = arith.constant 0 : i32
      %dma_start3A_186 = arith.constant 2 : i32
      %dma_start3A_187 = arith.constant 0 : i32
      %dma_start3A_188 = tpu.memref_slice %arg7[%dma_start3A_185, %dma_start3A_186, %dma_start3A_187] : memref<2x4x112xi32, #tpu.memory_space<vmem>> -> memref<1x1x112xi32, #tpu.memory_space<vmem>>
      %dma_start3A_189 = tpu.memref_squeeze %dma_start3A_188 : memref<1x1x112xi32, #tpu.memory_space<vmem>> -> memref<112xi32, #tpu.memory_space<vmem>>
      %dma_start3A_190 = arith.constant 0 : i32
      %dma_start3A_191 = arith.constant 0 : i32
      %dma_start3A_192 = tpu.memref_slice %arg2[%dma_start3A_190, %dma_start3A_191] : memref<40960x128xf32, #tpu.memory_space<hbm>> -> memref<40960x128xf32, #tpu.memory_space<hbm>>
      tpu.enqueue_indirect_dma source(%dma_start3A_192 : memref<40960x128xf32, #tpu.memory_space<hbm>>) target(%arg8 : memref<112x128xf32, #tpu.memory_space<vmem>>) offsets(%dma_start3A_189 : memref<112xi32, #tpu.memory_space<vmem>>) semaphore(%arg12 : memref<!tpu.dma_semaphore, #tpu.memory_space<semaphore_mem>>)
      %dma_wait3A_193 = arith.constant 0 : i32
      %dma_wait3A_194 = arith.constant 1 : i32
      %dma_wait3A_195 = arith.constant 0 : i32
      %dma_wait3A_196 = tpu.memref_slice %arg7[%dma_wait3A_193, %dma_wait3A_194, %dma_wait3A_195] : memref<2x4x112xi32, #tpu.memory_space<vmem>> -> memref<1x1x112xi32, #tpu.memory_space<vmem>>
      %dma_wait3A_197 = tpu.memref_squeeze %dma_wait3A_196 : memref<1x1x112xi32, #tpu.memory_space<vmem>> -> memref<112xi32, #tpu.memory_space<vmem>>
      %dma_wait3A_198 = arith.constant 0 : i32
      %dma_wait3A_199 = arith.constant 0 : i32
      %dma_wait3A_200 = tpu.memref_slice %arg2[%dma_wait3A_198, %dma_wait3A_199] : memref<40960x128xf32, #tpu.memory_space<hbm>> -> memref<40960x128xf32, #tpu.memory_space<hbm>>
      tpu.wait_indirect_dma semaphore(%arg13 : memref<!tpu.dma_semaphore, #tpu.memory_space<semaphore_mem>>) src(%dma_wait3A_200 : memref<40960x128xf32, #tpu.memory_space<hbm>>) dst(%arg9 : memref<112x128xf32, #tpu.memory_space<vmem>>)
      %run_scoped3A_201 = arith.constant 1 : i32
      %run_scoped3A_202 = arith.constant 1 : i32
      "tpu.region"() ({
        %run_scoped3A_237 = tpu.sem_alloc : memref<!tpu.dma_semaphore, #tpu.memory_space<semaphore_mem>>
        %dma_start3A_238 = arith.constant 0 : i32
        %dma_start3A_239 = tpu.memref_slice %arg7[%run_scoped3A_201, %run_scoped3A_202, %dma_start3A_238] : memref<2x4x112xi32, #tpu.memory_space<vmem>> -> memref<1x1x112xi32, #tpu.memory_space<vmem>>
        %dma_start3A_240 = tpu.memref_squeeze %dma_start3A_239 : memref<1x1x112xi32, #tpu.memory_space<vmem>> -> memref<112xi32, #tpu.memory_space<vmem>>
        %dma_start3A_241 = arith.constant 0 : i32
        %dma_start3A_242 = arith.constant 0 : i32
        %dma_start3A_243 = tpu.memref_slice %arg14[%dma_start3A_241, %dma_start3A_242] : memref<10240x128xf32, #tpu.memory_space<vmem_shared>> -> memref<10240x128xf32, #tpu.memory_space<vmem_shared>>
        tpu.enqueue_indirect_dma source(%arg9 : memref<112x128xf32, #tpu.memory_space<vmem>>) target(%dma_start3A_243 : memref<10240x128xf32, #tpu.memory_space<vmem_shared>>) offsets(%dma_start3A_240 : memref<112xi32, #tpu.memory_space<vmem>>) semaphore(%run_scoped3A_237 : memref<!tpu.dma_semaphore, #tpu.memory_space<semaphore_mem>>) {add = true}
        %dma_wait3A_244 = arith.constant 0 : i32
        %dma_wait3A_245 = tpu.memref_slice %arg7[%run_scoped3A_201, %run_scoped3A_202, %dma_wait3A_244] : memref<2x4x112xi32, #tpu.memory_space<vmem>> -> memref<1x1x112xi32, #tpu.memory_space<vmem>>
        %dma_wait3A_246 = tpu.memref_squeeze %dma_wait3A_245 : memref<1x1x112xi32, #tpu.memory_space<vmem>> -> memref<112xi32, #tpu.memory_space<vmem>>
        %dma_wait3A_247 = arith.constant 0 : i32
        %dma_wait3A_248 = arith.constant 0 : i32
        %dma_wait3A_249 = tpu.memref_slice %arg14[%dma_wait3A_247, %dma_wait3A_248] : memref<10240x128xf32, #tpu.memory_space<vmem_shared>> -> memref<10240x128xf32, #tpu.memory_space<vmem_shared>>
        tpu.wait_indirect_dma semaphore(%run_scoped3A_237 : memref<!tpu.dma_semaphore, #tpu.memory_space<semaphore_mem>>) src(%arg9 : memref<112x128xf32, #tpu.memory_space<vmem>>) dst(%dma_wait3A_249 : memref<10240x128xf32, #tpu.memory_space<vmem_shared>>)
        tpu.yield
      }) : () -> ()
      %convert_element_type3A_203 = arith.extui %lt3A_72 : i1 to i32
      %cond3A_204 = arith.constant 0 : i32
      %cond3A_205 = arith.cmpi ne, %convert_element_type3A_203, %cond3A_204 : i32
      scf.if %cond3A_205 {
        %dma_wait3A_237 = arith.constant 0 : i32
        %dma_wait3A_238 = arith.constant 0 : i32
        %dma_wait3A_239 = arith.constant 0 : i32
        %dma_wait3A_240 = tpu.memref_slice %arg3[%mul3A_38, %dma_wait3A_237, %dma_wait3A_238, %dma_wait3A_239] : memref<1536x2x4x112xi32, #tpu.memory_space<hbm>> -> memref<1x2x4x112xi32, #tpu.memory_space<hbm>>
        %dma_wait3A_241 = tpu.memref_squeeze %dma_wait3A_240 : memref<1x2x4x112xi32, #tpu.memory_space<hbm>> -> memref<2x4x112xi32, #tpu.memory_space<hbm>>
        %dma_wait3A_242 = arith.constant 0 : i32
        %dma_wait3A_243 = arith.constant 0 : i32
        %dma_wait3A_244 = arith.constant 0 : i32
        %dma_wait3A_245 = tpu.memref_slice %arg3[%mul3A_38, %dma_wait3A_242, %dma_wait3A_243, %dma_wait3A_244] : memref<1536x2x4x112xi32, #tpu.memory_space<hbm>> -> memref<1x2x4x112xi32, #tpu.memory_space<hbm>>
        %dma_wait3A_246 = tpu.memref_squeeze %dma_wait3A_245 : memref<1x2x4x112xi32, #tpu.memory_space<hbm>> -> memref<2x4x112xi32, #tpu.memory_space<hbm>>
        tpu.wait_dma2 semaphore(%arg10 : memref<!tpu.dma_semaphore, #tpu.memory_space<semaphore_mem>>) src(%dma_wait3A_246 : memref<2x4x112xi32, #tpu.memory_space<hbm>>) dst(%arg6 : memref<2x4x112xi32, #tpu.memory_space<vmem>>)
      } else {
      }
      %dma_start3A_206 = arith.constant 0 : i32
      %dma_start3A_207 = arith.constant 3 : i32
      %dma_start3A_208 = arith.constant 0 : i32
      %dma_start3A_209 = tpu.memref_slice %arg7[%dma_start3A_206, %dma_start3A_207, %dma_start3A_208] : memref<2x4x112xi32, #tpu.memory_space<vmem>> -> memref<1x1x112xi32, #tpu.memory_space<vmem>>
      %dma_start3A_210 = tpu.memref_squeeze %dma_start3A_209 : memref<1x1x112xi32, #tpu.memory_space<vmem>> -> memref<112xi32, #tpu.memory_space<vmem>>
      %dma_start3A_211 = arith.constant 0 : i32
      %dma_start3A_212 = arith.constant 0 : i32
      %dma_start3A_213 = tpu.memref_slice %arg2[%dma_start3A_211, %dma_start3A_212] : memref<40960x128xf32, #tpu.memory_space<hbm>> -> memref<40960x128xf32, #tpu.memory_space<hbm>>
      tpu.enqueue_indirect_dma source(%dma_start3A_213 : memref<40960x128xf32, #tpu.memory_space<hbm>>) target(%arg9 : memref<112x128xf32, #tpu.memory_space<vmem>>) offsets(%dma_start3A_210 : memref<112xi32, #tpu.memory_space<vmem>>) semaphore(%arg13 : memref<!tpu.dma_semaphore, #tpu.memory_space<semaphore_mem>>)
      %dma_wait3A_214 = arith.constant 0 : i32
      %dma_wait3A_215 = arith.constant 2 : i32
      %dma_wait3A_216 = arith.constant 0 : i32
      %dma_wait3A_217 = tpu.memref_slice %arg7[%dma_wait3A_214, %dma_wait3A_215, %dma_wait3A_216] : memref<2x4x112xi32, #tpu.memory_space<vmem>> -> memref<1x1x112xi32, #tpu.memory_space<vmem>>
      %dma_wait3A_218 = tpu.memref_squeeze %dma_wait3A_217 : memref<1x1x112xi32, #tpu.memory_space<vmem>> -> memref<112xi32, #tpu.memory_space<vmem>>
      %dma_wait3A_219 = arith.constant 0 : i32
      %dma_wait3A_220 = arith.constant 0 : i32
      %dma_wait3A_221 = tpu.memref_slice %arg2[%dma_wait3A_219, %dma_wait3A_220] : memref<40960x128xf32, #tpu.memory_space<hbm>> -> memref<40960x128xf32, #tpu.memory_space<hbm>>
      tpu.wait_indirect_dma semaphore(%arg12 : memref<!tpu.dma_semaphore, #tpu.memory_space<semaphore_mem>>) src(%dma_wait3A_221 : memref<40960x128xf32, #tpu.memory_space<hbm>>) dst(%arg8 : memref<112x128xf32, #tpu.memory_space<vmem>>)
      %run_scoped3A_222 = arith.constant 1 : i32
      %run_scoped3A_223 = arith.constant 2 : i32
      "tpu.region"() ({
        %run_scoped3A_237 = tpu.sem_alloc : memref<!tpu.dma_semaphore, #tpu.memory_space<semaphore_mem>>
        %dma_start3A_238 = arith.constant 0 : i32
        %dma_start3A_239 = tpu.memref_slice %arg7[%run_scoped3A_222, %run_scoped3A_223, %dma_start3A_238] : memref<2x4x112xi32, #tpu.memory_space<vmem>> -> memref<1x1x112xi32, #tpu.memory_space<vmem>>
        %dma_start3A_240 = tpu.memref_squeeze %dma_start3A_239 : memref<1x1x112xi32, #tpu.memory_space<vmem>> -> memref<112xi32, #tpu.memory_space<vmem>>
        %dma_start3A_241 = arith.constant 0 : i32
        %dma_start3A_242 = arith.constant 0 : i32
        %dma_start3A_243 = tpu.memref_slice %arg14[%dma_start3A_241, %dma_start3A_242] : memref<10240x128xf32, #tpu.memory_space<vmem_shared>> -> memref<10240x128xf32, #tpu.memory_space<vmem_shared>>
        tpu.enqueue_indirect_dma source(%arg8 : memref<112x128xf32, #tpu.memory_space<vmem>>) target(%dma_start3A_243 : memref<10240x128xf32, #tpu.memory_space<vmem_shared>>) offsets(%dma_start3A_240 : memref<112xi32, #tpu.memory_space<vmem>>) semaphore(%run_scoped3A_237 : memref<!tpu.dma_semaphore, #tpu.memory_space<semaphore_mem>>) {add = true}
        %dma_wait3A_244 = arith.constant 0 : i32
        %dma_wait3A_245 = tpu.memref_slice %arg7[%run_scoped3A_222, %run_scoped3A_223, %dma_wait3A_244] : memref<2x4x112xi32, #tpu.memory_space<vmem>> -> memref<1x1x112xi32, #tpu.memory_space<vmem>>
        %dma_wait3A_246 = tpu.memref_squeeze %dma_wait3A_245 : memref<1x1x112xi32, #tpu.memory_space<vmem>> -> memref<112xi32, #tpu.memory_space<vmem>>
        %dma_wait3A_247 = arith.constant 0 : i32
        %dma_wait3A_248 = arith.constant 0 : i32
        %dma_wait3A_249 = tpu.memref_slice %arg14[%dma_wait3A_247, %dma_wait3A_248] : memref<10240x128xf32, #tpu.memory_space<vmem_shared>> -> memref<10240x128xf32, #tpu.memory_space<vmem_shared>>
        tpu.wait_indirect_dma semaphore(%run_scoped3A_237 : memref<!tpu.dma_semaphore, #tpu.memory_space<semaphore_mem>>) src(%arg8 : memref<112x128xf32, #tpu.memory_space<vmem>>) dst(%dma_wait3A_249 : memref<10240x128xf32, #tpu.memory_space<vmem_shared>>)
        tpu.yield
      }) : () -> ()
      %convert_element_type3A_224 = arith.extui %lt3A_72 : i1 to i32
      %cond3A_225 = arith.constant 0 : i32
      %cond3A_226 = arith.cmpi ne, %convert_element_type3A_224, %cond3A_225 : i32
      scf.if %cond3A_226 {
        %dma_start3A_237 = arith.constant 0 : i32
        %dma_start3A_238 = arith.constant 0 : i32
        %dma_start3A_239 = arith.constant 0 : i32
        %dma_start3A_240 = tpu.memref_slice %arg6[%dma_start3A_237, %dma_start3A_238, %dma_start3A_239] : memref<2x4x112xi32, #tpu.memory_space<vmem>> -> memref<1x1x112xi32, #tpu.memory_space<vmem>>
        %dma_start3A_241 = tpu.memref_squeeze %dma_start3A_240 : memref<1x1x112xi32, #tpu.memory_space<vmem>> -> memref<112xi32, #tpu.memory_space<vmem>>
        %dma_start3A_242 = arith.constant 0 : i32
        %dma_start3A_243 = arith.constant 0 : i32
        %dma_start3A_244 = tpu.memref_slice %arg2[%dma_start3A_242, %dma_start3A_243] : memref<40960x128xf32, #tpu.memory_space<hbm>> -> memref<40960x128xf32, #tpu.memory_space<hbm>>
        tpu.enqueue_indirect_dma source(%dma_start3A_244 : memref<40960x128xf32, #tpu.memory_space<hbm>>) target(%arg8 : memref<112x128xf32, #tpu.memory_space<vmem>>) offsets(%dma_start3A_241 : memref<112xi32, #tpu.memory_space<vmem>>) semaphore(%arg12 : memref<!tpu.dma_semaphore, #tpu.memory_space<semaphore_mem>>)
      } else {
      }
      %dma_wait3A_227 = arith.constant 0 : i32
      %dma_wait3A_228 = arith.constant 3 : i32
      %dma_wait3A_229 = arith.constant 0 : i32
      %dma_wait3A_230 = tpu.memref_slice %arg7[%dma_wait3A_227, %dma_wait3A_228, %dma_wait3A_229] : memref<2x4x112xi32, #tpu.memory_space<vmem>> -> memref<1x1x112xi32, #tpu.memory_space<vmem>>
      %dma_wait3A_231 = tpu.memref_squeeze %dma_wait3A_230 : memref<1x1x112xi32, #tpu.memory_space<vmem>> -> memref<112xi32, #tpu.memory_space<vmem>>
      %dma_wait3A_232 = arith.constant 0 : i32
      %dma_wait3A_233 = arith.constant 0 : i32
      %dma_wait3A_234 = tpu.memref_slice %arg2[%dma_wait3A_232, %dma_wait3A_233] : memref<40960x128xf32, #tpu.memory_space<hbm>> -> memref<40960x128xf32, #tpu.memory_space<hbm>>
      tpu.wait_indirect_dma semaphore(%arg13 : memref<!tpu.dma_semaphore, #tpu.memory_space<semaphore_mem>>) src(%dma_wait3A_234 : memref<40960x128xf32, #tpu.memory_space<hbm>>) dst(%arg9 : memref<112x128xf32, #tpu.memory_space<vmem>>)
      %run_scoped3A_235 = arith.constant 1 : i32
      %run_scoped3A_236 = arith.constant 3 : i32
      "tpu.region"() ({
        %run_scoped3A_237 = tpu.sem_alloc : memref<!tpu.dma_semaphore, #tpu.memory_space<semaphore_mem>>
        %dma_start3A_238 = arith.constant 0 : i32
        %dma_start3A_239 = tpu.memref_slice %arg7[%run_scoped3A_235, %run_scoped3A_236, %dma_start3A_238] : memref<2x4x112xi32, #tpu.memory_space<vmem>> -> memref<1x1x112xi32, #tpu.memory_space<vmem>>
        %dma_start3A_240 = tpu.memref_squeeze %dma_start3A_239 : memref<1x1x112xi32, #tpu.memory_space<vmem>> -> memref<112xi32, #tpu.memory_space<vmem>>
        %dma_start3A_241 = arith.constant 0 : i32
        %dma_start3A_242 = arith.constant 0 : i32
        %dma_start3A_243 = tpu.memref_slice %arg14[%dma_start3A_241, %dma_start3A_242] : memref<10240x128xf32, #tpu.memory_space<vmem_shared>> -> memref<10240x128xf32, #tpu.memory_space<vmem_shared>>
        tpu.enqueue_indirect_dma source(%arg9 : memref<112x128xf32, #tpu.memory_space<vmem>>) target(%dma_start3A_243 : memref<10240x128xf32, #tpu.memory_space<vmem_shared>>) offsets(%dma_start3A_240 : memref<112xi32, #tpu.memory_space<vmem>>) semaphore(%run_scoped3A_237 : memref<!tpu.dma_semaphore, #tpu.memory_space<semaphore_mem>>) {add = true}
        %dma_wait3A_244 = arith.constant 0 : i32
        %dma_wait3A_245 = tpu.memref_slice %arg7[%run_scoped3A_235, %run_scoped3A_236, %dma_wait3A_244] : memref<2x4x112xi32, #tpu.memory_space<vmem>> -> memref<1x1x112xi32, #tpu.memory_space<vmem>>
        %dma_wait3A_246 = tpu.memref_squeeze %dma_wait3A_245 : memref<1x1x112xi32, #tpu.memory_space<vmem>> -> memref<112xi32, #tpu.memory_space<vmem>>
        %dma_wait3A_247 = arith.constant 0 : i32
        %dma_wait3A_248 = arith.constant 0 : i32
        %dma_wait3A_249 = tpu.memref_slice %arg14[%dma_wait3A_247, %dma_wait3A_248] : memref<10240x128xf32, #tpu.memory_space<vmem_shared>> -> memref<10240x128xf32, #tpu.memory_space<vmem_shared>>
        tpu.wait_indirect_dma semaphore(%run_scoped3A_237 : memref<!tpu.dma_semaphore, #tpu.memory_space<semaphore_mem>>) src(%arg9 : memref<112x128xf32, #tpu.memory_space<vmem>>) dst(%dma_wait3A_249 : memref<10240x128xf32, #tpu.memory_space<vmem_shared>>)
        tpu.yield
      }) : () -> ()
    }
    %scan3A_56 = arith.constant 12 : i32
    %barrier3A_57 = arith.constant 0 : index
    tpu.barrier barrier_id(%barrier3A_57)
    %mul3A_58 = arith.constant 640 : i32
    %mul3A_59 = arith.muli %arg1, %mul3A_58 : i32
    %mul3A_60 = arith.constant 10240 : i32
    %mul3A_61 = arith.muli %add3A_33, %mul3A_60 : i32
    %mul3A_62 = arith.constant 640 : i32
    %mul3A_63 = arith.muli %arg1, %mul3A_62 : i32
    %add3A_64 = arith.addi %mul3A_61, %mul3A_63 : i32
    "tpu.region"() ({
      %run_scoped3A = tpu.sem_alloc : memref<!tpu.dma_semaphore, #tpu.memory_space<semaphore_mem>>
      %dma_start3A_65 = arith.constant 0 : i32
      %dma_start3A_66 = tpu.memref_slice %arg5[%add3A_64, %dma_start3A_65] : memref<40960x128xf32, #tpu.memory_space<hbm>> -> memref<640x128xf32, #tpu.memory_space<hbm>>
      %dma_start3A_67 = arith.constant 0 : i32
      %dma_start3A_68 = tpu.memref_slice %arg14[%mul3A_59, %dma_start3A_67] : memref<10240x128xf32, #tpu.memory_space<vmem_shared>> -> memref<640x128xf32, #tpu.memory_space<vmem_shared>>
      tpu.enqueue_dma source(%dma_start3A_68 : memref<640x128xf32, #tpu.memory_space<vmem_shared>>) target(%dma_start3A_66 : memref<640x128xf32, #tpu.memory_space<hbm>>) target_semaphore(%run_scoped3A : memref<!tpu.dma_semaphore, #tpu.memory_space<semaphore_mem>>)
      %dma_wait3A = arith.constant 0 : i32
      %dma_wait3A_69 = tpu.memref_slice %arg5[%add3A_64, %dma_wait3A] : memref<40960x128xf32, #tpu.memory_space<hbm>> -> memref<640x128xf32, #tpu.memory_space<hbm>>
      %dma_wait3A_70 = arith.constant 0 : i32
      %dma_wait3A_71 = tpu.memref_slice %arg14[%mul3A_59, %dma_wait3A_70] : memref<10240x128xf32, #tpu.memory_space<vmem_shared>> -> memref<640x128xf32, #tpu.memory_space<vmem_shared>>
      tpu.wait_dma2 semaphore(%run_scoped3A : memref<!tpu.dma_semaphore, #tpu.memory_space<semaphore_mem>>) src(%dma_wait3A_71 : memref<640x128xf32, #tpu.memory_space<vmem_shared>>) dst(%dma_wait3A_69 : memref<640x128xf32, #tpu.memory_space<hbm>>)
      tpu.yield
    }) : () -> ()
    return
  }
}

#map = affine_map<(d0, d1) -> (0, 0)>
#map1 = affine_map<(d0, d1) -> (0, 0, 0, 0)>
module attributes {stable_mosaic.version = 14 : i64} {
  func.func @_prop_body(%arg0: i32, %arg1: i32, %arg2: memref<20480x128xf32, #tpu.memory_space<hbm>>, %arg3: memref<768x2x4x112xi32, #tpu.memory_space<hbm>>, %arg4: memref<10240x128xf32, #tpu.memory_space<hbm>>, %arg5: memref<20480x128xf32, #tpu.memory_space<hbm>>, %arg6: memref<2x4x112xi32, #tpu.memory_space<vmem>>, %arg7: memref<2x4x112xi32, #tpu.memory_space<vmem>>, %arg8: memref<112x128xf32, #tpu.memory_space<vmem>>, %arg9: memref<112x128xf32, #tpu.memory_space<vmem>>, %arg10: memref<!tpu.dma_semaphore, #tpu.memory_space<semaphore_mem>>, %arg11: memref<!tpu.dma_semaphore, #tpu.memory_space<semaphore_mem>>, %arg12: memref<!tpu.dma_semaphore, #tpu.memory_space<semaphore_mem>>, %arg13: memref<!tpu.dma_semaphore, #tpu.memory_space<semaphore_mem>>, %arg14: memref<10240x128xf32, #tpu.memory_space<vmem_shared>>) attributes {dimension_semantics = [#tpu.dimension_semantics<core_parallel>, #tpu.dimension_semantics<subcore_parallel>], iteration_bounds = array<i64: 2, 16>, scalar_prefetch = 0 : i64, scratch_operands = 9 : i64, tpu.core_type = #tpu.core_type<sc_vector_subcore>, window_params = [{transform_indices = #map}, {transform_indices = #map1}, {transform_indices = #map}, {transform_indices = #map}]} {
    %mul3A = arith.constant 1 : i32
    %mul3A_0 = arith.muli %arg0, %mul3A : i32
    %add3A = arith.constant 0 : i32
    %add3A_1 = arith.addi %mul3A_0, %add3A : i32
    %mul3A_2 = arith.constant 16 : i32
    %mul3A_3 = arith.muli %add3A_1, %mul3A_2 : i32
    %add3A_4 = arith.addi %mul3A_3, %arg1 : i32
    %mul3A_5 = arith.constant 24 : i32
    %mul3A_6 = arith.muli %add3A_4, %mul3A_5 : i32
    "tpu.region"() ({
      %run_scoped3A = tpu.sem_alloc : memref<!tpu.dma_semaphore, #tpu.memory_space<semaphore_mem>>
      %dma_start3A_30 = arith.constant 0 : i32
      %dma_start3A_31 = arith.constant 0 : i32
      %dma_start3A_32 = arith.constant 0 : i32
      %dma_start3A_33 = tpu.memref_slice %arg3[%mul3A_6, %dma_start3A_30, %dma_start3A_31, %dma_start3A_32] : memref<768x2x4x112xi32, #tpu.memory_space<hbm>> -> memref<1x2x4x112xi32, #tpu.memory_space<hbm>>
      %dma_start3A_34 = tpu.memref_squeeze %dma_start3A_33 : memref<1x2x4x112xi32, #tpu.memory_space<hbm>> -> memref<2x4x112xi32, #tpu.memory_space<hbm>>
      %dma_start3A_35 = arith.constant 0 : i32
      %dma_start3A_36 = arith.constant 0 : i32
      %dma_start3A_37 = arith.constant 0 : i32
      %dma_start3A_38 = tpu.memref_slice %arg3[%mul3A_6, %dma_start3A_35, %dma_start3A_36, %dma_start3A_37] : memref<768x2x4x112xi32, #tpu.memory_space<hbm>> -> memref<1x2x4x112xi32, #tpu.memory_space<hbm>>
      %dma_start3A_39 = tpu.memref_squeeze %dma_start3A_38 : memref<1x2x4x112xi32, #tpu.memory_space<hbm>> -> memref<2x4x112xi32, #tpu.memory_space<hbm>>
      tpu.enqueue_dma source(%dma_start3A_39 : memref<2x4x112xi32, #tpu.memory_space<hbm>>) target(%arg6 : memref<2x4x112xi32, #tpu.memory_space<vmem>>) target_semaphore(%run_scoped3A : memref<!tpu.dma_semaphore, #tpu.memory_space<semaphore_mem>>)
      %dma_wait3A = arith.constant 0 : i32
      %dma_wait3A_40 = arith.constant 0 : i32
      %dma_wait3A_41 = arith.constant 0 : i32
      %dma_wait3A_42 = tpu.memref_slice %arg3[%mul3A_6, %dma_wait3A, %dma_wait3A_40, %dma_wait3A_41] : memref<768x2x4x112xi32, #tpu.memory_space<hbm>> -> memref<1x2x4x112xi32, #tpu.memory_space<hbm>>
      %dma_wait3A_43 = tpu.memref_squeeze %dma_wait3A_42 : memref<1x2x4x112xi32, #tpu.memory_space<hbm>> -> memref<2x4x112xi32, #tpu.memory_space<hbm>>
      %dma_wait3A_44 = arith.constant 0 : i32
      %dma_wait3A_45 = arith.constant 0 : i32
      %dma_wait3A_46 = arith.constant 0 : i32
      %dma_wait3A_47 = tpu.memref_slice %arg3[%mul3A_6, %dma_wait3A_44, %dma_wait3A_45, %dma_wait3A_46] : memref<768x2x4x112xi32, #tpu.memory_space<hbm>> -> memref<1x2x4x112xi32, #tpu.memory_space<hbm>>
      %dma_wait3A_48 = tpu.memref_squeeze %dma_wait3A_47 : memref<1x2x4x112xi32, #tpu.memory_space<hbm>> -> memref<2x4x112xi32, #tpu.memory_space<hbm>>
      tpu.wait_dma2 semaphore(%run_scoped3A : memref<!tpu.dma_semaphore, #tpu.memory_space<semaphore_mem>>) src(%dma_wait3A_48 : memref<2x4x112xi32, #tpu.memory_space<hbm>>) dst(%arg6 : memref<2x4x112xi32, #tpu.memory_space<vmem>>)
      tpu.yield
    }) : () -> ()
    %dma_start3A = arith.constant 0 : i32
    %dma_start3A_7 = arith.constant 0 : i32
    %dma_start3A_8 = arith.constant 0 : i32
    %dma_start3A_9 = tpu.memref_slice %arg6[%dma_start3A, %dma_start3A_7, %dma_start3A_8] : memref<2x4x112xi32, #tpu.memory_space<vmem>> -> memref<1x1x112xi32, #tpu.memory_space<vmem>>
    %dma_start3A_10 = tpu.memref_squeeze %dma_start3A_9 : memref<1x1x112xi32, #tpu.memory_space<vmem>> -> memref<112xi32, #tpu.memory_space<vmem>>
    %dma_start3A_11 = arith.constant 0 : i32
    %dma_start3A_12 = arith.constant 0 : i32
    %dma_start3A_13 = tpu.memref_slice %arg2[%dma_start3A_11, %dma_start3A_12] : memref<20480x128xf32, #tpu.memory_space<hbm>> -> memref<20480x128xf32, #tpu.memory_space<hbm>>
    tpu.enqueue_indirect_dma source(%dma_start3A_13 : memref<20480x128xf32, #tpu.memory_space<hbm>>) target(%arg8 : memref<112x128xf32, #tpu.memory_space<vmem>>) offsets(%dma_start3A_10 : memref<112xi32, #tpu.memory_space<vmem>>) semaphore(%arg12 : memref<!tpu.dma_semaphore, #tpu.memory_space<semaphore_mem>>)
    %mul3A_14 = arith.constant 640 : i32
    %mul3A_15 = arith.muli %arg1, %mul3A_14 : i32
    %mul3A_16 = arith.constant 640 : i32
    %mul3A_17 = arith.muli %arg1, %mul3A_16 : i32
    "tpu.region"() ({
      %run_scoped3A = tpu.sem_alloc : memref<!tpu.dma_semaphore, #tpu.memory_space<semaphore_mem>>
      %dma_start3A_30 = arith.constant 0 : i32
      %dma_start3A_31 = tpu.memref_slice %arg14[%mul3A_17, %dma_start3A_30] : memref<10240x128xf32, #tpu.memory_space<vmem_shared>> -> memref<640x128xf32, #tpu.memory_space<vmem_shared>>
      %dma_start3A_32 = arith.constant 0 : i32
      %dma_start3A_33 = tpu.memref_slice %arg4[%mul3A_15, %dma_start3A_32] : memref<10240x128xf32, #tpu.memory_space<hbm>> -> memref<640x128xf32, #tpu.memory_space<hbm>>
      tpu.enqueue_dma source(%dma_start3A_33 : memref<640x128xf32, #tpu.memory_space<hbm>>) target(%dma_start3A_31 : memref<640x128xf32, #tpu.memory_space<vmem_shared>>) target_semaphore(%run_scoped3A : memref<!tpu.dma_semaphore, #tpu.memory_space<semaphore_mem>>)
      %dma_wait3A = arith.constant 0 : i32
      %dma_wait3A_34 = tpu.memref_slice %arg14[%mul3A_17, %dma_wait3A] : memref<10240x128xf32, #tpu.memory_space<vmem_shared>> -> memref<640x128xf32, #tpu.memory_space<vmem_shared>>
      %dma_wait3A_35 = arith.constant 0 : i32
      %dma_wait3A_36 = tpu.memref_slice %arg4[%mul3A_15, %dma_wait3A_35] : memref<10240x128xf32, #tpu.memory_space<hbm>> -> memref<640x128xf32, #tpu.memory_space<hbm>>
      tpu.wait_dma2 semaphore(%run_scoped3A : memref<!tpu.dma_semaphore, #tpu.memory_space<semaphore_mem>>) src(%dma_wait3A_36 : memref<640x128xf32, #tpu.memory_space<hbm>>) dst(%dma_wait3A_34 : memref<640x128xf32, #tpu.memory_space<vmem_shared>>)
      tpu.yield
    }) : () -> ()
    %barrier3A = arith.constant 0 : index
    tpu.barrier barrier_id(%barrier3A)
    %scan3A = arith.constant 0 : i32
    %scan3A_18 = arith.constant 12 : i32
    %scan3A_19 = arith.addi %scan3A, %scan3A_18 : i32
    %scan3A_20 = arith.constant 1 : i32
    scf.for %scan3A_30 = %scan3A to %scan3A_19 step %scan3A_20  : i32 {
      %mul3A_31 = arith.constant 1 : i32
      %mul3A_32 = arith.muli %scan3A_30, %mul3A_31 : i32
      %add3A_33 = arith.constant 0 : i32
      %add3A_34 = arith.addi %add3A_33, %mul3A_32 : i32
      %mul3A_35 = arith.constant 2 : i32
      %mul3A_36 = arith.muli %mul3A_35, %add3A_34 : i32
      %lt3A = arith.constant 11 : i32
      %lt3A_37 = arith.cmpi slt, %add3A_34, %lt3A : i32
      %add3A_38 = arith.addi %mul3A_6, %mul3A_36 : i32
      %add3A_39 = arith.constant 1 : i32
      %add3A_40 = arith.addi %add3A_38, %add3A_39 : i32
      %dma_start3A_41 = arith.constant 0 : i32
      %dma_start3A_42 = arith.constant 0 : i32
      %dma_start3A_43 = arith.constant 0 : i32
      %dma_start3A_44 = tpu.memref_slice %arg3[%add3A_40, %dma_start3A_41, %dma_start3A_42, %dma_start3A_43] : memref<768x2x4x112xi32, #tpu.memory_space<hbm>> -> memref<1x2x4x112xi32, #tpu.memory_space<hbm>>
      %dma_start3A_45 = tpu.memref_squeeze %dma_start3A_44 : memref<1x2x4x112xi32, #tpu.memory_space<hbm>> -> memref<2x4x112xi32, #tpu.memory_space<hbm>>
      %dma_start3A_46 = arith.constant 0 : i32
      %dma_start3A_47 = arith.constant 0 : i32
      %dma_start3A_48 = arith.constant 0 : i32
      %dma_start3A_49 = tpu.memref_slice %arg3[%add3A_40, %dma_start3A_46, %dma_start3A_47, %dma_start3A_48] : memref<768x2x4x112xi32, #tpu.memory_space<hbm>> -> memref<1x2x4x112xi32, #tpu.memory_space<hbm>>
      %dma_start3A_50 = tpu.memref_squeeze %dma_start3A_49 : memref<1x2x4x112xi32, #tpu.memory_space<hbm>> -> memref<2x4x112xi32, #tpu.memory_space<hbm>>
      tpu.enqueue_dma source(%dma_start3A_50 : memref<2x4x112xi32, #tpu.memory_space<hbm>>) target(%arg7 : memref<2x4x112xi32, #tpu.memory_space<vmem>>) target_semaphore(%arg11 : memref<!tpu.dma_semaphore, #tpu.memory_space<semaphore_mem>>)
      %dma_start3A_51 = arith.constant 0 : i32
      %dma_start3A_52 = arith.constant 1 : i32
      %dma_start3A_53 = arith.constant 0 : i32
      %dma_start3A_54 = tpu.memref_slice %arg6[%dma_start3A_51, %dma_start3A_52, %dma_start3A_53] : memref<2x4x112xi32, #tpu.memory_space<vmem>> -> memref<1x1x112xi32, #tpu.memory_space<vmem>>
      %dma_start3A_55 = tpu.memref_squeeze %dma_start3A_54 : memref<1x1x112xi32, #tpu.memory_space<vmem>> -> memref<112xi32, #tpu.memory_space<vmem>>
      %dma_start3A_56 = arith.constant 0 : i32
      %dma_start3A_57 = arith.constant 0 : i32
      %dma_start3A_58 = tpu.memref_slice %arg2[%dma_start3A_56, %dma_start3A_57] : memref<20480x128xf32, #tpu.memory_space<hbm>> -> memref<20480x128xf32, #tpu.memory_space<hbm>>
      tpu.enqueue_indirect_dma source(%dma_start3A_58 : memref<20480x128xf32, #tpu.memory_space<hbm>>) target(%arg9 : memref<112x128xf32, #tpu.memory_space<vmem>>) offsets(%dma_start3A_55 : memref<112xi32, #tpu.memory_space<vmem>>) semaphore(%arg13 : memref<!tpu.dma_semaphore, #tpu.memory_space<semaphore_mem>>)
      %dma_wait3A = arith.constant 0 : i32
      %dma_wait3A_59 = arith.constant 0 : i32
      %dma_wait3A_60 = arith.constant 0 : i32
      %dma_wait3A_61 = tpu.memref_slice %arg6[%dma_wait3A, %dma_wait3A_59, %dma_wait3A_60] : memref<2x4x112xi32, #tpu.memory_space<vmem>> -> memref<1x1x112xi32, #tpu.memory_space<vmem>>
      %dma_wait3A_62 = tpu.memref_squeeze %dma_wait3A_61 : memref<1x1x112xi32, #tpu.memory_space<vmem>> -> memref<112xi32, #tpu.memory_space<vmem>>
      %dma_wait3A_63 = arith.constant 0 : i32
      %dma_wait3A_64 = arith.constant 0 : i32
      %dma_wait3A_65 = tpu.memref_slice %arg2[%dma_wait3A_63, %dma_wait3A_64] : memref<20480x128xf32, #tpu.memory_space<hbm>> -> memref<20480x128xf32, #tpu.memory_space<hbm>>
      tpu.wait_indirect_dma semaphore(%arg12 : memref<!tpu.dma_semaphore, #tpu.memory_space<semaphore_mem>>) src(%dma_wait3A_65 : memref<20480x128xf32, #tpu.memory_space<hbm>>) dst(%arg8 : memref<112x128xf32, #tpu.memory_space<vmem>>)
      %run_scoped3A = arith.constant 1 : i32
      %run_scoped3A_66 = arith.constant 0 : i32
      "tpu.region"() ({
        %run_scoped3A_202 = tpu.sem_alloc : memref<!tpu.dma_semaphore, #tpu.memory_space<semaphore_mem>>
        %dma_start3A_203 = arith.constant 0 : i32
        %dma_start3A_204 = tpu.memref_slice %arg6[%run_scoped3A, %run_scoped3A_66, %dma_start3A_203] : memref<2x4x112xi32, #tpu.memory_space<vmem>> -> memref<1x1x112xi32, #tpu.memory_space<vmem>>
        %dma_start3A_205 = tpu.memref_squeeze %dma_start3A_204 : memref<1x1x112xi32, #tpu.memory_space<vmem>> -> memref<112xi32, #tpu.memory_space<vmem>>
        %dma_start3A_206 = arith.constant 0 : i32
        %dma_start3A_207 = arith.constant 0 : i32
        %dma_start3A_208 = tpu.memref_slice %arg14[%dma_start3A_206, %dma_start3A_207] : memref<10240x128xf32, #tpu.memory_space<vmem_shared>> -> memref<10240x128xf32, #tpu.memory_space<vmem_shared>>
        tpu.enqueue_indirect_dma source(%arg8 : memref<112x128xf32, #tpu.memory_space<vmem>>) target(%dma_start3A_208 : memref<10240x128xf32, #tpu.memory_space<vmem_shared>>) offsets(%dma_start3A_205 : memref<112xi32, #tpu.memory_space<vmem>>) semaphore(%run_scoped3A_202 : memref<!tpu.dma_semaphore, #tpu.memory_space<semaphore_mem>>) {add = true}
        %dma_wait3A_209 = arith.constant 0 : i32
        %dma_wait3A_210 = tpu.memref_slice %arg6[%run_scoped3A, %run_scoped3A_66, %dma_wait3A_209] : memref<2x4x112xi32, #tpu.memory_space<vmem>> -> memref<1x1x112xi32, #tpu.memory_space<vmem>>
        %dma_wait3A_211 = tpu.memref_squeeze %dma_wait3A_210 : memref<1x1x112xi32, #tpu.memory_space<vmem>> -> memref<112xi32, #tpu.memory_space<vmem>>
        %dma_wait3A_212 = arith.constant 0 : i32
        %dma_wait3A_213 = arith.constant 0 : i32
        %dma_wait3A_214 = tpu.memref_slice %arg14[%dma_wait3A_212, %dma_wait3A_213] : memref<10240x128xf32, #tpu.memory_space<vmem_shared>> -> memref<10240x128xf32, #tpu.memory_space<vmem_shared>>
        tpu.wait_indirect_dma semaphore(%run_scoped3A_202 : memref<!tpu.dma_semaphore, #tpu.memory_space<semaphore_mem>>) src(%arg8 : memref<112x128xf32, #tpu.memory_space<vmem>>) dst(%dma_wait3A_214 : memref<10240x128xf32, #tpu.memory_space<vmem_shared>>)
        tpu.yield
      }) : () -> ()
      %dma_start3A_67 = arith.constant 0 : i32
      %dma_start3A_68 = arith.constant 2 : i32
      %dma_start3A_69 = arith.constant 0 : i32
      %dma_start3A_70 = tpu.memref_slice %arg6[%dma_start3A_67, %dma_start3A_68, %dma_start3A_69] : memref<2x4x112xi32, #tpu.memory_space<vmem>> -> memref<1x1x112xi32, #tpu.memory_space<vmem>>
      %dma_start3A_71 = tpu.memref_squeeze %dma_start3A_70 : memref<1x1x112xi32, #tpu.memory_space<vmem>> -> memref<112xi32, #tpu.memory_space<vmem>>
      %dma_start3A_72 = arith.constant 0 : i32
      %dma_start3A_73 = arith.constant 0 : i32
      %dma_start3A_74 = tpu.memref_slice %arg2[%dma_start3A_72, %dma_start3A_73] : memref<20480x128xf32, #tpu.memory_space<hbm>> -> memref<20480x128xf32, #tpu.memory_space<hbm>>
      tpu.enqueue_indirect_dma source(%dma_start3A_74 : memref<20480x128xf32, #tpu.memory_space<hbm>>) target(%arg8 : memref<112x128xf32, #tpu.memory_space<vmem>>) offsets(%dma_start3A_71 : memref<112xi32, #tpu.memory_space<vmem>>) semaphore(%arg12 : memref<!tpu.dma_semaphore, #tpu.memory_space<semaphore_mem>>)
      %dma_wait3A_75 = arith.constant 0 : i32
      %dma_wait3A_76 = arith.constant 1 : i32
      %dma_wait3A_77 = arith.constant 0 : i32
      %dma_wait3A_78 = tpu.memref_slice %arg6[%dma_wait3A_75, %dma_wait3A_76, %dma_wait3A_77] : memref<2x4x112xi32, #tpu.memory_space<vmem>> -> memref<1x1x112xi32, #tpu.memory_space<vmem>>
      %dma_wait3A_79 = tpu.memref_squeeze %dma_wait3A_78 : memref<1x1x112xi32, #tpu.memory_space<vmem>> -> memref<112xi32, #tpu.memory_space<vmem>>
      %dma_wait3A_80 = arith.constant 0 : i32
      %dma_wait3A_81 = arith.constant 0 : i32
      %dma_wait3A_82 = tpu.memref_slice %arg2[%dma_wait3A_80, %dma_wait3A_81] : memref<20480x128xf32, #tpu.memory_space<hbm>> -> memref<20480x128xf32, #tpu.memory_space<hbm>>
      tpu.wait_indirect_dma semaphore(%arg13 : memref<!tpu.dma_semaphore, #tpu.memory_space<semaphore_mem>>) src(%dma_wait3A_82 : memref<20480x128xf32, #tpu.memory_space<hbm>>) dst(%arg9 : memref<112x128xf32, #tpu.memory_space<vmem>>)
      %run_scoped3A_83 = arith.constant 1 : i32
      %run_scoped3A_84 = arith.constant 1 : i32
      "tpu.region"() ({
        %run_scoped3A_202 = tpu.sem_alloc : memref<!tpu.dma_semaphore, #tpu.memory_space<semaphore_mem>>
        %dma_start3A_203 = arith.constant 0 : i32
        %dma_start3A_204 = tpu.memref_slice %arg6[%run_scoped3A_83, %run_scoped3A_84, %dma_start3A_203] : memref<2x4x112xi32, #tpu.memory_space<vmem>> -> memref<1x1x112xi32, #tpu.memory_space<vmem>>
        %dma_start3A_205 = tpu.memref_squeeze %dma_start3A_204 : memref<1x1x112xi32, #tpu.memory_space<vmem>> -> memref<112xi32, #tpu.memory_space<vmem>>
        %dma_start3A_206 = arith.constant 0 : i32
        %dma_start3A_207 = arith.constant 0 : i32
        %dma_start3A_208 = tpu.memref_slice %arg14[%dma_start3A_206, %dma_start3A_207] : memref<10240x128xf32, #tpu.memory_space<vmem_shared>> -> memref<10240x128xf32, #tpu.memory_space<vmem_shared>>
        tpu.enqueue_indirect_dma source(%arg9 : memref<112x128xf32, #tpu.memory_space<vmem>>) target(%dma_start3A_208 : memref<10240x128xf32, #tpu.memory_space<vmem_shared>>) offsets(%dma_start3A_205 : memref<112xi32, #tpu.memory_space<vmem>>) semaphore(%run_scoped3A_202 : memref<!tpu.dma_semaphore, #tpu.memory_space<semaphore_mem>>) {add = true}
        %dma_wait3A_209 = arith.constant 0 : i32
        %dma_wait3A_210 = tpu.memref_slice %arg6[%run_scoped3A_83, %run_scoped3A_84, %dma_wait3A_209] : memref<2x4x112xi32, #tpu.memory_space<vmem>> -> memref<1x1x112xi32, #tpu.memory_space<vmem>>
        %dma_wait3A_211 = tpu.memref_squeeze %dma_wait3A_210 : memref<1x1x112xi32, #tpu.memory_space<vmem>> -> memref<112xi32, #tpu.memory_space<vmem>>
        %dma_wait3A_212 = arith.constant 0 : i32
        %dma_wait3A_213 = arith.constant 0 : i32
        %dma_wait3A_214 = tpu.memref_slice %arg14[%dma_wait3A_212, %dma_wait3A_213] : memref<10240x128xf32, #tpu.memory_space<vmem_shared>> -> memref<10240x128xf32, #tpu.memory_space<vmem_shared>>
        tpu.wait_indirect_dma semaphore(%run_scoped3A_202 : memref<!tpu.dma_semaphore, #tpu.memory_space<semaphore_mem>>) src(%arg9 : memref<112x128xf32, #tpu.memory_space<vmem>>) dst(%dma_wait3A_214 : memref<10240x128xf32, #tpu.memory_space<vmem_shared>>)
        tpu.yield
      }) : () -> ()
      %dma_wait3A_85 = arith.constant 0 : i32
      %dma_wait3A_86 = arith.constant 0 : i32
      %dma_wait3A_87 = arith.constant 0 : i32
      %dma_wait3A_88 = tpu.memref_slice %arg3[%mul3A_6, %dma_wait3A_85, %dma_wait3A_86, %dma_wait3A_87] : memref<768x2x4x112xi32, #tpu.memory_space<hbm>> -> memref<1x2x4x112xi32, #tpu.memory_space<hbm>>
      %dma_wait3A_89 = tpu.memref_squeeze %dma_wait3A_88 : memref<1x2x4x112xi32, #tpu.memory_space<hbm>> -> memref<2x4x112xi32, #tpu.memory_space<hbm>>
      %dma_wait3A_90 = arith.constant 0 : i32
      %dma_wait3A_91 = arith.constant 0 : i32
      %dma_wait3A_92 = arith.constant 0 : i32
      %dma_wait3A_93 = tpu.memref_slice %arg3[%mul3A_6, %dma_wait3A_90, %dma_wait3A_91, %dma_wait3A_92] : memref<768x2x4x112xi32, #tpu.memory_space<hbm>> -> memref<1x2x4x112xi32, #tpu.memory_space<hbm>>
      %dma_wait3A_94 = tpu.memref_squeeze %dma_wait3A_93 : memref<1x2x4x112xi32, #tpu.memory_space<hbm>> -> memref<2x4x112xi32, #tpu.memory_space<hbm>>
      tpu.wait_dma2 semaphore(%arg11 : memref<!tpu.dma_semaphore, #tpu.memory_space<semaphore_mem>>) src(%dma_wait3A_94 : memref<2x4x112xi32, #tpu.memory_space<hbm>>) dst(%arg7 : memref<2x4x112xi32, #tpu.memory_space<vmem>>)
      %dma_start3A_95 = arith.constant 0 : i32
      %dma_start3A_96 = arith.constant 3 : i32
      %dma_start3A_97 = arith.constant 0 : i32
      %dma_start3A_98 = tpu.memref_slice %arg6[%dma_start3A_95, %dma_start3A_96, %dma_start3A_97] : memref<2x4x112xi32, #tpu.memory_space<vmem>> -> memref<1x1x112xi32, #tpu.memory_space<vmem>>
      %dma_start3A_99 = tpu.memref_squeeze %dma_start3A_98 : memref<1x1x112xi32, #tpu.memory_space<vmem>> -> memref<112xi32, #tpu.memory_space<vmem>>
      %dma_start3A_100 = arith.constant 0 : i32
      %dma_start3A_101 = arith.constant 0 : i32
      %dma_start3A_102 = tpu.memref_slice %arg2[%dma_start3A_100, %dma_start3A_101] : memref<20480x128xf32, #tpu.memory_space<hbm>> -> memref<20480x128xf32, #tpu.memory_space<hbm>>
      tpu.enqueue_indirect_dma source(%dma_start3A_102 : memref<20480x128xf32, #tpu.memory_space<hbm>>) target(%arg9 : memref<112x128xf32, #tpu.memory_space<vmem>>) offsets(%dma_start3A_99 : memref<112xi32, #tpu.memory_space<vmem>>) semaphore(%arg13 : memref<!tpu.dma_semaphore, #tpu.memory_space<semaphore_mem>>)
      %dma_wait3A_103 = arith.constant 0 : i32
      %dma_wait3A_104 = arith.constant 2 : i32
      %dma_wait3A_105 = arith.constant 0 : i32
      %dma_wait3A_106 = tpu.memref_slice %arg6[%dma_wait3A_103, %dma_wait3A_104, %dma_wait3A_105] : memref<2x4x112xi32, #tpu.memory_space<vmem>> -> memref<1x1x112xi32, #tpu.memory_space<vmem>>
      %dma_wait3A_107 = tpu.memref_squeeze %dma_wait3A_106 : memref<1x1x112xi32, #tpu.memory_space<vmem>> -> memref<112xi32, #tpu.memory_space<vmem>>
      %dma_wait3A_108 = arith.constant 0 : i32
      %dma_wait3A_109 = arith.constant 0 : i32
      %dma_wait3A_110 = tpu.memref_slice %arg2[%dma_wait3A_108, %dma_wait3A_109] : memref<20480x128xf32, #tpu.memory_space<hbm>> -> memref<20480x128xf32, #tpu.memory_space<hbm>>
      tpu.wait_indirect_dma semaphore(%arg12 : memref<!tpu.dma_semaphore, #tpu.memory_space<semaphore_mem>>) src(%dma_wait3A_110 : memref<20480x128xf32, #tpu.memory_space<hbm>>) dst(%arg8 : memref<112x128xf32, #tpu.memory_space<vmem>>)
      %run_scoped3A_111 = arith.constant 1 : i32
      %run_scoped3A_112 = arith.constant 2 : i32
      "tpu.region"() ({
        %run_scoped3A_202 = tpu.sem_alloc : memref<!tpu.dma_semaphore, #tpu.memory_space<semaphore_mem>>
        %dma_start3A_203 = arith.constant 0 : i32
        %dma_start3A_204 = tpu.memref_slice %arg6[%run_scoped3A_111, %run_scoped3A_112, %dma_start3A_203] : memref<2x4x112xi32, #tpu.memory_space<vmem>> -> memref<1x1x112xi32, #tpu.memory_space<vmem>>
        %dma_start3A_205 = tpu.memref_squeeze %dma_start3A_204 : memref<1x1x112xi32, #tpu.memory_space<vmem>> -> memref<112xi32, #tpu.memory_space<vmem>>
        %dma_start3A_206 = arith.constant 0 : i32
        %dma_start3A_207 = arith.constant 0 : i32
        %dma_start3A_208 = tpu.memref_slice %arg14[%dma_start3A_206, %dma_start3A_207] : memref<10240x128xf32, #tpu.memory_space<vmem_shared>> -> memref<10240x128xf32, #tpu.memory_space<vmem_shared>>
        tpu.enqueue_indirect_dma source(%arg8 : memref<112x128xf32, #tpu.memory_space<vmem>>) target(%dma_start3A_208 : memref<10240x128xf32, #tpu.memory_space<vmem_shared>>) offsets(%dma_start3A_205 : memref<112xi32, #tpu.memory_space<vmem>>) semaphore(%run_scoped3A_202 : memref<!tpu.dma_semaphore, #tpu.memory_space<semaphore_mem>>) {add = true}
        %dma_wait3A_209 = arith.constant 0 : i32
        %dma_wait3A_210 = tpu.memref_slice %arg6[%run_scoped3A_111, %run_scoped3A_112, %dma_wait3A_209] : memref<2x4x112xi32, #tpu.memory_space<vmem>> -> memref<1x1x112xi32, #tpu.memory_space<vmem>>
        %dma_wait3A_211 = tpu.memref_squeeze %dma_wait3A_210 : memref<1x1x112xi32, #tpu.memory_space<vmem>> -> memref<112xi32, #tpu.memory_space<vmem>>
        %dma_wait3A_212 = arith.constant 0 : i32
        %dma_wait3A_213 = arith.constant 0 : i32
        %dma_wait3A_214 = tpu.memref_slice %arg14[%dma_wait3A_212, %dma_wait3A_213] : memref<10240x128xf32, #tpu.memory_space<vmem_shared>> -> memref<10240x128xf32, #tpu.memory_space<vmem_shared>>
        tpu.wait_indirect_dma semaphore(%run_scoped3A_202 : memref<!tpu.dma_semaphore, #tpu.memory_space<semaphore_mem>>) src(%arg8 : memref<112x128xf32, #tpu.memory_space<vmem>>) dst(%dma_wait3A_214 : memref<10240x128xf32, #tpu.memory_space<vmem_shared>>)
        tpu.yield
      }) : () -> ()
      %dma_start3A_113 = arith.constant 0 : i32
      %dma_start3A_114 = arith.constant 0 : i32
      %dma_start3A_115 = arith.constant 0 : i32
      %dma_start3A_116 = tpu.memref_slice %arg7[%dma_start3A_113, %dma_start3A_114, %dma_start3A_115] : memref<2x4x112xi32, #tpu.memory_space<vmem>> -> memref<1x1x112xi32, #tpu.memory_space<vmem>>
      %dma_start3A_117 = tpu.memref_squeeze %dma_start3A_116 : memref<1x1x112xi32, #tpu.memory_space<vmem>> -> memref<112xi32, #tpu.memory_space<vmem>>
      %dma_start3A_118 = arith.constant 0 : i32
      %dma_start3A_119 = arith.constant 0 : i32
      %dma_start3A_120 = tpu.memref_slice %arg2[%dma_start3A_118, %dma_start3A_119] : memref<20480x128xf32, #tpu.memory_space<hbm>> -> memref<20480x128xf32, #tpu.memory_space<hbm>>
      tpu.enqueue_indirect_dma source(%dma_start3A_120 : memref<20480x128xf32, #tpu.memory_space<hbm>>) target(%arg8 : memref<112x128xf32, #tpu.memory_space<vmem>>) offsets(%dma_start3A_117 : memref<112xi32, #tpu.memory_space<vmem>>) semaphore(%arg12 : memref<!tpu.dma_semaphore, #tpu.memory_space<semaphore_mem>>)
      %dma_wait3A_121 = arith.constant 0 : i32
      %dma_wait3A_122 = arith.constant 3 : i32
      %dma_wait3A_123 = arith.constant 0 : i32
      %dma_wait3A_124 = tpu.memref_slice %arg6[%dma_wait3A_121, %dma_wait3A_122, %dma_wait3A_123] : memref<2x4x112xi32, #tpu.memory_space<vmem>> -> memref<1x1x112xi32, #tpu.memory_space<vmem>>
      %dma_wait3A_125 = tpu.memref_squeeze %dma_wait3A_124 : memref<1x1x112xi32, #tpu.memory_space<vmem>> -> memref<112xi32, #tpu.memory_space<vmem>>
      %dma_wait3A_126 = arith.constant 0 : i32
      %dma_wait3A_127 = arith.constant 0 : i32
      %dma_wait3A_128 = tpu.memref_slice %arg2[%dma_wait3A_126, %dma_wait3A_127] : memref<20480x128xf32, #tpu.memory_space<hbm>> -> memref<20480x128xf32, #tpu.memory_space<hbm>>
      tpu.wait_indirect_dma semaphore(%arg13 : memref<!tpu.dma_semaphore, #tpu.memory_space<semaphore_mem>>) src(%dma_wait3A_128 : memref<20480x128xf32, #tpu.memory_space<hbm>>) dst(%arg9 : memref<112x128xf32, #tpu.memory_space<vmem>>)
      %run_scoped3A_129 = arith.constant 1 : i32
      %run_scoped3A_130 = arith.constant 3 : i32
      "tpu.region"() ({
        %run_scoped3A_202 = tpu.sem_alloc : memref<!tpu.dma_semaphore, #tpu.memory_space<semaphore_mem>>
        %dma_start3A_203 = arith.constant 0 : i32
        %dma_start3A_204 = tpu.memref_slice %arg6[%run_scoped3A_129, %run_scoped3A_130, %dma_start3A_203] : memref<2x4x112xi32, #tpu.memory_space<vmem>> -> memref<1x1x112xi32, #tpu.memory_space<vmem>>
        %dma_start3A_205 = tpu.memref_squeeze %dma_start3A_204 : memref<1x1x112xi32, #tpu.memory_space<vmem>> -> memref<112xi32, #tpu.memory_space<vmem>>
        %dma_start3A_206 = arith.constant 0 : i32
        %dma_start3A_207 = arith.constant 0 : i32
        %dma_start3A_208 = tpu.memref_slice %arg14[%dma_start3A_206, %dma_start3A_207] : memref<10240x128xf32, #tpu.memory_space<vmem_shared>> -> memref<10240x128xf32, #tpu.memory_space<vmem_shared>>
        tpu.enqueue_indirect_dma source(%arg9 : memref<112x128xf32, #tpu.memory_space<vmem>>) target(%dma_start3A_208 : memref<10240x128xf32, #tpu.memory_space<vmem_shared>>) offsets(%dma_start3A_205 : memref<112xi32, #tpu.memory_space<vmem>>) semaphore(%run_scoped3A_202 : memref<!tpu.dma_semaphore, #tpu.memory_space<semaphore_mem>>) {add = true}
        %dma_wait3A_209 = arith.constant 0 : i32
        %dma_wait3A_210 = tpu.memref_slice %arg6[%run_scoped3A_129, %run_scoped3A_130, %dma_wait3A_209] : memref<2x4x112xi32, #tpu.memory_space<vmem>> -> memref<1x1x112xi32, #tpu.memory_space<vmem>>
        %dma_wait3A_211 = tpu.memref_squeeze %dma_wait3A_210 : memref<1x1x112xi32, #tpu.memory_space<vmem>> -> memref<112xi32, #tpu.memory_space<vmem>>
        %dma_wait3A_212 = arith.constant 0 : i32
        %dma_wait3A_213 = arith.constant 0 : i32
        %dma_wait3A_214 = tpu.memref_slice %arg14[%dma_wait3A_212, %dma_wait3A_213] : memref<10240x128xf32, #tpu.memory_space<vmem_shared>> -> memref<10240x128xf32, #tpu.memory_space<vmem_shared>>
        tpu.wait_indirect_dma semaphore(%run_scoped3A_202 : memref<!tpu.dma_semaphore, #tpu.memory_space<semaphore_mem>>) src(%arg9 : memref<112x128xf32, #tpu.memory_space<vmem>>) dst(%dma_wait3A_214 : memref<10240x128xf32, #tpu.memory_space<vmem_shared>>)
        tpu.yield
      }) : () -> ()
      %convert_element_type3A = arith.extui %lt3A_37 : i1 to i32
      %cond3A = arith.constant 0 : i32
      %cond3A_131 = arith.cmpi ne, %convert_element_type3A, %cond3A : i32
      scf.if %cond3A_131 {
        %add3A_202 = arith.addi %mul3A_6, %mul3A_36 : i32
        %add3A_203 = arith.constant 2 : i32
        %add3A_204 = arith.addi %add3A_202, %add3A_203 : i32
        %dma_start3A_205 = arith.constant 0 : i32
        %dma_start3A_206 = arith.constant 0 : i32
        %dma_start3A_207 = arith.constant 0 : i32
        %dma_start3A_208 = tpu.memref_slice %arg3[%add3A_204, %dma_start3A_205, %dma_start3A_206, %dma_start3A_207] : memref<768x2x4x112xi32, #tpu.memory_space<hbm>> -> memref<1x2x4x112xi32, #tpu.memory_space<hbm>>
        %dma_start3A_209 = tpu.memref_squeeze %dma_start3A_208 : memref<1x2x4x112xi32, #tpu.memory_space<hbm>> -> memref<2x4x112xi32, #tpu.memory_space<hbm>>
        %dma_start3A_210 = arith.constant 0 : i32
        %dma_start3A_211 = arith.constant 0 : i32
        %dma_start3A_212 = arith.constant 0 : i32
        %dma_start3A_213 = tpu.memref_slice %arg3[%add3A_204, %dma_start3A_210, %dma_start3A_211, %dma_start3A_212] : memref<768x2x4x112xi32, #tpu.memory_space<hbm>> -> memref<1x2x4x112xi32, #tpu.memory_space<hbm>>
        %dma_start3A_214 = tpu.memref_squeeze %dma_start3A_213 : memref<1x2x4x112xi32, #tpu.memory_space<hbm>> -> memref<2x4x112xi32, #tpu.memory_space<hbm>>
        tpu.enqueue_dma source(%dma_start3A_214 : memref<2x4x112xi32, #tpu.memory_space<hbm>>) target(%arg6 : memref<2x4x112xi32, #tpu.memory_space<vmem>>) target_semaphore(%arg10 : memref<!tpu.dma_semaphore, #tpu.memory_space<semaphore_mem>>)
      } else {
      }
      %dma_start3A_132 = arith.constant 0 : i32
      %dma_start3A_133 = arith.constant 1 : i32
      %dma_start3A_134 = arith.constant 0 : i32
      %dma_start3A_135 = tpu.memref_slice %arg7[%dma_start3A_132, %dma_start3A_133, %dma_start3A_134] : memref<2x4x112xi32, #tpu.memory_space<vmem>> -> memref<1x1x112xi32, #tpu.memory_space<vmem>>
      %dma_start3A_136 = tpu.memref_squeeze %dma_start3A_135 : memref<1x1x112xi32, #tpu.memory_space<vmem>> -> memref<112xi32, #tpu.memory_space<vmem>>
      %dma_start3A_137 = arith.constant 0 : i32
      %dma_start3A_138 = arith.constant 0 : i32
      %dma_start3A_139 = tpu.memref_slice %arg2[%dma_start3A_137, %dma_start3A_138] : memref<20480x128xf32, #tpu.memory_space<hbm>> -> memref<20480x128xf32, #tpu.memory_space<hbm>>
      tpu.enqueue_indirect_dma source(%dma_start3A_139 : memref<20480x128xf32, #tpu.memory_space<hbm>>) target(%arg9 : memref<112x128xf32, #tpu.memory_space<vmem>>) offsets(%dma_start3A_136 : memref<112xi32, #tpu.memory_space<vmem>>) semaphore(%arg13 : memref<!tpu.dma_semaphore, #tpu.memory_space<semaphore_mem>>)
      %dma_wait3A_140 = arith.constant 0 : i32
      %dma_wait3A_141 = arith.constant 0 : i32
      %dma_wait3A_142 = arith.constant 0 : i32
      %dma_wait3A_143 = tpu.memref_slice %arg7[%dma_wait3A_140, %dma_wait3A_141, %dma_wait3A_142] : memref<2x4x112xi32, #tpu.memory_space<vmem>> -> memref<1x1x112xi32, #tpu.memory_space<vmem>>
      %dma_wait3A_144 = tpu.memref_squeeze %dma_wait3A_143 : memref<1x1x112xi32, #tpu.memory_space<vmem>> -> memref<112xi32, #tpu.memory_space<vmem>>
      %dma_wait3A_145 = arith.constant 0 : i32
      %dma_wait3A_146 = arith.constant 0 : i32
      %dma_wait3A_147 = tpu.memref_slice %arg2[%dma_wait3A_145, %dma_wait3A_146] : memref<20480x128xf32, #tpu.memory_space<hbm>> -> memref<20480x128xf32, #tpu.memory_space<hbm>>
      tpu.wait_indirect_dma semaphore(%arg12 : memref<!tpu.dma_semaphore, #tpu.memory_space<semaphore_mem>>) src(%dma_wait3A_147 : memref<20480x128xf32, #tpu.memory_space<hbm>>) dst(%arg8 : memref<112x128xf32, #tpu.memory_space<vmem>>)
      %run_scoped3A_148 = arith.constant 1 : i32
      %run_scoped3A_149 = arith.constant 0 : i32
      "tpu.region"() ({
        %run_scoped3A_202 = tpu.sem_alloc : memref<!tpu.dma_semaphore, #tpu.memory_space<semaphore_mem>>
        %dma_start3A_203 = arith.constant 0 : i32
        %dma_start3A_204 = tpu.memref_slice %arg7[%run_scoped3A_148, %run_scoped3A_149, %dma_start3A_203] : memref<2x4x112xi32, #tpu.memory_space<vmem>> -> memref<1x1x112xi32, #tpu.memory_space<vmem>>
        %dma_start3A_205 = tpu.memref_squeeze %dma_start3A_204 : memref<1x1x112xi32, #tpu.memory_space<vmem>> -> memref<112xi32, #tpu.memory_space<vmem>>
        %dma_start3A_206 = arith.constant 0 : i32
        %dma_start3A_207 = arith.constant 0 : i32
        %dma_start3A_208 = tpu.memref_slice %arg14[%dma_start3A_206, %dma_start3A_207] : memref<10240x128xf32, #tpu.memory_space<vmem_shared>> -> memref<10240x128xf32, #tpu.memory_space<vmem_shared>>
        tpu.enqueue_indirect_dma source(%arg8 : memref<112x128xf32, #tpu.memory_space<vmem>>) target(%dma_start3A_208 : memref<10240x128xf32, #tpu.memory_space<vmem_shared>>) offsets(%dma_start3A_205 : memref<112xi32, #tpu.memory_space<vmem>>) semaphore(%run_scoped3A_202 : memref<!tpu.dma_semaphore, #tpu.memory_space<semaphore_mem>>) {add = true}
        %dma_wait3A_209 = arith.constant 0 : i32
        %dma_wait3A_210 = tpu.memref_slice %arg7[%run_scoped3A_148, %run_scoped3A_149, %dma_wait3A_209] : memref<2x4x112xi32, #tpu.memory_space<vmem>> -> memref<1x1x112xi32, #tpu.memory_space<vmem>>
        %dma_wait3A_211 = tpu.memref_squeeze %dma_wait3A_210 : memref<1x1x112xi32, #tpu.memory_space<vmem>> -> memref<112xi32, #tpu.memory_space<vmem>>
        %dma_wait3A_212 = arith.constant 0 : i32
        %dma_wait3A_213 = arith.constant 0 : i32
        %dma_wait3A_214 = tpu.memref_slice %arg14[%dma_wait3A_212, %dma_wait3A_213] : memref<10240x128xf32, #tpu.memory_space<vmem_shared>> -> memref<10240x128xf32, #tpu.memory_space<vmem_shared>>
        tpu.wait_indirect_dma semaphore(%run_scoped3A_202 : memref<!tpu.dma_semaphore, #tpu.memory_space<semaphore_mem>>) src(%arg8 : memref<112x128xf32, #tpu.memory_space<vmem>>) dst(%dma_wait3A_214 : memref<10240x128xf32, #tpu.memory_space<vmem_shared>>)
        tpu.yield
      }) : () -> ()
      %dma_start3A_150 = arith.constant 0 : i32
      %dma_start3A_151 = arith.constant 2 : i32
      %dma_start3A_152 = arith.constant 0 : i32
      %dma_start3A_153 = tpu.memref_slice %arg7[%dma_start3A_150, %dma_start3A_151, %dma_start3A_152] : memref<2x4x112xi32, #tpu.memory_space<vmem>> -> memref<1x1x112xi32, #tpu.memory_space<vmem>>
      %dma_start3A_154 = tpu.memref_squeeze %dma_start3A_153 : memref<1x1x112xi32, #tpu.memory_space<vmem>> -> memref<112xi32, #tpu.memory_space<vmem>>
      %dma_start3A_155 = arith.constant 0 : i32
      %dma_start3A_156 = arith.constant 0 : i32
      %dma_start3A_157 = tpu.memref_slice %arg2[%dma_start3A_155, %dma_start3A_156] : memref<20480x128xf32, #tpu.memory_space<hbm>> -> memref<20480x128xf32, #tpu.memory_space<hbm>>
      tpu.enqueue_indirect_dma source(%dma_start3A_157 : memref<20480x128xf32, #tpu.memory_space<hbm>>) target(%arg8 : memref<112x128xf32, #tpu.memory_space<vmem>>) offsets(%dma_start3A_154 : memref<112xi32, #tpu.memory_space<vmem>>) semaphore(%arg12 : memref<!tpu.dma_semaphore, #tpu.memory_space<semaphore_mem>>)
      %dma_wait3A_158 = arith.constant 0 : i32
      %dma_wait3A_159 = arith.constant 1 : i32
      %dma_wait3A_160 = arith.constant 0 : i32
      %dma_wait3A_161 = tpu.memref_slice %arg7[%dma_wait3A_158, %dma_wait3A_159, %dma_wait3A_160] : memref<2x4x112xi32, #tpu.memory_space<vmem>> -> memref<1x1x112xi32, #tpu.memory_space<vmem>>
      %dma_wait3A_162 = tpu.memref_squeeze %dma_wait3A_161 : memref<1x1x112xi32, #tpu.memory_space<vmem>> -> memref<112xi32, #tpu.memory_space<vmem>>
      %dma_wait3A_163 = arith.constant 0 : i32
      %dma_wait3A_164 = arith.constant 0 : i32
      %dma_wait3A_165 = tpu.memref_slice %arg2[%dma_wait3A_163, %dma_wait3A_164] : memref<20480x128xf32, #tpu.memory_space<hbm>> -> memref<20480x128xf32, #tpu.memory_space<hbm>>
      tpu.wait_indirect_dma semaphore(%arg13 : memref<!tpu.dma_semaphore, #tpu.memory_space<semaphore_mem>>) src(%dma_wait3A_165 : memref<20480x128xf32, #tpu.memory_space<hbm>>) dst(%arg9 : memref<112x128xf32, #tpu.memory_space<vmem>>)
      %run_scoped3A_166 = arith.constant 1 : i32
      %run_scoped3A_167 = arith.constant 1 : i32
      "tpu.region"() ({
        %run_scoped3A_202 = tpu.sem_alloc : memref<!tpu.dma_semaphore, #tpu.memory_space<semaphore_mem>>
        %dma_start3A_203 = arith.constant 0 : i32
        %dma_start3A_204 = tpu.memref_slice %arg7[%run_scoped3A_166, %run_scoped3A_167, %dma_start3A_203] : memref<2x4x112xi32, #tpu.memory_space<vmem>> -> memref<1x1x112xi32, #tpu.memory_space<vmem>>
        %dma_start3A_205 = tpu.memref_squeeze %dma_start3A_204 : memref<1x1x112xi32, #tpu.memory_space<vmem>> -> memref<112xi32, #tpu.memory_space<vmem>>
        %dma_start3A_206 = arith.constant 0 : i32
        %dma_start3A_207 = arith.constant 0 : i32
        %dma_start3A_208 = tpu.memref_slice %arg14[%dma_start3A_206, %dma_start3A_207] : memref<10240x128xf32, #tpu.memory_space<vmem_shared>> -> memref<10240x128xf32, #tpu.memory_space<vmem_shared>>
        tpu.enqueue_indirect_dma source(%arg9 : memref<112x128xf32, #tpu.memory_space<vmem>>) target(%dma_start3A_208 : memref<10240x128xf32, #tpu.memory_space<vmem_shared>>) offsets(%dma_start3A_205 : memref<112xi32, #tpu.memory_space<vmem>>) semaphore(%run_scoped3A_202 : memref<!tpu.dma_semaphore, #tpu.memory_space<semaphore_mem>>) {add = true}
        %dma_wait3A_209 = arith.constant 0 : i32
        %dma_wait3A_210 = tpu.memref_slice %arg7[%run_scoped3A_166, %run_scoped3A_167, %dma_wait3A_209] : memref<2x4x112xi32, #tpu.memory_space<vmem>> -> memref<1x1x112xi32, #tpu.memory_space<vmem>>
        %dma_wait3A_211 = tpu.memref_squeeze %dma_wait3A_210 : memref<1x1x112xi32, #tpu.memory_space<vmem>> -> memref<112xi32, #tpu.memory_space<vmem>>
        %dma_wait3A_212 = arith.constant 0 : i32
        %dma_wait3A_213 = arith.constant 0 : i32
        %dma_wait3A_214 = tpu.memref_slice %arg14[%dma_wait3A_212, %dma_wait3A_213] : memref<10240x128xf32, #tpu.memory_space<vmem_shared>> -> memref<10240x128xf32, #tpu.memory_space<vmem_shared>>
        tpu.wait_indirect_dma semaphore(%run_scoped3A_202 : memref<!tpu.dma_semaphore, #tpu.memory_space<semaphore_mem>>) src(%arg9 : memref<112x128xf32, #tpu.memory_space<vmem>>) dst(%dma_wait3A_214 : memref<10240x128xf32, #tpu.memory_space<vmem_shared>>)
        tpu.yield
      }) : () -> ()
      %convert_element_type3A_168 = arith.extui %lt3A_37 : i1 to i32
      %cond3A_169 = arith.constant 0 : i32
      %cond3A_170 = arith.cmpi ne, %convert_element_type3A_168, %cond3A_169 : i32
      scf.if %cond3A_170 {
        %dma_wait3A_202 = arith.constant 0 : i32
        %dma_wait3A_203 = arith.constant 0 : i32
        %dma_wait3A_204 = arith.constant 0 : i32
        %dma_wait3A_205 = tpu.memref_slice %arg3[%mul3A_6, %dma_wait3A_202, %dma_wait3A_203, %dma_wait3A_204] : memref<768x2x4x112xi32, #tpu.memory_space<hbm>> -> memref<1x2x4x112xi32, #tpu.memory_space<hbm>>
        %dma_wait3A_206 = tpu.memref_squeeze %dma_wait3A_205 : memref<1x2x4x112xi32, #tpu.memory_space<hbm>> -> memref<2x4x112xi32, #tpu.memory_space<hbm>>
        %dma_wait3A_207 = arith.constant 0 : i32
        %dma_wait3A_208 = arith.constant 0 : i32
        %dma_wait3A_209 = arith.constant 0 : i32
        %dma_wait3A_210 = tpu.memref_slice %arg3[%mul3A_6, %dma_wait3A_207, %dma_wait3A_208, %dma_wait3A_209] : memref<768x2x4x112xi32, #tpu.memory_space<hbm>> -> memref<1x2x4x112xi32, #tpu.memory_space<hbm>>
        %dma_wait3A_211 = tpu.memref_squeeze %dma_wait3A_210 : memref<1x2x4x112xi32, #tpu.memory_space<hbm>> -> memref<2x4x112xi32, #tpu.memory_space<hbm>>
        tpu.wait_dma2 semaphore(%arg10 : memref<!tpu.dma_semaphore, #tpu.memory_space<semaphore_mem>>) src(%dma_wait3A_211 : memref<2x4x112xi32, #tpu.memory_space<hbm>>) dst(%arg6 : memref<2x4x112xi32, #tpu.memory_space<vmem>>)
      } else {
      }
      %dma_start3A_171 = arith.constant 0 : i32
      %dma_start3A_172 = arith.constant 3 : i32
      %dma_start3A_173 = arith.constant 0 : i32
      %dma_start3A_174 = tpu.memref_slice %arg7[%dma_start3A_171, %dma_start3A_172, %dma_start3A_173] : memref<2x4x112xi32, #tpu.memory_space<vmem>> -> memref<1x1x112xi32, #tpu.memory_space<vmem>>
      %dma_start3A_175 = tpu.memref_squeeze %dma_start3A_174 : memref<1x1x112xi32, #tpu.memory_space<vmem>> -> memref<112xi32, #tpu.memory_space<vmem>>
      %dma_start3A_176 = arith.constant 0 : i32
      %dma_start3A_177 = arith.constant 0 : i32
      %dma_start3A_178 = tpu.memref_slice %arg2[%dma_start3A_176, %dma_start3A_177] : memref<20480x128xf32, #tpu.memory_space<hbm>> -> memref<20480x128xf32, #tpu.memory_space<hbm>>
      tpu.enqueue_indirect_dma source(%dma_start3A_178 : memref<20480x128xf32, #tpu.memory_space<hbm>>) target(%arg9 : memref<112x128xf32, #tpu.memory_space<vmem>>) offsets(%dma_start3A_175 : memref<112xi32, #tpu.memory_space<vmem>>) semaphore(%arg13 : memref<!tpu.dma_semaphore, #tpu.memory_space<semaphore_mem>>)
      %dma_wait3A_179 = arith.constant 0 : i32
      %dma_wait3A_180 = arith.constant 2 : i32
      %dma_wait3A_181 = arith.constant 0 : i32
      %dma_wait3A_182 = tpu.memref_slice %arg7[%dma_wait3A_179, %dma_wait3A_180, %dma_wait3A_181] : memref<2x4x112xi32, #tpu.memory_space<vmem>> -> memref<1x1x112xi32, #tpu.memory_space<vmem>>
      %dma_wait3A_183 = tpu.memref_squeeze %dma_wait3A_182 : memref<1x1x112xi32, #tpu.memory_space<vmem>> -> memref<112xi32, #tpu.memory_space<vmem>>
      %dma_wait3A_184 = arith.constant 0 : i32
      %dma_wait3A_185 = arith.constant 0 : i32
      %dma_wait3A_186 = tpu.memref_slice %arg2[%dma_wait3A_184, %dma_wait3A_185] : memref<20480x128xf32, #tpu.memory_space<hbm>> -> memref<20480x128xf32, #tpu.memory_space<hbm>>
      tpu.wait_indirect_dma semaphore(%arg12 : memref<!tpu.dma_semaphore, #tpu.memory_space<semaphore_mem>>) src(%dma_wait3A_186 : memref<20480x128xf32, #tpu.memory_space<hbm>>) dst(%arg8 : memref<112x128xf32, #tpu.memory_space<vmem>>)
      %run_scoped3A_187 = arith.constant 1 : i32
      %run_scoped3A_188 = arith.constant 2 : i32
      "tpu.region"() ({
        %run_scoped3A_202 = tpu.sem_alloc : memref<!tpu.dma_semaphore, #tpu.memory_space<semaphore_mem>>
        %dma_start3A_203 = arith.constant 0 : i32
        %dma_start3A_204 = tpu.memref_slice %arg7[%run_scoped3A_187, %run_scoped3A_188, %dma_start3A_203] : memref<2x4x112xi32, #tpu.memory_space<vmem>> -> memref<1x1x112xi32, #tpu.memory_space<vmem>>
        %dma_start3A_205 = tpu.memref_squeeze %dma_start3A_204 : memref<1x1x112xi32, #tpu.memory_space<vmem>> -> memref<112xi32, #tpu.memory_space<vmem>>
        %dma_start3A_206 = arith.constant 0 : i32
        %dma_start3A_207 = arith.constant 0 : i32
        %dma_start3A_208 = tpu.memref_slice %arg14[%dma_start3A_206, %dma_start3A_207] : memref<10240x128xf32, #tpu.memory_space<vmem_shared>> -> memref<10240x128xf32, #tpu.memory_space<vmem_shared>>
        tpu.enqueue_indirect_dma source(%arg8 : memref<112x128xf32, #tpu.memory_space<vmem>>) target(%dma_start3A_208 : memref<10240x128xf32, #tpu.memory_space<vmem_shared>>) offsets(%dma_start3A_205 : memref<112xi32, #tpu.memory_space<vmem>>) semaphore(%run_scoped3A_202 : memref<!tpu.dma_semaphore, #tpu.memory_space<semaphore_mem>>) {add = true}
        %dma_wait3A_209 = arith.constant 0 : i32
        %dma_wait3A_210 = tpu.memref_slice %arg7[%run_scoped3A_187, %run_scoped3A_188, %dma_wait3A_209] : memref<2x4x112xi32, #tpu.memory_space<vmem>> -> memref<1x1x112xi32, #tpu.memory_space<vmem>>
        %dma_wait3A_211 = tpu.memref_squeeze %dma_wait3A_210 : memref<1x1x112xi32, #tpu.memory_space<vmem>> -> memref<112xi32, #tpu.memory_space<vmem>>
        %dma_wait3A_212 = arith.constant 0 : i32
        %dma_wait3A_213 = arith.constant 0 : i32
        %dma_wait3A_214 = tpu.memref_slice %arg14[%dma_wait3A_212, %dma_wait3A_213] : memref<10240x128xf32, #tpu.memory_space<vmem_shared>> -> memref<10240x128xf32, #tpu.memory_space<vmem_shared>>
        tpu.wait_indirect_dma semaphore(%run_scoped3A_202 : memref<!tpu.dma_semaphore, #tpu.memory_space<semaphore_mem>>) src(%arg8 : memref<112x128xf32, #tpu.memory_space<vmem>>) dst(%dma_wait3A_214 : memref<10240x128xf32, #tpu.memory_space<vmem_shared>>)
        tpu.yield
      }) : () -> ()
      %convert_element_type3A_189 = arith.extui %lt3A_37 : i1 to i32
      %cond3A_190 = arith.constant 0 : i32
      %cond3A_191 = arith.cmpi ne, %convert_element_type3A_189, %cond3A_190 : i32
      scf.if %cond3A_191 {
        %dma_start3A_202 = arith.constant 0 : i32
        %dma_start3A_203 = arith.constant 0 : i32
        %dma_start3A_204 = arith.constant 0 : i32
        %dma_start3A_205 = tpu.memref_slice %arg6[%dma_start3A_202, %dma_start3A_203, %dma_start3A_204] : memref<2x4x112xi32, #tpu.memory_space<vmem>> -> memref<1x1x112xi32, #tpu.memory_space<vmem>>
        %dma_start3A_206 = tpu.memref_squeeze %dma_start3A_205 : memref<1x1x112xi32, #tpu.memory_space<vmem>> -> memref<112xi32, #tpu.memory_space<vmem>>
        %dma_start3A_207 = arith.constant 0 : i32
        %dma_start3A_208 = arith.constant 0 : i32
        %dma_start3A_209 = tpu.memref_slice %arg2[%dma_start3A_207, %dma_start3A_208] : memref<20480x128xf32, #tpu.memory_space<hbm>> -> memref<20480x128xf32, #tpu.memory_space<hbm>>
        tpu.enqueue_indirect_dma source(%dma_start3A_209 : memref<20480x128xf32, #tpu.memory_space<hbm>>) target(%arg8 : memref<112x128xf32, #tpu.memory_space<vmem>>) offsets(%dma_start3A_206 : memref<112xi32, #tpu.memory_space<vmem>>) semaphore(%arg12 : memref<!tpu.dma_semaphore, #tpu.memory_space<semaphore_mem>>)
      } else {
      }
      %dma_wait3A_192 = arith.constant 0 : i32
      %dma_wait3A_193 = arith.constant 3 : i32
      %dma_wait3A_194 = arith.constant 0 : i32
      %dma_wait3A_195 = tpu.memref_slice %arg7[%dma_wait3A_192, %dma_wait3A_193, %dma_wait3A_194] : memref<2x4x112xi32, #tpu.memory_space<vmem>> -> memref<1x1x112xi32, #tpu.memory_space<vmem>>
      %dma_wait3A_196 = tpu.memref_squeeze %dma_wait3A_195 : memref<1x1x112xi32, #tpu.memory_space<vmem>> -> memref<112xi32, #tpu.memory_space<vmem>>
      %dma_wait3A_197 = arith.constant 0 : i32
      %dma_wait3A_198 = arith.constant 0 : i32
      %dma_wait3A_199 = tpu.memref_slice %arg2[%dma_wait3A_197, %dma_wait3A_198] : memref<20480x128xf32, #tpu.memory_space<hbm>> -> memref<20480x128xf32, #tpu.memory_space<hbm>>
      tpu.wait_indirect_dma semaphore(%arg13 : memref<!tpu.dma_semaphore, #tpu.memory_space<semaphore_mem>>) src(%dma_wait3A_199 : memref<20480x128xf32, #tpu.memory_space<hbm>>) dst(%arg9 : memref<112x128xf32, #tpu.memory_space<vmem>>)
      %run_scoped3A_200 = arith.constant 1 : i32
      %run_scoped3A_201 = arith.constant 3 : i32
      "tpu.region"() ({
        %run_scoped3A_202 = tpu.sem_alloc : memref<!tpu.dma_semaphore, #tpu.memory_space<semaphore_mem>>
        %dma_start3A_203 = arith.constant 0 : i32
        %dma_start3A_204 = tpu.memref_slice %arg7[%run_scoped3A_200, %run_scoped3A_201, %dma_start3A_203] : memref<2x4x112xi32, #tpu.memory_space<vmem>> -> memref<1x1x112xi32, #tpu.memory_space<vmem>>
        %dma_start3A_205 = tpu.memref_squeeze %dma_start3A_204 : memref<1x1x112xi32, #tpu.memory_space<vmem>> -> memref<112xi32, #tpu.memory_space<vmem>>
        %dma_start3A_206 = arith.constant 0 : i32
        %dma_start3A_207 = arith.constant 0 : i32
        %dma_start3A_208 = tpu.memref_slice %arg14[%dma_start3A_206, %dma_start3A_207] : memref<10240x128xf32, #tpu.memory_space<vmem_shared>> -> memref<10240x128xf32, #tpu.memory_space<vmem_shared>>
        tpu.enqueue_indirect_dma source(%arg9 : memref<112x128xf32, #tpu.memory_space<vmem>>) target(%dma_start3A_208 : memref<10240x128xf32, #tpu.memory_space<vmem_shared>>) offsets(%dma_start3A_205 : memref<112xi32, #tpu.memory_space<vmem>>) semaphore(%run_scoped3A_202 : memref<!tpu.dma_semaphore, #tpu.memory_space<semaphore_mem>>) {add = true}
        %dma_wait3A_209 = arith.constant 0 : i32
        %dma_wait3A_210 = tpu.memref_slice %arg7[%run_scoped3A_200, %run_scoped3A_201, %dma_wait3A_209] : memref<2x4x112xi32, #tpu.memory_space<vmem>> -> memref<1x1x112xi32, #tpu.memory_space<vmem>>
        %dma_wait3A_211 = tpu.memref_squeeze %dma_wait3A_210 : memref<1x1x112xi32, #tpu.memory_space<vmem>> -> memref<112xi32, #tpu.memory_space<vmem>>
        %dma_wait3A_212 = arith.constant 0 : i32
        %dma_wait3A_213 = arith.constant 0 : i32
        %dma_wait3A_214 = tpu.memref_slice %arg14[%dma_wait3A_212, %dma_wait3A_213] : memref<10240x128xf32, #tpu.memory_space<vmem_shared>> -> memref<10240x128xf32, #tpu.memory_space<vmem_shared>>
        tpu.wait_indirect_dma semaphore(%run_scoped3A_202 : memref<!tpu.dma_semaphore, #tpu.memory_space<semaphore_mem>>) src(%arg9 : memref<112x128xf32, #tpu.memory_space<vmem>>) dst(%dma_wait3A_214 : memref<10240x128xf32, #tpu.memory_space<vmem_shared>>)
        tpu.yield
      }) : () -> ()
    }
    %scan3A_21 = arith.constant 12 : i32
    %barrier3A_22 = arith.constant 0 : index
    tpu.barrier barrier_id(%barrier3A_22)
    %mul3A_23 = arith.constant 640 : i32
    %mul3A_24 = arith.muli %arg1, %mul3A_23 : i32
    %mul3A_25 = arith.constant 10240 : i32
    %mul3A_26 = arith.muli %add3A_1, %mul3A_25 : i32
    %mul3A_27 = arith.constant 640 : i32
    %mul3A_28 = arith.muli %arg1, %mul3A_27 : i32
    %add3A_29 = arith.addi %mul3A_26, %mul3A_28 : i32
    "tpu.region"() ({
      %run_scoped3A = tpu.sem_alloc : memref<!tpu.dma_semaphore, #tpu.memory_space<semaphore_mem>>
      %dma_start3A_30 = arith.constant 0 : i32
      %dma_start3A_31 = tpu.memref_slice %arg5[%add3A_29, %dma_start3A_30] : memref<20480x128xf32, #tpu.memory_space<hbm>> -> memref<640x128xf32, #tpu.memory_space<hbm>>
      %dma_start3A_32 = arith.constant 0 : i32
      %dma_start3A_33 = tpu.memref_slice %arg14[%mul3A_24, %dma_start3A_32] : memref<10240x128xf32, #tpu.memory_space<vmem_shared>> -> memref<640x128xf32, #tpu.memory_space<vmem_shared>>
      tpu.enqueue_dma source(%dma_start3A_33 : memref<640x128xf32, #tpu.memory_space<vmem_shared>>) target(%dma_start3A_31 : memref<640x128xf32, #tpu.memory_space<hbm>>) target_semaphore(%run_scoped3A : memref<!tpu.dma_semaphore, #tpu.memory_space<semaphore_mem>>)
      %dma_wait3A = arith.constant 0 : i32
      %dma_wait3A_34 = tpu.memref_slice %arg5[%add3A_29, %dma_wait3A] : memref<20480x128xf32, #tpu.memory_space<hbm>> -> memref<640x128xf32, #tpu.memory_space<hbm>>
      %dma_wait3A_35 = arith.constant 0 : i32
      %dma_wait3A_36 = tpu.memref_slice %arg14[%mul3A_24, %dma_wait3A_35] : memref<10240x128xf32, #tpu.memory_space<vmem_shared>> -> memref<640x128xf32, #tpu.memory_space<vmem_shared>>
      tpu.wait_dma2 semaphore(%run_scoped3A : memref<!tpu.dma_semaphore, #tpu.memory_space<semaphore_mem>>) src(%dma_wait3A_36 : memref<640x128xf32, #tpu.memory_space<vmem_shared>>) dst(%dma_wait3A_34 : memref<640x128xf32, #tpu.memory_space<hbm>>)
      tpu.yield
    }) : () -> ()
    return
  }
}

#map = affine_map<(d0, d1) -> (0, 0)>
#map1 = affine_map<(d0, d1) -> (0, 0, 0, 0)>
module attributes {stable_mosaic.version = 14 : i64} {
  func.func @_prop_body(%arg0: i32, %arg1: i32, %arg2: memref<40960x128xf32, #tpu.memory_space<hbm>>, %arg3: memref<1536x2x4x112xi32, #tpu.memory_space<hbm>>, %arg4: memref<10240x128xf32, #tpu.memory_space<hbm>>, %arg5: memref<40960x128xf32, #tpu.memory_space<hbm>>, %arg6: memref<2x4x112xi32, #tpu.memory_space<vmem>>, %arg7: memref<2x4x112xi32, #tpu.memory_space<vmem>>, %arg8: memref<112x128xf32, #tpu.memory_space<vmem>>, %arg9: memref<112x128xf32, #tpu.memory_space<vmem>>, %arg10: memref<!tpu.dma_semaphore, #tpu.memory_space<semaphore_mem>>, %arg11: memref<!tpu.dma_semaphore, #tpu.memory_space<semaphore_mem>>, %arg12: memref<!tpu.dma_semaphore, #tpu.memory_space<semaphore_mem>>, %arg13: memref<!tpu.dma_semaphore, #tpu.memory_space<semaphore_mem>>, %arg14: memref<10240x128xf32, #tpu.memory_space<vmem_shared>>) attributes {dimension_semantics = [#tpu.dimension_semantics<core_parallel>, #tpu.dimension_semantics<subcore_parallel>], iteration_bounds = array<i64: 2, 16>, scalar_prefetch = 0 : i64, scratch_operands = 9 : i64, tpu.core_type = #tpu.core_type<sc_vector_subcore>, window_params = [{transform_indices = #map}, {transform_indices = #map1}, {transform_indices = #map}, {transform_indices = #map}]} {
    %mul3A = arith.constant 2 : i32
    %mul3A_0 = arith.muli %arg0, %mul3A : i32
    %add3A = arith.constant 0 : i32
    %add3A_1 = arith.addi %mul3A_0, %add3A : i32
    %mul3A_2 = arith.constant 16 : i32
    %mul3A_3 = arith.muli %add3A_1, %mul3A_2 : i32
    %add3A_4 = arith.addi %mul3A_3, %arg1 : i32
    %mul3A_5 = arith.constant 24 : i32
    %mul3A_6 = arith.muli %add3A_4, %mul3A_5 : i32
    "tpu.region"() ({
      %run_scoped3A = tpu.sem_alloc : memref<!tpu.dma_semaphore, #tpu.memory_space<semaphore_mem>>
      %dma_start3A_65 = arith.constant 0 : i32
      %dma_start3A_66 = arith.constant 0 : i32
      %dma_start3A_67 = arith.constant 0 : i32
      %dma_start3A_68 = tpu.memref_slice %arg3[%mul3A_6, %dma_start3A_65, %dma_start3A_66, %dma_start3A_67] : memref<1536x2x4x112xi32, #tpu.memory_space<hbm>> -> memref<1x2x4x112xi32, #tpu.memory_space<hbm>>
      %dma_start3A_69 = tpu.memref_squeeze %dma_start3A_68 : memref<1x2x4x112xi32, #tpu.memory_space<hbm>> -> memref<2x4x112xi32, #tpu.memory_space<hbm>>
      %dma_start3A_70 = arith.constant 0 : i32
      %dma_start3A_71 = arith.constant 0 : i32
      %dma_start3A_72 = arith.constant 0 : i32
      %dma_start3A_73 = tpu.memref_slice %arg3[%mul3A_6, %dma_start3A_70, %dma_start3A_71, %dma_start3A_72] : memref<1536x2x4x112xi32, #tpu.memory_space<hbm>> -> memref<1x2x4x112xi32, #tpu.memory_space<hbm>>
      %dma_start3A_74 = tpu.memref_squeeze %dma_start3A_73 : memref<1x2x4x112xi32, #tpu.memory_space<hbm>> -> memref<2x4x112xi32, #tpu.memory_space<hbm>>
      tpu.enqueue_dma source(%dma_start3A_74 : memref<2x4x112xi32, #tpu.memory_space<hbm>>) target(%arg6 : memref<2x4x112xi32, #tpu.memory_space<vmem>>) target_semaphore(%run_scoped3A : memref<!tpu.dma_semaphore, #tpu.memory_space<semaphore_mem>>)
      %dma_wait3A = arith.constant 0 : i32
      %dma_wait3A_75 = arith.constant 0 : i32
      %dma_wait3A_76 = arith.constant 0 : i32
      %dma_wait3A_77 = tpu.memref_slice %arg3[%mul3A_6, %dma_wait3A, %dma_wait3A_75, %dma_wait3A_76] : memref<1536x2x4x112xi32, #tpu.memory_space<hbm>> -> memref<1x2x4x112xi32, #tpu.memory_space<hbm>>
      %dma_wait3A_78 = tpu.memref_squeeze %dma_wait3A_77 : memref<1x2x4x112xi32, #tpu.memory_space<hbm>> -> memref<2x4x112xi32, #tpu.memory_space<hbm>>
      %dma_wait3A_79 = arith.constant 0 : i32
      %dma_wait3A_80 = arith.constant 0 : i32
      %dma_wait3A_81 = arith.constant 0 : i32
      %dma_wait3A_82 = tpu.memref_slice %arg3[%mul3A_6, %dma_wait3A_79, %dma_wait3A_80, %dma_wait3A_81] : memref<1536x2x4x112xi32, #tpu.memory_space<hbm>> -> memref<1x2x4x112xi32, #tpu.memory_space<hbm>>
      %dma_wait3A_83 = tpu.memref_squeeze %dma_wait3A_82 : memref<1x2x4x112xi32, #tpu.memory_space<hbm>> -> memref<2x4x112xi32, #tpu.memory_space<hbm>>
      tpu.wait_dma2 semaphore(%run_scoped3A : memref<!tpu.dma_semaphore, #tpu.memory_space<semaphore_mem>>) src(%dma_wait3A_83 : memref<2x4x112xi32, #tpu.memory_space<hbm>>) dst(%arg6 : memref<2x4x112xi32, #tpu.memory_space<vmem>>)
      tpu.yield
    }) : () -> ()
    %dma_start3A = arith.constant 0 : i32
    %dma_start3A_7 = arith.constant 0 : i32
    %dma_start3A_8 = arith.constant 0 : i32
    %dma_start3A_9 = tpu.memref_slice %arg6[%dma_start3A, %dma_start3A_7, %dma_start3A_8] : memref<2x4x112xi32, #tpu.memory_space<vmem>> -> memref<1x1x112xi32, #tpu.memory_space<vmem>>
    %dma_start3A_10 = tpu.memref_squeeze %dma_start3A_9 : memref<1x1x112xi32, #tpu.memory_space<vmem>> -> memref<112xi32, #tpu.memory_space<vmem>>
    %dma_start3A_11 = arith.constant 0 : i32
    %dma_start3A_12 = arith.constant 0 : i32
    %dma_start3A_13 = tpu.memref_slice %arg2[%dma_start3A_11, %dma_start3A_12] : memref<40960x128xf32, #tpu.memory_space<hbm>> -> memref<40960x128xf32, #tpu.memory_space<hbm>>
    tpu.enqueue_indirect_dma source(%dma_start3A_13 : memref<40960x128xf32, #tpu.memory_space<hbm>>) target(%arg8 : memref<112x128xf32, #tpu.memory_space<vmem>>) offsets(%dma_start3A_10 : memref<112xi32, #tpu.memory_space<vmem>>) semaphore(%arg12 : memref<!tpu.dma_semaphore, #tpu.memory_space<semaphore_mem>>)
    %mul3A_14 = arith.constant 640 : i32
    %mul3A_15 = arith.muli %arg1, %mul3A_14 : i32
    %mul3A_16 = arith.constant 640 : i32
    %mul3A_17 = arith.muli %arg1, %mul3A_16 : i32
    "tpu.region"() ({
      %run_scoped3A = tpu.sem_alloc : memref<!tpu.dma_semaphore, #tpu.memory_space<semaphore_mem>>
      %dma_start3A_65 = arith.constant 0 : i32
      %dma_start3A_66 = tpu.memref_slice %arg14[%mul3A_17, %dma_start3A_65] : memref<10240x128xf32, #tpu.memory_space<vmem_shared>> -> memref<640x128xf32, #tpu.memory_space<vmem_shared>>
      %dma_start3A_67 = arith.constant 0 : i32
      %dma_start3A_68 = tpu.memref_slice %arg4[%mul3A_15, %dma_start3A_67] : memref<10240x128xf32, #tpu.memory_space<hbm>> -> memref<640x128xf32, #tpu.memory_space<hbm>>
      tpu.enqueue_dma source(%dma_start3A_68 : memref<640x128xf32, #tpu.memory_space<hbm>>) target(%dma_start3A_66 : memref<640x128xf32, #tpu.memory_space<vmem_shared>>) target_semaphore(%run_scoped3A : memref<!tpu.dma_semaphore, #tpu.memory_space<semaphore_mem>>)
      %dma_wait3A = arith.constant 0 : i32
      %dma_wait3A_69 = tpu.memref_slice %arg14[%mul3A_17, %dma_wait3A] : memref<10240x128xf32, #tpu.memory_space<vmem_shared>> -> memref<640x128xf32, #tpu.memory_space<vmem_shared>>
      %dma_wait3A_70 = arith.constant 0 : i32
      %dma_wait3A_71 = tpu.memref_slice %arg4[%mul3A_15, %dma_wait3A_70] : memref<10240x128xf32, #tpu.memory_space<hbm>> -> memref<640x128xf32, #tpu.memory_space<hbm>>
      tpu.wait_dma2 semaphore(%run_scoped3A : memref<!tpu.dma_semaphore, #tpu.memory_space<semaphore_mem>>) src(%dma_wait3A_71 : memref<640x128xf32, #tpu.memory_space<hbm>>) dst(%dma_wait3A_69 : memref<640x128xf32, #tpu.memory_space<vmem_shared>>)
      tpu.yield
    }) : () -> ()
    %barrier3A = arith.constant 0 : index
    tpu.barrier barrier_id(%barrier3A)
    %scan3A = arith.constant 0 : i32
    %scan3A_18 = arith.constant 12 : i32
    %scan3A_19 = arith.addi %scan3A, %scan3A_18 : i32
    %scan3A_20 = arith.constant 1 : i32
    scf.for %scan3A_65 = %scan3A to %scan3A_19 step %scan3A_20  : i32 {
      %mul3A_66 = arith.constant 1 : i32
      %mul3A_67 = arith.muli %scan3A_65, %mul3A_66 : i32
      %add3A_68 = arith.constant 0 : i32
      %add3A_69 = arith.addi %add3A_68, %mul3A_67 : i32
      %mul3A_70 = arith.constant 2 : i32
      %mul3A_71 = arith.muli %mul3A_70, %add3A_69 : i32
      %lt3A = arith.constant 11 : i32
      %lt3A_72 = arith.cmpi slt, %add3A_69, %lt3A : i32
      %add3A_73 = arith.addi %mul3A_6, %mul3A_71 : i32
      %add3A_74 = arith.constant 1 : i32
      %add3A_75 = arith.addi %add3A_73, %add3A_74 : i32
      %dma_start3A_76 = arith.constant 0 : i32
      %dma_start3A_77 = arith.constant 0 : i32
      %dma_start3A_78 = arith.constant 0 : i32
      %dma_start3A_79 = tpu.memref_slice %arg3[%add3A_75, %dma_start3A_76, %dma_start3A_77, %dma_start3A_78] : memref<1536x2x4x112xi32, #tpu.memory_space<hbm>> -> memref<1x2x4x112xi32, #tpu.memory_space<hbm>>
      %dma_start3A_80 = tpu.memref_squeeze %dma_start3A_79 : memref<1x2x4x112xi32, #tpu.memory_space<hbm>> -> memref<2x4x112xi32, #tpu.memory_space<hbm>>
      %dma_start3A_81 = arith.constant 0 : i32
      %dma_start3A_82 = arith.constant 0 : i32
      %dma_start3A_83 = arith.constant 0 : i32
      %dma_start3A_84 = tpu.memref_slice %arg3[%add3A_75, %dma_start3A_81, %dma_start3A_82, %dma_start3A_83] : memref<1536x2x4x112xi32, #tpu.memory_space<hbm>> -> memref<1x2x4x112xi32, #tpu.memory_space<hbm>>
      %dma_start3A_85 = tpu.memref_squeeze %dma_start3A_84 : memref<1x2x4x112xi32, #tpu.memory_space<hbm>> -> memref<2x4x112xi32, #tpu.memory_space<hbm>>
      tpu.enqueue_dma source(%dma_start3A_85 : memref<2x4x112xi32, #tpu.memory_space<hbm>>) target(%arg7 : memref<2x4x112xi32, #tpu.memory_space<vmem>>) target_semaphore(%arg11 : memref<!tpu.dma_semaphore, #tpu.memory_space<semaphore_mem>>)
      %dma_start3A_86 = arith.constant 0 : i32
      %dma_start3A_87 = arith.constant 1 : i32
      %dma_start3A_88 = arith.constant 0 : i32
      %dma_start3A_89 = tpu.memref_slice %arg6[%dma_start3A_86, %dma_start3A_87, %dma_start3A_88] : memref<2x4x112xi32, #tpu.memory_space<vmem>> -> memref<1x1x112xi32, #tpu.memory_space<vmem>>
      %dma_start3A_90 = tpu.memref_squeeze %dma_start3A_89 : memref<1x1x112xi32, #tpu.memory_space<vmem>> -> memref<112xi32, #tpu.memory_space<vmem>>
      %dma_start3A_91 = arith.constant 0 : i32
      %dma_start3A_92 = arith.constant 0 : i32
      %dma_start3A_93 = tpu.memref_slice %arg2[%dma_start3A_91, %dma_start3A_92] : memref<40960x128xf32, #tpu.memory_space<hbm>> -> memref<40960x128xf32, #tpu.memory_space<hbm>>
      tpu.enqueue_indirect_dma source(%dma_start3A_93 : memref<40960x128xf32, #tpu.memory_space<hbm>>) target(%arg9 : memref<112x128xf32, #tpu.memory_space<vmem>>) offsets(%dma_start3A_90 : memref<112xi32, #tpu.memory_space<vmem>>) semaphore(%arg13 : memref<!tpu.dma_semaphore, #tpu.memory_space<semaphore_mem>>)
      %dma_wait3A = arith.constant 0 : i32
      %dma_wait3A_94 = arith.constant 0 : i32
      %dma_wait3A_95 = arith.constant 0 : i32
      %dma_wait3A_96 = tpu.memref_slice %arg6[%dma_wait3A, %dma_wait3A_94, %dma_wait3A_95] : memref<2x4x112xi32, #tpu.memory_space<vmem>> -> memref<1x1x112xi32, #tpu.memory_space<vmem>>
      %dma_wait3A_97 = tpu.memref_squeeze %dma_wait3A_96 : memref<1x1x112xi32, #tpu.memory_space<vmem>> -> memref<112xi32, #tpu.memory_space<vmem>>
      %dma_wait3A_98 = arith.constant 0 : i32
      %dma_wait3A_99 = arith.constant 0 : i32
      %dma_wait3A_100 = tpu.memref_slice %arg2[%dma_wait3A_98, %dma_wait3A_99] : memref<40960x128xf32, #tpu.memory_space<hbm>> -> memref<40960x128xf32, #tpu.memory_space<hbm>>
      tpu.wait_indirect_dma semaphore(%arg12 : memref<!tpu.dma_semaphore, #tpu.memory_space<semaphore_mem>>) src(%dma_wait3A_100 : memref<40960x128xf32, #tpu.memory_space<hbm>>) dst(%arg8 : memref<112x128xf32, #tpu.memory_space<vmem>>)
      %run_scoped3A = arith.constant 1 : i32
      %run_scoped3A_101 = arith.constant 0 : i32
      "tpu.region"() ({
        %run_scoped3A_237 = tpu.sem_alloc : memref<!tpu.dma_semaphore, #tpu.memory_space<semaphore_mem>>
        %dma_start3A_238 = arith.constant 0 : i32
        %dma_start3A_239 = tpu.memref_slice %arg6[%run_scoped3A, %run_scoped3A_101, %dma_start3A_238] : memref<2x4x112xi32, #tpu.memory_space<vmem>> -> memref<1x1x112xi32, #tpu.memory_space<vmem>>
        %dma_start3A_240 = tpu.memref_squeeze %dma_start3A_239 : memref<1x1x112xi32, #tpu.memory_space<vmem>> -> memref<112xi32, #tpu.memory_space<vmem>>
        %dma_start3A_241 = arith.constant 0 : i32
        %dma_start3A_242 = arith.constant 0 : i32
        %dma_start3A_243 = tpu.memref_slice %arg14[%dma_start3A_241, %dma_start3A_242] : memref<10240x128xf32, #tpu.memory_space<vmem_shared>> -> memref<10240x128xf32, #tpu.memory_space<vmem_shared>>
        tpu.enqueue_indirect_dma source(%arg8 : memref<112x128xf32, #tpu.memory_space<vmem>>) target(%dma_start3A_243 : memref<10240x128xf32, #tpu.memory_space<vmem_shared>>) offsets(%dma_start3A_240 : memref<112xi32, #tpu.memory_space<vmem>>) semaphore(%run_scoped3A_237 : memref<!tpu.dma_semaphore, #tpu.memory_space<semaphore_mem>>) {add = true}
        %dma_wait3A_244 = arith.constant 0 : i32
        %dma_wait3A_245 = tpu.memref_slice %arg6[%run_scoped3A, %run_scoped3A_101, %dma_wait3A_244] : memref<2x4x112xi32, #tpu.memory_space<vmem>> -> memref<1x1x112xi32, #tpu.memory_space<vmem>>
        %dma_wait3A_246 = tpu.memref_squeeze %dma_wait3A_245 : memref<1x1x112xi32, #tpu.memory_space<vmem>> -> memref<112xi32, #tpu.memory_space<vmem>>
        %dma_wait3A_247 = arith.constant 0 : i32
        %dma_wait3A_248 = arith.constant 0 : i32
        %dma_wait3A_249 = tpu.memref_slice %arg14[%dma_wait3A_247, %dma_wait3A_248] : memref<10240x128xf32, #tpu.memory_space<vmem_shared>> -> memref<10240x128xf32, #tpu.memory_space<vmem_shared>>
        tpu.wait_indirect_dma semaphore(%run_scoped3A_237 : memref<!tpu.dma_semaphore, #tpu.memory_space<semaphore_mem>>) src(%arg8 : memref<112x128xf32, #tpu.memory_space<vmem>>) dst(%dma_wait3A_249 : memref<10240x128xf32, #tpu.memory_space<vmem_shared>>)
        tpu.yield
      }) : () -> ()
      %dma_start3A_102 = arith.constant 0 : i32
      %dma_start3A_103 = arith.constant 2 : i32
      %dma_start3A_104 = arith.constant 0 : i32
      %dma_start3A_105 = tpu.memref_slice %arg6[%dma_start3A_102, %dma_start3A_103, %dma_start3A_104] : memref<2x4x112xi32, #tpu.memory_space<vmem>> -> memref<1x1x112xi32, #tpu.memory_space<vmem>>
      %dma_start3A_106 = tpu.memref_squeeze %dma_start3A_105 : memref<1x1x112xi32, #tpu.memory_space<vmem>> -> memref<112xi32, #tpu.memory_space<vmem>>
      %dma_start3A_107 = arith.constant 0 : i32
      %dma_start3A_108 = arith.constant 0 : i32
      %dma_start3A_109 = tpu.memref_slice %arg2[%dma_start3A_107, %dma_start3A_108] : memref<40960x128xf32, #tpu.memory_space<hbm>> -> memref<40960x128xf32, #tpu.memory_space<hbm>>
      tpu.enqueue_indirect_dma source(%dma_start3A_109 : memref<40960x128xf32, #tpu.memory_space<hbm>>) target(%arg8 : memref<112x128xf32, #tpu.memory_space<vmem>>) offsets(%dma_start3A_106 : memref<112xi32, #tpu.memory_space<vmem>>) semaphore(%arg12 : memref<!tpu.dma_semaphore, #tpu.memory_space<semaphore_mem>>)
      %dma_wait3A_110 = arith.constant 0 : i32
      %dma_wait3A_111 = arith.constant 1 : i32
      %dma_wait3A_112 = arith.constant 0 : i32
      %dma_wait3A_113 = tpu.memref_slice %arg6[%dma_wait3A_110, %dma_wait3A_111, %dma_wait3A_112] : memref<2x4x112xi32, #tpu.memory_space<vmem>> -> memref<1x1x112xi32, #tpu.memory_space<vmem>>
      %dma_wait3A_114 = tpu.memref_squeeze %dma_wait3A_113 : memref<1x1x112xi32, #tpu.memory_space<vmem>> -> memref<112xi32, #tpu.memory_space<vmem>>
      %dma_wait3A_115 = arith.constant 0 : i32
      %dma_wait3A_116 = arith.constant 0 : i32
      %dma_wait3A_117 = tpu.memref_slice %arg2[%dma_wait3A_115, %dma_wait3A_116] : memref<40960x128xf32, #tpu.memory_space<hbm>> -> memref<40960x128xf32, #tpu.memory_space<hbm>>
      tpu.wait_indirect_dma semaphore(%arg13 : memref<!tpu.dma_semaphore, #tpu.memory_space<semaphore_mem>>) src(%dma_wait3A_117 : memref<40960x128xf32, #tpu.memory_space<hbm>>) dst(%arg9 : memref<112x128xf32, #tpu.memory_space<vmem>>)
      %run_scoped3A_118 = arith.constant 1 : i32
      %run_scoped3A_119 = arith.constant 1 : i32
      "tpu.region"() ({
        %run_scoped3A_237 = tpu.sem_alloc : memref<!tpu.dma_semaphore, #tpu.memory_space<semaphore_mem>>
        %dma_start3A_238 = arith.constant 0 : i32
        %dma_start3A_239 = tpu.memref_slice %arg6[%run_scoped3A_118, %run_scoped3A_119, %dma_start3A_238] : memref<2x4x112xi32, #tpu.memory_space<vmem>> -> memref<1x1x112xi32, #tpu.memory_space<vmem>>
        %dma_start3A_240 = tpu.memref_squeeze %dma_start3A_239 : memref<1x1x112xi32, #tpu.memory_space<vmem>> -> memref<112xi32, #tpu.memory_space<vmem>>
        %dma_start3A_241 = arith.constant 0 : i32
        %dma_start3A_242 = arith.constant 0 : i32
        %dma_start3A_243 = tpu.memref_slice %arg14[%dma_start3A_241, %dma_start3A_242] : memref<10240x128xf32, #tpu.memory_space<vmem_shared>> -> memref<10240x128xf32, #tpu.memory_space<vmem_shared>>
        tpu.enqueue_indirect_dma source(%arg9 : memref<112x128xf32, #tpu.memory_space<vmem>>) target(%dma_start3A_243 : memref<10240x128xf32, #tpu.memory_space<vmem_shared>>) offsets(%dma_start3A_240 : memref<112xi32, #tpu.memory_space<vmem>>) semaphore(%run_scoped3A_237 : memref<!tpu.dma_semaphore, #tpu.memory_space<semaphore_mem>>) {add = true}
        %dma_wait3A_244 = arith.constant 0 : i32
        %dma_wait3A_245 = tpu.memref_slice %arg6[%run_scoped3A_118, %run_scoped3A_119, %dma_wait3A_244] : memref<2x4x112xi32, #tpu.memory_space<vmem>> -> memref<1x1x112xi32, #tpu.memory_space<vmem>>
        %dma_wait3A_246 = tpu.memref_squeeze %dma_wait3A_245 : memref<1x1x112xi32, #tpu.memory_space<vmem>> -> memref<112xi32, #tpu.memory_space<vmem>>
        %dma_wait3A_247 = arith.constant 0 : i32
        %dma_wait3A_248 = arith.constant 0 : i32
        %dma_wait3A_249 = tpu.memref_slice %arg14[%dma_wait3A_247, %dma_wait3A_248] : memref<10240x128xf32, #tpu.memory_space<vmem_shared>> -> memref<10240x128xf32, #tpu.memory_space<vmem_shared>>
        tpu.wait_indirect_dma semaphore(%run_scoped3A_237 : memref<!tpu.dma_semaphore, #tpu.memory_space<semaphore_mem>>) src(%arg9 : memref<112x128xf32, #tpu.memory_space<vmem>>) dst(%dma_wait3A_249 : memref<10240x128xf32, #tpu.memory_space<vmem_shared>>)
        tpu.yield
      }) : () -> ()
      %dma_wait3A_120 = arith.constant 0 : i32
      %dma_wait3A_121 = arith.constant 0 : i32
      %dma_wait3A_122 = arith.constant 0 : i32
      %dma_wait3A_123 = tpu.memref_slice %arg3[%mul3A_6, %dma_wait3A_120, %dma_wait3A_121, %dma_wait3A_122] : memref<1536x2x4x112xi32, #tpu.memory_space<hbm>> -> memref<1x2x4x112xi32, #tpu.memory_space<hbm>>
      %dma_wait3A_124 = tpu.memref_squeeze %dma_wait3A_123 : memref<1x2x4x112xi32, #tpu.memory_space<hbm>> -> memref<2x4x112xi32, #tpu.memory_space<hbm>>
      %dma_wait3A_125 = arith.constant 0 : i32
      %dma_wait3A_126 = arith.constant 0 : i32
      %dma_wait3A_127 = arith.constant 0 : i32
      %dma_wait3A_128 = tpu.memref_slice %arg3[%mul3A_6, %dma_wait3A_125, %dma_wait3A_126, %dma_wait3A_127] : memref<1536x2x4x112xi32, #tpu.memory_space<hbm>> -> memref<1x2x4x112xi32, #tpu.memory_space<hbm>>
      %dma_wait3A_129 = tpu.memref_squeeze %dma_wait3A_128 : memref<1x2x4x112xi32, #tpu.memory_space<hbm>> -> memref<2x4x112xi32, #tpu.memory_space<hbm>>
      tpu.wait_dma2 semaphore(%arg11 : memref<!tpu.dma_semaphore, #tpu.memory_space<semaphore_mem>>) src(%dma_wait3A_129 : memref<2x4x112xi32, #tpu.memory_space<hbm>>) dst(%arg7 : memref<2x4x112xi32, #tpu.memory_space<vmem>>)
      %dma_start3A_130 = arith.constant 0 : i32
      %dma_start3A_131 = arith.constant 3 : i32
      %dma_start3A_132 = arith.constant 0 : i32
      %dma_start3A_133 = tpu.memref_slice %arg6[%dma_start3A_130, %dma_start3A_131, %dma_start3A_132] : memref<2x4x112xi32, #tpu.memory_space<vmem>> -> memref<1x1x112xi32, #tpu.memory_space<vmem>>
      %dma_start3A_134 = tpu.memref_squeeze %dma_start3A_133 : memref<1x1x112xi32, #tpu.memory_space<vmem>> -> memref<112xi32, #tpu.memory_space<vmem>>
      %dma_start3A_135 = arith.constant 0 : i32
      %dma_start3A_136 = arith.constant 0 : i32
      %dma_start3A_137 = tpu.memref_slice %arg2[%dma_start3A_135, %dma_start3A_136] : memref<40960x128xf32, #tpu.memory_space<hbm>> -> memref<40960x128xf32, #tpu.memory_space<hbm>>
      tpu.enqueue_indirect_dma source(%dma_start3A_137 : memref<40960x128xf32, #tpu.memory_space<hbm>>) target(%arg9 : memref<112x128xf32, #tpu.memory_space<vmem>>) offsets(%dma_start3A_134 : memref<112xi32, #tpu.memory_space<vmem>>) semaphore(%arg13 : memref<!tpu.dma_semaphore, #tpu.memory_space<semaphore_mem>>)
      %dma_wait3A_138 = arith.constant 0 : i32
      %dma_wait3A_139 = arith.constant 2 : i32
      %dma_wait3A_140 = arith.constant 0 : i32
      %dma_wait3A_141 = tpu.memref_slice %arg6[%dma_wait3A_138, %dma_wait3A_139, %dma_wait3A_140] : memref<2x4x112xi32, #tpu.memory_space<vmem>> -> memref<1x1x112xi32, #tpu.memory_space<vmem>>
      %dma_wait3A_142 = tpu.memref_squeeze %dma_wait3A_141 : memref<1x1x112xi32, #tpu.memory_space<vmem>> -> memref<112xi32, #tpu.memory_space<vmem>>
      %dma_wait3A_143 = arith.constant 0 : i32
      %dma_wait3A_144 = arith.constant 0 : i32
      %dma_wait3A_145 = tpu.memref_slice %arg2[%dma_wait3A_143, %dma_wait3A_144] : memref<40960x128xf32, #tpu.memory_space<hbm>> -> memref<40960x128xf32, #tpu.memory_space<hbm>>
      tpu.wait_indirect_dma semaphore(%arg12 : memref<!tpu.dma_semaphore, #tpu.memory_space<semaphore_mem>>) src(%dma_wait3A_145 : memref<40960x128xf32, #tpu.memory_space<hbm>>) dst(%arg8 : memref<112x128xf32, #tpu.memory_space<vmem>>)
      %run_scoped3A_146 = arith.constant 1 : i32
      %run_scoped3A_147 = arith.constant 2 : i32
      "tpu.region"() ({
        %run_scoped3A_237 = tpu.sem_alloc : memref<!tpu.dma_semaphore, #tpu.memory_space<semaphore_mem>>
        %dma_start3A_238 = arith.constant 0 : i32
        %dma_start3A_239 = tpu.memref_slice %arg6[%run_scoped3A_146, %run_scoped3A_147, %dma_start3A_238] : memref<2x4x112xi32, #tpu.memory_space<vmem>> -> memref<1x1x112xi32, #tpu.memory_space<vmem>>
        %dma_start3A_240 = tpu.memref_squeeze %dma_start3A_239 : memref<1x1x112xi32, #tpu.memory_space<vmem>> -> memref<112xi32, #tpu.memory_space<vmem>>
        %dma_start3A_241 = arith.constant 0 : i32
        %dma_start3A_242 = arith.constant 0 : i32
        %dma_start3A_243 = tpu.memref_slice %arg14[%dma_start3A_241, %dma_start3A_242] : memref<10240x128xf32, #tpu.memory_space<vmem_shared>> -> memref<10240x128xf32, #tpu.memory_space<vmem_shared>>
        tpu.enqueue_indirect_dma source(%arg8 : memref<112x128xf32, #tpu.memory_space<vmem>>) target(%dma_start3A_243 : memref<10240x128xf32, #tpu.memory_space<vmem_shared>>) offsets(%dma_start3A_240 : memref<112xi32, #tpu.memory_space<vmem>>) semaphore(%run_scoped3A_237 : memref<!tpu.dma_semaphore, #tpu.memory_space<semaphore_mem>>) {add = true}
        %dma_wait3A_244 = arith.constant 0 : i32
        %dma_wait3A_245 = tpu.memref_slice %arg6[%run_scoped3A_146, %run_scoped3A_147, %dma_wait3A_244] : memref<2x4x112xi32, #tpu.memory_space<vmem>> -> memref<1x1x112xi32, #tpu.memory_space<vmem>>
        %dma_wait3A_246 = tpu.memref_squeeze %dma_wait3A_245 : memref<1x1x112xi32, #tpu.memory_space<vmem>> -> memref<112xi32, #tpu.memory_space<vmem>>
        %dma_wait3A_247 = arith.constant 0 : i32
        %dma_wait3A_248 = arith.constant 0 : i32
        %dma_wait3A_249 = tpu.memref_slice %arg14[%dma_wait3A_247, %dma_wait3A_248] : memref<10240x128xf32, #tpu.memory_space<vmem_shared>> -> memref<10240x128xf32, #tpu.memory_space<vmem_shared>>
        tpu.wait_indirect_dma semaphore(%run_scoped3A_237 : memref<!tpu.dma_semaphore, #tpu.memory_space<semaphore_mem>>) src(%arg8 : memref<112x128xf32, #tpu.memory_space<vmem>>) dst(%dma_wait3A_249 : memref<10240x128xf32, #tpu.memory_space<vmem_shared>>)
        tpu.yield
      }) : () -> ()
      %dma_start3A_148 = arith.constant 0 : i32
      %dma_start3A_149 = arith.constant 0 : i32
      %dma_start3A_150 = arith.constant 0 : i32
      %dma_start3A_151 = tpu.memref_slice %arg7[%dma_start3A_148, %dma_start3A_149, %dma_start3A_150] : memref<2x4x112xi32, #tpu.memory_space<vmem>> -> memref<1x1x112xi32, #tpu.memory_space<vmem>>
      %dma_start3A_152 = tpu.memref_squeeze %dma_start3A_151 : memref<1x1x112xi32, #tpu.memory_space<vmem>> -> memref<112xi32, #tpu.memory_space<vmem>>
      %dma_start3A_153 = arith.constant 0 : i32
      %dma_start3A_154 = arith.constant 0 : i32
      %dma_start3A_155 = tpu.memref_slice %arg2[%dma_start3A_153, %dma_start3A_154] : memref<40960x128xf32, #tpu.memory_space<hbm>> -> memref<40960x128xf32, #tpu.memory_space<hbm>>
      tpu.enqueue_indirect_dma source(%dma_start3A_155 : memref<40960x128xf32, #tpu.memory_space<hbm>>) target(%arg8 : memref<112x128xf32, #tpu.memory_space<vmem>>) offsets(%dma_start3A_152 : memref<112xi32, #tpu.memory_space<vmem>>) semaphore(%arg12 : memref<!tpu.dma_semaphore, #tpu.memory_space<semaphore_mem>>)
      %dma_wait3A_156 = arith.constant 0 : i32
      %dma_wait3A_157 = arith.constant 3 : i32
      %dma_wait3A_158 = arith.constant 0 : i32
      %dma_wait3A_159 = tpu.memref_slice %arg6[%dma_wait3A_156, %dma_wait3A_157, %dma_wait3A_158] : memref<2x4x112xi32, #tpu.memory_space<vmem>> -> memref<1x1x112xi32, #tpu.memory_space<vmem>>
      %dma_wait3A_160 = tpu.memref_squeeze %dma_wait3A_159 : memref<1x1x112xi32, #tpu.memory_space<vmem>> -> memref<112xi32, #tpu.memory_space<vmem>>
      %dma_wait3A_161 = arith.constant 0 : i32
      %dma_wait3A_162 = arith.constant 0 : i32
      %dma_wait3A_163 = tpu.memref_slice %arg2[%dma_wait3A_161, %dma_wait3A_162] : memref<40960x128xf32, #tpu.memory_space<hbm>> -> memref<40960x128xf32, #tpu.memory_space<hbm>>
      tpu.wait_indirect_dma semaphore(%arg13 : memref<!tpu.dma_semaphore, #tpu.memory_space<semaphore_mem>>) src(%dma_wait3A_163 : memref<40960x128xf32, #tpu.memory_space<hbm>>) dst(%arg9 : memref<112x128xf32, #tpu.memory_space<vmem>>)
      %run_scoped3A_164 = arith.constant 1 : i32
      %run_scoped3A_165 = arith.constant 3 : i32
      "tpu.region"() ({
        %run_scoped3A_237 = tpu.sem_alloc : memref<!tpu.dma_semaphore, #tpu.memory_space<semaphore_mem>>
        %dma_start3A_238 = arith.constant 0 : i32
        %dma_start3A_239 = tpu.memref_slice %arg6[%run_scoped3A_164, %run_scoped3A_165, %dma_start3A_238] : memref<2x4x112xi32, #tpu.memory_space<vmem>> -> memref<1x1x112xi32, #tpu.memory_space<vmem>>
        %dma_start3A_240 = tpu.memref_squeeze %dma_start3A_239 : memref<1x1x112xi32, #tpu.memory_space<vmem>> -> memref<112xi32, #tpu.memory_space<vmem>>
        %dma_start3A_241 = arith.constant 0 : i32
        %dma_start3A_242 = arith.constant 0 : i32
        %dma_start3A_243 = tpu.memref_slice %arg14[%dma_start3A_241, %dma_start3A_242] : memref<10240x128xf32, #tpu.memory_space<vmem_shared>> -> memref<10240x128xf32, #tpu.memory_space<vmem_shared>>
        tpu.enqueue_indirect_dma source(%arg9 : memref<112x128xf32, #tpu.memory_space<vmem>>) target(%dma_start3A_243 : memref<10240x128xf32, #tpu.memory_space<vmem_shared>>) offsets(%dma_start3A_240 : memref<112xi32, #tpu.memory_space<vmem>>) semaphore(%run_scoped3A_237 : memref<!tpu.dma_semaphore, #tpu.memory_space<semaphore_mem>>) {add = true}
        %dma_wait3A_244 = arith.constant 0 : i32
        %dma_wait3A_245 = tpu.memref_slice %arg6[%run_scoped3A_164, %run_scoped3A_165, %dma_wait3A_244] : memref<2x4x112xi32, #tpu.memory_space<vmem>> -> memref<1x1x112xi32, #tpu.memory_space<vmem>>
        %dma_wait3A_246 = tpu.memref_squeeze %dma_wait3A_245 : memref<1x1x112xi32, #tpu.memory_space<vmem>> -> memref<112xi32, #tpu.memory_space<vmem>>
        %dma_wait3A_247 = arith.constant 0 : i32
        %dma_wait3A_248 = arith.constant 0 : i32
        %dma_wait3A_249 = tpu.memref_slice %arg14[%dma_wait3A_247, %dma_wait3A_248] : memref<10240x128xf32, #tpu.memory_space<vmem_shared>> -> memref<10240x128xf32, #tpu.memory_space<vmem_shared>>
        tpu.wait_indirect_dma semaphore(%run_scoped3A_237 : memref<!tpu.dma_semaphore, #tpu.memory_space<semaphore_mem>>) src(%arg9 : memref<112x128xf32, #tpu.memory_space<vmem>>) dst(%dma_wait3A_249 : memref<10240x128xf32, #tpu.memory_space<vmem_shared>>)
        tpu.yield
      }) : () -> ()
      %convert_element_type3A = arith.extui %lt3A_72 : i1 to i32
      %cond3A = arith.constant 0 : i32
      %cond3A_166 = arith.cmpi ne, %convert_element_type3A, %cond3A : i32
      scf.if %cond3A_166 {
        %add3A_237 = arith.addi %mul3A_6, %mul3A_71 : i32
        %add3A_238 = arith.constant 2 : i32
        %add3A_239 = arith.addi %add3A_237, %add3A_238 : i32
        %dma_start3A_240 = arith.constant 0 : i32
        %dma_start3A_241 = arith.constant 0 : i32
        %dma_start3A_242 = arith.constant 0 : i32
        %dma_start3A_243 = tpu.memref_slice %arg3[%add3A_239, %dma_start3A_240, %dma_start3A_241, %dma_start3A_242] : memref<1536x2x4x112xi32, #tpu.memory_space<hbm>> -> memref<1x2x4x112xi32, #tpu.memory_space<hbm>>
        %dma_start3A_244 = tpu.memref_squeeze %dma_start3A_243 : memref<1x2x4x112xi32, #tpu.memory_space<hbm>> -> memref<2x4x112xi32, #tpu.memory_space<hbm>>
        %dma_start3A_245 = arith.constant 0 : i32
        %dma_start3A_246 = arith.constant 0 : i32
        %dma_start3A_247 = arith.constant 0 : i32
        %dma_start3A_248 = tpu.memref_slice %arg3[%add3A_239, %dma_start3A_245, %dma_start3A_246, %dma_start3A_247] : memref<1536x2x4x112xi32, #tpu.memory_space<hbm>> -> memref<1x2x4x112xi32, #tpu.memory_space<hbm>>
        %dma_start3A_249 = tpu.memref_squeeze %dma_start3A_248 : memref<1x2x4x112xi32, #tpu.memory_space<hbm>> -> memref<2x4x112xi32, #tpu.memory_space<hbm>>
        tpu.enqueue_dma source(%dma_start3A_249 : memref<2x4x112xi32, #tpu.memory_space<hbm>>) target(%arg6 : memref<2x4x112xi32, #tpu.memory_space<vmem>>) target_semaphore(%arg10 : memref<!tpu.dma_semaphore, #tpu.memory_space<semaphore_mem>>)
      } else {
      }
      %dma_start3A_167 = arith.constant 0 : i32
      %dma_start3A_168 = arith.constant 1 : i32
      %dma_start3A_169 = arith.constant 0 : i32
      %dma_start3A_170 = tpu.memref_slice %arg7[%dma_start3A_167, %dma_start3A_168, %dma_start3A_169] : memref<2x4x112xi32, #tpu.memory_space<vmem>> -> memref<1x1x112xi32, #tpu.memory_space<vmem>>
      %dma_start3A_171 = tpu.memref_squeeze %dma_start3A_170 : memref<1x1x112xi32, #tpu.memory_space<vmem>> -> memref<112xi32, #tpu.memory_space<vmem>>
      %dma_start3A_172 = arith.constant 0 : i32
      %dma_start3A_173 = arith.constant 0 : i32
      %dma_start3A_174 = tpu.memref_slice %arg2[%dma_start3A_172, %dma_start3A_173] : memref<40960x128xf32, #tpu.memory_space<hbm>> -> memref<40960x128xf32, #tpu.memory_space<hbm>>
      tpu.enqueue_indirect_dma source(%dma_start3A_174 : memref<40960x128xf32, #tpu.memory_space<hbm>>) target(%arg9 : memref<112x128xf32, #tpu.memory_space<vmem>>) offsets(%dma_start3A_171 : memref<112xi32, #tpu.memory_space<vmem>>) semaphore(%arg13 : memref<!tpu.dma_semaphore, #tpu.memory_space<semaphore_mem>>)
      %dma_wait3A_175 = arith.constant 0 : i32
      %dma_wait3A_176 = arith.constant 0 : i32
      %dma_wait3A_177 = arith.constant 0 : i32
      %dma_wait3A_178 = tpu.memref_slice %arg7[%dma_wait3A_175, %dma_wait3A_176, %dma_wait3A_177] : memref<2x4x112xi32, #tpu.memory_space<vmem>> -> memref<1x1x112xi32, #tpu.memory_space<vmem>>
      %dma_wait3A_179 = tpu.memref_squeeze %dma_wait3A_178 : memref<1x1x112xi32, #tpu.memory_space<vmem>> -> memref<112xi32, #tpu.memory_space<vmem>>
      %dma_wait3A_180 = arith.constant 0 : i32
      %dma_wait3A_181 = arith.constant 0 : i32
      %dma_wait3A_182 = tpu.memref_slice %arg2[%dma_wait3A_180, %dma_wait3A_181] : memref<40960x128xf32, #tpu.memory_space<hbm>> -> memref<40960x128xf32, #tpu.memory_space<hbm>>
      tpu.wait_indirect_dma semaphore(%arg12 : memref<!tpu.dma_semaphore, #tpu.memory_space<semaphore_mem>>) src(%dma_wait3A_182 : memref<40960x128xf32, #tpu.memory_space<hbm>>) dst(%arg8 : memref<112x128xf32, #tpu.memory_space<vmem>>)
      %run_scoped3A_183 = arith.constant 1 : i32
      %run_scoped3A_184 = arith.constant 0 : i32
      "tpu.region"() ({
        %run_scoped3A_237 = tpu.sem_alloc : memref<!tpu.dma_semaphore, #tpu.memory_space<semaphore_mem>>
        %dma_start3A_238 = arith.constant 0 : i32
        %dma_start3A_239 = tpu.memref_slice %arg7[%run_scoped3A_183, %run_scoped3A_184, %dma_start3A_238] : memref<2x4x112xi32, #tpu.memory_space<vmem>> -> memref<1x1x112xi32, #tpu.memory_space<vmem>>
        %dma_start3A_240 = tpu.memref_squeeze %dma_start3A_239 : memref<1x1x112xi32, #tpu.memory_space<vmem>> -> memref<112xi32, #tpu.memory_space<vmem>>
        %dma_start3A_241 = arith.constant 0 : i32
        %dma_start3A_242 = arith.constant 0 : i32
        %dma_start3A_243 = tpu.memref_slice %arg14[%dma_start3A_241, %dma_start3A_242] : memref<10240x128xf32, #tpu.memory_space<vmem_shared>> -> memref<10240x128xf32, #tpu.memory_space<vmem_shared>>
        tpu.enqueue_indirect_dma source(%arg8 : memref<112x128xf32, #tpu.memory_space<vmem>>) target(%dma_start3A_243 : memref<10240x128xf32, #tpu.memory_space<vmem_shared>>) offsets(%dma_start3A_240 : memref<112xi32, #tpu.memory_space<vmem>>) semaphore(%run_scoped3A_237 : memref<!tpu.dma_semaphore, #tpu.memory_space<semaphore_mem>>) {add = true}
        %dma_wait3A_244 = arith.constant 0 : i32
        %dma_wait3A_245 = tpu.memref_slice %arg7[%run_scoped3A_183, %run_scoped3A_184, %dma_wait3A_244] : memref<2x4x112xi32, #tpu.memory_space<vmem>> -> memref<1x1x112xi32, #tpu.memory_space<vmem>>
        %dma_wait3A_246 = tpu.memref_squeeze %dma_wait3A_245 : memref<1x1x112xi32, #tpu.memory_space<vmem>> -> memref<112xi32, #tpu.memory_space<vmem>>
        %dma_wait3A_247 = arith.constant 0 : i32
        %dma_wait3A_248 = arith.constant 0 : i32
        %dma_wait3A_249 = tpu.memref_slice %arg14[%dma_wait3A_247, %dma_wait3A_248] : memref<10240x128xf32, #tpu.memory_space<vmem_shared>> -> memref<10240x128xf32, #tpu.memory_space<vmem_shared>>
        tpu.wait_indirect_dma semaphore(%run_scoped3A_237 : memref<!tpu.dma_semaphore, #tpu.memory_space<semaphore_mem>>) src(%arg8 : memref<112x128xf32, #tpu.memory_space<vmem>>) dst(%dma_wait3A_249 : memref<10240x128xf32, #tpu.memory_space<vmem_shared>>)
        tpu.yield
      }) : () -> ()
      %dma_start3A_185 = arith.constant 0 : i32
      %dma_start3A_186 = arith.constant 2 : i32
      %dma_start3A_187 = arith.constant 0 : i32
      %dma_start3A_188 = tpu.memref_slice %arg7[%dma_start3A_185, %dma_start3A_186, %dma_start3A_187] : memref<2x4x112xi32, #tpu.memory_space<vmem>> -> memref<1x1x112xi32, #tpu.memory_space<vmem>>
      %dma_start3A_189 = tpu.memref_squeeze %dma_start3A_188 : memref<1x1x112xi32, #tpu.memory_space<vmem>> -> memref<112xi32, #tpu.memory_space<vmem>>
      %dma_start3A_190 = arith.constant 0 : i32
      %dma_start3A_191 = arith.constant 0 : i32
      %dma_start3A_192 = tpu.memref_slice %arg2[%dma_start3A_190, %dma_start3A_191] : memref<40960x128xf32, #tpu.memory_space<hbm>> -> memref<40960x128xf32, #tpu.memory_space<hbm>>
      tpu.enqueue_indirect_dma source(%dma_start3A_192 : memref<40960x128xf32, #tpu.memory_space<hbm>>) target(%arg8 : memref<112x128xf32, #tpu.memory_space<vmem>>) offsets(%dma_start3A_189 : memref<112xi32, #tpu.memory_space<vmem>>) semaphore(%arg12 : memref<!tpu.dma_semaphore, #tpu.memory_space<semaphore_mem>>)
      %dma_wait3A_193 = arith.constant 0 : i32
      %dma_wait3A_194 = arith.constant 1 : i32
      %dma_wait3A_195 = arith.constant 0 : i32
      %dma_wait3A_196 = tpu.memref_slice %arg7[%dma_wait3A_193, %dma_wait3A_194, %dma_wait3A_195] : memref<2x4x112xi32, #tpu.memory_space<vmem>> -> memref<1x1x112xi32, #tpu.memory_space<vmem>>
      %dma_wait3A_197 = tpu.memref_squeeze %dma_wait3A_196 : memref<1x1x112xi32, #tpu.memory_space<vmem>> -> memref<112xi32, #tpu.memory_space<vmem>>
      %dma_wait3A_198 = arith.constant 0 : i32
      %dma_wait3A_199 = arith.constant 0 : i32
      %dma_wait3A_200 = tpu.memref_slice %arg2[%dma_wait3A_198, %dma_wait3A_199] : memref<40960x128xf32, #tpu.memory_space<hbm>> -> memref<40960x128xf32, #tpu.memory_space<hbm>>
      tpu.wait_indirect_dma semaphore(%arg13 : memref<!tpu.dma_semaphore, #tpu.memory_space<semaphore_mem>>) src(%dma_wait3A_200 : memref<40960x128xf32, #tpu.memory_space<hbm>>) dst(%arg9 : memref<112x128xf32, #tpu.memory_space<vmem>>)
      %run_scoped3A_201 = arith.constant 1 : i32
      %run_scoped3A_202 = arith.constant 1 : i32
      "tpu.region"() ({
        %run_scoped3A_237 = tpu.sem_alloc : memref<!tpu.dma_semaphore, #tpu.memory_space<semaphore_mem>>
        %dma_start3A_238 = arith.constant 0 : i32
        %dma_start3A_239 = tpu.memref_slice %arg7[%run_scoped3A_201, %run_scoped3A_202, %dma_start3A_238] : memref<2x4x112xi32, #tpu.memory_space<vmem>> -> memref<1x1x112xi32, #tpu.memory_space<vmem>>
        %dma_start3A_240 = tpu.memref_squeeze %dma_start3A_239 : memref<1x1x112xi32, #tpu.memory_space<vmem>> -> memref<112xi32, #tpu.memory_space<vmem>>
        %dma_start3A_241 = arith.constant 0 : i32
        %dma_start3A_242 = arith.constant 0 : i32
        %dma_start3A_243 = tpu.memref_slice %arg14[%dma_start3A_241, %dma_start3A_242] : memref<10240x128xf32, #tpu.memory_space<vmem_shared>> -> memref<10240x128xf32, #tpu.memory_space<vmem_shared>>
        tpu.enqueue_indirect_dma source(%arg9 : memref<112x128xf32, #tpu.memory_space<vmem>>) target(%dma_start3A_243 : memref<10240x128xf32, #tpu.memory_space<vmem_shared>>) offsets(%dma_start3A_240 : memref<112xi32, #tpu.memory_space<vmem>>) semaphore(%run_scoped3A_237 : memref<!tpu.dma_semaphore, #tpu.memory_space<semaphore_mem>>) {add = true}
        %dma_wait3A_244 = arith.constant 0 : i32
        %dma_wait3A_245 = tpu.memref_slice %arg7[%run_scoped3A_201, %run_scoped3A_202, %dma_wait3A_244] : memref<2x4x112xi32, #tpu.memory_space<vmem>> -> memref<1x1x112xi32, #tpu.memory_space<vmem>>
        %dma_wait3A_246 = tpu.memref_squeeze %dma_wait3A_245 : memref<1x1x112xi32, #tpu.memory_space<vmem>> -> memref<112xi32, #tpu.memory_space<vmem>>
        %dma_wait3A_247 = arith.constant 0 : i32
        %dma_wait3A_248 = arith.constant 0 : i32
        %dma_wait3A_249 = tpu.memref_slice %arg14[%dma_wait3A_247, %dma_wait3A_248] : memref<10240x128xf32, #tpu.memory_space<vmem_shared>> -> memref<10240x128xf32, #tpu.memory_space<vmem_shared>>
        tpu.wait_indirect_dma semaphore(%run_scoped3A_237 : memref<!tpu.dma_semaphore, #tpu.memory_space<semaphore_mem>>) src(%arg9 : memref<112x128xf32, #tpu.memory_space<vmem>>) dst(%dma_wait3A_249 : memref<10240x128xf32, #tpu.memory_space<vmem_shared>>)
        tpu.yield
      }) : () -> ()
      %convert_element_type3A_203 = arith.extui %lt3A_72 : i1 to i32
      %cond3A_204 = arith.constant 0 : i32
      %cond3A_205 = arith.cmpi ne, %convert_element_type3A_203, %cond3A_204 : i32
      scf.if %cond3A_205 {
        %dma_wait3A_237 = arith.constant 0 : i32
        %dma_wait3A_238 = arith.constant 0 : i32
        %dma_wait3A_239 = arith.constant 0 : i32
        %dma_wait3A_240 = tpu.memref_slice %arg3[%mul3A_6, %dma_wait3A_237, %dma_wait3A_238, %dma_wait3A_239] : memref<1536x2x4x112xi32, #tpu.memory_space<hbm>> -> memref<1x2x4x112xi32, #tpu.memory_space<hbm>>
        %dma_wait3A_241 = tpu.memref_squeeze %dma_wait3A_240 : memref<1x2x4x112xi32, #tpu.memory_space<hbm>> -> memref<2x4x112xi32, #tpu.memory_space<hbm>>
        %dma_wait3A_242 = arith.constant 0 : i32
        %dma_wait3A_243 = arith.constant 0 : i32
        %dma_wait3A_244 = arith.constant 0 : i32
        %dma_wait3A_245 = tpu.memref_slice %arg3[%mul3A_6, %dma_wait3A_242, %dma_wait3A_243, %dma_wait3A_244] : memref<1536x2x4x112xi32, #tpu.memory_space<hbm>> -> memref<1x2x4x112xi32, #tpu.memory_space<hbm>>
        %dma_wait3A_246 = tpu.memref_squeeze %dma_wait3A_245 : memref<1x2x4x112xi32, #tpu.memory_space<hbm>> -> memref<2x4x112xi32, #tpu.memory_space<hbm>>
        tpu.wait_dma2 semaphore(%arg10 : memref<!tpu.dma_semaphore, #tpu.memory_space<semaphore_mem>>) src(%dma_wait3A_246 : memref<2x4x112xi32, #tpu.memory_space<hbm>>) dst(%arg6 : memref<2x4x112xi32, #tpu.memory_space<vmem>>)
      } else {
      }
      %dma_start3A_206 = arith.constant 0 : i32
      %dma_start3A_207 = arith.constant 3 : i32
      %dma_start3A_208 = arith.constant 0 : i32
      %dma_start3A_209 = tpu.memref_slice %arg7[%dma_start3A_206, %dma_start3A_207, %dma_start3A_208] : memref<2x4x112xi32, #tpu.memory_space<vmem>> -> memref<1x1x112xi32, #tpu.memory_space<vmem>>
      %dma_start3A_210 = tpu.memref_squeeze %dma_start3A_209 : memref<1x1x112xi32, #tpu.memory_space<vmem>> -> memref<112xi32, #tpu.memory_space<vmem>>
      %dma_start3A_211 = arith.constant 0 : i32
      %dma_start3A_212 = arith.constant 0 : i32
      %dma_start3A_213 = tpu.memref_slice %arg2[%dma_start3A_211, %dma_start3A_212] : memref<40960x128xf32, #tpu.memory_space<hbm>> -> memref<40960x128xf32, #tpu.memory_space<hbm>>
      tpu.enqueue_indirect_dma source(%dma_start3A_213 : memref<40960x128xf32, #tpu.memory_space<hbm>>) target(%arg9 : memref<112x128xf32, #tpu.memory_space<vmem>>) offsets(%dma_start3A_210 : memref<112xi32, #tpu.memory_space<vmem>>) semaphore(%arg13 : memref<!tpu.dma_semaphore, #tpu.memory_space<semaphore_mem>>)
      %dma_wait3A_214 = arith.constant 0 : i32
      %dma_wait3A_215 = arith.constant 2 : i32
      %dma_wait3A_216 = arith.constant 0 : i32
      %dma_wait3A_217 = tpu.memref_slice %arg7[%dma_wait3A_214, %dma_wait3A_215, %dma_wait3A_216] : memref<2x4x112xi32, #tpu.memory_space<vmem>> -> memref<1x1x112xi32, #tpu.memory_space<vmem>>
      %dma_wait3A_218 = tpu.memref_squeeze %dma_wait3A_217 : memref<1x1x112xi32, #tpu.memory_space<vmem>> -> memref<112xi32, #tpu.memory_space<vmem>>
      %dma_wait3A_219 = arith.constant 0 : i32
      %dma_wait3A_220 = arith.constant 0 : i32
      %dma_wait3A_221 = tpu.memref_slice %arg2[%dma_wait3A_219, %dma_wait3A_220] : memref<40960x128xf32, #tpu.memory_space<hbm>> -> memref<40960x128xf32, #tpu.memory_space<hbm>>
      tpu.wait_indirect_dma semaphore(%arg12 : memref<!tpu.dma_semaphore, #tpu.memory_space<semaphore_mem>>) src(%dma_wait3A_221 : memref<40960x128xf32, #tpu.memory_space<hbm>>) dst(%arg8 : memref<112x128xf32, #tpu.memory_space<vmem>>)
      %run_scoped3A_222 = arith.constant 1 : i32
      %run_scoped3A_223 = arith.constant 2 : i32
      "tpu.region"() ({
        %run_scoped3A_237 = tpu.sem_alloc : memref<!tpu.dma_semaphore, #tpu.memory_space<semaphore_mem>>
        %dma_start3A_238 = arith.constant 0 : i32
        %dma_start3A_239 = tpu.memref_slice %arg7[%run_scoped3A_222, %run_scoped3A_223, %dma_start3A_238] : memref<2x4x112xi32, #tpu.memory_space<vmem>> -> memref<1x1x112xi32, #tpu.memory_space<vmem>>
        %dma_start3A_240 = tpu.memref_squeeze %dma_start3A_239 : memref<1x1x112xi32, #tpu.memory_space<vmem>> -> memref<112xi32, #tpu.memory_space<vmem>>
        %dma_start3A_241 = arith.constant 0 : i32
        %dma_start3A_242 = arith.constant 0 : i32
        %dma_start3A_243 = tpu.memref_slice %arg14[%dma_start3A_241, %dma_start3A_242] : memref<10240x128xf32, #tpu.memory_space<vmem_shared>> -> memref<10240x128xf32, #tpu.memory_space<vmem_shared>>
        tpu.enqueue_indirect_dma source(%arg8 : memref<112x128xf32, #tpu.memory_space<vmem>>) target(%dma_start3A_243 : memref<10240x128xf32, #tpu.memory_space<vmem_shared>>) offsets(%dma_start3A_240 : memref<112xi32, #tpu.memory_space<vmem>>) semaphore(%run_scoped3A_237 : memref<!tpu.dma_semaphore, #tpu.memory_space<semaphore_mem>>) {add = true}
        %dma_wait3A_244 = arith.constant 0 : i32
        %dma_wait3A_245 = tpu.memref_slice %arg7[%run_scoped3A_222, %run_scoped3A_223, %dma_wait3A_244] : memref<2x4x112xi32, #tpu.memory_space<vmem>> -> memref<1x1x112xi32, #tpu.memory_space<vmem>>
        %dma_wait3A_246 = tpu.memref_squeeze %dma_wait3A_245 : memref<1x1x112xi32, #tpu.memory_space<vmem>> -> memref<112xi32, #tpu.memory_space<vmem>>
        %dma_wait3A_247 = arith.constant 0 : i32
        %dma_wait3A_248 = arith.constant 0 : i32
        %dma_wait3A_249 = tpu.memref_slice %arg14[%dma_wait3A_247, %dma_wait3A_248] : memref<10240x128xf32, #tpu.memory_space<vmem_shared>> -> memref<10240x128xf32, #tpu.memory_space<vmem_shared>>
        tpu.wait_indirect_dma semaphore(%run_scoped3A_237 : memref<!tpu.dma_semaphore, #tpu.memory_space<semaphore_mem>>) src(%arg8 : memref<112x128xf32, #tpu.memory_space<vmem>>) dst(%dma_wait3A_249 : memref<10240x128xf32, #tpu.memory_space<vmem_shared>>)
        tpu.yield
      }) : () -> ()
      %convert_element_type3A_224 = arith.extui %lt3A_72 : i1 to i32
      %cond3A_225 = arith.constant 0 : i32
      %cond3A_226 = arith.cmpi ne, %convert_element_type3A_224, %cond3A_225 : i32
      scf.if %cond3A_226 {
        %dma_start3A_237 = arith.constant 0 : i32
        %dma_start3A_238 = arith.constant 0 : i32
        %dma_start3A_239 = arith.constant 0 : i32
        %dma_start3A_240 = tpu.memref_slice %arg6[%dma_start3A_237, %dma_start3A_238, %dma_start3A_239] : memref<2x4x112xi32, #tpu.memory_space<vmem>> -> memref<1x1x112xi32, #tpu.memory_space<vmem>>
        %dma_start3A_241 = tpu.memref_squeeze %dma_start3A_240 : memref<1x1x112xi32, #tpu.memory_space<vmem>> -> memref<112xi32, #tpu.memory_space<vmem>>
        %dma_start3A_242 = arith.constant 0 : i32
        %dma_start3A_243 = arith.constant 0 : i32
        %dma_start3A_244 = tpu.memref_slice %arg2[%dma_start3A_242, %dma_start3A_243] : memref<40960x128xf32, #tpu.memory_space<hbm>> -> memref<40960x128xf32, #tpu.memory_space<hbm>>
        tpu.enqueue_indirect_dma source(%dma_start3A_244 : memref<40960x128xf32, #tpu.memory_space<hbm>>) target(%arg8 : memref<112x128xf32, #tpu.memory_space<vmem>>) offsets(%dma_start3A_241 : memref<112xi32, #tpu.memory_space<vmem>>) semaphore(%arg12 : memref<!tpu.dma_semaphore, #tpu.memory_space<semaphore_mem>>)
      } else {
      }
      %dma_wait3A_227 = arith.constant 0 : i32
      %dma_wait3A_228 = arith.constant 3 : i32
      %dma_wait3A_229 = arith.constant 0 : i32
      %dma_wait3A_230 = tpu.memref_slice %arg7[%dma_wait3A_227, %dma_wait3A_228, %dma_wait3A_229] : memref<2x4x112xi32, #tpu.memory_space<vmem>> -> memref<1x1x112xi32, #tpu.memory_space<vmem>>
      %dma_wait3A_231 = tpu.memref_squeeze %dma_wait3A_230 : memref<1x1x112xi32, #tpu.memory_space<vmem>> -> memref<112xi32, #tpu.memory_space<vmem>>
      %dma_wait3A_232 = arith.constant 0 : i32
      %dma_wait3A_233 = arith.constant 0 : i32
      %dma_wait3A_234 = tpu.memref_slice %arg2[%dma_wait3A_232, %dma_wait3A_233] : memref<40960x128xf32, #tpu.memory_space<hbm>> -> memref<40960x128xf32, #tpu.memory_space<hbm>>
      tpu.wait_indirect_dma semaphore(%arg13 : memref<!tpu.dma_semaphore, #tpu.memory_space<semaphore_mem>>) src(%dma_wait3A_234 : memref<40960x128xf32, #tpu.memory_space<hbm>>) dst(%arg9 : memref<112x128xf32, #tpu.memory_space<vmem>>)
      %run_scoped3A_235 = arith.constant 1 : i32
      %run_scoped3A_236 = arith.constant 3 : i32
      "tpu.region"() ({
        %run_scoped3A_237 = tpu.sem_alloc : memref<!tpu.dma_semaphore, #tpu.memory_space<semaphore_mem>>
        %dma_start3A_238 = arith.constant 0 : i32
        %dma_start3A_239 = tpu.memref_slice %arg7[%run_scoped3A_235, %run_scoped3A_236, %dma_start3A_238] : memref<2x4x112xi32, #tpu.memory_space<vmem>> -> memref<1x1x112xi32, #tpu.memory_space<vmem>>
        %dma_start3A_240 = tpu.memref_squeeze %dma_start3A_239 : memref<1x1x112xi32, #tpu.memory_space<vmem>> -> memref<112xi32, #tpu.memory_space<vmem>>
        %dma_start3A_241 = arith.constant 0 : i32
        %dma_start3A_242 = arith.constant 0 : i32
        %dma_start3A_243 = tpu.memref_slice %arg14[%dma_start3A_241, %dma_start3A_242] : memref<10240x128xf32, #tpu.memory_space<vmem_shared>> -> memref<10240x128xf32, #tpu.memory_space<vmem_shared>>
        tpu.enqueue_indirect_dma source(%arg9 : memref<112x128xf32, #tpu.memory_space<vmem>>) target(%dma_start3A_243 : memref<10240x128xf32, #tpu.memory_space<vmem_shared>>) offsets(%dma_start3A_240 : memref<112xi32, #tpu.memory_space<vmem>>) semaphore(%run_scoped3A_237 : memref<!tpu.dma_semaphore, #tpu.memory_space<semaphore_mem>>) {add = true}
        %dma_wait3A_244 = arith.constant 0 : i32
        %dma_wait3A_245 = tpu.memref_slice %arg7[%run_scoped3A_235, %run_scoped3A_236, %dma_wait3A_244] : memref<2x4x112xi32, #tpu.memory_space<vmem>> -> memref<1x1x112xi32, #tpu.memory_space<vmem>>
        %dma_wait3A_246 = tpu.memref_squeeze %dma_wait3A_245 : memref<1x1x112xi32, #tpu.memory_space<vmem>> -> memref<112xi32, #tpu.memory_space<vmem>>
        %dma_wait3A_247 = arith.constant 0 : i32
        %dma_wait3A_248 = arith.constant 0 : i32
        %dma_wait3A_249 = tpu.memref_slice %arg14[%dma_wait3A_247, %dma_wait3A_248] : memref<10240x128xf32, #tpu.memory_space<vmem_shared>> -> memref<10240x128xf32, #tpu.memory_space<vmem_shared>>
        tpu.wait_indirect_dma semaphore(%run_scoped3A_237 : memref<!tpu.dma_semaphore, #tpu.memory_space<semaphore_mem>>) src(%arg9 : memref<112x128xf32, #tpu.memory_space<vmem>>) dst(%dma_wait3A_249 : memref<10240x128xf32, #tpu.memory_space<vmem_shared>>)
        tpu.yield
      }) : () -> ()
    }
    %scan3A_21 = arith.constant 12 : i32
    %barrier3A_22 = arith.constant 0 : index
    tpu.barrier barrier_id(%barrier3A_22)
    %mul3A_23 = arith.constant 640 : i32
    %mul3A_24 = arith.muli %arg1, %mul3A_23 : i32
    %mul3A_25 = arith.constant 10240 : i32
    %mul3A_26 = arith.muli %add3A_1, %mul3A_25 : i32
    %mul3A_27 = arith.constant 640 : i32
    %mul3A_28 = arith.muli %arg1, %mul3A_27 : i32
    %add3A_29 = arith.addi %mul3A_26, %mul3A_28 : i32
    "tpu.region"() ({
      %run_scoped3A = tpu.sem_alloc : memref<!tpu.dma_semaphore, #tpu.memory_space<semaphore_mem>>
      %dma_start3A_65 = arith.constant 0 : i32
      %dma_start3A_66 = tpu.memref_slice %arg5[%add3A_29, %dma_start3A_65] : memref<40960x128xf32, #tpu.memory_space<hbm>> -> memref<640x128xf32, #tpu.memory_space<hbm>>
      %dma_start3A_67 = arith.constant 0 : i32
      %dma_start3A_68 = tpu.memref_slice %arg14[%mul3A_24, %dma_start3A_67] : memref<10240x128xf32, #tpu.memory_space<vmem_shared>> -> memref<640x128xf32, #tpu.memory_space<vmem_shared>>
      tpu.enqueue_dma source(%dma_start3A_68 : memref<640x128xf32, #tpu.memory_space<vmem_shared>>) target(%dma_start3A_66 : memref<640x128xf32, #tpu.memory_space<hbm>>) target_semaphore(%run_scoped3A : memref<!tpu.dma_semaphore, #tpu.memory_space<semaphore_mem>>)
      %dma_wait3A = arith.constant 0 : i32
      %dma_wait3A_69 = tpu.memref_slice %arg5[%add3A_29, %dma_wait3A] : memref<40960x128xf32, #tpu.memory_space<hbm>> -> memref<640x128xf32, #tpu.memory_space<hbm>>
      %dma_wait3A_70 = arith.constant 0 : i32
      %dma_wait3A_71 = tpu.memref_slice %arg14[%mul3A_24, %dma_wait3A_70] : memref<10240x128xf32, #tpu.memory_space<vmem_shared>> -> memref<640x128xf32, #tpu.memory_space<vmem_shared>>
      tpu.wait_dma2 semaphore(%run_scoped3A : memref<!tpu.dma_semaphore, #tpu.memory_space<semaphore_mem>>) src(%dma_wait3A_71 : memref<640x128xf32, #tpu.memory_space<vmem_shared>>) dst(%dma_wait3A_69 : memref<640x128xf32, #tpu.memory_space<hbm>>)
      tpu.yield
    }) : () -> ()
    %mul3A_30 = arith.constant 2 : i32
    %mul3A_31 = arith.muli %arg0, %mul3A_30 : i32
    %add3A_32 = arith.constant 1 : i32
    %add3A_33 = arith.addi %mul3A_31, %add3A_32 : i32
    %mul3A_34 = arith.constant 16 : i32
    %mul3A_35 = arith.muli %add3A_33, %mul3A_34 : i32
    %add3A_36 = arith.addi %mul3A_35, %arg1 : i32
    %mul3A_37 = arith.constant 24 : i32
    %mul3A_38 = arith.muli %add3A_36, %mul3A_37 : i32
    "tpu.region"() ({
      %run_scoped3A = tpu.sem_alloc : memref<!tpu.dma_semaphore, #tpu.memory_space<semaphore_mem>>
      %dma_start3A_65 = arith.constant 0 : i32
      %dma_start3A_66 = arith.constant 0 : i32
      %dma_start3A_67 = arith.constant 0 : i32
      %dma_start3A_68 = tpu.memref_slice %arg3[%mul3A_38, %dma_start3A_65, %dma_start3A_66, %dma_start3A_67] : memref<1536x2x4x112xi32, #tpu.memory_space<hbm>> -> memref<1x2x4x112xi32, #tpu.memory_space<hbm>>
      %dma_start3A_69 = tpu.memref_squeeze %dma_start3A_68 : memref<1x2x4x112xi32, #tpu.memory_space<hbm>> -> memref<2x4x112xi32, #tpu.memory_space<hbm>>
      %dma_start3A_70 = arith.constant 0 : i32
      %dma_start3A_71 = arith.constant 0 : i32
      %dma_start3A_72 = arith.constant 0 : i32
      %dma_start3A_73 = tpu.memref_slice %arg3[%mul3A_38, %dma_start3A_70, %dma_start3A_71, %dma_start3A_72] : memref<1536x2x4x112xi32, #tpu.memory_space<hbm>> -> memref<1x2x4x112xi32, #tpu.memory_space<hbm>>
      %dma_start3A_74 = tpu.memref_squeeze %dma_start3A_73 : memref<1x2x4x112xi32, #tpu.memory_space<hbm>> -> memref<2x4x112xi32, #tpu.memory_space<hbm>>
      tpu.enqueue_dma source(%dma_start3A_74 : memref<2x4x112xi32, #tpu.memory_space<hbm>>) target(%arg6 : memref<2x4x112xi32, #tpu.memory_space<vmem>>) target_semaphore(%run_scoped3A : memref<!tpu.dma_semaphore, #tpu.memory_space<semaphore_mem>>)
      %dma_wait3A = arith.constant 0 : i32
      %dma_wait3A_75 = arith.constant 0 : i32
      %dma_wait3A_76 = arith.constant 0 : i32
      %dma_wait3A_77 = tpu.memref_slice %arg3[%mul3A_38, %dma_wait3A, %dma_wait3A_75, %dma_wait3A_76] : memref<1536x2x4x112xi32, #tpu.memory_space<hbm>> -> memref<1x2x4x112xi32, #tpu.memory_space<hbm>>
      %dma_wait3A_78 = tpu.memref_squeeze %dma_wait3A_77 : memref<1x2x4x112xi32, #tpu.memory_space<hbm>> -> memref<2x4x112xi32, #tpu.memory_space<hbm>>
      %dma_wait3A_79 = arith.constant 0 : i32
      %dma_wait3A_80 = arith.constant 0 : i32
      %dma_wait3A_81 = arith.constant 0 : i32
      %dma_wait3A_82 = tpu.memref_slice %arg3[%mul3A_38, %dma_wait3A_79, %dma_wait3A_80, %dma_wait3A_81] : memref<1536x2x4x112xi32, #tpu.memory_space<hbm>> -> memref<1x2x4x112xi32, #tpu.memory_space<hbm>>
      %dma_wait3A_83 = tpu.memref_squeeze %dma_wait3A_82 : memref<1x2x4x112xi32, #tpu.memory_space<hbm>> -> memref<2x4x112xi32, #tpu.memory_space<hbm>>
      tpu.wait_dma2 semaphore(%run_scoped3A : memref<!tpu.dma_semaphore, #tpu.memory_space<semaphore_mem>>) src(%dma_wait3A_83 : memref<2x4x112xi32, #tpu.memory_space<hbm>>) dst(%arg6 : memref<2x4x112xi32, #tpu.memory_space<vmem>>)
      tpu.yield
    }) : () -> ()
    %dma_start3A_39 = arith.constant 0 : i32
    %dma_start3A_40 = arith.constant 0 : i32
    %dma_start3A_41 = arith.constant 0 : i32
    %dma_start3A_42 = tpu.memref_slice %arg6[%dma_start3A_39, %dma_start3A_40, %dma_start3A_41] : memref<2x4x112xi32, #tpu.memory_space<vmem>> -> memref<1x1x112xi32, #tpu.memory_space<vmem>>
    %dma_start3A_43 = tpu.memref_squeeze %dma_start3A_42 : memref<1x1x112xi32, #tpu.memory_space<vmem>> -> memref<112xi32, #tpu.memory_space<vmem>>
    %dma_start3A_44 = arith.constant 0 : i32
    %dma_start3A_45 = arith.constant 0 : i32
    %dma_start3A_46 = tpu.memref_slice %arg2[%dma_start3A_44, %dma_start3A_45] : memref<40960x128xf32, #tpu.memory_space<hbm>> -> memref<40960x128xf32, #tpu.memory_space<hbm>>
    tpu.enqueue_indirect_dma source(%dma_start3A_46 : memref<40960x128xf32, #tpu.memory_space<hbm>>) target(%arg8 : memref<112x128xf32, #tpu.memory_space<vmem>>) offsets(%dma_start3A_43 : memref<112xi32, #tpu.memory_space<vmem>>) semaphore(%arg12 : memref<!tpu.dma_semaphore, #tpu.memory_space<semaphore_mem>>)
    %mul3A_47 = arith.constant 640 : i32
    %mul3A_48 = arith.muli %arg1, %mul3A_47 : i32
    %mul3A_49 = arith.constant 640 : i32
    %mul3A_50 = arith.muli %arg1, %mul3A_49 : i32
    "tpu.region"() ({
      %run_scoped3A = tpu.sem_alloc : memref<!tpu.dma_semaphore, #tpu.memory_space<semaphore_mem>>
      %dma_start3A_65 = arith.constant 0 : i32
      %dma_start3A_66 = tpu.memref_slice %arg14[%mul3A_50, %dma_start3A_65] : memref<10240x128xf32, #tpu.memory_space<vmem_shared>> -> memref<640x128xf32, #tpu.memory_space<vmem_shared>>
      %dma_start3A_67 = arith.constant 0 : i32
      %dma_start3A_68 = tpu.memref_slice %arg4[%mul3A_48, %dma_start3A_67] : memref<10240x128xf32, #tpu.memory_space<hbm>> -> memref<640x128xf32, #tpu.memory_space<hbm>>
      tpu.enqueue_dma source(%dma_start3A_68 : memref<640x128xf32, #tpu.memory_space<hbm>>) target(%dma_start3A_66 : memref<640x128xf32, #tpu.memory_space<vmem_shared>>) target_semaphore(%run_scoped3A : memref<!tpu.dma_semaphore, #tpu.memory_space<semaphore_mem>>)
      %dma_wait3A = arith.constant 0 : i32
      %dma_wait3A_69 = tpu.memref_slice %arg14[%mul3A_50, %dma_wait3A] : memref<10240x128xf32, #tpu.memory_space<vmem_shared>> -> memref<640x128xf32, #tpu.memory_space<vmem_shared>>
      %dma_wait3A_70 = arith.constant 0 : i32
      %dma_wait3A_71 = tpu.memref_slice %arg4[%mul3A_48, %dma_wait3A_70] : memref<10240x128xf32, #tpu.memory_space<hbm>> -> memref<640x128xf32, #tpu.memory_space<hbm>>
      tpu.wait_dma2 semaphore(%run_scoped3A : memref<!tpu.dma_semaphore, #tpu.memory_space<semaphore_mem>>) src(%dma_wait3A_71 : memref<640x128xf32, #tpu.memory_space<hbm>>) dst(%dma_wait3A_69 : memref<640x128xf32, #tpu.memory_space<vmem_shared>>)
      tpu.yield
    }) : () -> ()
    %barrier3A_51 = arith.constant 0 : index
    tpu.barrier barrier_id(%barrier3A_51)
    %scan3A_52 = arith.constant 0 : i32
    %scan3A_53 = arith.constant 12 : i32
    %scan3A_54 = arith.addi %scan3A_52, %scan3A_53 : i32
    %scan3A_55 = arith.constant 1 : i32
    scf.for %scan3A_65 = %scan3A_52 to %scan3A_54 step %scan3A_55  : i32 {
      %mul3A_66 = arith.constant 1 : i32
      %mul3A_67 = arith.muli %scan3A_65, %mul3A_66 : i32
      %add3A_68 = arith.constant 0 : i32
      %add3A_69 = arith.addi %add3A_68, %mul3A_67 : i32
      %mul3A_70 = arith.constant 2 : i32
      %mul3A_71 = arith.muli %mul3A_70, %add3A_69 : i32
      %lt3A = arith.constant 11 : i32
      %lt3A_72 = arith.cmpi slt, %add3A_69, %lt3A : i32
      %add3A_73 = arith.addi %mul3A_38, %mul3A_71 : i32
      %add3A_74 = arith.constant 1 : i32
      %add3A_75 = arith.addi %add3A_73, %add3A_74 : i32
      %dma_start3A_76 = arith.constant 0 : i32
      %dma_start3A_77 = arith.constant 0 : i32
      %dma_start3A_78 = arith.constant 0 : i32
      %dma_start3A_79 = tpu.memref_slice %arg3[%add3A_75, %dma_start3A_76, %dma_start3A_77, %dma_start3A_78] : memref<1536x2x4x112xi32, #tpu.memory_space<hbm>> -> memref<1x2x4x112xi32, #tpu.memory_space<hbm>>
      %dma_start3A_80 = tpu.memref_squeeze %dma_start3A_79 : memref<1x2x4x112xi32, #tpu.memory_space<hbm>> -> memref<2x4x112xi32, #tpu.memory_space<hbm>>
      %dma_start3A_81 = arith.constant 0 : i32
      %dma_start3A_82 = arith.constant 0 : i32
      %dma_start3A_83 = arith.constant 0 : i32
      %dma_start3A_84 = tpu.memref_slice %arg3[%add3A_75, %dma_start3A_81, %dma_start3A_82, %dma_start3A_83] : memref<1536x2x4x112xi32, #tpu.memory_space<hbm>> -> memref<1x2x4x112xi32, #tpu.memory_space<hbm>>
      %dma_start3A_85 = tpu.memref_squeeze %dma_start3A_84 : memref<1x2x4x112xi32, #tpu.memory_space<hbm>> -> memref<2x4x112xi32, #tpu.memory_space<hbm>>
      tpu.enqueue_dma source(%dma_start3A_85 : memref<2x4x112xi32, #tpu.memory_space<hbm>>) target(%arg7 : memref<2x4x112xi32, #tpu.memory_space<vmem>>) target_semaphore(%arg11 : memref<!tpu.dma_semaphore, #tpu.memory_space<semaphore_mem>>)
      %dma_start3A_86 = arith.constant 0 : i32
      %dma_start3A_87 = arith.constant 1 : i32
      %dma_start3A_88 = arith.constant 0 : i32
      %dma_start3A_89 = tpu.memref_slice %arg6[%dma_start3A_86, %dma_start3A_87, %dma_start3A_88] : memref<2x4x112xi32, #tpu.memory_space<vmem>> -> memref<1x1x112xi32, #tpu.memory_space<vmem>>
      %dma_start3A_90 = tpu.memref_squeeze %dma_start3A_89 : memref<1x1x112xi32, #tpu.memory_space<vmem>> -> memref<112xi32, #tpu.memory_space<vmem>>
      %dma_start3A_91 = arith.constant 0 : i32
      %dma_start3A_92 = arith.constant 0 : i32
      %dma_start3A_93 = tpu.memref_slice %arg2[%dma_start3A_91, %dma_start3A_92] : memref<40960x128xf32, #tpu.memory_space<hbm>> -> memref<40960x128xf32, #tpu.memory_space<hbm>>
      tpu.enqueue_indirect_dma source(%dma_start3A_93 : memref<40960x128xf32, #tpu.memory_space<hbm>>) target(%arg9 : memref<112x128xf32, #tpu.memory_space<vmem>>) offsets(%dma_start3A_90 : memref<112xi32, #tpu.memory_space<vmem>>) semaphore(%arg13 : memref<!tpu.dma_semaphore, #tpu.memory_space<semaphore_mem>>)
      %dma_wait3A = arith.constant 0 : i32
      %dma_wait3A_94 = arith.constant 0 : i32
      %dma_wait3A_95 = arith.constant 0 : i32
      %dma_wait3A_96 = tpu.memref_slice %arg6[%dma_wait3A, %dma_wait3A_94, %dma_wait3A_95] : memref<2x4x112xi32, #tpu.memory_space<vmem>> -> memref<1x1x112xi32, #tpu.memory_space<vmem>>
      %dma_wait3A_97 = tpu.memref_squeeze %dma_wait3A_96 : memref<1x1x112xi32, #tpu.memory_space<vmem>> -> memref<112xi32, #tpu.memory_space<vmem>>
      %dma_wait3A_98 = arith.constant 0 : i32
      %dma_wait3A_99 = arith.constant 0 : i32
      %dma_wait3A_100 = tpu.memref_slice %arg2[%dma_wait3A_98, %dma_wait3A_99] : memref<40960x128xf32, #tpu.memory_space<hbm>> -> memref<40960x128xf32, #tpu.memory_space<hbm>>
      tpu.wait_indirect_dma semaphore(%arg12 : memref<!tpu.dma_semaphore, #tpu.memory_space<semaphore_mem>>) src(%dma_wait3A_100 : memref<40960x128xf32, #tpu.memory_space<hbm>>) dst(%arg8 : memref<112x128xf32, #tpu.memory_space<vmem>>)
      %run_scoped3A = arith.constant 1 : i32
      %run_scoped3A_101 = arith.constant 0 : i32
      "tpu.region"() ({
        %run_scoped3A_237 = tpu.sem_alloc : memref<!tpu.dma_semaphore, #tpu.memory_space<semaphore_mem>>
        %dma_start3A_238 = arith.constant 0 : i32
        %dma_start3A_239 = tpu.memref_slice %arg6[%run_scoped3A, %run_scoped3A_101, %dma_start3A_238] : memref<2x4x112xi32, #tpu.memory_space<vmem>> -> memref<1x1x112xi32, #tpu.memory_space<vmem>>
        %dma_start3A_240 = tpu.memref_squeeze %dma_start3A_239 : memref<1x1x112xi32, #tpu.memory_space<vmem>> -> memref<112xi32, #tpu.memory_space<vmem>>
        %dma_start3A_241 = arith.constant 0 : i32
        %dma_start3A_242 = arith.constant 0 : i32
        %dma_start3A_243 = tpu.memref_slice %arg14[%dma_start3A_241, %dma_start3A_242] : memref<10240x128xf32, #tpu.memory_space<vmem_shared>> -> memref<10240x128xf32, #tpu.memory_space<vmem_shared>>
        tpu.enqueue_indirect_dma source(%arg8 : memref<112x128xf32, #tpu.memory_space<vmem>>) target(%dma_start3A_243 : memref<10240x128xf32, #tpu.memory_space<vmem_shared>>) offsets(%dma_start3A_240 : memref<112xi32, #tpu.memory_space<vmem>>) semaphore(%run_scoped3A_237 : memref<!tpu.dma_semaphore, #tpu.memory_space<semaphore_mem>>) {add = true}
        %dma_wait3A_244 = arith.constant 0 : i32
        %dma_wait3A_245 = tpu.memref_slice %arg6[%run_scoped3A, %run_scoped3A_101, %dma_wait3A_244] : memref<2x4x112xi32, #tpu.memory_space<vmem>> -> memref<1x1x112xi32, #tpu.memory_space<vmem>>
        %dma_wait3A_246 = tpu.memref_squeeze %dma_wait3A_245 : memref<1x1x112xi32, #tpu.memory_space<vmem>> -> memref<112xi32, #tpu.memory_space<vmem>>
        %dma_wait3A_247 = arith.constant 0 : i32
        %dma_wait3A_248 = arith.constant 0 : i32
        %dma_wait3A_249 = tpu.memref_slice %arg14[%dma_wait3A_247, %dma_wait3A_248] : memref<10240x128xf32, #tpu.memory_space<vmem_shared>> -> memref<10240x128xf32, #tpu.memory_space<vmem_shared>>
        tpu.wait_indirect_dma semaphore(%run_scoped3A_237 : memref<!tpu.dma_semaphore, #tpu.memory_space<semaphore_mem>>) src(%arg8 : memref<112x128xf32, #tpu.memory_space<vmem>>) dst(%dma_wait3A_249 : memref<10240x128xf32, #tpu.memory_space<vmem_shared>>)
        tpu.yield
      }) : () -> ()
      %dma_start3A_102 = arith.constant 0 : i32
      %dma_start3A_103 = arith.constant 2 : i32
      %dma_start3A_104 = arith.constant 0 : i32
      %dma_start3A_105 = tpu.memref_slice %arg6[%dma_start3A_102, %dma_start3A_103, %dma_start3A_104] : memref<2x4x112xi32, #tpu.memory_space<vmem>> -> memref<1x1x112xi32, #tpu.memory_space<vmem>>
      %dma_start3A_106 = tpu.memref_squeeze %dma_start3A_105 : memref<1x1x112xi32, #tpu.memory_space<vmem>> -> memref<112xi32, #tpu.memory_space<vmem>>
      %dma_start3A_107 = arith.constant 0 : i32
      %dma_start3A_108 = arith.constant 0 : i32
      %dma_start3A_109 = tpu.memref_slice %arg2[%dma_start3A_107, %dma_start3A_108] : memref<40960x128xf32, #tpu.memory_space<hbm>> -> memref<40960x128xf32, #tpu.memory_space<hbm>>
      tpu.enqueue_indirect_dma source(%dma_start3A_109 : memref<40960x128xf32, #tpu.memory_space<hbm>>) target(%arg8 : memref<112x128xf32, #tpu.memory_space<vmem>>) offsets(%dma_start3A_106 : memref<112xi32, #tpu.memory_space<vmem>>) semaphore(%arg12 : memref<!tpu.dma_semaphore, #tpu.memory_space<semaphore_mem>>)
      %dma_wait3A_110 = arith.constant 0 : i32
      %dma_wait3A_111 = arith.constant 1 : i32
      %dma_wait3A_112 = arith.constant 0 : i32
      %dma_wait3A_113 = tpu.memref_slice %arg6[%dma_wait3A_110, %dma_wait3A_111, %dma_wait3A_112] : memref<2x4x112xi32, #tpu.memory_space<vmem>> -> memref<1x1x112xi32, #tpu.memory_space<vmem>>
      %dma_wait3A_114 = tpu.memref_squeeze %dma_wait3A_113 : memref<1x1x112xi32, #tpu.memory_space<vmem>> -> memref<112xi32, #tpu.memory_space<vmem>>
      %dma_wait3A_115 = arith.constant 0 : i32
      %dma_wait3A_116 = arith.constant 0 : i32
      %dma_wait3A_117 = tpu.memref_slice %arg2[%dma_wait3A_115, %dma_wait3A_116] : memref<40960x128xf32, #tpu.memory_space<hbm>> -> memref<40960x128xf32, #tpu.memory_space<hbm>>
      tpu.wait_indirect_dma semaphore(%arg13 : memref<!tpu.dma_semaphore, #tpu.memory_space<semaphore_mem>>) src(%dma_wait3A_117 : memref<40960x128xf32, #tpu.memory_space<hbm>>) dst(%arg9 : memref<112x128xf32, #tpu.memory_space<vmem>>)
      %run_scoped3A_118 = arith.constant 1 : i32
      %run_scoped3A_119 = arith.constant 1 : i32
      "tpu.region"() ({
        %run_scoped3A_237 = tpu.sem_alloc : memref<!tpu.dma_semaphore, #tpu.memory_space<semaphore_mem>>
        %dma_start3A_238 = arith.constant 0 : i32
        %dma_start3A_239 = tpu.memref_slice %arg6[%run_scoped3A_118, %run_scoped3A_119, %dma_start3A_238] : memref<2x4x112xi32, #tpu.memory_space<vmem>> -> memref<1x1x112xi32, #tpu.memory_space<vmem>>
        %dma_start3A_240 = tpu.memref_squeeze %dma_start3A_239 : memref<1x1x112xi32, #tpu.memory_space<vmem>> -> memref<112xi32, #tpu.memory_space<vmem>>
        %dma_start3A_241 = arith.constant 0 : i32
        %dma_start3A_242 = arith.constant 0 : i32
        %dma_start3A_243 = tpu.memref_slice %arg14[%dma_start3A_241, %dma_start3A_242] : memref<10240x128xf32, #tpu.memory_space<vmem_shared>> -> memref<10240x128xf32, #tpu.memory_space<vmem_shared>>
        tpu.enqueue_indirect_dma source(%arg9 : memref<112x128xf32, #tpu.memory_space<vmem>>) target(%dma_start3A_243 : memref<10240x128xf32, #tpu.memory_space<vmem_shared>>) offsets(%dma_start3A_240 : memref<112xi32, #tpu.memory_space<vmem>>) semaphore(%run_scoped3A_237 : memref<!tpu.dma_semaphore, #tpu.memory_space<semaphore_mem>>) {add = true}
        %dma_wait3A_244 = arith.constant 0 : i32
        %dma_wait3A_245 = tpu.memref_slice %arg6[%run_scoped3A_118, %run_scoped3A_119, %dma_wait3A_244] : memref<2x4x112xi32, #tpu.memory_space<vmem>> -> memref<1x1x112xi32, #tpu.memory_space<vmem>>
        %dma_wait3A_246 = tpu.memref_squeeze %dma_wait3A_245 : memref<1x1x112xi32, #tpu.memory_space<vmem>> -> memref<112xi32, #tpu.memory_space<vmem>>
        %dma_wait3A_247 = arith.constant 0 : i32
        %dma_wait3A_248 = arith.constant 0 : i32
        %dma_wait3A_249 = tpu.memref_slice %arg14[%dma_wait3A_247, %dma_wait3A_248] : memref<10240x128xf32, #tpu.memory_space<vmem_shared>> -> memref<10240x128xf32, #tpu.memory_space<vmem_shared>>
        tpu.wait_indirect_dma semaphore(%run_scoped3A_237 : memref<!tpu.dma_semaphore, #tpu.memory_space<semaphore_mem>>) src(%arg9 : memref<112x128xf32, #tpu.memory_space<vmem>>) dst(%dma_wait3A_249 : memref<10240x128xf32, #tpu.memory_space<vmem_shared>>)
        tpu.yield
      }) : () -> ()
      %dma_wait3A_120 = arith.constant 0 : i32
      %dma_wait3A_121 = arith.constant 0 : i32
      %dma_wait3A_122 = arith.constant 0 : i32
      %dma_wait3A_123 = tpu.memref_slice %arg3[%mul3A_38, %dma_wait3A_120, %dma_wait3A_121, %dma_wait3A_122] : memref<1536x2x4x112xi32, #tpu.memory_space<hbm>> -> memref<1x2x4x112xi32, #tpu.memory_space<hbm>>
      %dma_wait3A_124 = tpu.memref_squeeze %dma_wait3A_123 : memref<1x2x4x112xi32, #tpu.memory_space<hbm>> -> memref<2x4x112xi32, #tpu.memory_space<hbm>>
      %dma_wait3A_125 = arith.constant 0 : i32
      %dma_wait3A_126 = arith.constant 0 : i32
      %dma_wait3A_127 = arith.constant 0 : i32
      %dma_wait3A_128 = tpu.memref_slice %arg3[%mul3A_38, %dma_wait3A_125, %dma_wait3A_126, %dma_wait3A_127] : memref<1536x2x4x112xi32, #tpu.memory_space<hbm>> -> memref<1x2x4x112xi32, #tpu.memory_space<hbm>>
      %dma_wait3A_129 = tpu.memref_squeeze %dma_wait3A_128 : memref<1x2x4x112xi32, #tpu.memory_space<hbm>> -> memref<2x4x112xi32, #tpu.memory_space<hbm>>
      tpu.wait_dma2 semaphore(%arg11 : memref<!tpu.dma_semaphore, #tpu.memory_space<semaphore_mem>>) src(%dma_wait3A_129 : memref<2x4x112xi32, #tpu.memory_space<hbm>>) dst(%arg7 : memref<2x4x112xi32, #tpu.memory_space<vmem>>)
      %dma_start3A_130 = arith.constant 0 : i32
      %dma_start3A_131 = arith.constant 3 : i32
      %dma_start3A_132 = arith.constant 0 : i32
      %dma_start3A_133 = tpu.memref_slice %arg6[%dma_start3A_130, %dma_start3A_131, %dma_start3A_132] : memref<2x4x112xi32, #tpu.memory_space<vmem>> -> memref<1x1x112xi32, #tpu.memory_space<vmem>>
      %dma_start3A_134 = tpu.memref_squeeze %dma_start3A_133 : memref<1x1x112xi32, #tpu.memory_space<vmem>> -> memref<112xi32, #tpu.memory_space<vmem>>
      %dma_start3A_135 = arith.constant 0 : i32
      %dma_start3A_136 = arith.constant 0 : i32
      %dma_start3A_137 = tpu.memref_slice %arg2[%dma_start3A_135, %dma_start3A_136] : memref<40960x128xf32, #tpu.memory_space<hbm>> -> memref<40960x128xf32, #tpu.memory_space<hbm>>
      tpu.enqueue_indirect_dma source(%dma_start3A_137 : memref<40960x128xf32, #tpu.memory_space<hbm>>) target(%arg9 : memref<112x128xf32, #tpu.memory_space<vmem>>) offsets(%dma_start3A_134 : memref<112xi32, #tpu.memory_space<vmem>>) semaphore(%arg13 : memref<!tpu.dma_semaphore, #tpu.memory_space<semaphore_mem>>)
      %dma_wait3A_138 = arith.constant 0 : i32
      %dma_wait3A_139 = arith.constant 2 : i32
      %dma_wait3A_140 = arith.constant 0 : i32
      %dma_wait3A_141 = tpu.memref_slice %arg6[%dma_wait3A_138, %dma_wait3A_139, %dma_wait3A_140] : memref<2x4x112xi32, #tpu.memory_space<vmem>> -> memref<1x1x112xi32, #tpu.memory_space<vmem>>
      %dma_wait3A_142 = tpu.memref_squeeze %dma_wait3A_141 : memref<1x1x112xi32, #tpu.memory_space<vmem>> -> memref<112xi32, #tpu.memory_space<vmem>>
      %dma_wait3A_143 = arith.constant 0 : i32
      %dma_wait3A_144 = arith.constant 0 : i32
      %dma_wait3A_145 = tpu.memref_slice %arg2[%dma_wait3A_143, %dma_wait3A_144] : memref<40960x128xf32, #tpu.memory_space<hbm>> -> memref<40960x128xf32, #tpu.memory_space<hbm>>
      tpu.wait_indirect_dma semaphore(%arg12 : memref<!tpu.dma_semaphore, #tpu.memory_space<semaphore_mem>>) src(%dma_wait3A_145 : memref<40960x128xf32, #tpu.memory_space<hbm>>) dst(%arg8 : memref<112x128xf32, #tpu.memory_space<vmem>>)
      %run_scoped3A_146 = arith.constant 1 : i32
      %run_scoped3A_147 = arith.constant 2 : i32
      "tpu.region"() ({
        %run_scoped3A_237 = tpu.sem_alloc : memref<!tpu.dma_semaphore, #tpu.memory_space<semaphore_mem>>
        %dma_start3A_238 = arith.constant 0 : i32
        %dma_start3A_239 = tpu.memref_slice %arg6[%run_scoped3A_146, %run_scoped3A_147, %dma_start3A_238] : memref<2x4x112xi32, #tpu.memory_space<vmem>> -> memref<1x1x112xi32, #tpu.memory_space<vmem>>
        %dma_start3A_240 = tpu.memref_squeeze %dma_start3A_239 : memref<1x1x112xi32, #tpu.memory_space<vmem>> -> memref<112xi32, #tpu.memory_space<vmem>>
        %dma_start3A_241 = arith.constant 0 : i32
        %dma_start3A_242 = arith.constant 0 : i32
        %dma_start3A_243 = tpu.memref_slice %arg14[%dma_start3A_241, %dma_start3A_242] : memref<10240x128xf32, #tpu.memory_space<vmem_shared>> -> memref<10240x128xf32, #tpu.memory_space<vmem_shared>>
        tpu.enqueue_indirect_dma source(%arg8 : memref<112x128xf32, #tpu.memory_space<vmem>>) target(%dma_start3A_243 : memref<10240x128xf32, #tpu.memory_space<vmem_shared>>) offsets(%dma_start3A_240 : memref<112xi32, #tpu.memory_space<vmem>>) semaphore(%run_scoped3A_237 : memref<!tpu.dma_semaphore, #tpu.memory_space<semaphore_mem>>) {add = true}
        %dma_wait3A_244 = arith.constant 0 : i32
        %dma_wait3A_245 = tpu.memref_slice %arg6[%run_scoped3A_146, %run_scoped3A_147, %dma_wait3A_244] : memref<2x4x112xi32, #tpu.memory_space<vmem>> -> memref<1x1x112xi32, #tpu.memory_space<vmem>>
        %dma_wait3A_246 = tpu.memref_squeeze %dma_wait3A_245 : memref<1x1x112xi32, #tpu.memory_space<vmem>> -> memref<112xi32, #tpu.memory_space<vmem>>
        %dma_wait3A_247 = arith.constant 0 : i32
        %dma_wait3A_248 = arith.constant 0 : i32
        %dma_wait3A_249 = tpu.memref_slice %arg14[%dma_wait3A_247, %dma_wait3A_248] : memref<10240x128xf32, #tpu.memory_space<vmem_shared>> -> memref<10240x128xf32, #tpu.memory_space<vmem_shared>>
        tpu.wait_indirect_dma semaphore(%run_scoped3A_237 : memref<!tpu.dma_semaphore, #tpu.memory_space<semaphore_mem>>) src(%arg8 : memref<112x128xf32, #tpu.memory_space<vmem>>) dst(%dma_wait3A_249 : memref<10240x128xf32, #tpu.memory_space<vmem_shared>>)
        tpu.yield
      }) : () -> ()
      %dma_start3A_148 = arith.constant 0 : i32
      %dma_start3A_149 = arith.constant 0 : i32
      %dma_start3A_150 = arith.constant 0 : i32
      %dma_start3A_151 = tpu.memref_slice %arg7[%dma_start3A_148, %dma_start3A_149, %dma_start3A_150] : memref<2x4x112xi32, #tpu.memory_space<vmem>> -> memref<1x1x112xi32, #tpu.memory_space<vmem>>
      %dma_start3A_152 = tpu.memref_squeeze %dma_start3A_151 : memref<1x1x112xi32, #tpu.memory_space<vmem>> -> memref<112xi32, #tpu.memory_space<vmem>>
      %dma_start3A_153 = arith.constant 0 : i32
      %dma_start3A_154 = arith.constant 0 : i32
      %dma_start3A_155 = tpu.memref_slice %arg2[%dma_start3A_153, %dma_start3A_154] : memref<40960x128xf32, #tpu.memory_space<hbm>> -> memref<40960x128xf32, #tpu.memory_space<hbm>>
      tpu.enqueue_indirect_dma source(%dma_start3A_155 : memref<40960x128xf32, #tpu.memory_space<hbm>>) target(%arg8 : memref<112x128xf32, #tpu.memory_space<vmem>>) offsets(%dma_start3A_152 : memref<112xi32, #tpu.memory_space<vmem>>) semaphore(%arg12 : memref<!tpu.dma_semaphore, #tpu.memory_space<semaphore_mem>>)
      %dma_wait3A_156 = arith.constant 0 : i32
      %dma_wait3A_157 = arith.constant 3 : i32
      %dma_wait3A_158 = arith.constant 0 : i32
      %dma_wait3A_159 = tpu.memref_slice %arg6[%dma_wait3A_156, %dma_wait3A_157, %dma_wait3A_158] : memref<2x4x112xi32, #tpu.memory_space<vmem>> -> memref<1x1x112xi32, #tpu.memory_space<vmem>>
      %dma_wait3A_160 = tpu.memref_squeeze %dma_wait3A_159 : memref<1x1x112xi32, #tpu.memory_space<vmem>> -> memref<112xi32, #tpu.memory_space<vmem>>
      %dma_wait3A_161 = arith.constant 0 : i32
      %dma_wait3A_162 = arith.constant 0 : i32
      %dma_wait3A_163 = tpu.memref_slice %arg2[%dma_wait3A_161, %dma_wait3A_162] : memref<40960x128xf32, #tpu.memory_space<hbm>> -> memref<40960x128xf32, #tpu.memory_space<hbm>>
      tpu.wait_indirect_dma semaphore(%arg13 : memref<!tpu.dma_semaphore, #tpu.memory_space<semaphore_mem>>) src(%dma_wait3A_163 : memref<40960x128xf32, #tpu.memory_space<hbm>>) dst(%arg9 : memref<112x128xf32, #tpu.memory_space<vmem>>)
      %run_scoped3A_164 = arith.constant 1 : i32
      %run_scoped3A_165 = arith.constant 3 : i32
      "tpu.region"() ({
        %run_scoped3A_237 = tpu.sem_alloc : memref<!tpu.dma_semaphore, #tpu.memory_space<semaphore_mem>>
        %dma_start3A_238 = arith.constant 0 : i32
        %dma_start3A_239 = tpu.memref_slice %arg6[%run_scoped3A_164, %run_scoped3A_165, %dma_start3A_238] : memref<2x4x112xi32, #tpu.memory_space<vmem>> -> memref<1x1x112xi32, #tpu.memory_space<vmem>>
        %dma_start3A_240 = tpu.memref_squeeze %dma_start3A_239 : memref<1x1x112xi32, #tpu.memory_space<vmem>> -> memref<112xi32, #tpu.memory_space<vmem>>
        %dma_start3A_241 = arith.constant 0 : i32
        %dma_start3A_242 = arith.constant 0 : i32
        %dma_start3A_243 = tpu.memref_slice %arg14[%dma_start3A_241, %dma_start3A_242] : memref<10240x128xf32, #tpu.memory_space<vmem_shared>> -> memref<10240x128xf32, #tpu.memory_space<vmem_shared>>
        tpu.enqueue_indirect_dma source(%arg9 : memref<112x128xf32, #tpu.memory_space<vmem>>) target(%dma_start3A_243 : memref<10240x128xf32, #tpu.memory_space<vmem_shared>>) offsets(%dma_start3A_240 : memref<112xi32, #tpu.memory_space<vmem>>) semaphore(%run_scoped3A_237 : memref<!tpu.dma_semaphore, #tpu.memory_space<semaphore_mem>>) {add = true}
        %dma_wait3A_244 = arith.constant 0 : i32
        %dma_wait3A_245 = tpu.memref_slice %arg6[%run_scoped3A_164, %run_scoped3A_165, %dma_wait3A_244] : memref<2x4x112xi32, #tpu.memory_space<vmem>> -> memref<1x1x112xi32, #tpu.memory_space<vmem>>
        %dma_wait3A_246 = tpu.memref_squeeze %dma_wait3A_245 : memref<1x1x112xi32, #tpu.memory_space<vmem>> -> memref<112xi32, #tpu.memory_space<vmem>>
        %dma_wait3A_247 = arith.constant 0 : i32
        %dma_wait3A_248 = arith.constant 0 : i32
        %dma_wait3A_249 = tpu.memref_slice %arg14[%dma_wait3A_247, %dma_wait3A_248] : memref<10240x128xf32, #tpu.memory_space<vmem_shared>> -> memref<10240x128xf32, #tpu.memory_space<vmem_shared>>
        tpu.wait_indirect_dma semaphore(%run_scoped3A_237 : memref<!tpu.dma_semaphore, #tpu.memory_space<semaphore_mem>>) src(%arg9 : memref<112x128xf32, #tpu.memory_space<vmem>>) dst(%dma_wait3A_249 : memref<10240x128xf32, #tpu.memory_space<vmem_shared>>)
        tpu.yield
      }) : () -> ()
      %convert_element_type3A = arith.extui %lt3A_72 : i1 to i32
      %cond3A = arith.constant 0 : i32
      %cond3A_166 = arith.cmpi ne, %convert_element_type3A, %cond3A : i32
      scf.if %cond3A_166 {
        %add3A_237 = arith.addi %mul3A_38, %mul3A_71 : i32
        %add3A_238 = arith.constant 2 : i32
        %add3A_239 = arith.addi %add3A_237, %add3A_238 : i32
        %dma_start3A_240 = arith.constant 0 : i32
        %dma_start3A_241 = arith.constant 0 : i32
        %dma_start3A_242 = arith.constant 0 : i32
        %dma_start3A_243 = tpu.memref_slice %arg3[%add3A_239, %dma_start3A_240, %dma_start3A_241, %dma_start3A_242] : memref<1536x2x4x112xi32, #tpu.memory_space<hbm>> -> memref<1x2x4x112xi32, #tpu.memory_space<hbm>>
        %dma_start3A_244 = tpu.memref_squeeze %dma_start3A_243 : memref<1x2x4x112xi32, #tpu.memory_space<hbm>> -> memref<2x4x112xi32, #tpu.memory_space<hbm>>
        %dma_start3A_245 = arith.constant 0 : i32
        %dma_start3A_246 = arith.constant 0 : i32
        %dma_start3A_247 = arith.constant 0 : i32
        %dma_start3A_248 = tpu.memref_slice %arg3[%add3A_239, %dma_start3A_245, %dma_start3A_246, %dma_start3A_247] : memref<1536x2x4x112xi32, #tpu.memory_space<hbm>> -> memref<1x2x4x112xi32, #tpu.memory_space<hbm>>
        %dma_start3A_249 = tpu.memref_squeeze %dma_start3A_248 : memref<1x2x4x112xi32, #tpu.memory_space<hbm>> -> memref<2x4x112xi32, #tpu.memory_space<hbm>>
        tpu.enqueue_dma source(%dma_start3A_249 : memref<2x4x112xi32, #tpu.memory_space<hbm>>) target(%arg6 : memref<2x4x112xi32, #tpu.memory_space<vmem>>) target_semaphore(%arg10 : memref<!tpu.dma_semaphore, #tpu.memory_space<semaphore_mem>>)
      } else {
      }
      %dma_start3A_167 = arith.constant 0 : i32
      %dma_start3A_168 = arith.constant 1 : i32
      %dma_start3A_169 = arith.constant 0 : i32
      %dma_start3A_170 = tpu.memref_slice %arg7[%dma_start3A_167, %dma_start3A_168, %dma_start3A_169] : memref<2x4x112xi32, #tpu.memory_space<vmem>> -> memref<1x1x112xi32, #tpu.memory_space<vmem>>
      %dma_start3A_171 = tpu.memref_squeeze %dma_start3A_170 : memref<1x1x112xi32, #tpu.memory_space<vmem>> -> memref<112xi32, #tpu.memory_space<vmem>>
      %dma_start3A_172 = arith.constant 0 : i32
      %dma_start3A_173 = arith.constant 0 : i32
      %dma_start3A_174 = tpu.memref_slice %arg2[%dma_start3A_172, %dma_start3A_173] : memref<40960x128xf32, #tpu.memory_space<hbm>> -> memref<40960x128xf32, #tpu.memory_space<hbm>>
      tpu.enqueue_indirect_dma source(%dma_start3A_174 : memref<40960x128xf32, #tpu.memory_space<hbm>>) target(%arg9 : memref<112x128xf32, #tpu.memory_space<vmem>>) offsets(%dma_start3A_171 : memref<112xi32, #tpu.memory_space<vmem>>) semaphore(%arg13 : memref<!tpu.dma_semaphore, #tpu.memory_space<semaphore_mem>>)
      %dma_wait3A_175 = arith.constant 0 : i32
      %dma_wait3A_176 = arith.constant 0 : i32
      %dma_wait3A_177 = arith.constant 0 : i32
      %dma_wait3A_178 = tpu.memref_slice %arg7[%dma_wait3A_175, %dma_wait3A_176, %dma_wait3A_177] : memref<2x4x112xi32, #tpu.memory_space<vmem>> -> memref<1x1x112xi32, #tpu.memory_space<vmem>>
      %dma_wait3A_179 = tpu.memref_squeeze %dma_wait3A_178 : memref<1x1x112xi32, #tpu.memory_space<vmem>> -> memref<112xi32, #tpu.memory_space<vmem>>
      %dma_wait3A_180 = arith.constant 0 : i32
      %dma_wait3A_181 = arith.constant 0 : i32
      %dma_wait3A_182 = tpu.memref_slice %arg2[%dma_wait3A_180, %dma_wait3A_181] : memref<40960x128xf32, #tpu.memory_space<hbm>> -> memref<40960x128xf32, #tpu.memory_space<hbm>>
      tpu.wait_indirect_dma semaphore(%arg12 : memref<!tpu.dma_semaphore, #tpu.memory_space<semaphore_mem>>) src(%dma_wait3A_182 : memref<40960x128xf32, #tpu.memory_space<hbm>>) dst(%arg8 : memref<112x128xf32, #tpu.memory_space<vmem>>)
      %run_scoped3A_183 = arith.constant 1 : i32
      %run_scoped3A_184 = arith.constant 0 : i32
      "tpu.region"() ({
        %run_scoped3A_237 = tpu.sem_alloc : memref<!tpu.dma_semaphore, #tpu.memory_space<semaphore_mem>>
        %dma_start3A_238 = arith.constant 0 : i32
        %dma_start3A_239 = tpu.memref_slice %arg7[%run_scoped3A_183, %run_scoped3A_184, %dma_start3A_238] : memref<2x4x112xi32, #tpu.memory_space<vmem>> -> memref<1x1x112xi32, #tpu.memory_space<vmem>>
        %dma_start3A_240 = tpu.memref_squeeze %dma_start3A_239 : memref<1x1x112xi32, #tpu.memory_space<vmem>> -> memref<112xi32, #tpu.memory_space<vmem>>
        %dma_start3A_241 = arith.constant 0 : i32
        %dma_start3A_242 = arith.constant 0 : i32
        %dma_start3A_243 = tpu.memref_slice %arg14[%dma_start3A_241, %dma_start3A_242] : memref<10240x128xf32, #tpu.memory_space<vmem_shared>> -> memref<10240x128xf32, #tpu.memory_space<vmem_shared>>
        tpu.enqueue_indirect_dma source(%arg8 : memref<112x128xf32, #tpu.memory_space<vmem>>) target(%dma_start3A_243 : memref<10240x128xf32, #tpu.memory_space<vmem_shared>>) offsets(%dma_start3A_240 : memref<112xi32, #tpu.memory_space<vmem>>) semaphore(%run_scoped3A_237 : memref<!tpu.dma_semaphore, #tpu.memory_space<semaphore_mem>>) {add = true}
        %dma_wait3A_244 = arith.constant 0 : i32
        %dma_wait3A_245 = tpu.memref_slice %arg7[%run_scoped3A_183, %run_scoped3A_184, %dma_wait3A_244] : memref<2x4x112xi32, #tpu.memory_space<vmem>> -> memref<1x1x112xi32, #tpu.memory_space<vmem>>
        %dma_wait3A_246 = tpu.memref_squeeze %dma_wait3A_245 : memref<1x1x112xi32, #tpu.memory_space<vmem>> -> memref<112xi32, #tpu.memory_space<vmem>>
        %dma_wait3A_247 = arith.constant 0 : i32
        %dma_wait3A_248 = arith.constant 0 : i32
        %dma_wait3A_249 = tpu.memref_slice %arg14[%dma_wait3A_247, %dma_wait3A_248] : memref<10240x128xf32, #tpu.memory_space<vmem_shared>> -> memref<10240x128xf32, #tpu.memory_space<vmem_shared>>
        tpu.wait_indirect_dma semaphore(%run_scoped3A_237 : memref<!tpu.dma_semaphore, #tpu.memory_space<semaphore_mem>>) src(%arg8 : memref<112x128xf32, #tpu.memory_space<vmem>>) dst(%dma_wait3A_249 : memref<10240x128xf32, #tpu.memory_space<vmem_shared>>)
        tpu.yield
      }) : () -> ()
      %dma_start3A_185 = arith.constant 0 : i32
      %dma_start3A_186 = arith.constant 2 : i32
      %dma_start3A_187 = arith.constant 0 : i32
      %dma_start3A_188 = tpu.memref_slice %arg7[%dma_start3A_185, %dma_start3A_186, %dma_start3A_187] : memref<2x4x112xi32, #tpu.memory_space<vmem>> -> memref<1x1x112xi32, #tpu.memory_space<vmem>>
      %dma_start3A_189 = tpu.memref_squeeze %dma_start3A_188 : memref<1x1x112xi32, #tpu.memory_space<vmem>> -> memref<112xi32, #tpu.memory_space<vmem>>
      %dma_start3A_190 = arith.constant 0 : i32
      %dma_start3A_191 = arith.constant 0 : i32
      %dma_start3A_192 = tpu.memref_slice %arg2[%dma_start3A_190, %dma_start3A_191] : memref<40960x128xf32, #tpu.memory_space<hbm>> -> memref<40960x128xf32, #tpu.memory_space<hbm>>
      tpu.enqueue_indirect_dma source(%dma_start3A_192 : memref<40960x128xf32, #tpu.memory_space<hbm>>) target(%arg8 : memref<112x128xf32, #tpu.memory_space<vmem>>) offsets(%dma_start3A_189 : memref<112xi32, #tpu.memory_space<vmem>>) semaphore(%arg12 : memref<!tpu.dma_semaphore, #tpu.memory_space<semaphore_mem>>)
      %dma_wait3A_193 = arith.constant 0 : i32
      %dma_wait3A_194 = arith.constant 1 : i32
      %dma_wait3A_195 = arith.constant 0 : i32
      %dma_wait3A_196 = tpu.memref_slice %arg7[%dma_wait3A_193, %dma_wait3A_194, %dma_wait3A_195] : memref<2x4x112xi32, #tpu.memory_space<vmem>> -> memref<1x1x112xi32, #tpu.memory_space<vmem>>
      %dma_wait3A_197 = tpu.memref_squeeze %dma_wait3A_196 : memref<1x1x112xi32, #tpu.memory_space<vmem>> -> memref<112xi32, #tpu.memory_space<vmem>>
      %dma_wait3A_198 = arith.constant 0 : i32
      %dma_wait3A_199 = arith.constant 0 : i32
      %dma_wait3A_200 = tpu.memref_slice %arg2[%dma_wait3A_198, %dma_wait3A_199] : memref<40960x128xf32, #tpu.memory_space<hbm>> -> memref<40960x128xf32, #tpu.memory_space<hbm>>
      tpu.wait_indirect_dma semaphore(%arg13 : memref<!tpu.dma_semaphore, #tpu.memory_space<semaphore_mem>>) src(%dma_wait3A_200 : memref<40960x128xf32, #tpu.memory_space<hbm>>) dst(%arg9 : memref<112x128xf32, #tpu.memory_space<vmem>>)
      %run_scoped3A_201 = arith.constant 1 : i32
      %run_scoped3A_202 = arith.constant 1 : i32
      "tpu.region"() ({
        %run_scoped3A_237 = tpu.sem_alloc : memref<!tpu.dma_semaphore, #tpu.memory_space<semaphore_mem>>
        %dma_start3A_238 = arith.constant 0 : i32
        %dma_start3A_239 = tpu.memref_slice %arg7[%run_scoped3A_201, %run_scoped3A_202, %dma_start3A_238] : memref<2x4x112xi32, #tpu.memory_space<vmem>> -> memref<1x1x112xi32, #tpu.memory_space<vmem>>
        %dma_start3A_240 = tpu.memref_squeeze %dma_start3A_239 : memref<1x1x112xi32, #tpu.memory_space<vmem>> -> memref<112xi32, #tpu.memory_space<vmem>>
        %dma_start3A_241 = arith.constant 0 : i32
        %dma_start3A_242 = arith.constant 0 : i32
        %dma_start3A_243 = tpu.memref_slice %arg14[%dma_start3A_241, %dma_start3A_242] : memref<10240x128xf32, #tpu.memory_space<vmem_shared>> -> memref<10240x128xf32, #tpu.memory_space<vmem_shared>>
        tpu.enqueue_indirect_dma source(%arg9 : memref<112x128xf32, #tpu.memory_space<vmem>>) target(%dma_start3A_243 : memref<10240x128xf32, #tpu.memory_space<vmem_shared>>) offsets(%dma_start3A_240 : memref<112xi32, #tpu.memory_space<vmem>>) semaphore(%run_scoped3A_237 : memref<!tpu.dma_semaphore, #tpu.memory_space<semaphore_mem>>) {add = true}
        %dma_wait3A_244 = arith.constant 0 : i32
        %dma_wait3A_245 = tpu.memref_slice %arg7[%run_scoped3A_201, %run_scoped3A_202, %dma_wait3A_244] : memref<2x4x112xi32, #tpu.memory_space<vmem>> -> memref<1x1x112xi32, #tpu.memory_space<vmem>>
        %dma_wait3A_246 = tpu.memref_squeeze %dma_wait3A_245 : memref<1x1x112xi32, #tpu.memory_space<vmem>> -> memref<112xi32, #tpu.memory_space<vmem>>
        %dma_wait3A_247 = arith.constant 0 : i32
        %dma_wait3A_248 = arith.constant 0 : i32
        %dma_wait3A_249 = tpu.memref_slice %arg14[%dma_wait3A_247, %dma_wait3A_248] : memref<10240x128xf32, #tpu.memory_space<vmem_shared>> -> memref<10240x128xf32, #tpu.memory_space<vmem_shared>>
        tpu.wait_indirect_dma semaphore(%run_scoped3A_237 : memref<!tpu.dma_semaphore, #tpu.memory_space<semaphore_mem>>) src(%arg9 : memref<112x128xf32, #tpu.memory_space<vmem>>) dst(%dma_wait3A_249 : memref<10240x128xf32, #tpu.memory_space<vmem_shared>>)
        tpu.yield
      }) : () -> ()
      %convert_element_type3A_203 = arith.extui %lt3A_72 : i1 to i32
      %cond3A_204 = arith.constant 0 : i32
      %cond3A_205 = arith.cmpi ne, %convert_element_type3A_203, %cond3A_204 : i32
      scf.if %cond3A_205 {
        %dma_wait3A_237 = arith.constant 0 : i32
        %dma_wait3A_238 = arith.constant 0 : i32
        %dma_wait3A_239 = arith.constant 0 : i32
        %dma_wait3A_240 = tpu.memref_slice %arg3[%mul3A_38, %dma_wait3A_237, %dma_wait3A_238, %dma_wait3A_239] : memref<1536x2x4x112xi32, #tpu.memory_space<hbm>> -> memref<1x2x4x112xi32, #tpu.memory_space<hbm>>
        %dma_wait3A_241 = tpu.memref_squeeze %dma_wait3A_240 : memref<1x2x4x112xi32, #tpu.memory_space<hbm>> -> memref<2x4x112xi32, #tpu.memory_space<hbm>>
        %dma_wait3A_242 = arith.constant 0 : i32
        %dma_wait3A_243 = arith.constant 0 : i32
        %dma_wait3A_244 = arith.constant 0 : i32
        %dma_wait3A_245 = tpu.memref_slice %arg3[%mul3A_38, %dma_wait3A_242, %dma_wait3A_243, %dma_wait3A_244] : memref<1536x2x4x112xi32, #tpu.memory_space<hbm>> -> memref<1x2x4x112xi32, #tpu.memory_space<hbm>>
        %dma_wait3A_246 = tpu.memref_squeeze %dma_wait3A_245 : memref<1x2x4x112xi32, #tpu.memory_space<hbm>> -> memref<2x4x112xi32, #tpu.memory_space<hbm>>
        tpu.wait_dma2 semaphore(%arg10 : memref<!tpu.dma_semaphore, #tpu.memory_space<semaphore_mem>>) src(%dma_wait3A_246 : memref<2x4x112xi32, #tpu.memory_space<hbm>>) dst(%arg6 : memref<2x4x112xi32, #tpu.memory_space<vmem>>)
      } else {
      }
      %dma_start3A_206 = arith.constant 0 : i32
      %dma_start3A_207 = arith.constant 3 : i32
      %dma_start3A_208 = arith.constant 0 : i32
      %dma_start3A_209 = tpu.memref_slice %arg7[%dma_start3A_206, %dma_start3A_207, %dma_start3A_208] : memref<2x4x112xi32, #tpu.memory_space<vmem>> -> memref<1x1x112xi32, #tpu.memory_space<vmem>>
      %dma_start3A_210 = tpu.memref_squeeze %dma_start3A_209 : memref<1x1x112xi32, #tpu.memory_space<vmem>> -> memref<112xi32, #tpu.memory_space<vmem>>
      %dma_start3A_211 = arith.constant 0 : i32
      %dma_start3A_212 = arith.constant 0 : i32
      %dma_start3A_213 = tpu.memref_slice %arg2[%dma_start3A_211, %dma_start3A_212] : memref<40960x128xf32, #tpu.memory_space<hbm>> -> memref<40960x128xf32, #tpu.memory_space<hbm>>
      tpu.enqueue_indirect_dma source(%dma_start3A_213 : memref<40960x128xf32, #tpu.memory_space<hbm>>) target(%arg9 : memref<112x128xf32, #tpu.memory_space<vmem>>) offsets(%dma_start3A_210 : memref<112xi32, #tpu.memory_space<vmem>>) semaphore(%arg13 : memref<!tpu.dma_semaphore, #tpu.memory_space<semaphore_mem>>)
      %dma_wait3A_214 = arith.constant 0 : i32
      %dma_wait3A_215 = arith.constant 2 : i32
      %dma_wait3A_216 = arith.constant 0 : i32
      %dma_wait3A_217 = tpu.memref_slice %arg7[%dma_wait3A_214, %dma_wait3A_215, %dma_wait3A_216] : memref<2x4x112xi32, #tpu.memory_space<vmem>> -> memref<1x1x112xi32, #tpu.memory_space<vmem>>
      %dma_wait3A_218 = tpu.memref_squeeze %dma_wait3A_217 : memref<1x1x112xi32, #tpu.memory_space<vmem>> -> memref<112xi32, #tpu.memory_space<vmem>>
      %dma_wait3A_219 = arith.constant 0 : i32
      %dma_wait3A_220 = arith.constant 0 : i32
      %dma_wait3A_221 = tpu.memref_slice %arg2[%dma_wait3A_219, %dma_wait3A_220] : memref<40960x128xf32, #tpu.memory_space<hbm>> -> memref<40960x128xf32, #tpu.memory_space<hbm>>
      tpu.wait_indirect_dma semaphore(%arg12 : memref<!tpu.dma_semaphore, #tpu.memory_space<semaphore_mem>>) src(%dma_wait3A_221 : memref<40960x128xf32, #tpu.memory_space<hbm>>) dst(%arg8 : memref<112x128xf32, #tpu.memory_space<vmem>>)
      %run_scoped3A_222 = arith.constant 1 : i32
      %run_scoped3A_223 = arith.constant 2 : i32
      "tpu.region"() ({
        %run_scoped3A_237 = tpu.sem_alloc : memref<!tpu.dma_semaphore, #tpu.memory_space<semaphore_mem>>
        %dma_start3A_238 = arith.constant 0 : i32
        %dma_start3A_239 = tpu.memref_slice %arg7[%run_scoped3A_222, %run_scoped3A_223, %dma_start3A_238] : memref<2x4x112xi32, #tpu.memory_space<vmem>> -> memref<1x1x112xi32, #tpu.memory_space<vmem>>
        %dma_start3A_240 = tpu.memref_squeeze %dma_start3A_239 : memref<1x1x112xi32, #tpu.memory_space<vmem>> -> memref<112xi32, #tpu.memory_space<vmem>>
        %dma_start3A_241 = arith.constant 0 : i32
        %dma_start3A_242 = arith.constant 0 : i32
        %dma_start3A_243 = tpu.memref_slice %arg14[%dma_start3A_241, %dma_start3A_242] : memref<10240x128xf32, #tpu.memory_space<vmem_shared>> -> memref<10240x128xf32, #tpu.memory_space<vmem_shared>>
        tpu.enqueue_indirect_dma source(%arg8 : memref<112x128xf32, #tpu.memory_space<vmem>>) target(%dma_start3A_243 : memref<10240x128xf32, #tpu.memory_space<vmem_shared>>) offsets(%dma_start3A_240 : memref<112xi32, #tpu.memory_space<vmem>>) semaphore(%run_scoped3A_237 : memref<!tpu.dma_semaphore, #tpu.memory_space<semaphore_mem>>) {add = true}
        %dma_wait3A_244 = arith.constant 0 : i32
        %dma_wait3A_245 = tpu.memref_slice %arg7[%run_scoped3A_222, %run_scoped3A_223, %dma_wait3A_244] : memref<2x4x112xi32, #tpu.memory_space<vmem>> -> memref<1x1x112xi32, #tpu.memory_space<vmem>>
        %dma_wait3A_246 = tpu.memref_squeeze %dma_wait3A_245 : memref<1x1x112xi32, #tpu.memory_space<vmem>> -> memref<112xi32, #tpu.memory_space<vmem>>
        %dma_wait3A_247 = arith.constant 0 : i32
        %dma_wait3A_248 = arith.constant 0 : i32
        %dma_wait3A_249 = tpu.memref_slice %arg14[%dma_wait3A_247, %dma_wait3A_248] : memref<10240x128xf32, #tpu.memory_space<vmem_shared>> -> memref<10240x128xf32, #tpu.memory_space<vmem_shared>>
        tpu.wait_indirect_dma semaphore(%run_scoped3A_237 : memref<!tpu.dma_semaphore, #tpu.memory_space<semaphore_mem>>) src(%arg8 : memref<112x128xf32, #tpu.memory_space<vmem>>) dst(%dma_wait3A_249 : memref<10240x128xf32, #tpu.memory_space<vmem_shared>>)
        tpu.yield
      }) : () -> ()
      %convert_element_type3A_224 = arith.extui %lt3A_72 : i1 to i32
      %cond3A_225 = arith.constant 0 : i32
      %cond3A_226 = arith.cmpi ne, %convert_element_type3A_224, %cond3A_225 : i32
      scf.if %cond3A_226 {
        %dma_start3A_237 = arith.constant 0 : i32
        %dma_start3A_238 = arith.constant 0 : i32
        %dma_start3A_239 = arith.constant 0 : i32
        %dma_start3A_240 = tpu.memref_slice %arg6[%dma_start3A_237, %dma_start3A_238, %dma_start3A_239] : memref<2x4x112xi32, #tpu.memory_space<vmem>> -> memref<1x1x112xi32, #tpu.memory_space<vmem>>
        %dma_start3A_241 = tpu.memref_squeeze %dma_start3A_240 : memref<1x1x112xi32, #tpu.memory_space<vmem>> -> memref<112xi32, #tpu.memory_space<vmem>>
        %dma_start3A_242 = arith.constant 0 : i32
        %dma_start3A_243 = arith.constant 0 : i32
        %dma_start3A_244 = tpu.memref_slice %arg2[%dma_start3A_242, %dma_start3A_243] : memref<40960x128xf32, #tpu.memory_space<hbm>> -> memref<40960x128xf32, #tpu.memory_space<hbm>>
        tpu.enqueue_indirect_dma source(%dma_start3A_244 : memref<40960x128xf32, #tpu.memory_space<hbm>>) target(%arg8 : memref<112x128xf32, #tpu.memory_space<vmem>>) offsets(%dma_start3A_241 : memref<112xi32, #tpu.memory_space<vmem>>) semaphore(%arg12 : memref<!tpu.dma_semaphore, #tpu.memory_space<semaphore_mem>>)
      } else {
      }
      %dma_wait3A_227 = arith.constant 0 : i32
      %dma_wait3A_228 = arith.constant 3 : i32
      %dma_wait3A_229 = arith.constant 0 : i32
      %dma_wait3A_230 = tpu.memref_slice %arg7[%dma_wait3A_227, %dma_wait3A_228, %dma_wait3A_229] : memref<2x4x112xi32, #tpu.memory_space<vmem>> -> memref<1x1x112xi32, #tpu.memory_space<vmem>>
      %dma_wait3A_231 = tpu.memref_squeeze %dma_wait3A_230 : memref<1x1x112xi32, #tpu.memory_space<vmem>> -> memref<112xi32, #tpu.memory_space<vmem>>
      %dma_wait3A_232 = arith.constant 0 : i32
      %dma_wait3A_233 = arith.constant 0 : i32
      %dma_wait3A_234 = tpu.memref_slice %arg2[%dma_wait3A_232, %dma_wait3A_233] : memref<40960x128xf32, #tpu.memory_space<hbm>> -> memref<40960x128xf32, #tpu.memory_space<hbm>>
      tpu.wait_indirect_dma semaphore(%arg13 : memref<!tpu.dma_semaphore, #tpu.memory_space<semaphore_mem>>) src(%dma_wait3A_234 : memref<40960x128xf32, #tpu.memory_space<hbm>>) dst(%arg9 : memref<112x128xf32, #tpu.memory_space<vmem>>)
      %run_scoped3A_235 = arith.constant 1 : i32
      %run_scoped3A_236 = arith.constant 3 : i32
      "tpu.region"() ({
        %run_scoped3A_237 = tpu.sem_alloc : memref<!tpu.dma_semaphore, #tpu.memory_space<semaphore_mem>>
        %dma_start3A_238 = arith.constant 0 : i32
        %dma_start3A_239 = tpu.memref_slice %arg7[%run_scoped3A_235, %run_scoped3A_236, %dma_start3A_238] : memref<2x4x112xi32, #tpu.memory_space<vmem>> -> memref<1x1x112xi32, #tpu.memory_space<vmem>>
        %dma_start3A_240 = tpu.memref_squeeze %dma_start3A_239 : memref<1x1x112xi32, #tpu.memory_space<vmem>> -> memref<112xi32, #tpu.memory_space<vmem>>
        %dma_start3A_241 = arith.constant 0 : i32
        %dma_start3A_242 = arith.constant 0 : i32
        %dma_start3A_243 = tpu.memref_slice %arg14[%dma_start3A_241, %dma_start3A_242] : memref<10240x128xf32, #tpu.memory_space<vmem_shared>> -> memref<10240x128xf32, #tpu.memory_space<vmem_shared>>
        tpu.enqueue_indirect_dma source(%arg9 : memref<112x128xf32, #tpu.memory_space<vmem>>) target(%dma_start3A_243 : memref<10240x128xf32, #tpu.memory_space<vmem_shared>>) offsets(%dma_start3A_240 : memref<112xi32, #tpu.memory_space<vmem>>) semaphore(%run_scoped3A_237 : memref<!tpu.dma_semaphore, #tpu.memory_space<semaphore_mem>>) {add = true}
        %dma_wait3A_244 = arith.constant 0 : i32
        %dma_wait3A_245 = tpu.memref_slice %arg7[%run_scoped3A_235, %run_scoped3A_236, %dma_wait3A_244] : memref<2x4x112xi32, #tpu.memory_space<vmem>> -> memref<1x1x112xi32, #tpu.memory_space<vmem>>
        %dma_wait3A_246 = tpu.memref_squeeze %dma_wait3A_245 : memref<1x1x112xi32, #tpu.memory_space<vmem>> -> memref<112xi32, #tpu.memory_space<vmem>>
        %dma_wait3A_247 = arith.constant 0 : i32
        %dma_wait3A_248 = arith.constant 0 : i32
        %dma_wait3A_249 = tpu.memref_slice %arg14[%dma_wait3A_247, %dma_wait3A_248] : memref<10240x128xf32, #tpu.memory_space<vmem_shared>> -> memref<10240x128xf32, #tpu.memory_space<vmem_shared>>
        tpu.wait_indirect_dma semaphore(%run_scoped3A_237 : memref<!tpu.dma_semaphore, #tpu.memory_space<semaphore_mem>>) src(%arg9 : memref<112x128xf32, #tpu.memory_space<vmem>>) dst(%dma_wait3A_249 : memref<10240x128xf32, #tpu.memory_space<vmem_shared>>)
        tpu.yield
      }) : () -> ()
    }
    %scan3A_56 = arith.constant 12 : i32
    %barrier3A_57 = arith.constant 0 : index
    tpu.barrier barrier_id(%barrier3A_57)
    %mul3A_58 = arith.constant 640 : i32
    %mul3A_59 = arith.muli %arg1, %mul3A_58 : i32
    %mul3A_60 = arith.constant 10240 : i32
    %mul3A_61 = arith.muli %add3A_33, %mul3A_60 : i32
    %mul3A_62 = arith.constant 640 : i32
    %mul3A_63 = arith.muli %arg1, %mul3A_62 : i32
    %add3A_64 = arith.addi %mul3A_61, %mul3A_63 : i32
    "tpu.region"() ({
      %run_scoped3A = tpu.sem_alloc : memref<!tpu.dma_semaphore, #tpu.memory_space<semaphore_mem>>
      %dma_start3A_65 = arith.constant 0 : i32
      %dma_start3A_66 = tpu.memref_slice %arg5[%add3A_64, %dma_start3A_65] : memref<40960x128xf32, #tpu.memory_space<hbm>> -> memref<640x128xf32, #tpu.memory_space<hbm>>
      %dma_start3A_67 = arith.constant 0 : i32
      %dma_start3A_68 = tpu.memref_slice %arg14[%mul3A_59, %dma_start3A_67] : memref<10240x128xf32, #tpu.memory_space<vmem_shared>> -> memref<640x128xf32, #tpu.memory_space<vmem_shared>>
      tpu.enqueue_dma source(%dma_start3A_68 : memref<640x128xf32, #tpu.memory_space<vmem_shared>>) target(%dma_start3A_66 : memref<640x128xf32, #tpu.memory_space<hbm>>) target_semaphore(%run_scoped3A : memref<!tpu.dma_semaphore, #tpu.memory_space<semaphore_mem>>)
      %dma_wait3A = arith.constant 0 : i32
      %dma_wait3A_69 = tpu.memref_slice %arg5[%add3A_64, %dma_wait3A] : memref<40960x128xf32, #tpu.memory_space<hbm>> -> memref<640x128xf32, #tpu.memory_space<hbm>>
      %dma_wait3A_70 = arith.constant 0 : i32
      %dma_wait3A_71 = tpu.memref_slice %arg14[%mul3A_59, %dma_wait3A_70] : memref<10240x128xf32, #tpu.memory_space<vmem_shared>> -> memref<640x128xf32, #tpu.memory_space<vmem_shared>>
      tpu.wait_dma2 semaphore(%run_scoped3A : memref<!tpu.dma_semaphore, #tpu.memory_space<semaphore_mem>>) src(%dma_wait3A_71 : memref<640x128xf32, #tpu.memory_space<vmem_shared>>) dst(%dma_wait3A_69 : memref<640x128xf32, #tpu.memory_space<hbm>>)
      tpu.yield
    }) : () -> ()
    return
  }
}

module attributes {stable_mosaic.version = 14 : i64} {
  func.func @_m0_body(%arg0: i32, %arg1: memref<1024x256xf32, #tpu.memory_space<vmem>>, %arg2: memref<256x512xf32, #tpu.memory_space<vmem>>, %arg3: memref<1024x512xf32, #tpu.memory_space<vmem>>) attributes {dimension_semantics = [#tpu.dimension_semantics<arbitrary>], iteration_bounds = array<i64: 10>, scalar_prefetch = 0 : i64, scratch_operands = 0 : i64, tpu.core_type = #tpu.core_type<tc>, window_params = [{transform_indices = @transform_0, window_bounds = array<i64: 1024, 256>}, {pipeline_mode = #tpu.pipeline_mode<synchronous>, transform_indices = @transform_1, window_bounds = array<i64: 256, 512>}, {transform_indices = @transform_2, window_bounds = array<i64: 1024, 512>}]} {
    %get3A = arith.constant 0 : index
    %get3A_0 = arith.constant 0 : index
    %get3A_1 = vector.load %arg1[%get3A, %get3A_0] : memref<1024x256xf32, #tpu.memory_space<vmem>>, vector<1024x256xf32>
    %get3A_2 = arith.constant 0 : index
    %get3A_3 = arith.constant 0 : index
    %get3A_4 = vector.load %arg2[%get3A_2, %get3A_3] : memref<256x512xf32, #tpu.memory_space<vmem>>, vector<256x512xf32>
    %dot_general3A = arith.constant dense<0.000000e+00> : vector<1024x512xf32>
    %dot_general3A_5 = tpu.matmul %get3A_1, %get3A_4, %dot_general3A {dimension_numbers = #tpu.dot_dimension_numbers<[1], [0], [0], [1], [0, 0, 1, 1], [], []>, transpose_lhs_hint = false} : vector<1024x256xf32>, vector<256x512xf32>, vector<1024x512xf32> -> vector<1024x512xf32>
    %swap3A = arith.constant 0 : index
    %swap3A_6 = arith.constant 0 : index
    %swap3A_7 = vector.load %arg3[%swap3A, %swap3A_6] : memref<1024x512xf32, #tpu.memory_space<vmem>>, vector<1024x512xf32>
    tpu.vector_store %arg3[%swap3A, %swap3A_6], %dot_general3A_5 {strides = array<i32>} : memref<1024x512xf32, #tpu.memory_space<vmem>>, vector<1024x512xf32>,
    return
  }
  func.func @transform_0(%arg0: i32) -> (i32, i32) {
    %c0_i32 = arith.constant 0 : i32
    %c0_i32_0 = arith.constant 0 : i32
    return %arg0, %c0_i32 : i32, i32
  }
  func.func @transform_1(%arg0: i32) -> (i32, i32) {
    %c0_i32 = arith.constant 0 : i32
    %c0_i32_0 = arith.constant 0 : i32
    %c0_i32_1 = arith.constant 0 : i32
    return %c0_i32, %c0_i32_0 : i32, i32
  }
  func.func @transform_2(%arg0: i32) -> (i32, i32) {
    %c0_i32 = arith.constant 0 : i32
    %c0_i32_0 = arith.constant 0 : i32
    return %arg0, %c0_i32 : i32, i32
  }
}

module attributes {stable_mosaic.version = 14 : i64} {
  func.func @_pre_body(%arg0: i32, %arg1: memref<2x1024x128xf32, #tpu.memory_space<vmem>>, %arg2: memref<1024x512xf32, #tpu.memory_space<vmem>>, %arg3: memref<4x1024x128xf32, #tpu.memory_space<vmem>>, %arg4: memref<1024x128xf32, #tpu.memory_space<vmem>>) attributes {dimension_semantics = [#tpu.dimension_semantics<arbitrary>], iteration_bounds = array<i64: 10>, scalar_prefetch = 0 : i64, scratch_operands = 0 : i64, tpu.core_type = #tpu.core_type<tc>, window_params = [{transform_indices = @transform_0, window_bounds = array<i64: 2, 1024, 128>}, {transform_indices = @transform_1, window_bounds = array<i64: 1024, 512>}, {transform_indices = @transform_2, window_bounds = array<i64: 4, 1024, 128>}, {transform_indices = @transform_3, window_bounds = array<i64: 1024, 128>}]} {
    %get3A = arith.constant 0 : index
    %get3A_0 = arith.constant 0 : index
    %get3A_1 = arith.constant 0 : index
    %get3A_2 = vector.load %arg1[%get3A, %get3A_0, %get3A_1] : memref<2x1024x128xf32, #tpu.memory_space<vmem>>, vector<1x1024x1xf32>
    %get3A_3 = vector.shape_cast %get3A_2 : vector<1x1024x1xf32> to vector<1024x1xf32>
    %get3A_4 = arith.constant 1 : index
    %get3A_5 = arith.constant 0 : index
    %get3A_6 = arith.constant 0 : index
    %get3A_7 = vector.load %arg1[%get3A_4, %get3A_5, %get3A_6] : memref<2x1024x128xf32, #tpu.memory_space<vmem>>, vector<1x1024x1xf32>
    %get3A_8 = vector.shape_cast %get3A_7 : vector<1x1024x1xf32> to vector<1024x1xf32>
    %add3A = arith.addf %get3A_3, %get3A_8 : vector<1024x1xf32>
    %gt3A = arith.constant 0.000000e+00 : f32
    %gt3A_9 = vector.broadcast %gt3A : f32 to vector<1024x1xf32>
    %gt3A_10 = arith.cmpf ogt, %add3A, %gt3A_9 : vector<1024x1xf32>
    %rsqrt3A = math.rsqrt %add3A : vector<1024x1xf32>
    %mul3A = arith.constant 5.000000e-01 : f32
    %mul3A_11 = vector.broadcast %mul3A : f32 to vector<1024x1xf32>
    %mul3A_12 = arith.mulf %mul3A_11, %add3A : vector<1024x1xf32>
    %mul3A_13 = arith.mulf %mul3A_12, %rsqrt3A : vector<1024x1xf32>
    %mul3A_14 = arith.mulf %mul3A_13, %rsqrt3A : vector<1024x1xf32>
    %sub3A = arith.constant 1.500000e+00 : f32
    %sub3A_15 = vector.broadcast %sub3A : f32 to vector<1024x1xf32>
    %sub3A_16 = arith.subf %sub3A_15, %mul3A_14 : vector<1024x1xf32>
    %mul3A_17 = arith.mulf %rsqrt3A, %sub3A_16 : vector<1024x1xf32>
    %jit3A = arith.constant 0.000000e+00 : f32
    %broadcast_in_dim3A = vector.broadcast %jit3A : f32 to vector<1024x1xf32>
    %select_n3A = arith.select %gt3A_10, %mul3A_17, %broadcast_in_dim3A : vector<1024x1xi1>, vector<1024x1xf32>
    %broadcast_in_dim3A_18 = vector.shape_cast %select_n3A : vector<1024x1xf32> to vector<1024x1xf32>
    %broadcast_in_dim3A_19 = vector.broadcast %broadcast_in_dim3A_18 : vector<1024x1xf32> to vector<1024x128xf32>
    %swap3A = arith.constant 0 : index
    %swap3A_20 = arith.constant 0 : index
    %swap3A_21 = vector.load %arg4[%swap3A, %swap3A_20] : memref<1024x128xf32, #tpu.memory_space<vmem>>, vector<1024x128xf32>
    tpu.vector_store %arg4[%swap3A, %swap3A_20], %broadcast_in_dim3A_19 {strides = array<i32>} : memref<1024x128xf32, #tpu.memory_space<vmem>>, vector<1024x128xf32>,
    %get3A_22 = arith.constant 0 : index
    %get3A_23 = arith.constant 0 : index
    %get3A_24 = vector.load %arg2[%get3A_22, %get3A_23] : memref<1024x512xf32, #tpu.memory_space<vmem>>, vector<1024x128xf32>
    %mul3A_25 = vector.broadcast %select_n3A : vector<1024x1xf32> to vector<1024x128xf32>
    %mul3A_26 = arith.mulf %get3A_24, %mul3A_25 : vector<1024x128xf32>
    %swap3A_27 = arith.constant 0 : index
    %swap3A_28 = arith.constant 0 : index
    %swap3A_29 = arith.constant 0 : index
    %swap3A_30 = vector.load %arg3[%swap3A_27, %swap3A_28, %swap3A_29] : memref<4x1024x128xf32, #tpu.memory_space<vmem>>, vector<1x1024x128xf32>
    %swap3A_31 = vector.shape_cast %swap3A_30 : vector<1x1024x128xf32> to vector<1024x128xf32>
    %swap3A_32 = vector.shape_cast %mul3A_26 : vector<1024x128xf32> to vector<1x1024x128xf32>
    tpu.vector_store %arg3[%swap3A_27, %swap3A_28, %swap3A_29], %swap3A_32 {strides = array<i32>} : memref<4x1024x128xf32, #tpu.memory_space<vmem>>, vector<1x1024x128xf32>,
    %get3A_33 = arith.constant 0 : index
    %get3A_34 = arith.constant 128 : index
    %get3A_35 = vector.load %arg2[%get3A_33, %get3A_34] : memref<1024x512xf32, #tpu.memory_space<vmem>>, vector<1024x128xf32>
    %mul3A_36 = vector.broadcast %select_n3A : vector<1024x1xf32> to vector<1024x128xf32>
    %mul3A_37 = arith.mulf %get3A_35, %mul3A_36 : vector<1024x128xf32>
    %swap3A_38 = arith.constant 1 : index
    %swap3A_39 = arith.constant 0 : index
    %swap3A_40 = arith.constant 0 : index
    %swap3A_41 = vector.load %arg3[%swap3A_38, %swap3A_39, %swap3A_40] : memref<4x1024x128xf32, #tpu.memory_space<vmem>>, vector<1x1024x128xf32>
    %swap3A_42 = vector.shape_cast %swap3A_41 : vector<1x1024x128xf32> to vector<1024x128xf32>
    %swap3A_43 = vector.shape_cast %mul3A_37 : vector<1024x128xf32> to vector<1x1024x128xf32>
    tpu.vector_store %arg3[%swap3A_38, %swap3A_39, %swap3A_40], %swap3A_43 {strides = array<i32>} : memref<4x1024x128xf32, #tpu.memory_space<vmem>>, vector<1x1024x128xf32>,
    %get3A_44 = arith.constant 0 : index
    %get3A_45 = arith.constant 256 : index
    %get3A_46 = vector.load %arg2[%get3A_44, %get3A_45] : memref<1024x512xf32, #tpu.memory_space<vmem>>, vector<1024x128xf32>
    %mul3A_47 = vector.broadcast %select_n3A : vector<1024x1xf32> to vector<1024x128xf32>
    %mul3A_48 = arith.mulf %get3A_46, %mul3A_47 : vector<1024x128xf32>
    %swap3A_49 = arith.constant 2 : index
    %swap3A_50 = arith.constant 0 : index
    %swap3A_51 = arith.constant 0 : index
    %swap3A_52 = vector.load %arg3[%swap3A_49, %swap3A_50, %swap3A_51] : memref<4x1024x128xf32, #tpu.memory_space<vmem>>, vector<1x1024x128xf32>
    %swap3A_53 = vector.shape_cast %swap3A_52 : vector<1x1024x128xf32> to vector<1024x128xf32>
    %swap3A_54 = vector.shape_cast %mul3A_48 : vector<1024x128xf32> to vector<1x1024x128xf32>
    tpu.vector_store %arg3[%swap3A_49, %swap3A_50, %swap3A_51], %swap3A_54 {strides = array<i32>} : memref<4x1024x128xf32, #tpu.memory_space<vmem>>, vector<1x1024x128xf32>,
    %get3A_55 = arith.constant 0 : index
    %get3A_56 = arith.constant 384 : index
    %get3A_57 = vector.load %arg2[%get3A_55, %get3A_56] : memref<1024x512xf32, #tpu.memory_space<vmem>>, vector<1024x128xf32>
    %mul3A_58 = vector.broadcast %select_n3A : vector<1024x1xf32> to vector<1024x128xf32>
    %mul3A_59 = arith.mulf %get3A_57, %mul3A_58 : vector<1024x128xf32>
    %swap3A_60 = arith.constant 3 : index
    %swap3A_61 = arith.constant 0 : index
    %swap3A_62 = arith.constant 0 : index
    %swap3A_63 = vector.load %arg3[%swap3A_60, %swap3A_61, %swap3A_62] : memref<4x1024x128xf32, #tpu.memory_space<vmem>>, vector<1x1024x128xf32>
    %swap3A_64 = vector.shape_cast %swap3A_63 : vector<1x1024x128xf32> to vector<1024x128xf32>
    %swap3A_65 = vector.shape_cast %mul3A_59 : vector<1024x128xf32> to vector<1x1024x128xf32>
    tpu.vector_store %arg3[%swap3A_60, %swap3A_61, %swap3A_62], %swap3A_65 {strides = array<i32>} : memref<4x1024x128xf32, #tpu.memory_space<vmem>>, vector<1x1024x128xf32>,
    return
  }
  func.func @transform_0(%arg0: i32) -> (i32, i32, i32) {
    %c0_i32 = arith.constant 0 : i32
    %c0_i32_0 = arith.constant 0 : i32
    %c0_i32_1 = arith.constant 0 : i32
    return %c0_i32, %arg0, %c0_i32_0 : i32, i32, i32
  }
  func.func @transform_1(%arg0: i32) -> (i32, i32) {
    %c0_i32 = arith.constant 0 : i32
    %c0_i32_0 = arith.constant 0 : i32
    return %arg0, %c0_i32 : i32, i32
  }
  func.func @transform_2(%arg0: i32) -> (i32, i32, i32) {
    %c0_i32 = arith.constant 0 : i32
    %c0_i32_0 = arith.constant 0 : i32
    %c0_i32_1 = arith.constant 0 : i32
    return %c0_i32, %arg0, %c0_i32_0 : i32, i32, i32
  }
  func.func @transform_3(%arg0: i32) -> (i32, i32) {
    %c0_i32 = arith.constant 0 : i32
    %c0_i32_0 = arith.constant 0 : i32
    return %arg0, %c0_i32 : i32, i32
  }
}

module attributes {stable_mosaic.version = 14 : i64} {
  func.func @_mm_stats_body(%arg0: i32, %arg1: memref<4x1024x128xf32, #tpu.memory_space<vmem>>, %arg2: memref<1024x128xf32, #tpu.memory_space<vmem>>, %arg3: memref<1x512xf32, #tpu.memory_space<vmem>>, %arg4: memref<1024x512xf32, #tpu.memory_space<vmem>>, %arg5: memref<1x512xf32, #tpu.memory_space<vmem>>, %arg6: memref<1x512xf32, #tpu.memory_space<vmem>>) attributes {dimension_semantics = [#tpu.dimension_semantics<arbitrary>], iteration_bounds = array<i64: 10>, scalar_prefetch = 0 : i64, scratch_operands = 0 : i64, tpu.core_type = #tpu.core_type<tc>, window_params = [{transform_indices = @transform_0, window_bounds = array<i64: 4, 1024, 128>}, {transform_indices = @transform_1, window_bounds = array<i64: 1024, 128>}, {pipeline_mode = #tpu.pipeline_mode<synchronous>, transform_indices = @transform_2, window_bounds = array<i64: 1, 512>}, {transform_indices = @transform_3, window_bounds = array<i64: 1024, 512>}, {pipeline_mode = #tpu.pipeline_mode<synchronous>, transform_indices = @transform_4, window_bounds = array<i64: 1, 512>}, {pipeline_mode = #tpu.pipeline_mode<synchronous>, transform_indices = @transform_5, window_bounds = array<i64: 1, 512>}]} {
    %get3A = arith.constant 0 : index
    %get3A_0 = arith.constant 0 : index
    %get3A_1 = arith.constant 0 : index
    %get3A_2 = vector.load %arg1[%get3A, %get3A_0, %get3A_1] : memref<4x1024x128xf32, #tpu.memory_space<vmem>>, vector<1x1024x128xf32>
    %get3A_3 = vector.shape_cast %get3A_2 : vector<1x1024x128xf32> to vector<1024x128xf32>
    %get3A_4 = arith.constant 0 : index
    %get3A_5 = arith.constant 0 : index
    %get3A_6 = vector.load %arg2[%get3A_4, %get3A_5] : memref<1024x128xf32, #tpu.memory_space<vmem>>, vector<1024x128xf32>
    %mul3A = arith.mulf %get3A_3, %get3A_6 : vector<1024x128xf32>
    %get3A_7 = arith.constant 1 : index
    %get3A_8 = arith.constant 0 : index
    %get3A_9 = arith.constant 0 : index
    %get3A_10 = vector.load %arg1[%get3A_7, %get3A_8, %get3A_9] : memref<4x1024x128xf32, #tpu.memory_space<vmem>>, vector<1x1024x128xf32>
    %get3A_11 = vector.shape_cast %get3A_10 : vector<1x1024x128xf32> to vector<1024x128xf32>
    %get3A_12 = arith.constant 0 : index
    %get3A_13 = arith.constant 0 : index
    %get3A_14 = vector.load %arg2[%get3A_12, %get3A_13] : memref<1024x128xf32, #tpu.memory_space<vmem>>, vector<1024x128xf32>
    %mul3A_15 = arith.mulf %get3A_11, %get3A_14 : vector<1024x128xf32>
    %get3A_16 = arith.constant 2 : index
    %get3A_17 = arith.constant 0 : index
    %get3A_18 = arith.constant 0 : index
    %get3A_19 = vector.load %arg1[%get3A_16, %get3A_17, %get3A_18] : memref<4x1024x128xf32, #tpu.memory_space<vmem>>, vector<1x1024x128xf32>
    %get3A_20 = vector.shape_cast %get3A_19 : vector<1x1024x128xf32> to vector<1024x128xf32>
    %get3A_21 = arith.constant 0 : index
    %get3A_22 = arith.constant 0 : index
    %get3A_23 = vector.load %arg2[%get3A_21, %get3A_22] : memref<1024x128xf32, #tpu.memory_space<vmem>>, vector<1024x128xf32>
    %mul3A_24 = arith.mulf %get3A_20, %get3A_23 : vector<1024x128xf32>
    %get3A_25 = arith.constant 3 : index
    %get3A_26 = arith.constant 0 : index
    %get3A_27 = arith.constant 0 : index
    %get3A_28 = vector.load %arg1[%get3A_25, %get3A_26, %get3A_27] : memref<4x1024x128xf32, #tpu.memory_space<vmem>>, vector<1x1024x128xf32>
    %get3A_29 = vector.shape_cast %get3A_28 : vector<1x1024x128xf32> to vector<1024x128xf32>
    %get3A_30 = arith.constant 0 : index
    %get3A_31 = arith.constant 0 : index
    %get3A_32 = vector.load %arg2[%get3A_30, %get3A_31] : memref<1024x128xf32, #tpu.memory_space<vmem>>, vector<1024x128xf32>
    %mul3A_33 = arith.mulf %get3A_29, %get3A_32 : vector<1024x128xf32>
    %concatenate3A = tpu.concatenate %mul3A, %mul3A_15, %mul3A_24, %mul3A_33 in 1 : vector<1024x128xf32>, vector<1024x128xf32>, vector<1024x128xf32>, vector<1024x128xf32> -> vector<1024x512xf32>
    %get3A_34 = arith.constant 0 : index
    %get3A_35 = arith.constant 0 : index
    %get3A_36 = vector.load %arg3[%get3A_34, %get3A_35] : memref<1x512xf32, #tpu.memory_space<vmem>>, vector<1x512xf32>
    %add3A = vector.broadcast %get3A_36 : vector<1x512xf32> to vector<1024x512xf32>
    %add3A_37 = arith.addf %concatenate3A, %add3A : vector<1024x512xf32>
    %max3A = arith.constant 0.000000e+00 : f32
    %max3A_38 = vector.broadcast %max3A : f32 to vector<1024x512xf32>
    %max3A_39 = arith.maximumf %add3A_37, %max3A_38 : vector<1024x512xf32>
    %iota3A = tpu.iota {dimensions = array<i32: 0>} : vector<1024x1xi32>
    %mul3A_40 = arith.constant 1024 : i32
    %mul3A_41 = arith.muli %arg0, %mul3A_40 : i32
    %add3A_42 = vector.broadcast %mul3A_41 : i32 to vector<1024x1xi32>
    %add3A_43 = arith.addi %iota3A, %add3A_42 : vector<1024x1xi32>
    %lt3A = arith.constant 10000 : i32
    %lt3A_44 = vector.broadcast %lt3A : i32 to vector<1024x1xi32>
    %lt3A_45 = arith.cmpi slt, %add3A_43, %lt3A_44 : vector<1024x1xi32>
    %jit3A = arith.constant 0.000000e+00 : f32
    %broadcast_in_dim3A = vector.shape_cast %lt3A_45 : vector<1024x1xi1> to vector<1024x1xi1>
    %broadcast_in_dim3A_46 = vector.broadcast %broadcast_in_dim3A : vector<1024x1xi1> to vector<1024x512xi1>
    %broadcast_in_dim3A_47 = vector.broadcast %jit3A : f32 to vector<1024x512xf32>
    %select_n3A = arith.select %broadcast_in_dim3A_46, %max3A_39, %broadcast_in_dim3A_47 : vector<1024x512xi1>, vector<1024x512xf32>
    %swap3A = arith.constant 0 : index
    %swap3A_48 = arith.constant 0 : index
    %swap3A_49 = vector.load %arg4[%swap3A, %swap3A_48] : memref<1024x512xf32, #tpu.memory_space<vmem>>, vector<1024x512xf32>
    tpu.vector_store %arg4[%swap3A, %swap3A_48], %select_n3A {strides = array<i32>} : memref<1024x512xf32, #tpu.memory_space<vmem>>, vector<1024x512xf32>,
    %eq3A = arith.constant 0 : i32
    %eq3A_50 = arith.cmpi eq, %arg0, %eq3A : i32
    %convert_element_type3A = arith.extui %eq3A_50 : i1 to i32
    %cond3A = arith.constant 0 : i32
    %cond3A_51 = arith.cmpi ne, %convert_element_type3A, %cond3A : i32
    scf.if %cond3A_51 {
      %broadcast_in_dim3A_72 = arith.constant 0.000000e+00 : f32
      %broadcast_in_dim3A_73 = vector.broadcast %broadcast_in_dim3A_72 : f32 to vector<1x512xf32>
      %swap3A_74 = arith.constant 0 : index
      %swap3A_75 = arith.constant 0 : index
      %swap3A_76 = vector.load %arg5[%swap3A_74, %swap3A_75] : memref<1x512xf32, #tpu.memory_space<vmem>>, vector<1x512xf32>
      tpu.vector_store %arg5[%swap3A_74, %swap3A_75], %broadcast_in_dim3A_73 {strides = array<i32>} : memref<1x512xf32, #tpu.memory_space<vmem>>, vector<1x512xf32>,
      %broadcast_in_dim3A_77 = arith.constant 0.000000e+00 : f32
      %broadcast_in_dim3A_78 = vector.broadcast %broadcast_in_dim3A_77 : f32 to vector<1x512xf32>
      %swap3A_79 = arith.constant 0 : index
      %swap3A_80 = arith.constant 0 : index
      %swap3A_81 = vector.load %arg6[%swap3A_79, %swap3A_80] : memref<1x512xf32, #tpu.memory_space<vmem>>, vector<1x512xf32>
      tpu.vector_store %arg6[%swap3A_79, %swap3A_80], %broadcast_in_dim3A_78 {strides = array<i32>} : memref<1x512xf32, #tpu.memory_space<vmem>>, vector<1x512xf32>,
    } else {
    }
    %get3A_52 = arith.constant 0 : index
    %get3A_53 = arith.constant 0 : index
    %get3A_54 = vector.load %arg5[%get3A_52, %get3A_53] : memref<1x512xf32, #tpu.memory_space<vmem>>, vector<1x512xf32>
    %reduce_sum3A = arith.constant dense<0.000000e+00> : vector<512xf32>
    %reduce_sum3A_55 = vector.multi_reduction <add>, %select_n3A, %reduce_sum3A [0] : vector<1024x512xf32> to vector<512xf32>
    %broadcast_in_dim3A_56 = vector.shape_cast %reduce_sum3A_55 : vector<512xf32> to vector<1x512xf32>
    %add3A_57 = arith.addf %get3A_54, %broadcast_in_dim3A_56 : vector<1x512xf32>
    %swap3A_58 = arith.constant 0 : index
    %swap3A_59 = arith.constant 0 : index
    %swap3A_60 = vector.load %arg5[%swap3A_58, %swap3A_59] : memref<1x512xf32, #tpu.memory_space<vmem>>, vector<1x512xf32>
    tpu.vector_store %arg5[%swap3A_58, %swap3A_59], %add3A_57 {strides = array<i32>} : memref<1x512xf32, #tpu.memory_space<vmem>>, vector<1x512xf32>,
    %get3A_61 = arith.constant 0 : index
    %get3A_62 = arith.constant 0 : index
    %get3A_63 = vector.load %arg6[%get3A_61, %get3A_62] : memref<1x512xf32, #tpu.memory_space<vmem>>, vector<1x512xf32>
    %mul3A_64 = arith.mulf %select_n3A, %select_n3A : vector<1024x512xf32>
    %reduce_sum3A_65 = arith.constant dense<0.000000e+00> : vector<512xf32>
    %reduce_sum3A_66 = vector.multi_reduction <add>, %mul3A_64, %reduce_sum3A_65 [0] : vector<1024x512xf32> to vector<512xf32>
    %broadcast_in_dim3A_67 = vector.shape_cast %reduce_sum3A_66 : vector<512xf32> to vector<1x512xf32>
    %add3A_68 = arith.addf %get3A_63, %broadcast_in_dim3A_67 : vector<1x512xf32>
    %swap3A_69 = arith.constant 0 : index
    %swap3A_70 = arith.constant 0 : index
    %swap3A_71 = vector.load %arg6[%swap3A_69, %swap3A_70] : memref<1x512xf32, #tpu.memory_space<vmem>>, vector<1x512xf32>
    tpu.vector_store %arg6[%swap3A_69, %swap3A_70], %add3A_68 {strides = array<i32>} : memref<1x512xf32, #tpu.memory_space<vmem>>, vector<1x512xf32>,
    return
  }
  func.func @transform_0(%arg0: i32) -> (i32, i32, i32) {
    %c0_i32 = arith.constant 0 : i32
    %c0_i32_0 = arith.constant 0 : i32
    %c0_i32_1 = arith.constant 0 : i32
    return %c0_i32, %arg0, %c0_i32_0 : i32, i32, i32
  }
  func.func @transform_1(%arg0: i32) -> (i32, i32) {
    %c0_i32 = arith.constant 0 : i32
    %c0_i32_0 = arith.constant 0 : i32
    return %arg0, %c0_i32 : i32, i32
  }
  func.func @transform_2(%arg0: i32) -> (i32, i32) {
    %c0_i32 = arith.constant 0 : i32
    %c0_i32_0 = arith.constant 0 : i32
    %c0_i32_1 = arith.constant 0 : i32
    return %c0_i32, %c0_i32_0 : i32, i32
  }
  func.func @transform_3(%arg0: i32) -> (i32, i32) {
    %c0_i32 = arith.constant 0 : i32
    %c0_i32_0 = arith.constant 0 : i32
    return %arg0, %c0_i32 : i32, i32
  }
  func.func @transform_4(%arg0: i32) -> (i32, i32) {
    %c0_i32 = arith.constant 0 : i32
    %c0_i32_0 = arith.constant 0 : i32
    %c0_i32_1 = arith.constant 0 : i32
    return %c0_i32, %c0_i32_0 : i32, i32
  }
  func.func @transform_5(%arg0: i32) -> (i32, i32) {
    %c0_i32 = arith.constant 0 : i32
    %c0_i32_0 = arith.constant 0 : i32
    %c0_i32_1 = arith.constant 0 : i32
    return %c0_i32, %c0_i32_0 : i32, i32
  }
}

module attributes {stable_mosaic.version = 14 : i64} {
  func.func @_bn_next_body(%arg0: i32, %arg1: memref<1024x512xf32, #tpu.memory_space<vmem>>, %arg2: memref<1x512xf32, #tpu.memory_space<vmem>>, %arg3: memref<1x512xf32, #tpu.memory_space<vmem>>, %arg4: memref<1x512xf32, #tpu.memory_space<vmem>>, %arg5: memref<1x512xf32, #tpu.memory_space<vmem>>, %arg6: memref<1024x128xf32, #tpu.memory_space<vmem>>, %arg7: memref<512x512xf32, #tpu.memory_space<vmem>>, %arg8: memref<4x1024x128xf32, #tpu.memory_space<vmem>>) attributes {dimension_semantics = [#tpu.dimension_semantics<arbitrary>], iteration_bounds = array<i64: 10>, scalar_prefetch = 0 : i64, scratch_operands = 0 : i64, tpu.core_type = #tpu.core_type<tc>, window_params = [{transform_indices = @transform_0, window_bounds = array<i64: 1024, 512>}, {pipeline_mode = #tpu.pipeline_mode<synchronous>, transform_indices = @transform_1, window_bounds = array<i64: 1, 512>}, {pipeline_mode = #tpu.pipeline_mode<synchronous>, transform_indices = @transform_2, window_bounds = array<i64: 1, 512>}, {pipeline_mode = #tpu.pipeline_mode<synchronous>, transform_indices = @transform_3, window_bounds = array<i64: 1, 512>}, {pipeline_mode = #tpu.pipeline_mode<synchronous>, transform_indices = @transform_4, window_bounds = array<i64: 1, 512>}, {transform_indices = @transform_5, window_bounds = array<i64: 1024, 128>}, {pipeline_mode = #tpu.pipeline_mode<synchronous>, transform_indices = @transform_6, window_bounds = array<i64: 512, 512>}, {transform_indices = @transform_7, window_bounds = array<i64: 4, 1024, 128>}]} {
    %get3A = arith.constant 0 : index
    %get3A_0 = arith.constant 0 : index
    %get3A_1 = vector.load %arg2[%get3A, %get3A_0] : memref<1x512xf32, #tpu.memory_space<vmem>>, vector<1x512xf32>
    %mul3A = arith.constant 9.99999974E-5 : f32
    %mul3A_2 = vector.broadcast %mul3A : f32 to vector<1x512xf32>
    %mul3A_3 = arith.mulf %get3A_1, %mul3A_2 : vector<1x512xf32>
    %get3A_4 = arith.constant 0 : index
    %get3A_5 = arith.constant 0 : index
    %get3A_6 = vector.load %arg3[%get3A_4, %get3A_5] : memref<1x512xf32, #tpu.memory_space<vmem>>, vector<1x512xf32>
    %mul3A_7 = arith.constant 9.99999974E-5 : f32
    %mul3A_8 = vector.broadcast %mul3A_7 : f32 to vector<1x512xf32>
    %mul3A_9 = arith.mulf %get3A_6, %mul3A_8 : vector<1x512xf32>
    %mul3A_10 = arith.mulf %mul3A_3, %mul3A_3 : vector<1x512xf32>
    %sub3A = arith.subf %mul3A_9, %mul3A_10 : vector<1x512xf32>
    %add3A = arith.constant 1.000000e-03 : f32
    %add3A_11 = vector.broadcast %add3A : f32 to vector<1x512xf32>
    %add3A_12 = arith.addf %sub3A, %add3A_11 : vector<1x512xf32>
    %rsqrt3A = math.rsqrt %add3A_12 : vector<1x512xf32>
    %mul3A_13 = arith.constant 5.000000e-01 : f32
    %mul3A_14 = vector.broadcast %mul3A_13 : f32 to vector<1x512xf32>
    %mul3A_15 = arith.mulf %mul3A_14, %add3A_12 : vector<1x512xf32>
    %mul3A_16 = arith.mulf %mul3A_15, %rsqrt3A : vector<1x512xf32>
    %mul3A_17 = arith.mulf %mul3A_16, %rsqrt3A : vector<1x512xf32>
    %sub3A_18 = arith.constant 1.500000e+00 : f32
    %sub3A_19 = vector.broadcast %sub3A_18 : f32 to vector<1x512xf32>
    %sub3A_20 = arith.subf %sub3A_19, %mul3A_17 : vector<1x512xf32>
    %mul3A_21 = arith.mulf %rsqrt3A, %sub3A_20 : vector<1x512xf32>
    %get3A_22 = arith.constant 0 : index
    %get3A_23 = arith.constant 0 : index
    %get3A_24 = vector.load %arg1[%get3A_22, %get3A_23] : memref<1024x512xf32, #tpu.memory_space<vmem>>, vector<1024x512xf32>
    %sub3A_25 = vector.broadcast %mul3A_3 : vector<1x512xf32> to vector<1024x512xf32>
    %sub3A_26 = arith.subf %get3A_24, %sub3A_25 : vector<1024x512xf32>
    %mul3A_27 = vector.broadcast %mul3A_21 : vector<1x512xf32> to vector<1024x512xf32>
    %mul3A_28 = arith.mulf %sub3A_26, %mul3A_27 : vector<1024x512xf32>
    %get3A_29 = arith.constant 0 : index
    %get3A_30 = arith.constant 0 : index
    %get3A_31 = vector.load %arg4[%get3A_29, %get3A_30] : memref<1x512xf32, #tpu.memory_space<vmem>>, vector<1x512xf32>
    %mul3A_32 = vector.broadcast %get3A_31 : vector<1x512xf32> to vector<1024x512xf32>
    %mul3A_33 = arith.mulf %mul3A_28, %mul3A_32 : vector<1024x512xf32>
    %get3A_34 = arith.constant 0 : index
    %get3A_35 = arith.constant 0 : index
    %get3A_36 = vector.load %arg5[%get3A_34, %get3A_35] : memref<1x512xf32, #tpu.memory_space<vmem>>, vector<1x512xf32>
    %add3A_37 = vector.broadcast %get3A_36 : vector<1x512xf32> to vector<1024x512xf32>
    %add3A_38 = arith.addf %mul3A_33, %add3A_37 : vector<1024x512xf32>
    %max3A = arith.constant 0.000000e+00 : f32
    %max3A_39 = vector.broadcast %max3A : f32 to vector<1024x512xf32>
    %max3A_40 = arith.maximumf %add3A_38, %max3A_39 : vector<1024x512xf32>
    %get3A_41 = arith.constant 0 : index
    %get3A_42 = arith.constant 0 : index
    %get3A_43 = vector.load %arg7[%get3A_41, %get3A_42] : memref<512x512xf32, #tpu.memory_space<vmem>>, vector<512x512xf32>
    %dot_general3A = arith.constant dense<0.000000e+00> : vector<1024x512xf32>
    %dot_general3A_44 = tpu.matmul %max3A_40, %get3A_43, %dot_general3A {dimension_numbers = #tpu.dot_dimension_numbers<[1], [0], [0], [1], [0, 0, 1, 1], [], []>, transpose_lhs_hint = false} : vector<1024x512xf32>, vector<512x512xf32>, vector<1024x512xf32> -> vector<1024x512xf32>
    %get3A_45 = arith.constant 0 : index
    %get3A_46 = arith.constant 0 : index
    %get3A_47 = vector.load %arg6[%get3A_45, %get3A_46] : memref<1024x128xf32, #tpu.memory_space<vmem>>, vector<1024x128xf32>
    %slice3A = vector.extract_strided_slice %dot_general3A_44 {offsets = [0, 0], sizes = [1024, 128], strides = [1, 1]} : vector<1024x512xf32> to vector<1024x128xf32>
    %mul3A_48 = arith.mulf %slice3A, %get3A_47 : vector<1024x128xf32>
    %swap3A = arith.constant 0 : index
    %swap3A_49 = arith.constant 0 : index
    %swap3A_50 = arith.constant 0 : index
    %swap3A_51 = vector.load %arg8[%swap3A, %swap3A_49, %swap3A_50] : memref<4x1024x128xf32, #tpu.memory_space<vmem>>, vector<1x1024x128xf32>
    %swap3A_52 = vector.shape_cast %swap3A_51 : vector<1x1024x128xf32> to vector<1024x128xf32>
    %swap3A_53 = vector.shape_cast %mul3A_48 : vector<1024x128xf32> to vector<1x1024x128xf32>
    tpu.vector_store %arg8[%swap3A, %swap3A_49, %swap3A_50], %swap3A_53 {strides = array<i32>} : memref<4x1024x128xf32, #tpu.memory_space<vmem>>, vector<1x1024x128xf32>,
    %slice3A_54 = vector.extract_strided_slice %dot_general3A_44 {offsets = [0, 128], sizes = [1024, 128], strides = [1, 1]} : vector<1024x512xf32> to vector<1024x128xf32>
    %mul3A_55 = arith.mulf %slice3A_54, %get3A_47 : vector<1024x128xf32>
    %swap3A_56 = arith.constant 1 : index
    %swap3A_57 = arith.constant 0 : index
    %swap3A_58 = arith.constant 0 : index
    %swap3A_59 = vector.load %arg8[%swap3A_56, %swap3A_57, %swap3A_58] : memref<4x1024x128xf32, #tpu.memory_space<vmem>>, vector<1x1024x128xf32>
    %swap3A_60 = vector.shape_cast %swap3A_59 : vector<1x1024x128xf32> to vector<1024x128xf32>
    %swap3A_61 = vector.shape_cast %mul3A_55 : vector<1024x128xf32> to vector<1x1024x128xf32>
    tpu.vector_store %arg8[%swap3A_56, %swap3A_57, %swap3A_58], %swap3A_61 {strides = array<i32>} : memref<4x1024x128xf32, #tpu.memory_space<vmem>>, vector<1x1024x128xf32>,
    %slice3A_62 = vector.extract_strided_slice %dot_general3A_44 {offsets = [0, 256], sizes = [1024, 128], strides = [1, 1]} : vector<1024x512xf32> to vector<1024x128xf32>
    %mul3A_63 = arith.mulf %slice3A_62, %get3A_47 : vector<1024x128xf32>
    %swap3A_64 = arith.constant 2 : index
    %swap3A_65 = arith.constant 0 : index
    %swap3A_66 = arith.constant 0 : index
    %swap3A_67 = vector.load %arg8[%swap3A_64, %swap3A_65, %swap3A_66] : memref<4x1024x128xf32, #tpu.memory_space<vmem>>, vector<1x1024x128xf32>
    %swap3A_68 = vector.shape_cast %swap3A_67 : vector<1x1024x128xf32> to vector<1024x128xf32>
    %swap3A_69 = vector.shape_cast %mul3A_63 : vector<1024x128xf32> to vector<1x1024x128xf32>
    tpu.vector_store %arg8[%swap3A_64, %swap3A_65, %swap3A_66], %swap3A_69 {strides = array<i32>} : memref<4x1024x128xf32, #tpu.memory_space<vmem>>, vector<1x1024x128xf32>,
    %slice3A_70 = vector.extract_strided_slice %dot_general3A_44 {offsets = [0, 384], sizes = [1024, 128], strides = [1, 1]} : vector<1024x512xf32> to vector<1024x128xf32>
    %mul3A_71 = arith.mulf %slice3A_70, %get3A_47 : vector<1024x128xf32>
    %swap3A_72 = arith.constant 3 : index
    %swap3A_73 = arith.constant 0 : index
    %swap3A_74 = arith.constant 0 : index
    %swap3A_75 = vector.load %arg8[%swap3A_72, %swap3A_73, %swap3A_74] : memref<4x1024x128xf32, #tpu.memory_space<vmem>>, vector<1x1024x128xf32>
    %swap3A_76 = vector.shape_cast %swap3A_75 : vector<1x1024x128xf32> to vector<1024x128xf32>
    %swap3A_77 = vector.shape_cast %mul3A_71 : vector<1024x128xf32> to vector<1x1024x128xf32>
    tpu.vector_store %arg8[%swap3A_72, %swap3A_73, %swap3A_74], %swap3A_77 {strides = array<i32>} : memref<4x1024x128xf32, #tpu.memory_space<vmem>>, vector<1x1024x128xf32>,
    return
  }
  func.func @transform_0(%arg0: i32) -> (i32, i32) {
    %c0_i32 = arith.constant 0 : i32
    %c0_i32_0 = arith.constant 0 : i32
    return %arg0, %c0_i32 : i32, i32
  }
  func.func @transform_1(%arg0: i32) -> (i32, i32) {
    %c0_i32 = arith.constant 0 : i32
    %c0_i32_0 = arith.constant 0 : i32
    %c0_i32_1 = arith.constant 0 : i32
    return %c0_i32, %c0_i32_0 : i32, i32
  }
  func.func @transform_2(%arg0: i32) -> (i32, i32) {
    %c0_i32 = arith.constant 0 : i32
    %c0_i32_0 = arith.constant 0 : i32
    %c0_i32_1 = arith.constant 0 : i32
    return %c0_i32, %c0_i32_0 : i32, i32
  }
  func.func @transform_3(%arg0: i32) -> (i32, i32) {
    %c0_i32 = arith.constant 0 : i32
    %c0_i32_0 = arith.constant 0 : i32
    %c0_i32_1 = arith.constant 0 : i32
    return %c0_i32, %c0_i32_0 : i32, i32
  }
  func.func @transform_4(%arg0: i32) -> (i32, i32) {
    %c0_i32 = arith.constant 0 : i32
    %c0_i32_0 = arith.constant 0 : i32
    %c0_i32_1 = arith.constant 0 : i32
    return %c0_i32, %c0_i32_0 : i32, i32
  }
  func.func @transform_5(%arg0: i32) -> (i32, i32) {
    %c0_i32 = arith.constant 0 : i32
    %c0_i32_0 = arith.constant 0 : i32
    return %arg0, %c0_i32 : i32, i32
  }
  func.func @transform_6(%arg0: i32) -> (i32, i32) {
    %c0_i32 = arith.constant 0 : i32
    %c0_i32_0 = arith.constant 0 : i32
    %c0_i32_1 = arith.constant 0 : i32
    return %c0_i32, %c0_i32_0 : i32, i32
  }
  func.func @transform_7(%arg0: i32) -> (i32, i32, i32) {
    %c0_i32 = arith.constant 0 : i32
    %c0_i32_0 = arith.constant 0 : i32
    %c0_i32_1 = arith.constant 0 : i32
    return %c0_i32, %arg0, %c0_i32_0 : i32, i32, i32
  }
}

module attributes {stable_mosaic.version = 14 : i64} {
  func.func @_bn_next_body(%arg0: i32, %arg1: memref<1024x512xf32, #tpu.memory_space<vmem>>, %arg2: memref<1x512xf32, #tpu.memory_space<vmem>>, %arg3: memref<1x512xf32, #tpu.memory_space<vmem>>, %arg4: memref<1x512xf32, #tpu.memory_space<vmem>>, %arg5: memref<1x512xf32, #tpu.memory_space<vmem>>, %arg6: memref<1024x128xf32, #tpu.memory_space<vmem>>, %arg7: memref<512x256xf32, #tpu.memory_space<vmem>>, %arg8: memref<2x1024x128xf32, #tpu.memory_space<vmem>>) attributes {dimension_semantics = [#tpu.dimension_semantics<arbitrary>], iteration_bounds = array<i64: 10>, scalar_prefetch = 0 : i64, scratch_operands = 0 : i64, tpu.core_type = #tpu.core_type<tc>, window_params = [{transform_indices = @transform_0, window_bounds = array<i64: 1024, 512>}, {pipeline_mode = #tpu.pipeline_mode<synchronous>, transform_indices = @transform_1, window_bounds = array<i64: 1, 512>}, {pipeline_mode = #tpu.pipeline_mode<synchronous>, transform_indices = @transform_2, window_bounds = array<i64: 1, 512>}, {pipeline_mode = #tpu.pipeline_mode<synchronous>, transform_indices = @transform_3, window_bounds = array<i64: 1, 512>}, {pipeline_mode = #tpu.pipeline_mode<synchronous>, transform_indices = @transform_4, window_bounds = array<i64: 1, 512>}, {transform_indices = @transform_5, window_bounds = array<i64: 1024, 128>}, {pipeline_mode = #tpu.pipeline_mode<synchronous>, transform_indices = @transform_6, window_bounds = array<i64: 512, 256>}, {transform_indices = @transform_7, window_bounds = array<i64: 2, 1024, 128>}]} {
    %get3A = arith.constant 0 : index
    %get3A_0 = arith.constant 0 : index
    %get3A_1 = vector.load %arg2[%get3A, %get3A_0] : memref<1x512xf32, #tpu.memory_space<vmem>>, vector<1x512xf32>
    %mul3A = arith.constant 9.99999974E-5 : f32
    %mul3A_2 = vector.broadcast %mul3A : f32 to vector<1x512xf32>
    %mul3A_3 = arith.mulf %get3A_1, %mul3A_2 : vector<1x512xf32>
    %get3A_4 = arith.constant 0 : index
    %get3A_5 = arith.constant 0 : index
    %get3A_6 = vector.load %arg3[%get3A_4, %get3A_5] : memref<1x512xf32, #tpu.memory_space<vmem>>, vector<1x512xf32>
    %mul3A_7 = arith.constant 9.99999974E-5 : f32
    %mul3A_8 = vector.broadcast %mul3A_7 : f32 to vector<1x512xf32>
    %mul3A_9 = arith.mulf %get3A_6, %mul3A_8 : vector<1x512xf32>
    %mul3A_10 = arith.mulf %mul3A_3, %mul3A_3 : vector<1x512xf32>
    %sub3A = arith.subf %mul3A_9, %mul3A_10 : vector<1x512xf32>
    %add3A = arith.constant 1.000000e-03 : f32
    %add3A_11 = vector.broadcast %add3A : f32 to vector<1x512xf32>
    %add3A_12 = arith.addf %sub3A, %add3A_11 : vector<1x512xf32>
    %rsqrt3A = math.rsqrt %add3A_12 : vector<1x512xf32>
    %mul3A_13 = arith.constant 5.000000e-01 : f32
    %mul3A_14 = vector.broadcast %mul3A_13 : f32 to vector<1x512xf32>
    %mul3A_15 = arith.mulf %mul3A_14, %add3A_12 : vector<1x512xf32>
    %mul3A_16 = arith.mulf %mul3A_15, %rsqrt3A : vector<1x512xf32>
    %mul3A_17 = arith.mulf %mul3A_16, %rsqrt3A : vector<1x512xf32>
    %sub3A_18 = arith.constant 1.500000e+00 : f32
    %sub3A_19 = vector.broadcast %sub3A_18 : f32 to vector<1x512xf32>
    %sub3A_20 = arith.subf %sub3A_19, %mul3A_17 : vector<1x512xf32>
    %mul3A_21 = arith.mulf %rsqrt3A, %sub3A_20 : vector<1x512xf32>
    %get3A_22 = arith.constant 0 : index
    %get3A_23 = arith.constant 0 : index
    %get3A_24 = vector.load %arg1[%get3A_22, %get3A_23] : memref<1024x512xf32, #tpu.memory_space<vmem>>, vector<1024x512xf32>
    %sub3A_25 = vector.broadcast %mul3A_3 : vector<1x512xf32> to vector<1024x512xf32>
    %sub3A_26 = arith.subf %get3A_24, %sub3A_25 : vector<1024x512xf32>
    %mul3A_27 = vector.broadcast %mul3A_21 : vector<1x512xf32> to vector<1024x512xf32>
    %mul3A_28 = arith.mulf %sub3A_26, %mul3A_27 : vector<1024x512xf32>
    %get3A_29 = arith.constant 0 : index
    %get3A_30 = arith.constant 0 : index
    %get3A_31 = vector.load %arg4[%get3A_29, %get3A_30] : memref<1x512xf32, #tpu.memory_space<vmem>>, vector<1x512xf32>
    %mul3A_32 = vector.broadcast %get3A_31 : vector<1x512xf32> to vector<1024x512xf32>
    %mul3A_33 = arith.mulf %mul3A_28, %mul3A_32 : vector<1024x512xf32>
    %get3A_34 = arith.constant 0 : index
    %get3A_35 = arith.constant 0 : index
    %get3A_36 = vector.load %arg5[%get3A_34, %get3A_35] : memref<1x512xf32, #tpu.memory_space<vmem>>, vector<1x512xf32>
    %add3A_37 = vector.broadcast %get3A_36 : vector<1x512xf32> to vector<1024x512xf32>
    %add3A_38 = arith.addf %mul3A_33, %add3A_37 : vector<1024x512xf32>
    %get3A_39 = arith.constant 0 : index
    %get3A_40 = arith.constant 0 : index
    %get3A_41 = vector.load %arg7[%get3A_39, %get3A_40] : memref<512x256xf32, #tpu.memory_space<vmem>>, vector<512x256xf32>
    %dot_general3A = arith.constant dense<0.000000e+00> : vector<1024x256xf32>
    %dot_general3A_42 = tpu.matmul %add3A_38, %get3A_41, %dot_general3A {dimension_numbers = #tpu.dot_dimension_numbers<[1], [0], [0], [1], [0, 0, 1, 1], [], []>, transpose_lhs_hint = false} : vector<1024x512xf32>, vector<512x256xf32>, vector<1024x256xf32> -> vector<1024x256xf32>
    %get3A_43 = arith.constant 0 : index
    %get3A_44 = arith.constant 0 : index
    %get3A_45 = vector.load %arg6[%get3A_43, %get3A_44] : memref<1024x128xf32, #tpu.memory_space<vmem>>, vector<1024x128xf32>
    %slice3A = vector.extract_strided_slice %dot_general3A_42 {offsets = [0, 0], sizes = [1024, 128], strides = [1, 1]} : vector<1024x256xf32> to vector<1024x128xf32>
    %mul3A_46 = arith.mulf %slice3A, %get3A_45 : vector<1024x128xf32>
    %swap3A = arith.constant 0 : index
    %swap3A_47 = arith.constant 0 : index
    %swap3A_48 = arith.constant 0 : index
    %swap3A_49 = vector.load %arg8[%swap3A, %swap3A_47, %swap3A_48] : memref<2x1024x128xf32, #tpu.memory_space<vmem>>, vector<1x1024x128xf32>
    %swap3A_50 = vector.shape_cast %swap3A_49 : vector<1x1024x128xf32> to vector<1024x128xf32>
    %swap3A_51 = vector.shape_cast %mul3A_46 : vector<1024x128xf32> to vector<1x1024x128xf32>
    tpu.vector_store %arg8[%swap3A, %swap3A_47, %swap3A_48], %swap3A_51 {strides = array<i32>} : memref<2x1024x128xf32, #tpu.memory_space<vmem>>, vector<1x1024x128xf32>,
    %slice3A_52 = vector.extract_strided_slice %dot_general3A_42 {offsets = [0, 128], sizes = [1024, 128], strides = [1, 1]} : vector<1024x256xf32> to vector<1024x128xf32>
    %mul3A_53 = arith.mulf %slice3A_52, %get3A_45 : vector<1024x128xf32>
    %swap3A_54 = arith.constant 1 : index
    %swap3A_55 = arith.constant 0 : index
    %swap3A_56 = arith.constant 0 : index
    %swap3A_57 = vector.load %arg8[%swap3A_54, %swap3A_55, %swap3A_56] : memref<2x1024x128xf32, #tpu.memory_space<vmem>>, vector<1x1024x128xf32>
    %swap3A_58 = vector.shape_cast %swap3A_57 : vector<1x1024x128xf32> to vector<1024x128xf32>
    %swap3A_59 = vector.shape_cast %mul3A_53 : vector<1024x128xf32> to vector<1x1024x128xf32>
    tpu.vector_store %arg8[%swap3A_54, %swap3A_55, %swap3A_56], %swap3A_59 {strides = array<i32>} : memref<2x1024x128xf32, #tpu.memory_space<vmem>>, vector<1x1024x128xf32>,
    return
  }
  func.func @transform_0(%arg0: i32) -> (i32, i32) {
    %c0_i32 = arith.constant 0 : i32
    %c0_i32_0 = arith.constant 0 : i32
    return %arg0, %c0_i32 : i32, i32
  }
  func.func @transform_1(%arg0: i32) -> (i32, i32) {
    %c0_i32 = arith.constant 0 : i32
    %c0_i32_0 = arith.constant 0 : i32
    %c0_i32_1 = arith.constant 0 : i32
    return %c0_i32, %c0_i32_0 : i32, i32
  }
  func.func @transform_2(%arg0: i32) -> (i32, i32) {
    %c0_i32 = arith.constant 0 : i32
    %c0_i32_0 = arith.constant 0 : i32
    %c0_i32_1 = arith.constant 0 : i32
    return %c0_i32, %c0_i32_0 : i32, i32
  }
  func.func @transform_3(%arg0: i32) -> (i32, i32) {
    %c0_i32 = arith.constant 0 : i32
    %c0_i32_0 = arith.constant 0 : i32
    %c0_i32_1 = arith.constant 0 : i32
    return %c0_i32, %c0_i32_0 : i32, i32
  }
  func.func @transform_4(%arg0: i32) -> (i32, i32) {
    %c0_i32 = arith.constant 0 : i32
    %c0_i32_0 = arith.constant 0 : i32
    %c0_i32_1 = arith.constant 0 : i32
    return %c0_i32, %c0_i32_0 : i32, i32
  }
  func.func @transform_5(%arg0: i32) -> (i32, i32) {
    %c0_i32 = arith.constant 0 : i32
    %c0_i32_0 = arith.constant 0 : i32
    return %arg0, %c0_i32 : i32, i32
  }
  func.func @transform_6(%arg0: i32) -> (i32, i32) {
    %c0_i32 = arith.constant 0 : i32
    %c0_i32_0 = arith.constant 0 : i32
    %c0_i32_1 = arith.constant 0 : i32
    return %c0_i32, %c0_i32_0 : i32, i32
  }
  func.func @transform_7(%arg0: i32) -> (i32, i32, i32) {
    %c0_i32 = arith.constant 0 : i32
    %c0_i32_0 = arith.constant 0 : i32
    %c0_i32_1 = arith.constant 0 : i32
    return %c0_i32, %arg0, %c0_i32_0 : i32, i32, i32
  }
}

module attributes {stable_mosaic.version = 14 : i64} {
  func.func @_mm_stats_body(%arg0: i32, %arg1: memref<2x1024x128xf32, #tpu.memory_space<vmem>>, %arg2: memref<1024x128xf32, #tpu.memory_space<vmem>>, %arg3: memref<1x256xf32, #tpu.memory_space<vmem>>, %arg4: memref<1024x256xf32, #tpu.memory_space<vmem>>, %arg5: memref<1x256xf32, #tpu.memory_space<vmem>>, %arg6: memref<1x256xf32, #tpu.memory_space<vmem>>) attributes {dimension_semantics = [#tpu.dimension_semantics<arbitrary>], iteration_bounds = array<i64: 10>, scalar_prefetch = 0 : i64, scratch_operands = 0 : i64, tpu.core_type = #tpu.core_type<tc>, window_params = [{transform_indices = @transform_0, window_bounds = array<i64: 2, 1024, 128>}, {transform_indices = @transform_1, window_bounds = array<i64: 1024, 128>}, {pipeline_mode = #tpu.pipeline_mode<synchronous>, transform_indices = @transform_2, window_bounds = array<i64: 1, 256>}, {transform_indices = @transform_3, window_bounds = array<i64: 1024, 256>}, {pipeline_mode = #tpu.pipeline_mode<synchronous>, transform_indices = @transform_4, window_bounds = array<i64: 1, 256>}, {pipeline_mode = #tpu.pipeline_mode<synchronous>, transform_indices = @transform_5, window_bounds = array<i64: 1, 256>}]} {
    %get3A = arith.constant 0 : index
    %get3A_0 = arith.constant 0 : index
    %get3A_1 = arith.constant 0 : index
    %get3A_2 = vector.load %arg1[%get3A, %get3A_0, %get3A_1] : memref<2x1024x128xf32, #tpu.memory_space<vmem>>, vector<1x1024x128xf32>
    %get3A_3 = vector.shape_cast %get3A_2 : vector<1x1024x128xf32> to vector<1024x128xf32>
    %get3A_4 = arith.constant 0 : index
    %get3A_5 = arith.constant 0 : index
    %get3A_6 = vector.load %arg2[%get3A_4, %get3A_5] : memref<1024x128xf32, #tpu.memory_space<vmem>>, vector<1024x128xf32>
    %mul3A = arith.mulf %get3A_3, %get3A_6 : vector<1024x128xf32>
    %get3A_7 = arith.constant 1 : index
    %get3A_8 = arith.constant 0 : index
    %get3A_9 = arith.constant 0 : index
    %get3A_10 = vector.load %arg1[%get3A_7, %get3A_8, %get3A_9] : memref<2x1024x128xf32, #tpu.memory_space<vmem>>, vector<1x1024x128xf32>
    %get3A_11 = vector.shape_cast %get3A_10 : vector<1x1024x128xf32> to vector<1024x128xf32>
    %get3A_12 = arith.constant 0 : index
    %get3A_13 = arith.constant 0 : index
    %get3A_14 = vector.load %arg2[%get3A_12, %get3A_13] : memref<1024x128xf32, #tpu.memory_space<vmem>>, vector<1024x128xf32>
    %mul3A_15 = arith.mulf %get3A_11, %get3A_14 : vector<1024x128xf32>
    %concatenate3A = tpu.concatenate %mul3A, %mul3A_15 in 1 : vector<1024x128xf32>, vector<1024x128xf32> -> vector<1024x256xf32>
    %get3A_16 = arith.constant 0 : index
    %get3A_17 = arith.constant 0 : index
    %get3A_18 = vector.load %arg3[%get3A_16, %get3A_17] : memref<1x256xf32, #tpu.memory_space<vmem>>, vector<1x256xf32>
    %add3A = vector.broadcast %get3A_18 : vector<1x256xf32> to vector<1024x256xf32>
    %add3A_19 = arith.addf %concatenate3A, %add3A : vector<1024x256xf32>
    %max3A = arith.constant 0.000000e+00 : f32
    %max3A_20 = vector.broadcast %max3A : f32 to vector<1024x256xf32>
    %max3A_21 = arith.maximumf %add3A_19, %max3A_20 : vector<1024x256xf32>
    %iota3A = tpu.iota {dimensions = array<i32: 0>} : vector<1024x1xi32>
    %mul3A_22 = arith.constant 1024 : i32
    %mul3A_23 = arith.muli %arg0, %mul3A_22 : i32
    %add3A_24 = vector.broadcast %mul3A_23 : i32 to vector<1024x1xi32>
    %add3A_25 = arith.addi %iota3A, %add3A_24 : vector<1024x1xi32>
    %lt3A = arith.constant 10000 : i32
    %lt3A_26 = vector.broadcast %lt3A : i32 to vector<1024x1xi32>
    %lt3A_27 = arith.cmpi slt, %add3A_25, %lt3A_26 : vector<1024x1xi32>
    %jit3A = arith.constant 0.000000e+00 : f32
    %broadcast_in_dim3A = vector.shape_cast %lt3A_27 : vector<1024x1xi1> to vector<1024x1xi1>
    %broadcast_in_dim3A_28 = vector.broadcast %broadcast_in_dim3A : vector<1024x1xi1> to vector<1024x256xi1>
    %broadcast_in_dim3A_29 = vector.broadcast %jit3A : f32 to vector<1024x256xf32>
    %select_n3A = arith.select %broadcast_in_dim3A_28, %max3A_21, %broadcast_in_dim3A_29 : vector<1024x256xi1>, vector<1024x256xf32>
    %swap3A = arith.constant 0 : index
    %swap3A_30 = arith.constant 0 : index
    %swap3A_31 = vector.load %arg4[%swap3A, %swap3A_30] : memref<1024x256xf32, #tpu.memory_space<vmem>>, vector<1024x256xf32>
    tpu.vector_store %arg4[%swap3A, %swap3A_30], %select_n3A {strides = array<i32>} : memref<1024x256xf32, #tpu.memory_space<vmem>>, vector<1024x256xf32>,
    %eq3A = arith.constant 0 : i32
    %eq3A_32 = arith.cmpi eq, %arg0, %eq3A : i32
    %convert_element_type3A = arith.extui %eq3A_32 : i1 to i32
    %cond3A = arith.constant 0 : i32
    %cond3A_33 = arith.cmpi ne, %convert_element_type3A, %cond3A : i32
    scf.if %cond3A_33 {
      %broadcast_in_dim3A_54 = arith.constant 0.000000e+00 : f32
      %broadcast_in_dim3A_55 = vector.broadcast %broadcast_in_dim3A_54 : f32 to vector<1x256xf32>
      %swap3A_56 = arith.constant 0 : index
      %swap3A_57 = arith.constant 0 : index
      %swap3A_58 = vector.load %arg5[%swap3A_56, %swap3A_57] : memref<1x256xf32, #tpu.memory_space<vmem>>, vector<1x256xf32>
      tpu.vector_store %arg5[%swap3A_56, %swap3A_57], %broadcast_in_dim3A_55 {strides = array<i32>} : memref<1x256xf32, #tpu.memory_space<vmem>>, vector<1x256xf32>,
      %broadcast_in_dim3A_59 = arith.constant 0.000000e+00 : f32
      %broadcast_in_dim3A_60 = vector.broadcast %broadcast_in_dim3A_59 : f32 to vector<1x256xf32>
      %swap3A_61 = arith.constant 0 : index
      %swap3A_62 = arith.constant 0 : index
      %swap3A_63 = vector.load %arg6[%swap3A_61, %swap3A_62] : memref<1x256xf32, #tpu.memory_space<vmem>>, vector<1x256xf32>
      tpu.vector_store %arg6[%swap3A_61, %swap3A_62], %broadcast_in_dim3A_60 {strides = array<i32>} : memref<1x256xf32, #tpu.memory_space<vmem>>, vector<1x256xf32>,
    } else {
    }
    %get3A_34 = arith.constant 0 : index
    %get3A_35 = arith.constant 0 : index
    %get3A_36 = vector.load %arg5[%get3A_34, %get3A_35] : memref<1x256xf32, #tpu.memory_space<vmem>>, vector<1x256xf32>
    %reduce_sum3A = arith.constant dense<0.000000e+00> : vector<256xf32>
    %reduce_sum3A_37 = vector.multi_reduction <add>, %select_n3A, %reduce_sum3A [0] : vector<1024x256xf32> to vector<256xf32>
    %broadcast_in_dim3A_38 = vector.shape_cast %reduce_sum3A_37 : vector<256xf32> to vector<1x256xf32>
    %add3A_39 = arith.addf %get3A_36, %broadcast_in_dim3A_38 : vector<1x256xf32>
    %swap3A_40 = arith.constant 0 : index
    %swap3A_41 = arith.constant 0 : index
    %swap3A_42 = vector.load %arg5[%swap3A_40, %swap3A_41] : memref<1x256xf32, #tpu.memory_space<vmem>>, vector<1x256xf32>
    tpu.vector_store %arg5[%swap3A_40, %swap3A_41], %add3A_39 {strides = array<i32>} : memref<1x256xf32, #tpu.memory_space<vmem>>, vector<1x256xf32>,
    %get3A_43 = arith.constant 0 : index
    %get3A_44 = arith.constant 0 : index
    %get3A_45 = vector.load %arg6[%get3A_43, %get3A_44] : memref<1x256xf32, #tpu.memory_space<vmem>>, vector<1x256xf32>
    %mul3A_46 = arith.mulf %select_n3A, %select_n3A : vector<1024x256xf32>
    %reduce_sum3A_47 = arith.constant dense<0.000000e+00> : vector<256xf32>
    %reduce_sum3A_48 = vector.multi_reduction <add>, %mul3A_46, %reduce_sum3A_47 [0] : vector<1024x256xf32> to vector<256xf32>
    %broadcast_in_dim3A_49 = vector.shape_cast %reduce_sum3A_48 : vector<256xf32> to vector<1x256xf32>
    %add3A_50 = arith.addf %get3A_45, %broadcast_in_dim3A_49 : vector<1x256xf32>
    %swap3A_51 = arith.constant 0 : index
    %swap3A_52 = arith.constant 0 : index
    %swap3A_53 = vector.load %arg6[%swap3A_51, %swap3A_52] : memref<1x256xf32, #tpu.memory_space<vmem>>, vector<1x256xf32>
    tpu.vector_store %arg6[%swap3A_51, %swap3A_52], %add3A_50 {strides = array<i32>} : memref<1x256xf32, #tpu.memory_space<vmem>>, vector<1x256xf32>,
    return
  }
  func.func @transform_0(%arg0: i32) -> (i32, i32, i32) {
    %c0_i32 = arith.constant 0 : i32
    %c0_i32_0 = arith.constant 0 : i32
    %c0_i32_1 = arith.constant 0 : i32
    return %c0_i32, %arg0, %c0_i32_0 : i32, i32, i32
  }
  func.func @transform_1(%arg0: i32) -> (i32, i32) {
    %c0_i32 = arith.constant 0 : i32
    %c0_i32_0 = arith.constant 0 : i32
    return %arg0, %c0_i32 : i32, i32
  }
  func.func @transform_2(%arg0: i32) -> (i32, i32) {
    %c0_i32 = arith.constant 0 : i32
    %c0_i32_0 = arith.constant 0 : i32
    %c0_i32_1 = arith.constant 0 : i32
    return %c0_i32, %c0_i32_0 : i32, i32
  }
  func.func @transform_3(%arg0: i32) -> (i32, i32) {
    %c0_i32 = arith.constant 0 : i32
    %c0_i32_0 = arith.constant 0 : i32
    return %arg0, %c0_i32 : i32, i32
  }
  func.func @transform_4(%arg0: i32) -> (i32, i32) {
    %c0_i32 = arith.constant 0 : i32
    %c0_i32_0 = arith.constant 0 : i32
    %c0_i32_1 = arith.constant 0 : i32
    return %c0_i32, %c0_i32_0 : i32, i32
  }
  func.func @transform_5(%arg0: i32) -> (i32, i32) {
    %c0_i32 = arith.constant 0 : i32
    %c0_i32_0 = arith.constant 0 : i32
    %c0_i32_1 = arith.constant 0 : i32
    return %c0_i32, %c0_i32_0 : i32, i32
  }
}

module attributes {stable_mosaic.version = 14 : i64} {
  func.func @_final_body(%arg0: i32, %arg1: memref<1024x256xf32, #tpu.memory_space<vmem>>, %arg2: memref<1x256xf32, #tpu.memory_space<vmem>>, %arg3: memref<1x256xf32, #tpu.memory_space<vmem>>, %arg4: memref<1x256xf32, #tpu.memory_space<vmem>>, %arg5: memref<1x256xf32, #tpu.memory_space<vmem>>, %arg6: memref<256x128xf32, #tpu.memory_space<vmem>>, %arg7: memref<1x128xf32, #tpu.memory_space<vmem>>, %arg8: memref<1024x128xf32, #tpu.memory_space<vmem>>) attributes {dimension_semantics = [#tpu.dimension_semantics<arbitrary>], iteration_bounds = array<i64: 10>, scalar_prefetch = 0 : i64, scratch_operands = 0 : i64, tpu.core_type = #tpu.core_type<tc>, window_params = [{transform_indices = @transform_0, window_bounds = array<i64: 1024, 256>}, {pipeline_mode = #tpu.pipeline_mode<synchronous>, transform_indices = @transform_1, window_bounds = array<i64: 1, 256>}, {pipeline_mode = #tpu.pipeline_mode<synchronous>, transform_indices = @transform_2, window_bounds = array<i64: 1, 256>}, {pipeline_mode = #tpu.pipeline_mode<synchronous>, transform_indices = @transform_3, window_bounds = array<i64: 1, 256>}, {pipeline_mode = #tpu.pipeline_mode<synchronous>, transform_indices = @transform_4, window_bounds = array<i64: 1, 256>}, {pipeline_mode = #tpu.pipeline_mode<synchronous>, transform_indices = @transform_5, window_bounds = array<i64: 256, 128>}, {pipeline_mode = #tpu.pipeline_mode<synchronous>, transform_indices = @transform_6, window_bounds = array<i64: 1, 128>}, {transform_indices = @transform_7, window_bounds = array<i64: 1024, 128>}]} {
    %get3A = arith.constant 0 : index
    %get3A_0 = arith.constant 0 : index
    %get3A_1 = vector.load %arg2[%get3A, %get3A_0] : memref<1x256xf32, #tpu.memory_space<vmem>>, vector<1x256xf32>
    %mul3A = arith.constant 9.99999974E-5 : f32
    %mul3A_2 = vector.broadcast %mul3A : f32 to vector<1x256xf32>
    %mul3A_3 = arith.mulf %get3A_1, %mul3A_2 : vector<1x256xf32>
    %get3A_4 = arith.constant 0 : index
    %get3A_5 = arith.constant 0 : index
    %get3A_6 = vector.load %arg3[%get3A_4, %get3A_5] : memref<1x256xf32, #tpu.memory_space<vmem>>, vector<1x256xf32>
    %mul3A_7 = arith.constant 9.99999974E-5 : f32
    %mul3A_8 = vector.broadcast %mul3A_7 : f32 to vector<1x256xf32>
    %mul3A_9 = arith.mulf %get3A_6, %mul3A_8 : vector<1x256xf32>
    %mul3A_10 = arith.mulf %mul3A_3, %mul3A_3 : vector<1x256xf32>
    %sub3A = arith.subf %mul3A_9, %mul3A_10 : vector<1x256xf32>
    %add3A = arith.constant 1.000000e-03 : f32
    %add3A_11 = vector.broadcast %add3A : f32 to vector<1x256xf32>
    %add3A_12 = arith.addf %sub3A, %add3A_11 : vector<1x256xf32>
    %rsqrt3A = math.rsqrt %add3A_12 : vector<1x256xf32>
    %mul3A_13 = arith.constant 5.000000e-01 : f32
    %mul3A_14 = vector.broadcast %mul3A_13 : f32 to vector<1x256xf32>
    %mul3A_15 = arith.mulf %mul3A_14, %add3A_12 : vector<1x256xf32>
    %mul3A_16 = arith.mulf %mul3A_15, %rsqrt3A : vector<1x256xf32>
    %mul3A_17 = arith.mulf %mul3A_16, %rsqrt3A : vector<1x256xf32>
    %sub3A_18 = arith.constant 1.500000e+00 : f32
    %sub3A_19 = vector.broadcast %sub3A_18 : f32 to vector<1x256xf32>
    %sub3A_20 = arith.subf %sub3A_19, %mul3A_17 : vector<1x256xf32>
    %mul3A_21 = arith.mulf %rsqrt3A, %sub3A_20 : vector<1x256xf32>
    %get3A_22 = arith.constant 0 : index
    %get3A_23 = arith.constant 0 : index
    %get3A_24 = vector.load %arg1[%get3A_22, %get3A_23] : memref<1024x256xf32, #tpu.memory_space<vmem>>, vector<1024x256xf32>
    %sub3A_25 = vector.broadcast %mul3A_3 : vector<1x256xf32> to vector<1024x256xf32>
    %sub3A_26 = arith.subf %get3A_24, %sub3A_25 : vector<1024x256xf32>
    %mul3A_27 = vector.broadcast %mul3A_21 : vector<1x256xf32> to vector<1024x256xf32>
    %mul3A_28 = arith.mulf %sub3A_26, %mul3A_27 : vector<1024x256xf32>
    %get3A_29 = arith.constant 0 : index
    %get3A_30 = arith.constant 0 : index
    %get3A_31 = vector.load %arg4[%get3A_29, %get3A_30] : memref<1x256xf32, #tpu.memory_space<vmem>>, vector<1x256xf32>
    %mul3A_32 = vector.broadcast %get3A_31 : vector<1x256xf32> to vector<1024x256xf32>
    %mul3A_33 = arith.mulf %mul3A_28, %mul3A_32 : vector<1024x256xf32>
    %get3A_34 = arith.constant 0 : index
    %get3A_35 = arith.constant 0 : index
    %get3A_36 = vector.load %arg5[%get3A_34, %get3A_35] : memref<1x256xf32, #tpu.memory_space<vmem>>, vector<1x256xf32>
    %add3A_37 = vector.broadcast %get3A_36 : vector<1x256xf32> to vector<1024x256xf32>
    %add3A_38 = arith.addf %mul3A_33, %add3A_37 : vector<1024x256xf32>
    %max3A = arith.constant 0.000000e+00 : f32
    %max3A_39 = vector.broadcast %max3A : f32 to vector<1024x256xf32>
    %max3A_40 = arith.maximumf %add3A_38, %max3A_39 : vector<1024x256xf32>
    %get3A_41 = arith.constant 0 : index
    %get3A_42 = arith.constant 0 : index
    %get3A_43 = vector.load %arg6[%get3A_41, %get3A_42] : memref<256x128xf32, #tpu.memory_space<vmem>>, vector<256x128xf32>
    %dot_general3A = arith.constant dense<0.000000e+00> : vector<1024x128xf32>
    %dot_general3A_44 = tpu.matmul %max3A_40, %get3A_43, %dot_general3A {dimension_numbers = #tpu.dot_dimension_numbers<[1], [0], [0], [1], [0, 0, 1, 1], [], []>, transpose_lhs_hint = false} : vector<1024x256xf32>, vector<256x128xf32>, vector<1024x128xf32> -> vector<1024x128xf32>
    %get3A_45 = arith.constant 0 : index
    %get3A_46 = arith.constant 0 : index
    %get3A_47 = vector.load %arg7[%get3A_45, %get3A_46] : memref<1x128xf32, #tpu.memory_space<vmem>>, vector<1x128xf32>
    %add3A_48 = vector.broadcast %get3A_47 : vector<1x128xf32> to vector<1024x128xf32>
    %add3A_49 = arith.addf %dot_general3A_44, %add3A_48 : vector<1024x128xf32>
    %max3A_50 = arith.constant 0.000000e+00 : f32
    %max3A_51 = vector.broadcast %max3A_50 : f32 to vector<1024x128xf32>
    %max3A_52 = arith.maximumf %add3A_49, %max3A_51 : vector<1024x128xf32>
    %swap3A = arith.constant 0 : index
    %swap3A_53 = arith.constant 0 : index
    %swap3A_54 = vector.load %arg8[%swap3A, %swap3A_53] : memref<1024x128xf32, #tpu.memory_space<vmem>>, vector<1024x128xf32>
    tpu.vector_store %arg8[%swap3A, %swap3A_53], %max3A_52 {strides = array<i32>} : memref<1024x128xf32, #tpu.memory_space<vmem>>, vector<1024x128xf32>,
    return
  }
  func.func @transform_0(%arg0: i32) -> (i32, i32) {
    %c0_i32 = arith.constant 0 : i32
    %c0_i32_0 = arith.constant 0 : i32
    return %arg0, %c0_i32 : i32, i32
  }
  func.func @transform_1(%arg0: i32) -> (i32, i32) {
    %c0_i32 = arith.constant 0 : i32
    %c0_i32_0 = arith.constant 0 : i32
    %c0_i32_1 = arith.constant 0 : i32
    return %c0_i32, %c0_i32_0 : i32, i32
  }
  func.func @transform_2(%arg0: i32) -> (i32, i32) {
    %c0_i32 = arith.constant 0 : i32
    %c0_i32_0 = arith.constant 0 : i32
    %c0_i32_1 = arith.constant 0 : i32
    return %c0_i32, %c0_i32_0 : i32, i32
  }
  func.func @transform_3(%arg0: i32) -> (i32, i32) {
    %c0_i32 = arith.constant 0 : i32
    %c0_i32_0 = arith.constant 0 : i32
    %c0_i32_1 = arith.constant 0 : i32
    return %c0_i32, %c0_i32_0 : i32, i32
  }
  func.func @transform_4(%arg0: i32) -> (i32, i32) {
    %c0_i32 = arith.constant 0 : i32
    %c0_i32_0 = arith.constant 0 : i32
    %c0_i32_1 = arith.constant 0 : i32
    return %c0_i32, %c0_i32_0 : i32, i32
  }
  func.func @transform_5(%arg0: i32) -> (i32, i32) {
    %c0_i32 = arith.constant 0 : i32
    %c0_i32_0 = arith.constant 0 : i32
    %c0_i32_1 = arith.constant 0 : i32
    return %c0_i32, %c0_i32_0 : i32, i32
  }
  func.func @transform_6(%arg0: i32) -> (i32, i32) {
    %c0_i32 = arith.constant 0 : i32
    %c0_i32_0 = arith.constant 0 : i32
    %c0_i32_1 = arith.constant 0 : i32
    return %c0_i32, %c0_i32_0 : i32, i32
  }
  func.func @transform_7(%arg0: i32) -> (i32, i32) {
    %c0_i32 = arith.constant 0 : i32
    %c0_i32_0 = arith.constant 0 : i32
    return %arg0, %c0_i32 : i32, i32
  }
}

</mosaic_0001>

<sc_bundles>
// kernel: kernel.14.cloned.1.call-start
scs
__scs_entry_jumppad:
0x0: {  	(pc) =	sbr.rel $0x88, $3  }
0x1: {  	(tag) =	ssettag $0x0;
	lr =	simm.s32 $0x1  }
0x2: {  	[smem:$0x3F91] =	sst lr;
	_ =	strace $0xD0000000  }
0x3: {  	_ = 	snop  }
0x4: {  	_ = 	snop  }
0x5: {  	_ = 	snop  }
0x6: {  	_ = 	snop  }
0x7: {  	_ = 	snop  }
__scs_overlays_trampoline_lowered:
0x8: {  	[smem:$0x3FA0] =	sst s0  }
0x9: {  	[smem:$0x3FA1] =	sst s1  }
0xa: {  	[smem:$0x3FA2] =	sst s2  }
0xb: {  	[smem:$0x3FA3] =	sst s3  }
0xc: {  	[smem:$0x3FA4] =	sst s4  }
0xd: {  	[smem:$0x3FA5] =	sst s5  }
0xe: {  	[smem:$0x3FA6] =	sst s6  }
0xf: {  	[smem:$0x3FA7] =	sst s7  }
0x10: {  	[smem:$0x3FA8] =	sst s8  }
0x11: {  	[smem:$0x3FA9] =	sst s9;
	s0 =	simm.s32 @!p0 $0x0  }
0x12: {  	s1 =	sld [smem:$0x3F8F];
	s0 =	simm.s32 @p0 $0x1  }
0x13: {  	[smem:$0x3FAA] =	sst s0;
	s0 =	simm.s32 @!p1 $0x0  }
0x14: {  	s2 =	sld [smem:$0x3F8E];
	s0 =	simm.s32 @p1 $0x1  }
0x15: {  	[smem:$0x3FAB] =	sst s0;
	s0 =	simm.s32 @!p2 $0x0  }
0x16: {  	s3 =	sld [smem:$0x3FDB];
	s0 =	simm.s32 @p2 $0x1  }
0x17: {  	s4 =	simm.s32 $0x1BF5;
	[smem:$0x3FAD] =	sst s0  }
0x18: {  	s0 =	sld [smem:$0x3F90];
	_ =	swait.ge [sflag:s4], $0x0  }
0x19: {  	s7 =	sld [smem:$0x3F91]  }
0x1a: {  	s8 =	sadd.s32 $0xFFFFE003, lr  }
0x1b: {  	s9 =	sadd.s32 $0xFFFFFEF7, lr;
	s5 =	simm.s32 $0xFFFFFFFF;
	p2 =	slt.u32 s8, $0xFFFFF086  }
0x1c: {  	p1 =	slt.u32 s9, $0xF7A;
	s5 =	simm.s32 @!p2 $0x0  }
0x1d: {  	s5 =	simm.s32 @p1 $0x1;
	p0 =	seq.s32 s7, s2  }
0x1e: {  	s7 =	smul.u32 @!p0 $0xF7A, s2;
	p2 =	seq.s32 @!p0 s5, $0x0  }
0x1f: {  	s9 =	smul.u32 $0xF7A, s1;
	s8 =	simm.s32 @!p0 $0x1BF5;
	p2 =	por !p2, p0  }
0x20: {  	[sflag:s8] =	ssyncset.s32 @!p0 $0xFFFFF086;
	s6 =	sadd.s32 @!p0 s3, s7;
	s7 =	simm.s32 @!p0 $0x108  }
0x21: {  	s3 =	sadd.s32 s3, s9;
	s6 =	sadd.s32 @!p0 $0x88, s6;
	s7 =	simm.s32 @p2 $0x1082  }
0x22: {  	[simem:s7], [sflag:s8] =	dma.local @!p0 [hbm:s6], $0xF7A  }
0x23: {  	s9 =	sor.u32 $0xD0000000, s2;
	s6 =	simm.s32 $0x108;
	_ =	swait.ge @!p0 [sflag:s8], $0x0  }
0x24: {  	s3 =	sadd.s32 $0x88, s3;
	s6 =	simm.s32 @!p1 $0x1082;
	[sflag:s4] =	ssyncset.s32 $0xFFFFF086  }
0x25: {  	[simem:s6], [sflag:s4] =	dma.local [hbm:s3], $0xF7A  }
0x26: {  	[smem:$0x3F91] =	sst s1;
	(tag) =	ssettag s2;
	_ =	strace s9  }
0x27: {  	s1 =	sld [smem:$0x3FA1]  }
0x28: {  	s2 =	sld [smem:$0x3FA2]  }
0x29: {  	s4 =	sld [smem:$0x3FA4]  }
0x2a: {  	p0 =	seq.s32 s5, $0x0;
	s5 =	sld [smem:$0x3FA5]  }
0x2b: {  	s6 =	sld [smem:$0x3FA6]  }
0x2c: {  	s7 =	sld [smem:$0x3FA7]  }
0x2d: {  	s3 =	simm.s32 $0x108;
	s8 =	sld [smem:$0x3FA8]  }
0x2e: {  	s3 =	simm.s32 @!p0 $0x1082;
	s9 =	sld [smem:$0x3FA9]  }
0x2f: {  	lr =	sadd.s32 s0, s3;
	s0 =	sld [smem:$0x3FA0]  }
0x30: {  	s3 =	sld [smem:$0x3FA3]  }
0x31: {  	[smem:$0x3FAC] =	sst s10  }
0x32: {  	s10 =	sld [smem:$0x3FAA];
	_ =	sdelay $0x3  }
0x33: {  	p0 =	seq.s32 s10, $0x1;
	s10 =	sld [smem:$0x3FAC];
	_ =	sdelay $0x3  }
0x34: {  	[smem:$0x3FAC] =	sst s10  }
0x35: {  	s10 =	sld [smem:$0x3FAB];
	_ =	sdelay $0x3  }
0x36: {  	p1 =	seq.s32 s10, $0x1;
	s10 =	sld [smem:$0x3FAC];
	_ =	sdelay $0x3  }
0x37: {  	[smem:$0x3FAC] =	sst s10  }
0x38: {  	s10 =	sld [smem:$0x3FAD]  }
0x39: {  	_ = 	snop;
	(pc) =	sbr.ind lr, $3  }
0x3a: {  	_ = 	snop  }
0x3b: {  	_ = 	snop  }
0x3c: {  	p2 =	seq.s32 s10, $0x1;
	s10 =	sld [smem:$0x3FAC]  }
0x3d: {  	_ =	shalt  }
0x3e: {  	_ =	shalt  }
0x3f: {  	_ =	shalt  }
0x40: {  	_ =	shalt  }
0x41: {  	_ =	shalt  }
0x42: {  	_ =	shalt  }
0x43: {  	_ =	shalt  }
0x44: {  	_ =	shalt  }
0x45: {  	_ =	shalt  }
0x46: {  	_ =	shalt  }
0x47: {  	_ =	shalt  }
0x48: {  	_ =	shalt  }
0x49: {  	_ =	shalt  }
0x4a: {  	_ =	shalt  }
0x4b: {  	_ =	shalt  }
0x4c: {  	_ =	shalt  }
0x4d: {  	_ =	shalt  }
0x4e: {  	_ =	shalt  }
0x4f: {  	_ =	shalt  }
0x50: {  	_ =	shalt  }
0x51: {  	_ =	shalt  }
0x52: {  	_ =	shalt  }
0x53: {  	_ =	shalt  }
0x54: {  	_ =	shalt  }
0x55: {  	_ =	shalt  }
0x56: {  	_ =	shalt  }
0x57: {  	_ =	shalt  }
0x58: {  	_ =	shalt  }
0x59: {  	_ =	shalt  }
0x5a: {  	_ =	shalt  }
0x5b: {  	_ =	shalt  }
0x5c: {  	_ =	shalt  }
0x5d: {  	_ =	shalt  }
0x5e: {  	_ =	shalt  }
0x5f: {  	_ =	shalt  }
0x60: {  	_ =	shalt  }
0x61: {  	_ =	shalt  }
0x62: {  	_ =	shalt  }
0x63: {  	_ =	shalt  }
0x64: {  	_ =	shalt  }
0x65: {  	_ =	shalt  }
0x66: {  	_ =	shalt  }
0x67: {  	_ =	shalt  }
0x68: {  	_ =	shalt  }
0x69: {  	_ =	shalt  }
0x6a: {  	_ =	shalt  }
0x6b: {  	_ =	shalt  }
0x6c: {  	_ =	shalt  }
0x6d: {  	_ =	shalt  }
0x6e: {  	_ =	shalt  }
0x6f: {  	_ =	shalt  }
0x70: {  	_ =	shalt  }
0x71: {  	_ =	shalt  }
0x72: {  	_ =	shalt  }
0x73: {  	_ =	shalt  }
0x74: {  	_ =	shalt  }
0x75: {  	_ =	shalt  }
0x76: {  	_ =	shalt  }
0x77: {  	_ =	shalt  }
0x78: {  	_ =	shalt  }
0x79: {  	_ =	shalt  }
0x7a: {  	_ =	shalt  }
0x7b: {  	_ =	shalt  }
0x7c: {  	_ =	shalt  }
0x7d: {  	_ =	shalt  }
0x7e: {  	_ =	shalt  }
0x7f: {  	_ =	shalt  }
0x80: {  	_ =	shalt  }
0x81: {  	_ =	shalt  }
0x82: {  	_ =	shalt  }
0x83: {  	_ =	shalt  }
0x84: {  	_ =	shalt  }
0x85: {  	_ =	shalt  }
0x86: {  	_ =	shalt  }
0x87: {  	_ =	shalt  }
.Lfunc_end0:
.L_simem_size_0:
called_computation_lowered:
.L_overlay_start_0:
0x88: {  	s2 =	sld [smem:$0x3FD9]  }
0x89: {  	s3 =	sld [smem:$0x3FFE];
	_ =	sdelay $0x1  }
0x8a: {  	s1 =	srdreg.scid  }
0x8b: {  	s0 =	sand.u32 $0x1, s1  }
0x8c: {  	s17 =	sshll.u32 s0, $0xA;
	s2 =	sadd.s32 s3, s2  }
0x8d: {  	s2 =	sadd.s32 s2, s17  }
0x8e: {  	[smem:$0x3FB8] =	sst s2  }
0x8f: {  	_ = 	snop  }
0x90: {  	s2 =	sld [smem:$0x3FD0];
	(tm) =	ssettm $0x1  }
0x91: {  	s18 =	sld [smem:$0x3FFB];
	_ =	sdelay $0x3  }
0x92: {  	_ =	strace s18  }
0x93: {  	s3 =	sld [smem:$0x3FFC];
	_ =	sdelay $0x3  }
0x94: {  	_ =	strace s3  }
0x95: {  	s3 =	sld [smem:$0x3FFD];
	_ =	sdelay $0x3  }
0x96: {  	_ =	strace s3  }
0x97: {  	_ =	strace $0x8FFFFFFF  }
0x98: {  	s19 =	sld [smem:$0x3FDB];
	_ =	sdelay $0x1  }
0x99: {  	s4 =	simm.s32 $_scs_section_size  }
0x9a: {  	s5 =	simm.s32 $_size__tile_overlayer_lowered;
	s6 =	simm.s32 $_tile_overlayer_lowered  }
0x9b: {  	s22 =	simm.s32 $0x1BFF;
	s21 =	sshll.u32 s6, $0x1;
	s3 =	sadd.s32 s4, s19  }
0x9c: {  	s7 =	simm.s32 $0x0;
	s20 =	sshll.u32 s5, $0x1;
	s5 =	sadd.s32 s21, s3  }
0x9d: {  	[timem:s7], [sflag:s22] =	dma.local [hbm:s5], s20  }
0x9e: {  	_ =	swait.ge [sflag:s22], s20  }
0x9f: {  	s4 =	ssub.s32 $0x0, s20;
	[sflag:s22] =	ssyncset.done $0x0  }
0xa0: {  	[sflag:s22] =	ssyncadd.s32 s4;
	_ =	sdelay $0x1  }
0xa1: {  	s23 =	simm.s32 $0x1B8B  }
0xa2: {  	_ =	swait.ge [sflag:s23], $0x1  }
0xa3: {  	[sflag:s23] =	ssyncset.done $0x0  }
0xa4: {  	s25 =	simm.s32 $0x1B8E;
	s24 =	sld [smem:$0x3FFE];
	[sflag:s23] =	ssyncadd.s32 $0xFFFFFFFF  }
0xa5: {  	s26 =	simm.s32 $execute0_lowered;
	[smem:$0x3FD2] =	sst s25  }
0xa6: {  	s5 =	sshll.u32 s26, $0x1;
	_ =	strace $0x80000046;
	[dreg:$0x1] =	wrdreg $0xFFFFFFFF  }
0xa7: {  	s28 =	simm.s32 $_size_execute0_lowered;
	s3 =	sadd.s32 s3, s5;
	[dreg:$0x0] =	wrdreg $0x0  }
0xa8: {  	s5 =	sshll.u32 s28, $0x1;
	[dreg:$0x2] =	wrdreg s3  }
0xa9: {  	[dreg:$0x3] =	wrdreg s5  }
0xaa: {  	[dreg:$0x4] =	wrdreg $0xC0  }
0xab: {  	_ =	task [dreg:s7], $0x5FFFF  }
0xac: {  	[dreg:$0x1] =	wrdreg $0xFFFFFFFF  }
0xad: {  	[dreg:$0x0] =	wrdreg $0x60  }
0xae: {  	[dreg:$0x2] =	wrdreg s2  }
0xaf: {  	[dreg:$0x3] =	wrdreg s24  }
0xb0: {  	[dreg:$0x4] =	wrdreg $0x68000  }
0xb1: {  	[dreg:$0x5] =	wrdreg $0x9  }
0xb2: {  	_ =	task.clear_ibuf [dreg:s7], $0x6FFFF;
	_ =	strace $0x90000046  }
0xb3: {  	s29 =	simm.s32 $0x9;
	_ =	strace $0x80000048  }
0xb4: {  	_ =	swait.ge [sflag:s29], $0x1  }
0xb5: {  	[sflag:s29] =	ssyncadd.s32 $0xFFFFFFFF  }
0xb6: {  	_ =	strace $0x90000048  }
0xb7: {  	_ =	sfence  }
0xb8: {  	s30 =	sld [smem:$0x0];
	_ =	sdelay $0x2  }
0xb9: {  	s31 =	sshll.u32 s1, $0xD;
	s1 =	sshrl.u32 s1, $0x2  }
0xba: {  	s3 =	sand.u32 $0x4000, s31;
	s1 =	sadd.s32 s1, s30  }
0xbb: {  	s0 =	sor.u32 s3, s0;
	s1 =	sshll.u32 s1, $0x11  }
0xbc: {  	s0 =	sor.u32 s1, s0  }
0xbd: {  	s0 =	sadd.s32 $0x8F2B, s0  }
0xbe: {  	[sflag:s0] =	ssyncadd.remote.s32 $0x1  }
0xbf: {  	_ =	sfence.sel $0xFFFF  }
0xc0: {  	[dreg:$0x0] =	wrdreg $0xFFFFFFFF;
	(pc) =	sbr.abs _section_cstart, $3  }
0xc1: {  	[dreg:$0x1] =	wrdreg $0xFFFFFFFF  }
0xc2: {  	_ =	task.clear_ibuf [dreg:s7], $0x2FFFF;
	_ =	strace $0x9FFFFFFF  }
0xc3: {  	(tm) =	ssettm $0x7FFFFFFF  }
tec
execute0_lowered:
.L_overlay_start_1:
0x0: {  	(tag) =	ssettag $0x1  }
0x1: {  	s5 =	rddreg [dreg:$0x0]  }
0x2: {  	s6 =	rddreg [dreg:$0x1]  }
0x3: {  	s2 =	rddreg [dreg:$0x2]  }
0x4: {  	s0 =	rddreg [dreg:$0x3]  }
0x5: {  	s1 =	stileid.u32;
	s4 =	srdreg.scid;
	s3 =	simm.s32 $0x0  }
0x6: {  	s13 =	simm.s32 $0x2;
	s14 =	simm.s32 $0x3000;
	s17 =	simm.s32 $0x70  }
0x7: {  	s18 =	simm.s32 $0x1;
	s19 =	simm.s32 $0x0;
	s7 =	smul.u32 $0x2800, s1  }
0x8: {  	s8 =	sand.u32 $0x1, s4;
	[smem:$0x7FF] =	sst s3;
	s30 =	smul.u32 $0x50000, s1  }
0x9: {  	s4 =	sadd.s32 $0x3E00, s6;
	s11 =	smul.u32 $0x600, s1;
	s15 =	sshll.u32 s1, $0x6  }
0xa: {  	s9 =	smul.u32 $0x28000, s8;
	_ =	strace $0x80000047;
	s31 =	ssub.s32 $0x2, s8  }
0xb: {  	s8 =	smul.u32 $0x6000, s8;
	s15 =	sor.u32 $0x1C02, s15;
	s10 =	sadd.s32 s7, s6  }
0xc: {  	s12 =	sshrl.u32 s31, $0x1;
	s5 =	sadd.s32 s5, s11;
	s7 =	sadd.s32 s7, s9  }
0xd: {  	s9 =	sshrl.u32 s30, $0x2;
	s12 =	ssub.s32 s31, s12;
	s8 =	sshrl.u32 s8, $0x2  }
0xe: {  	s7 =	sadd.s32 s7, s6;
	s16 =	sadd.s32 s9, s2;
	s6 =	sadd.s32 $0x4600, s10  }
0xf: {  	s9 =	smax.u32 s12, $0x1;
	s10 =	sor.u32 $0x80, s8;
	s11 =	sor.u32 $0x100, s8  }
0x10: {  	s12 =	sor.u32 $0x180, s8;
	s7 =	sadd.s32 $0x2C600, s7;
	s16 =	sshrl.u32 s16, $0x3  }
.LBB2_1:
0x11: {  	[tilespmem:s3], [sflag:$0x2] =	stream.linear.gather [hbm4b:s5+s3], $0x3000, $0x38;
	[tilespmem:$0x1A800] =	vst v63  }
0x12: {  	_ =	swait.ge [sflag:s13], $0x3000  }
0x13: {  	[sflag:s13] =	ssyncset.done $0x0  }
0x14: {  	[sflag:s13] =	ssyncadd.s32 $0xFFFFD000  }
0x15: {  	[tilespmem:s14], [sflag:$0x2] =	stream.linear.gather [hbm4b:s4+s3], $0x3800, $0x38;
	[tilespmem:$0x1A800] =	vst v63  }
0x16: {  	_ =	swait.ge [sflag:s13], $0x3800  }
0x17: {  	[sflag:s13] =	ssyncset.done $0x0  }
0x18: {  	[sflag:s13] =	ssyncadd.s32 $0xFFFFC800  }
0x19: {  	[spmem:s16], [sflag:s15] =	dma.local [hbm:s6], $0x2800  }
0x1a: {  	_ =	swait.ge [sflag:s13], $0x2800  }
0x1b: {  	[sflag:s13] =	ssyncset.done $0x0  }
0x1c: {  	[sflag:s13] =	ssyncadd.s32 $0xFFFFD800  }
0x1d: {  	[bflag:$0x0] =	sbarrier.arrive $0xFFFF  }
0x1e: {  	[spmem:s2] =	stream.indirect.scatter.add.f32 [tilespmem:s14], [sflag:$0x1], $0x80, s8, s17, $0xb8;
	[tilespmem:$0x1A800] =	vst v63  }
0x1f: {  	_ = 	snop  }
0x20: {  	[spmem:s2] =	stream.indirect.scatter.add.f32 [tilespmem:s14], [sflag:$0x1], $0x80, s10, s17, $0xb8;
	[tilespmem:$0x1A800] =	vst v63  }
0x21: {  	_ = 	snop  }
0x22: {  	[spmem:s2] =	stream.indirect.scatter.add.f32 [tilespmem:s14], [sflag:$0x1], $0x80, s11, s17, $0xb8;
	[tilespmem:$0x1A800] =	vst v63  }
0x23: {  	_ = 	snop  }
0x24: {  	[spmem:s2] =	stream.indirect.scatter.add.f32 [tilespmem:s14], [sflag:$0x1], $0x80, s12, s17, $0xb8;
	[tilespmem:$0x1A800] =	vst v63  }
0x25: {  	s20 =	sadd.s32 $0x200, s8  }
0x26: {  	[spmem:s2] =	stream.indirect.scatter.add.f32 [tilespmem:s14], [sflag:$0x1], $0x80, s20, s17, $0xb8;
	[tilespmem:$0x1A800] =	vst v63  }
0x27: {  	s20 =	simm.s32 $0xA00;
	_ =	swait.ge [sflag:s18], $0x3800  }
.LBB2_2:
0x28: {  	s21 =	sshra.s32 s20, $0x2;
	[sflag:s18] =	ssyncset.done $0x0;
	p0 =	sne.s32 s20, $0x5E00  }
.Ltmp0:
0x29: {  	s21 =	sadd.s32 s21, s8;
	[sflag:s18] =	ssyncadd.s32 $0xFFFFC800;
	(pc) =	sbr.rel @p0 .LBB2_2-.Ltmp0, $3  }
0x2a: {  	[spmem:s2] =	stream.indirect.scatter.add.f32 [tilespmem:s14], [sflag:$0x1], $0x80, s21, s17, $0xb8;
	[tilespmem:$0x1A800] =	vst v63  }
0x2b: {  	s20 =	sadd.s32 $0x200, s20;
	_ =	sdelay $0x1  }
0x2c: {  	_ =	swait.ge [sflag:s18], $0x3800  }
0x2d: {  	[sflag:s18] =	ssyncset.done $0x0  }
0x2e: {  	[sflag:s18] =	ssyncadd.s32 $0xFFFFC800  }
0x2f: {  	_ =	swait.ge [sflag:s18], $0x3800  }
0x30: {  	[sflag:s18] =	ssyncset.done $0x0  }
0x31: {  	[sflag:s18] =	ssyncadd.s32 $0xFFFFC800  }
0x32: {  	_ =	swait.ge [sflag:s18], $0x3800  }
0x33: {  	[sflag:s18] =	ssyncset.done $0x0  }
0x34: {  	[sflag:s18] =	ssyncadd.s32 $0xFFFFC800  }
0x35: {  	_ =	swait.ge [sflag:s18], $0x3800  }
0x36: {  	[sflag:s18] =	ssyncset.done $0x0  }
0x37: {  	[sflag:s18] =	ssyncadd.s32 $0xFFFFC800  }
0x38: {  	_ =	swait.ge [sflag:s18], $0x3800  }
0x39: {  	s19 =	sadd.s32 $0x1, s19;
	[sflag:s18] =	ssyncset.done $0x0  }
0x3a: {  	p0 =	sne.s32 s19, s9;
	[sflag:s18] =	ssyncadd.s32 $0xFFFFC800  }
.Ltmp1:
0x3b: {  	[bflag:$0x0] =	sbarrier.arrive $0xFFFF;
	(pc) =	sbr.rel @p0 .LBB2_1-.Ltmp1, $4  }
0x3c: {  	[hbm:s7], [sflag:s15] =	dma.local [spmem:s16], $0x2800  }
0x3d: {  	_ =	swait.ge [sflag:s13], $0x2800  }
0x3e: {  	[sflag:s13] =	ssyncset.done $0x0  }
0x3f: {  	[sflag:s13] =	ssyncadd.s32 $0xFFFFD800  }
0x40: {  	_ =	sfence.sel $0x180000  }
0x41: {  	[bflag:$0x0] =	sbarrier.arrive $0xFFFF  }
0x42: {  	p0 =	sne.s32 s1, $0x0;
	_ =	strace $0x90000047  }
0x43: {  	s0 =	sadd.s32 @!p0 $0x100000, s0;
	[bflag:$0x2] =	sbarrier.arrive $0xFFFF  }
0x44: {  	[sflag:s0] =	ssyncadd.tile.s32 @!p0 $0x1;
	_ =	shalt  }
.Lfunc_end2:
_tile_overlayer_lowered:
.L_overlay_start_2:
0x45: {  	(tag) =	ssettag $0x2  }
0x46: {  	s0 =	rddreg [dreg:$0x0];
	s2 =	stileid.u32  }
0x47: {  	s1 =	rddreg [dreg:$0x1];
	p0 =	sne.s32 s2, $0x0  }
0x48: {  	s3 =	rddreg [dreg:$0x2];
	[bflag:$0x3] =	sbarrier.arrive $0xFFFF;
	s2 =	simm.s32 @!p0 $0x1C02  }
0x49: {  	[timem:s3], [sflag:s2] =	dma.local @!p0 [hbm:s0], s1  }
0x4a: {  	s0 =	simm.s32 @!p0 $0x2  }
0x4b: {  	_ =	swait.ge @!p0 [sflag:s0], s1  }
0x4c: {  	s1 =	ssub.s32 @!p0 $0x0, s1;
	[sflag:s0] =	ssyncset.done @!p0 $0x0  }
0x4d: {  	[sflag:s0] =	ssyncadd.s32 @!p0 s1  }
0x4e: {  	[bflag:$0x3] =	sbarrier.arrive $0xFFFF  }
0x4f: {  	_ =	shalt  }

// kernel: kernel.17.cloned.1.call-start
scs
__scs_entry_jumppad:
0x0: {  	(pc) =	sbr.rel $0x88, $3  }
0x1: {  	(tag) =	ssettag $0x0;
	lr =	simm.s32 $0x1  }
0x2: {  	[smem:$0x3F91] =	sst lr;
	_ =	strace $0xD0000000  }
0x3: {  	_ = 	snop  }
0x4: {  	_ = 	snop  }
0x5: {  	_ = 	snop  }
0x6: {  	_ = 	snop  }
0x7: {  	_ = 	snop  }
__scs_overlays_trampoline_lowered:
0x8: {  	[smem:$0x3FA0] =	sst s0  }
0x9: {  	[smem:$0x3FA1] =	sst s1  }
0xa: {  	[smem:$0x3FA2] =	sst s2  }
0xb: {  	[smem:$0x3FA3] =	sst s3  }
0xc: {  	[smem:$0x3FA4] =	sst s4  }
0xd: {  	[smem:$0x3FA5] =	sst s5  }
0xe: {  	[smem:$0x3FA6] =	sst s6  }
0xf: {  	[smem:$0x3FA7] =	sst s7  }
0x10: {  	[smem:$0x3FA8] =	sst s8  }
0x11: {  	[smem:$0x3FA9] =	sst s9;
	s0 =	simm.s32 @!p0 $0x0  }
0x12: {  	s1 =	sld [smem:$0x3F8F];
	s0 =	simm.s32 @p0 $0x1  }
0x13: {  	[smem:$0x3FAA] =	sst s0;
	s0 =	simm.s32 @!p1 $0x0  }
0x14: {  	s2 =	sld [smem:$0x3F8E];
	s0 =	simm.s32 @p1 $0x1  }
0x15: {  	[smem:$0x3FAB] =	sst s0;
	s0 =	simm.s32 @!p2 $0x0  }
0x16: {  	s3 =	sld [smem:$0x3FDB];
	s0 =	simm.s32 @p2 $0x1  }
0x17: {  	s4 =	simm.s32 $0x1BF5;
	[smem:$0x3FAD] =	sst s0  }
0x18: {  	s0 =	sld [smem:$0x3F90];
	_ =	swait.ge [sflag:s4], $0x0  }
0x19: {  	s7 =	sld [smem:$0x3F91]  }
0x1a: {  	s8 =	sadd.s32 $0xFFFFE003, lr  }
0x1b: {  	s9 =	sadd.s32 $0xFFFFFEF7, lr;
	s5 =	simm.s32 $0xFFFFFFFF;
	p2 =	slt.u32 s8, $0xFFFFF086  }
0x1c: {  	p1 =	slt.u32 s9, $0xF7A;
	s5 =	simm.s32 @!p2 $0x0  }
0x1d: {  	s5 =	simm.s32 @p1 $0x1;
	p0 =	seq.s32 s7, s2  }
0x1e: {  	s7 =	smul.u32 @!p0 $0xF7A, s2;
	p2 =	seq.s32 @!p0 s5, $0x0  }
0x1f: {  	s9 =	smul.u32 $0xF7A, s1;
	s8 =	simm.s32 @!p0 $0x1BF5;
	p2 =	por !p2, p0  }
0x20: {  	[sflag:s8] =	ssyncset.s32 @!p0 $0xFFFFF086;
	s6 =	sadd.s32 @!p0 s3, s7;
	s7 =	simm.s32 @!p0 $0x108  }
0x21: {  	s3 =	sadd.s32 s3, s9;
	s6 =	sadd.s32 @!p0 $0x88, s6;
	s7 =	simm.s32 @p2 $0x1082  }
0x22: {  	[simem:s7], [sflag:s8] =	dma.local @!p0 [hbm:s6], $0xF7A  }
0x23: {  	s9 =	sor.u32 $0xD0000000, s2;
	s6 =	simm.s32 $0x108;
	_ =	swait.ge @!p0 [sflag:s8], $0x0  }
0x24: {  	s3 =	sadd.s32 $0x88, s3;
	s6 =	simm.s32 @!p1 $0x1082;
	[sflag:s4] =	ssyncset.s32 $0xFFFFF086  }
0x25: {  	[simem:s6], [sflag:s4] =	dma.local [hbm:s3], $0xF7A  }
0x26: {  	[smem:$0x3F91] =	sst s1;
	(tag) =	ssettag s2;
	_ =	strace s9  }
0x27: {  	s1 =	sld [smem:$0x3FA1]  }
0x28: {  	s2 =	sld [smem:$0x3FA2]  }
0x29: {  	s4 =	sld [smem:$0x3FA4]  }
0x2a: {  	p0 =	seq.s32 s5, $0x0;
	s5 =	sld [smem:$0x3FA5]  }
0x2b: {  	s6 =	sld [smem:$0x3FA6]  }
0x2c: {  	s7 =	sld [smem:$0x3FA7]  }
0x2d: {  	s3 =	simm.s32 $0x108;
	s8 =	sld [smem:$0x3FA8]  }
0x2e: {  	s3 =	simm.s32 @!p0 $0x1082;
	s9 =	sld [smem:$0x3FA9]  }
0x2f: {  	lr =	sadd.s32 s0, s3;
	s0 =	sld [smem:$0x3FA0]  }
0x30: {  	s3 =	sld [smem:$0x3FA3]  }
0x31: {  	[smem:$0x3FAC] =	sst s10  }
0x32: {  	s10 =	sld [smem:$0x3FAA];
	_ =	sdelay $0x3  }
0x33: {  	p0 =	seq.s32 s10, $0x1;
	s10 =	sld [smem:$0x3FAC];
	_ =	sdelay $0x3  }
0x34: {  	[smem:$0x3FAC] =	sst s10  }
0x35: {  	s10 =	sld [smem:$0x3FAB];
	_ =	sdelay $0x3  }
0x36: {  	p1 =	seq.s32 s10, $0x1;
	s10 =	sld [smem:$0x3FAC];
	_ =	sdelay $0x3  }
0x37: {  	[smem:$0x3FAC] =	sst s10  }
0x38: {  	s10 =	sld [smem:$0x3FAD]  }
0x39: {  	_ = 	snop;
	(pc) =	sbr.ind lr, $3  }
0x3a: {  	_ = 	snop  }
0x3b: {  	_ = 	snop  }
0x3c: {  	p2 =	seq.s32 s10, $0x1;
	s10 =	sld [smem:$0x3FAC]  }
0x3d: {  	_ =	shalt  }
0x3e: {  	_ =	shalt  }
0x3f: {  	_ =	shalt  }
0x40: {  	_ =	shalt  }
0x41: {  	_ =	shalt  }
0x42: {  	_ =	shalt  }
0x43: {  	_ =	shalt  }
0x44: {  	_ =	shalt  }
0x45: {  	_ =	shalt  }
0x46: {  	_ =	shalt  }
0x47: {  	_ =	shalt  }
0x48: {  	_ =	shalt  }
0x49: {  	_ =	shalt  }
0x4a: {  	_ =	shalt  }
0x4b: {  	_ =	shalt  }
0x4c: {  	_ =	shalt  }
0x4d: {  	_ =	shalt  }
0x4e: {  	_ =	shalt  }
0x4f: {  	_ =	shalt  }
0x50: {  	_ =	shalt  }
0x51: {  	_ =	shalt  }
0x52: {  	_ =	shalt  }
0x53: {  	_ =	shalt  }
0x54: {  	_ =	shalt  }
0x55: {  	_ =	shalt  }
0x56: {  	_ =	shalt  }
0x57: {  	_ =	shalt  }
0x58: {  	_ =	shalt  }
0x59: {  	_ =	shalt  }
0x5a: {  	_ =	shalt  }
0x5b: {  	_ =	shalt  }
0x5c: {  	_ =	shalt  }
0x5d: {  	_ =	shalt  }
0x5e: {  	_ =	shalt  }
0x5f: {  	_ =	shalt  }
0x60: {  	_ =	shalt  }
0x61: {  	_ =	shalt  }
0x62: {  	_ =	shalt  }
0x63: {  	_ =	shalt  }
0x64: {  	_ =	shalt  }
0x65: {  	_ =	shalt  }
0x66: {  	_ =	shalt  }
0x67: {  	_ =	shalt  }
0x68: {  	_ =	shalt  }
0x69: {  	_ =	shalt  }
0x6a: {  	_ =	shalt  }
0x6b: {  	_ =	shalt  }
0x6c: {  	_ =	shalt  }
0x6d: {  	_ =	shalt  }
0x6e: {  	_ =	shalt  }
0x6f: {  	_ =	shalt  }
0x70: {  	_ =	shalt  }
0x71: {  	_ =	shalt  }
0x72: {  	_ =	shalt  }
0x73: {  	_ =	shalt  }
0x74: {  	_ =	shalt  }
0x75: {  	_ =	shalt  }
0x76: {  	_ =	shalt  }
0x77: {  	_ =	shalt  }
0x78: {  	_ =	shalt  }
0x79: {  	_ =	shalt  }
0x7a: {  	_ =	shalt  }
0x7b: {  	_ =	shalt  }
0x7c: {  	_ =	shalt  }
0x7d: {  	_ =	shalt  }
0x7e: {  	_ =	shalt  }
0x7f: {  	_ =	shalt  }
0x80: {  	_ =	shalt  }
0x81: {  	_ =	shalt  }
0x82: {  	_ =	shalt  }
0x83: {  	_ =	shalt  }
0x84: {  	_ =	shalt  }
0x85: {  	_ =	shalt  }
0x86: {  	_ =	shalt  }
0x87: {  	_ =	shalt  }
.Lfunc_end0:
.L_simem_size_0:
called_computation.1_lowered:
.L_overlay_start_0:
0x88: {  	s2 =	sld [smem:$0x3FD9]  }
0x89: {  	s3 =	sld [smem:$0x3FFE];
	_ =	sdelay $0x1  }
0x8a: {  	s1 =	srdreg.scid  }
0x8b: {  	s0 =	sand.u32 $0x1, s1  }
0x8c: {  	s16 =	sshll.u32 s0, $0xA;
	s2 =	sadd.s32 s3, s2  }
0x8d: {  	s2 =	sadd.s32 s2, s16  }
0x8e: {  	[smem:$0x3FB8] =	sst s2  }
0x8f: {  	_ = 	snop  }
0x90: {  	(tm) =	ssettm $0x1  }
0x91: {  	s17 =	sld [smem:$0x3FFB];
	_ =	sdelay $0x3  }
0x92: {  	_ =	strace s17  }
0x93: {  	s2 =	sld [smem:$0x3FFC];
	_ =	sdelay $0x3  }
0x94: {  	_ =	strace s2  }
0x95: {  	s2 =	sld [smem:$0x3FFD];
	_ =	sdelay $0x3  }
0x96: {  	_ =	strace s2  }
0x97: {  	_ =	strace $0x8FFFFFFF  }
0x98: {  	s18 =	sld [smem:$0x3FDB];
	_ =	sdelay $0x1  }
0x99: {  	s19 =	simm.s32 $_scs_section_size  }
0x9a: {  	s4 =	simm.s32 $_size__tile_overlayer_lowered;
	s5 =	simm.s32 $_tile_overlayer_lowered  }
0x9b: {  	s22 =	simm.s32 $0x1BFF;
	s21 =	sshll.u32 s5, $0x1;
	s2 =	sadd.s32 s19, s18  }
0x9c: {  	s6 =	simm.s32 $0x0;
	s20 =	sshll.u32 s4, $0x1;
	s4 =	sadd.s32 s21, s2  }
0x9d: {  	[timem:s6], [sflag:s22] =	dma.local [hbm:s4], s20  }
0x9e: {  	_ =	swait.ge [sflag:s22], s20  }
0x9f: {  	s3 =	ssub.s32 $0x0, s20;
	[sflag:s22] =	ssyncset.done $0x0  }
0xa0: {  	[sflag:s22] =	ssyncadd.s32 s3;
	_ =	sdelay $0x1  }
0xa1: {  	s23 =	simm.s32 $0x1B8B  }
0xa2: {  	_ =	swait.ge [sflag:s23], $0x1  }
0xa3: {  	[sflag:s23] =	ssyncset.done $0x0  }
0xa4: {  	s25 =	simm.s32 $0x1B8E;
	s24 =	sld [smem:$0x3FFE];
	[sflag:s23] =	ssyncadd.s32 $0xFFFFFFFF  }
0xa5: {  	s26 =	simm.s32 $execute0_lowered;
	[smem:$0x3FD2] =	sst s25  }
0xa6: {  	s4 =	sshll.u32 s26, $0x1;
	_ =	strace $0x80000049;
	[dreg:$0x1] =	wrdreg $0xFFFFFFFF  }
0xa7: {  	s28 =	simm.s32 $_size_execute0_lowered;
	s2 =	sadd.s32 s2, s4;
	[dreg:$0x0] =	wrdreg $0x0  }
0xa8: {  	s4 =	sshll.u32 s28, $0x1;
	[dreg:$0x2] =	wrdreg s2  }
0xa9: {  	[dreg:$0x3] =	wrdreg s4  }
0xaa: {  	[dreg:$0x4] =	wrdreg $0xC0  }
0xab: {  	_ =	task [dreg:s6], $0x5FFFF  }
0xac: {  	[dreg:$0x1] =	wrdreg $0xFFFFFFFF  }
0xad: {  	[dreg:$0x0] =	wrdreg $0x60  }
0xae: {  	[dreg:$0x2] =	wrdreg s24  }
0xaf: {  	[dreg:$0x3] =	wrdreg $0x78000  }
0xb0: {  	[dreg:$0x4] =	wrdreg $0x9  }
0xb1: {  	_ =	task.clear_ibuf [dreg:s6], $0x5FFFF;
	_ =	strace $0x90000049  }
0xb2: {  	s29 =	simm.s32 $0x9;
	_ =	strace $0x8000004B  }
0xb3: {  	_ =	swait.ge [sflag:s29], $0x1  }
0xb4: {  	[sflag:s29] =	ssyncadd.s32 $0xFFFFFFFF  }
0xb5: {  	_ =	strace $0x9000004B  }
0xb6: {  	_ =	sfence  }
0xb7: {  	s30 =	sld [smem:$0x0];
	_ =	sdelay $0x2  }
0xb8: {  	s31 =	sshll.u32 s1, $0xD;
	s1 =	sshrl.u32 s1, $0x2  }
0xb9: {  	s3 =	sand.u32 $0x4000, s31;
	s1 =	sadd.s32 s1, s30  }
0xba: {  	s0 =	sor.u32 s3, s0;
	s1 =	sshll.u32 s1, $0x11  }
0xbb: {  	s0 =	sor.u32 s1, s0  }
0xbc: {  	s0 =	sadd.s32 $0x8F2B, s0  }
0xbd: {  	[sflag:s0] =	ssyncadd.remote.s32 $0x1  }
0xbe: {  	_ =	sfence.sel $0xFFFF  }
0xbf: {  	[dreg:$0x0] =	wrdreg $0xFFFFFFFF;
	(pc) =	sbr.abs _section_cstart, $3  }
0xc0: {  	[dreg:$0x1] =	wrdreg $0xFFFFFFFF  }
0xc1: {  	_ =	task.clear_ibuf [dreg:s6], $0x2FFFF;
	_ =	strace $0x9FFFFFFF  }
0xc2: {  	(tm) =	ssettm $0x7FFFFFFF  }
0xc3: {  	_ =	shalt  }
tec
execute0_lowered:
.L_overlay_start_1:
0x0: {  	(tag) =	ssettag $0x1  }
0x1: {  	s0 =	rddreg [dreg:$0x0];
	s15 =	stileid.u32  }
0x2: {  	s1 =	rddreg [dreg:$0x1];
	s5 =	smul.u32 $0x2800, s15  }
0x3: {  	s2 =	srdreg.scid;
	s7 =	smul.u32 $0x280, s15  }
0x4: {  	s3 =	simm.s32 $0x0;
	s28 =	simm.s32 $0x300;
	s10 =	smul.u32 $0x50000, s15  }
0x5: {  	s29 =	simm.s32 $0x380;
	s30 =	simm.s32 $0x480;
	s24 =	smul.u32 $0x6000, s15  }
0x6: {  	s31 =	simm.s32 $0x600;
	s2 =	sand.u32 $0x1, s2;
	s18 =	smul.u32 $0x18, s15  }
0x7: {  	[smem:$0x7FF] =	sst s3;
	s9 =	sadd.s32 $0x11C600, s0;
	s13 =	smul.u32 $0x5000, s2  }
0x8: {  	s4 =	sshll.u32 s2, $0x5;
	_ =	strace $0x8000004A;
	s23 =	smul.u32 $0xC0000, s2  }
0x9: {  	s8 =	sshllo.u32 s2, $0x1;
	s12 =	ssub.s32 $0x2, s2;
	s26 =	smul.u32 $0x300, s2  }
0xa: {  	s2 =	smul.u32 $0x18000, s2;
	s4 =	sor.u32 s15, s4;
	s11 =	sshll.u32 s8, $0x4  }
0xb: {  	s5 =	sadd.s32 s5, s0;
	s14 =	sshrl.u32 s12, $0x1;
	s8 =	smul.u32 $0x2800, s8  }
0xc: {  	s22 =	sshrl.u32 s10, $0x2;
	s6 =	smul.u32 $0xC00, s4;
	s4 =	sadd.s32 $0x14C600, s0  }
0xd: {  	s11 =	sor.u32 s15, s11;
	s0 =	sadd.s32 $0x2C600, s0;
	s12 =	ssub.s32 s12, s14  }
0xe: {  	s16 =	sadd.s32 s22, s1;
	s13 =	sadd.s32 s7, s13;
	s5 =	sadd.s32 $0x4600, s5  }
0xf: {  	s20 =	sadd.s32 s24, s23;
	s22 =	sadd.s32 s18, s26;
	s23 =	smul.u32 $0xC00, s15  }
0x10: {  	s2 =	sadd.s32 s2, s9;
	s26 =	sshll.u32 s15, $0x6;
	s14 =	simm.s32 $0x800  }
0x11: {  	s18 =	simm.s32 $0x80;
	s11 =	smul.u32 $0xC00, s11;
	[dreg:$0x6] =	wrdreg s5  }
0x12: {  	s25 =	sshll.u32 s13, $0x4;
	s17 =	sadd.s32 s7, s8;
	s21 =	sadd.s32 $0x60800, s20  }
0x13: {  	s13 =	simm.s32 $0x70;
	s7 =	sshrl.u32 s16, $0x3;
	s20 =	simm.s32 $0x3  }
0x14: {  	s8 =	simm.s32 $0x0;
	s6 =	sadd.s32 s9, s6;
	[dreg:$0xc] =	wrdreg s7  }
0x15: {  	s5 =	sadd.s32 s0, s25;
	s25 =	smax.u32 s12, $0x1;
	[dreg:$0x5] =	wrdreg s6  }
0x16: {  	s12 =	simm.s32 $0x5;
	[dreg:$0x7] =	wrdreg s5;
	s19 =	sadd.s32 s9, s11  }
0x17: {  	s5 =	sshll.u32 s17, $0x4;
	[dreg:$0xa] =	wrdreg s25;
	s11 =	sadd.s32 s23, s2  }
0x18: {  	s17 =	simm.s32 $0x400;
	s23 =	simm.s32 $0x4;
	s25 =	simm.s32 $0x2  }
0x19: {  	s2 =	simm.s32 $0x680;
	[dreg:$0x8] =	wrdreg s19;
	s0 =	sadd.s32 s0, s5  }
0x1a: {  	s5 =	sshll.u32 s22, $0x7;
	s19 =	simm.s32 $0x4000;
	s22 =	simm.s32 $0x100  }
0x1b: {  	[dreg:$0x9] =	wrdreg s0;
	s0 =	sshrl.u32 s21, $0x3;
	s5 =	sadd.s32 s9, s5  }
0x1c: {  	s21 =	simm.s32 $0x200;
	s0 =	sadd.s32 s0, s9;
	s24 =	sadd.s32 $0xC080, s5  }
0x1d: {  	s5 =	simm.s32 $0x780;
	[dreg:$0x3] =	wrdreg s0;
	s0 =	sor.u32 $0x1C05, s26  }
0x1e: {  	[dreg:$0x4] =	wrdreg s24;
	s24 =	simm.s32 $0x280;
	s16 =	smov.u32 s0  }
0x1f: {  	s26 =	simm.s32 $0x180;
	s0 =	simm.s32 $0x500;
	[dreg:$0xb] =	wrdreg s16  }
.LBB2_1:
0x20: {  	[dreg:$0xd] =	wrdreg s8  }
0x21: {  	s6 =	rddreg [dreg:$0x5]  }
0x22: {  	[tilespmem:s3], [sflag:$0x5] =	stream.linear.gather [hbm4b:s6+s3], $0x400, $0x38;
	[tilespmem:$0x1B800] =	vst v63  }
0x23: {  	_ =	swait.ge [sflag:s12], $0x400  }
0x24: {  	[sflag:s12] =	ssyncset.done $0x0  }
0x25: {  	s15 =	rddreg [dreg:$0x6];
	[sflag:s12] =	ssyncadd.s32 $0xFFFFFC00  }
0x26: {  	[tilespmem:s14], [sflag:$0x3] =	stream.indirect.gather [hbm4b:s4+s13], $0x80, s3, s13, $0xb8;
	[tilespmem:$0x1B800] =	vst v63  }
0x27: {  	[spmem:s7], [sflag:s16] =	dma.local [hbm:s15], $0x2800  }
0x28: {  	_ =	swait.ge [sflag:s12], $0x2800  }
0x29: {  	[sflag:s12] =	ssyncset.done $0x0  }
0x2a: {  	s16 =	sadd.s32 $0xFFFFF400, s11;
	[sflag:s12] =	ssyncadd.s32 $0xFFFFD800  }
0x2b: {  	s8 =	sadd.s32 $0xC80, s16;
	[bflag:$0x0] =	sbarrier.arrive $0xFFFF  }
0x2c: {  	[tilespmem:s17], [sflag:$0x2] =	stream.linear.gather [hbm4b:s8+s3], $0x400, $0x38;
	[tilespmem:$0x1B800] =	vst v63  }
0x2d: {  	_ = 	snop  }
0x2e: {  	[tilespmem:s19], [sflag:$0x4] =	stream.indirect.gather [hbm4b:s4+s13], $0x80, s18, s13, $0xb8;
	[tilespmem:$0x1B800] =	vst v63  }
0x2f: {  	_ =	swait.ge [sflag:s20], $0x3800  }
0x30: {  	[sflag:s20] =	ssyncset.done $0x0  }
0x31: {  	[sflag:s20] =	ssyncadd.s32 $0xFFFFC800  }
0x32: {  	[spmem:s1] =	stream.indirect.scatter.add.f32 [tilespmem:s14], [sflag:$0x5], $0x80, s21, s13, $0xb8;
	[tilespmem:$0x1B800] =	vst v63  }
0x33: {  	_ =	swait.ge [sflag:s12], $0x3800  }
0x34: {  	[sflag:s12] =	ssyncset.done $0x0  }
0x35: {  	[sflag:s12] =	ssyncadd.s32 $0xFFFFC800  }
0x36: {  	[tilespmem:s14], [sflag:$0x3] =	stream.indirect.gather [hbm4b:s4+s13], $0x80, s22, s13, $0xb8;
	[tilespmem:$0x1B800] =	vst v63  }
0x37: {  	_ =	swait.ge [sflag:s23], $0x3800  }
0x38: {  	[sflag:s23] =	ssyncset.done $0x0  }
0x39: {  	[sflag:s23] =	ssyncadd.s32 $0xFFFFC800  }
0x3a: {  	[spmem:s1] =	stream.indirect.scatter.add.f32 [tilespmem:s19], [sflag:$0x5], $0x80, s24, s13, $0xb8;
	[tilespmem:$0x1B800] =	vst v63  }
0x3b: {  	_ =	swait.ge [sflag:s12], $0x3800  }
0x3c: {  	[sflag:s12] =	ssyncset.done $0x0  }
0x3d: {  	[sflag:s12] =	ssyncadd.s32 $0xFFFFC800  }
0x3e: {  	_ =	swait.ge [sflag:s25], $0x400  }
0x3f: {  	[sflag:s25] =	ssyncset.done $0x0  }
0x40: {  	[sflag:s25] =	ssyncadd.s32 $0xFFFFFC00  }
0x41: {  	[tilespmem:s19], [sflag:$0x4] =	stream.indirect.gather [hbm4b:s4+s13], $0x80, s26, s13, $0xb8;
	[tilespmem:$0x1B800] =	vst v63  }
0x42: {  	_ =	swait.ge [sflag:s20], $0x3800  }
0x43: {  	[sflag:s20] =	ssyncset.done $0x0  }
0x44: {  	[sflag:s20] =	ssyncadd.s32 $0xFFFFC800  }
0x45: {  	[spmem:s1] =	stream.indirect.scatter.add.f32 [tilespmem:s14], [sflag:$0x5], $0x80, s28, s13, $0xb8;
	[tilespmem:$0x1B800] =	vst v63  }
0x46: {  	_ =	swait.ge [sflag:s12], $0x3800  }
0x47: {  	[sflag:s12] =	ssyncset.done $0x0  }
0x48: {  	[sflag:s12] =	ssyncadd.s32 $0xFFFFC800  }
0x49: {  	[tilespmem:s14], [sflag:$0x3] =	stream.indirect.gather [hbm4b:s4+s13], $0x80, s17, s13, $0xb8;
	[tilespmem:$0x1B800] =	vst v63  }
0x4a: {  	_ =	swait.ge [sflag:s23], $0x3800  }
0x4b: {  	[sflag:s23] =	ssyncset.done $0x0  }
0x4c: {  	[sflag:s23] =	ssyncadd.s32 $0xFFFFC800  }
0x4d: {  	[spmem:s1] =	stream.indirect.scatter.add.f32 [tilespmem:s19], [sflag:$0x5], $0x80, s29, s13, $0xb8;
	[tilespmem:$0x1B800] =	vst v63  }
0x4e: {  	p0 =	por $0x0, $0x0;
	_ =	swait.ge [sflag:s12], $0x3800  }
0x4f: {  	s8 =	sadd.s32 @!p0 $0xFFFFF400, s11;
	[sflag:s12] =	ssyncset.done $0x0  }
0x50: {  	s9 =	simm.s32 @!p0 $0x0;
	s8 =	sadd.s32 @!p0 $0xD00, s8;
	[sflag:s12] =	ssyncadd.s32 $0xFFFFC800  }
0x51: {  	[tilespmem:s9], [sflag:$0x1] =	stream.linear.gather @!p0 [hbm4b:s8+s9], $0x400, $0x38;
	[tilespmem:$0x1B800] =	vst v63  }
0x52: {  	_ = 	snop  }
0x53: {  	[tilespmem:s19], [sflag:$0x4] =	stream.indirect.gather [hbm4b:s4+s13], $0x80, s30, s13, $0xb8;
	[tilespmem:$0x1B800] =	vst v63  }
0x54: {  	_ =	swait.ge [sflag:s20], $0x3800  }
0x55: {  	[sflag:s20] =	ssyncset.done $0x0  }
0x56: {  	[sflag:s20] =	ssyncadd.s32 $0xFFFFC800  }
0x57: {  	[spmem:s1] =	stream.indirect.scatter.add.f32 [tilespmem:s14], [sflag:$0x5], $0x80, s31, s13, $0xb8;
	[tilespmem:$0x1B800] =	vst v63  }
0x58: {  	_ =	swait.ge [sflag:s12], $0x3800  }
0x59: {  	[sflag:s12] =	ssyncset.done $0x0  }
0x5a: {  	[sflag:s12] =	ssyncadd.s32 $0xFFFFC800  }
0x5b: {  	[tilespmem:s14], [sflag:$0x3] =	stream.indirect.gather [hbm4b:s4+s13], $0x80, s0, s13, $0xb8;
	[tilespmem:$0x1B800] =	vst v63  }
0x5c: {  	_ =	swait.ge [sflag:s23], $0x3800  }
0x5d: {  	[sflag:s23] =	ssyncset.done $0x0  }
0x5e: {  	[sflag:s23] =	ssyncadd.s32 $0xFFFFC800  }
0x5f: {  	[spmem:s1] =	stream.indirect.scatter.add.f32 [tilespmem:s19], [sflag:$0x5], $0x80, s2, s13, $0xb8;
	[tilespmem:$0x1B800] =	vst v63  }
0x60: {  	_ =	swait.ge [sflag:s12], $0x3800  }
0x61: {  	s10 =	simm.s32 @p0 $0x70;
	[sflag:s12] =	ssyncset.done $0x0  }
0x62: {  	s6 =	simm.s32 @p0 $0x580;
	s8 =	simm.s32 @p0 $0x4000;
	[sflag:s12] =	ssyncadd.s32 $0xFFFFC800  }
0x63: {  	[tilespmem:s8], [sflag:$0x4] =	stream.indirect.gather @p0 [hbm4b:s4+s10], $0x80, s6, s10, $0xb8;
	[tilespmem:$0x1B800] =	vst v63  }
0x64: {  	s6 =	simm.s32 @p0 $0x3  }
0x65: {  	_ =	swait.ge @p0 [sflag:s6], $0x3800  }
0x66: {  	[sflag:s6] =	ssyncset.done @p0 $0x0  }
0x67: {  	s8 =	simm.s32 @p0 $0x800;
	[sflag:s6] =	ssyncadd.s32 @p0 $0xFFFFC800;
	s6 =	simm.s32 @p0 $0x700  }
0x68: {  	[spmem:s1] =	stream.indirect.scatter.add.f32 @p0 [tilespmem:s8], [sflag:$0x5], $0x80, s6, s10, $0xb8;
	[tilespmem:$0x1B800] =	vst v63  }
0x69: {  	s6 =	simm.s32 @p0 $0x5  }
0x6a: {  	_ =	swait.ge @p0 [sflag:s6], $0x3800  }
0x6b: {  	[sflag:s6] =	ssyncset.done @p0 $0x0  }
0x6c: {  	[sflag:s6] =	ssyncadd.s32 @p0 $0xFFFFC800;
	s6 =	simm.s32 @!p0 $0x1  }
0x6d: {  	_ =	swait.ge @!p0 [sflag:s6], $0x400  }
0x6e: {  	s8 =	simm.s32 @!p0 $0x4000;
	[sflag:s6] =	ssyncset.done @!p0 $0x0  }
0x6f: {  	s10 =	simm.s32 @!p0 $0x580;
	[sflag:s6] =	ssyncadd.s32 @!p0 $0xFFFFFC00;
	s6 =	simm.s32 @!p0 $0x70  }
0x70: {  	[tilespmem:s8], [sflag:$0x4] =	stream.indirect.gather @!p0 [hbm4b:s4+s6], $0x80, s10, s6, $0xb8;
	[tilespmem:$0x1B800] =	vst v63  }
0x71: {  	s8 =	simm.s32 @!p0 $0x3  }
0x72: {  	_ =	swait.ge @!p0 [sflag:s8], $0x3800  }
0x73: {  	[sflag:s8] =	ssyncset.done @!p0 $0x0  }
0x74: {  	s10 =	simm.s32 @!p0 $0x800;
	[sflag:s8] =	ssyncadd.s32 @!p0 $0xFFFFC800;
	s8 =	simm.s32 @!p0 $0x700  }
0x75: {  	[spmem:s1] =	stream.indirect.scatter.add.f32 @!p0 [tilespmem:s10], [sflag:$0x5], $0x80, s8, s6, $0xb8;
	[tilespmem:$0x1B800] =	vst v63  }
0x76: {  	s8 =	simm.s32 @!p0 $0x5  }
0x77: {  	_ =	swait.ge @!p0 [sflag:s8], $0x3800  }
0x78: {  	[sflag:s8] =	ssyncset.done @!p0 $0x0  }
0x79: {  	[sflag:s8] =	ssyncadd.s32 @!p0 $0xFFFFC800  }
0x7a: {  	[tilespmem:s10], [sflag:$0x3] =	stream.indirect.gather @!p0 [hbm4b:s4+s6], $0x80, s9, s6, $0xb8;
	[tilespmem:$0x1B800] =	vst v63  }
0x7b: {  	_ =	swait.ge [sflag:s23], $0x3800  }
0x7c: {  	[sflag:s23] =	ssyncset.done $0x0  }
0x7d: {  	[sflag:s23] =	ssyncadd.s32 $0xFFFFC800  }
0x7e: {  	[spmem:s1] =	stream.indirect.scatter.add.f32 [tilespmem:s19], [sflag:$0x5], $0x80, s5, s13, $0xb8;
	[tilespmem:$0x1B800] =	vst v63  }
0x7f: {  	s8 =	simm.s32 $0xFFFFF500;
	_ =	swait.ge [sflag:s12], $0x3800  }
0x80: {  	s9 =	simm.s32 $0xFFFFF600;
	s10 =	sadd.s32 $0xFFFFF500, s11;
	[sflag:s12] =	ssyncset.done $0x0  }
.LBB2_2:
0x81: {  	s6 =	sadd.s32 $0xC80, s10  }
0x82: {  	[sflag:s12] =	ssyncadd.s32 $0xFFFFC800;
	s10 =	smov.u32 s9;
	s9 =	sadd.s32 $0x100, s9  }
0x83: {  	[tilespmem:s17], [sflag:$0x2] =	stream.linear.gather [hbm4b:s6+s3], $0x400, $0x38;
	[tilespmem:$0x1B800] =	vst v63  }
0x84: {  	p0 =	sne.s32 s9, $0x0  }
0x85: {  	[tilespmem:s19], [sflag:$0x4] =	stream.indirect.gather [hbm4b:s4+s13], $0x80, s18, s13, $0xb8;
	[tilespmem:$0x1B800] =	vst v63  }
0x86: {  	_ =	swait.ge [sflag:s20], $0x3800  }
0x87: {  	[sflag:s20] =	ssyncset.done $0x0  }
0x88: {  	[sflag:s20] =	ssyncadd.s32 $0xFFFFC800  }
0x89: {  	[spmem:s1] =	stream.indirect.scatter.add.f32 [tilespmem:s14], [sflag:$0x5], $0x80, s21, s13, $0xb8;
	[tilespmem:$0x1B800] =	vst v63  }
0x8a: {  	_ =	swait.ge [sflag:s12], $0x3800  }
0x8b: {  	[sflag:s12] =	ssyncset.done $0x0  }
0x8c: {  	[sflag:s12] =	ssyncadd.s32 $0xFFFFC800  }
0x8d: {  	[tilespmem:s14], [sflag:$0x3] =	stream.indirect.gather [hbm4b:s4+s13], $0x80, s22, s13, $0xb8;
	[tilespmem:$0x1B800] =	vst v63  }
0x8e: {  	_ =	swait.ge [sflag:s23], $0x3800  }
0x8f: {  	[sflag:s23] =	ssyncset.done $0x0  }
0x90: {  	[sflag:s23] =	ssyncadd.s32 $0xFFFFC800  }
0x91: {  	[spmem:s1] =	stream.indirect.scatter.add.f32 [tilespmem:s19], [sflag:$0x5], $0x80, s24, s13, $0xb8;
	[tilespmem:$0x1B800] =	vst v63  }
0x92: {  	_ =	swait.ge [sflag:s12], $0x3800  }
0x93: {  	[sflag:s12] =	ssyncset.done $0x0  }
0x94: {  	[sflag:s12] =	ssyncadd.s32 $0xFFFFC800  }
0x95: {  	_ =	swait.ge [sflag:s25], $0x400  }
0x96: {  	[sflag:s25] =	ssyncset.done $0x0  }
0x97: {  	[sflag:s25] =	ssyncadd.s32 $0xFFFFFC00  }
0x98: {  	[tilespmem:s19], [sflag:$0x4] =	stream.indirect.gather [hbm4b:s4+s13], $0x80, s26, s13, $0xb8;
	[tilespmem:$0x1B800] =	vst v63  }
0x99: {  	_ =	swait.ge [sflag:s20], $0x3800  }
0x9a: {  	[sflag:s20] =	ssyncset.done $0x0  }
0x9b: {  	[sflag:s20] =	ssyncadd.s32 $0xFFFFC800  }
0x9c: {  	[spmem:s1] =	stream.indirect.scatter.add.f32 [tilespmem:s14], [sflag:$0x5], $0x80, s28, s13, $0xb8;
	[tilespmem:$0x1B800] =	vst v63  }
0x9d: {  	_ =	swait.ge [sflag:s12], $0x3800  }
0x9e: {  	[sflag:s12] =	ssyncset.done $0x0  }
0x9f: {  	[sflag:s12] =	ssyncadd.s32 $0xFFFFC800  }
0xa0: {  	[tilespmem:s14], [sflag:$0x3] =	stream.indirect.gather [hbm4b:s4+s13], $0x80, s17, s13, $0xb8;
	[tilespmem:$0x1B800] =	vst v63  }
0xa1: {  	_ =	swait.ge [sflag:s23], $0x3800  }
0xa2: {  	[sflag:s23] =	ssyncset.done $0x0  }
0xa3: {  	[sflag:s23] =	ssyncadd.s32 $0xFFFFC800  }
0xa4: {  	[spmem:s1] =	stream.indirect.scatter.add.f32 [tilespmem:s19], [sflag:$0x5], $0x80, s29, s13, $0xb8;
	[tilespmem:$0x1B800] =	vst v63  }
0xa5: {  	p1 =	seq.s32 s8, $0xFFFFFF00;
	_ =	swait.ge [sflag:s12], $0x3800  }
0xa6: {  	s6 =	sadd.s32 @!p1 s8, s11;
	s8 =	smov.u32 s10;
	[sflag:s12] =	ssyncset.done $0x0  }
0xa7: {  	s10 =	simm.s32 @!p1 $0x0;
	s6 =	sadd.s32 @!p1 $0xD00, s6;
	[sflag:s12] =	ssyncadd.s32 $0xFFFFC800  }
0xa8: {  	[tilespmem:s10], [sflag:$0x1] =	stream.linear.gather @!p1 [hbm4b:s6+s10], $0x400, $0x38;
	[tilespmem:$0x1B800] =	vst v63  }
0xa9: {  	_ = 	snop  }
0xaa: {  	[tilespmem:s19], [sflag:$0x4] =	stream.indirect.gather [hbm4b:s4+s13], $0x80, s30, s13, $0xb8;
	[tilespmem:$0x1B800] =	vst v63  }
0xab: {  	_ =	swait.ge [sflag:s20], $0x3800  }
0xac: {  	[sflag:s20] =	ssyncset.done $0x0  }
0xad: {  	[sflag:s20] =	ssyncadd.s32 $0xFFFFC800  }
0xae: {  	[spmem:s1] =	stream.indirect.scatter.add.f32 [tilespmem:s14], [sflag:$0x5], $0x80, s31, s13, $0xb8;
	[tilespmem:$0x1B800] =	vst v63  }
0xaf: {  	_ =	swait.ge [sflag:s12], $0x3800  }
0xb0: {  	[sflag:s12] =	ssyncset.done $0x0  }
0xb1: {  	[sflag:s12] =	ssyncadd.s32 $0xFFFFC800  }
0xb2: {  	[tilespmem:s14], [sflag:$0x3] =	stream.indirect.gather [hbm4b:s4+s13], $0x80, s0, s13, $0xb8;
	[tilespmem:$0x1B800] =	vst v63  }
0xb3: {  	_ =	swait.ge [sflag:s23], $0x3800  }
0xb4: {  	[sflag:s23] =	ssyncset.done $0x0  }
0xb5: {  	[sflag:s23] =	ssyncadd.s32 $0xFFFFC800  }
0xb6: {  	[spmem:s1] =	stream.indirect.scatter.add.f32 [tilespmem:s19], [sflag:$0x5], $0x80, s2, s13, $0xb8;
	[tilespmem:$0x1B800] =	vst v63  }
0xb7: {  	_ =	swait.ge [sflag:s12], $0x3800  }
0xb8: {  	s15 =	simm.s32 @p1 $0x3;
	s6 =	simm.s32 @p1 $0x4000;
	[sflag:s12] =	ssyncset.done $0x0  }
0xb9: {  	s16 =	simm.s32 @p1 $0x70;
	s7 =	simm.s32 @p1 $0x580;
	[sflag:s12] =	ssyncadd.s32 $0xFFFFC800  }
0xba: {  	[tilespmem:s6], [sflag:$0x4] =	stream.indirect.gather @p1 [hbm4b:s4+s16], $0x80, s7, s16, $0xb8;
	[tilespmem:$0x1B800] =	vst v63  }
0xbb: {  	_ =	swait.ge @p1 [sflag:s15], $0x3800  }
0xbc: {  	s6 =	simm.s32 @p1 $0x5;
	[sflag:s15] =	ssyncset.done @p1 $0x0  }
0xbd: {  	s7 =	simm.s32 @p1 $0x700;
	[sflag:s15] =	ssyncadd.s32 @p1 $0xFFFFC800;
	s15 =	simm.s32 @p1 $0x800  }
0xbe: {  	[spmem:s1] =	stream.indirect.scatter.add.f32 @p1 [tilespmem:s15], [sflag:$0x5], $0x80, s7, s16, $0xb8;
	[tilespmem:$0x1B800] =	vst v63  }
0xbf: {  	_ =	swait.ge @p1 [sflag:s6], $0x3800  }
0xc0: {  	[sflag:s6] =	ssyncset.done @p1 $0x0  }
0xc1: {  	[sflag:s6] =	ssyncadd.s32 @p1 $0xFFFFC800;
	s6 =	simm.s32 @!p1 $0x1  }
0xc2: {  	_ =	swait.ge @!p1 [sflag:s6], $0x400  }
0xc3: {  	s7 =	simm.s32 @!p1 $0x4000;
	s15 =	simm.s32 @!p1 $0x3;
	[sflag:s6] =	ssyncset.done @!p1 $0x0  }
0xc4: {  	s16 =	simm.s32 @!p1 $0x580;
	[sflag:s6] =	ssyncadd.s32 @!p1 $0xFFFFFC00;
	s6 =	simm.s32 @!p1 $0x70  }
0xc5: {  	[tilespmem:s7], [sflag:$0x4] =	stream.indirect.gather @!p1 [hbm4b:s4+s6], $0x80, s16, s6, $0xb8;
	[tilespmem:$0x1B800] =	vst v63  }
0xc6: {  	_ =	swait.ge @!p1 [sflag:s15], $0x3800  }
0xc7: {  	s7 =	simm.s32 @!p1 $0x5;
	[sflag:s15] =	ssyncset.done @!p1 $0x0  }
0xc8: {  	s16 =	simm.s32 @!p1 $0x800;
	[sflag:s15] =	ssyncadd.s32 @!p1 $0xFFFFC800;
	s15 =	simm.s32 @!p1 $0x700  }
0xc9: {  	[spmem:s1] =	stream.indirect.scatter.add.f32 @!p1 [tilespmem:s16], [sflag:$0x5], $0x80, s15, s6, $0xb8;
	[tilespmem:$0x1B800] =	vst v63  }
0xca: {  	_ =	swait.ge @!p1 [sflag:s7], $0x3800  }
0xcb: {  	[sflag:s7] =	ssyncset.done @!p1 $0x0  }
0xcc: {  	[sflag:s7] =	ssyncadd.s32 @!p1 $0xFFFFC800  }
0xcd: {  	[tilespmem:s16], [sflag:$0x3] =	stream.indirect.gather @!p1 [hbm4b:s4+s6], $0x80, s10, s6, $0xb8;
	[tilespmem:$0x1B800] =	vst v63  }
0xce: {  	_ =	swait.ge [sflag:s23], $0x3800  }
.Ltmp0:
0xcf: {  	[sflag:s23] =	ssyncset.done $0x0;
	(pc) =	sbr.rel @p0 .LBB2_2-.Ltmp0, $4  }
0xd0: {  	[sflag:s23] =	ssyncadd.s32 $0xFFFFC800  }
0xd1: {  	[spmem:s1] =	stream.indirect.scatter.add.f32 [tilespmem:s19], [sflag:$0x5], $0x80, s5, s13, $0xb8;
	[tilespmem:$0x1B800] =	vst v63  }
0xd2: {  	_ =	swait.ge [sflag:s12], $0x3800  }
0xd3: {  	s10 =	sadd.s32 s8, s11;
	[sflag:s12] =	ssyncset.done $0x0  }
0xd4: {  	s6 =	sadd.s32 $0xC80, s10;
	[sflag:s12] =	ssyncadd.s32 $0xFFFFC800  }
0xd5: {  	[tilespmem:s17], [sflag:$0x2] =	stream.linear.gather [hbm4b:s6+s3], $0x400, $0x38;
	[tilespmem:$0x1B800] =	vst v63  }
0xd6: {  	_ = 	snop  }
0xd7: {  	[tilespmem:s19], [sflag:$0x4] =	stream.indirect.gather [hbm4b:s4+s13], $0x80, s18, s13, $0xb8;
	[tilespmem:$0x1B800] =	vst v63  }
0xd8: {  	_ =	swait.ge [sflag:s20], $0x3800  }
0xd9: {  	[sflag:s20] =	ssyncset.done $0x0  }
0xda: {  	[sflag:s20] =	ssyncadd.s32 $0xFFFFC800  }
0xdb: {  	[spmem:s1] =	stream.indirect.scatter.add.f32 [tilespmem:s14], [sflag:$0x5], $0x80, s21, s13, $0xb8;
	[tilespmem:$0x1B800] =	vst v63  }
0xdc: {  	_ =	swait.ge [sflag:s12], $0x3800  }
0xdd: {  	[sflag:s12] =	ssyncset.done $0x0  }
0xde: {  	[sflag:s12] =	ssyncadd.s32 $0xFFFFC800  }
0xdf: {  	[tilespmem:s14], [sflag:$0x3] =	stream.indirect.gather [hbm4b:s4+s13], $0x80, s22, s13, $0xb8;
	[tilespmem:$0x1B800] =	vst v63  }
0xe0: {  	_ =	swait.ge [sflag:s23], $0x3800  }
0xe1: {  	[sflag:s23] =	ssyncset.done $0x0  }
0xe2: {  	[sflag:s23] =	ssyncadd.s32 $0xFFFFC800  }
0xe3: {  	[spmem:s1] =	stream.indirect.scatter.add.f32 [tilespmem:s19], [sflag:$0x5], $0x80, s24, s13, $0xb8;
	[tilespmem:$0x1B800] =	vst v63  }
0xe4: {  	_ =	swait.ge [sflag:s12], $0x3800  }
0xe5: {  	[sflag:s12] =	ssyncset.done $0x0  }
0xe6: {  	[sflag:s12] =	ssyncadd.s32 $0xFFFFC800  }
0xe7: {  	_ =	swait.ge [sflag:s25], $0x400  }
0xe8: {  	[sflag:s25] =	ssyncset.done $0x0  }
0xe9: {  	[sflag:s25] =	ssyncadd.s32 $0xFFFFFC00  }
0xea: {  	[tilespmem:s19], [sflag:$0x4] =	stream.indirect.gather [hbm4b:s4+s13], $0x80, s26, s13, $0xb8;
	[tilespmem:$0x1B800] =	vst v63  }
0xeb: {  	_ =	swait.ge [sflag:s20], $0x3800  }
0xec: {  	[sflag:s20] =	ssyncset.done $0x0  }
0xed: {  	[sflag:s20] =	ssyncadd.s32 $0xFFFFC800  }
0xee: {  	[spmem:s1] =	stream.indirect.scatter.add.f32 [tilespmem:s14], [sflag:$0x5], $0x80, s28, s13, $0xb8;
	[tilespmem:$0x1B800] =	vst v63  }
0xef: {  	_ =	swait.ge [sflag:s12], $0x3800  }
0xf0: {  	[sflag:s12] =	ssyncset.done $0x0  }
0xf1: {  	[sflag:s12] =	ssyncadd.s32 $0xFFFFC800  }
0xf2: {  	[tilespmem:s14], [sflag:$0x3] =	stream.indirect.gather [hbm4b:s4+s13], $0x80, s17, s13, $0xb8;
	[tilespmem:$0x1B800] =	vst v63  }
0xf3: {  	_ =	swait.ge [sflag:s23], $0x3800  }
0xf4: {  	[sflag:s23] =	ssyncset.done $0x0  }
0xf5: {  	[sflag:s23] =	ssyncadd.s32 $0xFFFFC800  }
0xf6: {  	[spmem:s1] =	stream.indirect.scatter.add.f32 [tilespmem:s19], [sflag:$0x5], $0x80, s29, s13, $0xb8;
	[tilespmem:$0x1B800] =	vst v63  }
0xf7: {  	p0 =	seq.s32 s8, $0xFFFFFF00;
	_ =	swait.ge [sflag:s12], $0x3800  }
0xf8: {  	s6 =	sadd.s32 @!p0 s8, s11;
	[sflag:s12] =	ssyncset.done $0x0  }
0xf9: {  	s7 =	simm.s32 @!p0 $0x0;
	s6 =	sadd.s32 @!p0 $0xD00, s6;
	[sflag:s12] =	ssyncadd.s32 $0xFFFFC800  }
0xfa: {  	[tilespmem:s7], [sflag:$0x1] =	stream.linear.gather @!p0 [hbm4b:s6+s7], $0x400, $0x38;
	[tilespmem:$0x1B800] =	vst v63  }
0xfb: {  	_ = 	snop  }
0xfc: {  	[tilespmem:s19], [sflag:$0x4] =	stream.indirect.gather [hbm4b:s4+s13], $0x80, s30, s13, $0xb8;
	[tilespmem:$0x1B800] =	vst v63  }
0xfd: {  	_ =	swait.ge [sflag:s20], $0x3800  }
0xfe: {  	[sflag:s20] =	ssyncset.done $0x0  }
0xff: {  	[sflag:s20] =	ssyncadd.s32 $0xFFFFC800  }
0x100: {  	[spmem:s1] =	stream.indirect.scatter.add.f32 [tilespmem:s14], [sflag:$0x5], $0x80, s31, s13, $0xb8;
	[tilespmem:$0x1B800] =	vst v63  }
0x101: {  	_ =	swait.ge [sflag:s12], $0x3800  }
0x102: {  	[sflag:s12] =	ssyncset.done $0x0  }
0x103: {  	[sflag:s12] =	ssyncadd.s32 $0xFFFFC800  }
0x104: {  	[tilespmem:s14], [sflag:$0x3] =	stream.indirect.gather [hbm4b:s4+s13], $0x80, s0, s13, $0xb8;
	[tilespmem:$0x1B800] =	vst v63  }
0x105: {  	_ =	swait.ge [sflag:s23], $0x3800  }
0x106: {  	[sflag:s23] =	ssyncset.done $0x0  }
0x107: {  	[sflag:s23] =	ssyncadd.s32 $0xFFFFC800  }
0x108: {  	[spmem:s1] =	stream.indirect.scatter.add.f32 [tilespmem:s19], [sflag:$0x5], $0x80, s2, s13, $0xb8;
	[tilespmem:$0x1B800] =	vst v63  }
0x109: {  	_ =	swait.ge [sflag:s12], $0x3800  }
0x10a: {  	s8 =	simm.s32 @p0 $0x70;
	[sflag:s12] =	ssyncset.done $0x0  }
0x10b: {  	s9 =	simm.s32 @p0 $0x580;
	s6 =	simm.s32 @p0 $0x4000;
	[sflag:s12] =	ssyncadd.s32 $0xFFFFC800  }
0x10c: {  	[tilespmem:s6], [sflag:$0x4] =	stream.indirect.gather @p0 [hbm4b:s4+s8], $0x80, s9, s8, $0xb8;
	[tilespmem:$0x1B800] =	vst v63  }
0x10d: {  	s6 =	simm.s32 @p0 $0x3  }
0x10e: {  	_ =	swait.ge @p0 [sflag:s6], $0x3800  }
0x10f: {  	[sflag:s6] =	ssyncset.done @p0 $0x0  }
0x110: {  	s9 =	simm.s32 @p0 $0x800;
	[sflag:s6] =	ssyncadd.s32 @p0 $0xFFFFC800;
	s6 =	simm.s32 @p0 $0x700  }
0x111: {  	[spmem:s1] =	stream.indirect.scatter.add.f32 @p0 [tilespmem:s9], [sflag:$0x5], $0x80, s6, s8, $0xb8;
	[tilespmem:$0x1B800] =	vst v63  }
0x112: {  	s6 =	simm.s32 @p0 $0x5  }
0x113: {  	_ =	swait.ge @p0 [sflag:s6], $0x3800  }
0x114: {  	[sflag:s6] =	ssyncset.done @p0 $0x0  }
0x115: {  	[sflag:s6] =	ssyncadd.s32 @p0 $0xFFFFC800;
	s6 =	simm.s32 @!p0 $0x1  }
0x116: {  	_ =	swait.ge @!p0 [sflag:s6], $0x400  }
0x117: {  	s8 =	simm.s32 @!p0 $0x4000;
	[sflag:s6] =	ssyncset.done @!p0 $0x0  }
0x118: {  	s9 =	simm.s32 @!p0 $0x580;
	[sflag:s6] =	ssyncadd.s32 @!p0 $0xFFFFFC00;
	s6 =	simm.s32 @!p0 $0x70  }
0x119: {  	[tilespmem:s8], [sflag:$0x4] =	stream.indirect.gather @!p0 [hbm4b:s4+s6], $0x80, s9, s6, $0xb8;
	[tilespmem:$0x1B800] =	vst v63  }
0x11a: {  	s8 =	simm.s32 @!p0 $0x3  }
0x11b: {  	_ =	swait.ge @!p0 [sflag:s8], $0x3800  }
0x11c: {  	[sflag:s8] =	ssyncset.done @!p0 $0x0  }
0x11d: {  	s9 =	simm.s32 @!p0 $0x800;
	[sflag:s8] =	ssyncadd.s32 @!p0 $0xFFFFC800;
	s8 =	simm.s32 @!p0 $0x700  }
0x11e: {  	[spmem:s1] =	stream.indirect.scatter.add.f32 @!p0 [tilespmem:s9], [sflag:$0x5], $0x80, s8, s6, $0xb8;
	[tilespmem:$0x1B800] =	vst v63  }
0x11f: {  	s8 =	simm.s32 @!p0 $0x5  }
0x120: {  	_ =	swait.ge @!p0 [sflag:s8], $0x3800  }
0x121: {  	[sflag:s8] =	ssyncset.done @!p0 $0x0  }
0x122: {  	[sflag:s8] =	ssyncadd.s32 @!p0 $0xFFFFC800  }
0x123: {  	[tilespmem:s9], [sflag:$0x3] =	stream.indirect.gather @!p0 [hbm4b:s4+s6], $0x80, s7, s6, $0xb8;
	[tilespmem:$0x1B800] =	vst v63  }
0x124: {  	_ =	swait.ge [sflag:s23], $0x3800  }
0x125: {  	[sflag:s23] =	ssyncset.done $0x0  }
0x126: {  	[sflag:s23] =	ssyncadd.s32 $0xFFFFC800  }
0x127: {  	[spmem:s1] =	stream.indirect.scatter.add.f32 [tilespmem:s19], [sflag:$0x5], $0x80, s5, s13, $0xb8;
	[tilespmem:$0x1B800] =	vst v63  }
0x128: {  	_ =	swait.ge [sflag:s12], $0x3800  }
0x129: {  	[sflag:s12] =	ssyncset.done $0x0  }
0x12a: {  	[sflag:s12] =	ssyncadd.s32 $0xFFFFC800  }
0x12b: {  	[bflag:$0x0] =	sbarrier.arrive $0xFFFF  }
0x12c: {  	s10 =	rddreg [dreg:$0x7]  }
0x12d: {  	s16 =	rddreg [dreg:$0xb]  }
0x12e: {  	s8 =	rddreg [dreg:$0xc]  }
0x12f: {  	[hbm:s10], [sflag:s16] =	dma.local [spmem:s8], $0x2800  }
0x130: {  	_ =	swait.ge [sflag:s12], $0x2800  }
0x131: {  	[sflag:s12] =	ssyncset.done $0x0  }
0x132: {  	s15 =	simm.s32 $0x0;
	s9 =	rddreg [dreg:$0x8];
	[sflag:s12] =	ssyncadd.s32 $0xFFFFD800  }
0x133: {  	[tilespmem:s15], [sflag:$0x5] =	stream.linear.gather [hbm4b:s9+s15], $0x400, $0x38;
	[tilespmem:$0x1B800] =	vst v63  }
0x134: {  	_ =	swait.ge [sflag:s12], $0x400  }
0x135: {  	[sflag:s12] =	ssyncset.done $0x0  }
0x136: {  	s10 =	rddreg [dreg:$0x6];
	[sflag:s12] =	ssyncadd.s32 $0xFFFFFC00  }
0x137: {  	[tilespmem:s14], [sflag:$0x3] =	stream.indirect.gather [hbm4b:s4+s13], $0x80, s15, s13, $0xb8;
	[tilespmem:$0x1B800] =	vst v63  }
0x138: {  	[spmem:s8], [sflag:s16] =	dma.local [hbm:s10], $0x2800  }
0x139: {  	_ =	swait.ge [sflag:s12], $0x2800  }
0x13a: {  	[sflag:s12] =	ssyncset.done $0x0  }
0x13b: {  	[sflag:s12] =	ssyncadd.s32 $0xFFFFD800  }
0x13c: {  	[bflag:$0x0] =	sbarrier.arrive $0xFFFF  }
0x13d: {  	s15 =	rddreg [dreg:$0x4]  }
0x13e: {  	s6 =	sadd.s32 $0x0, s15  }
0x13f: {  	[tilespmem:s17], [sflag:$0x2] =	stream.linear.gather [hbm4b:s6+s3], $0x400, $0x38;
	[tilespmem:$0x1B800] =	vst v63  }
0x140: {  	_ = 	snop  }
0x141: {  	[tilespmem:s19], [sflag:$0x4] =	stream.indirect.gather [hbm4b:s4+s13], $0x80, s18, s13, $0xb8;
	[tilespmem:$0x1B800] =	vst v63  }
0x142: {  	_ =	swait.ge [sflag:s20], $0x3800  }
0x143: {  	[sflag:s20] =	ssyncset.done $0x0  }
0x144: {  	[sflag:s20] =	ssyncadd.s32 $0xFFFFC800  }
0x145: {  	[spmem:s1] =	stream.indirect.scatter.add.f32 [tilespmem:s14], [sflag:$0x5], $0x80, s21, s13, $0xb8;
	[tilespmem:$0x1B800] =	vst v63  }
0x146: {  	_ =	swait.ge [sflag:s12], $0x3800  }
0x147: {  	[sflag:s12] =	ssyncset.done $0x0  }
0x148: {  	[sflag:s12] =	ssyncadd.s32 $0xFFFFC800  }
0x149: {  	[tilespmem:s14], [sflag:$0x3] =	stream.indirect.gather [hbm4b:s4+s13], $0x80, s22, s13, $0xb8;
	[tilespmem:$0x1B800] =	vst v63  }
0x14a: {  	_ =	swait.ge [sflag:s23], $0x3800  }
0x14b: {  	[sflag:s23] =	ssyncset.done $0x0  }
0x14c: {  	[sflag:s23] =	ssyncadd.s32 $0xFFFFC800  }
0x14d: {  	[spmem:s1] =	stream.indirect.scatter.add.f32 [tilespmem:s19], [sflag:$0x5], $0x80, s24, s13, $0xb8;
	[tilespmem:$0x1B800] =	vst v63  }
0x14e: {  	_ =	swait.ge [sflag:s12], $0x3800  }
0x14f: {  	[sflag:s12] =	ssyncset.done $0x0  }
0x150: {  	[sflag:s12] =	ssyncadd.s32 $0xFFFFC800  }
0x151: {  	_ =	swait.ge [sflag:s25], $0x400  }
0x152: {  	[sflag:s25] =	ssyncset.done $0x0  }
0x153: {  	[sflag:s25] =	ssyncadd.s32 $0xFFFFFC00  }
0x154: {  	[tilespmem:s19], [sflag:$0x4] =	stream.indirect.gather [hbm4b:s4+s13], $0x80, s26, s13, $0xb8;
	[tilespmem:$0x1B800] =	vst v63  }
0x155: {  	_ =	swait.ge [sflag:s20], $0x3800  }
0x156: {  	[sflag:s20] =	ssyncset.done $0x0  }
0x157: {  	[sflag:s20] =	ssyncadd.s32 $0xFFFFC800  }
0x158: {  	[spmem:s1] =	stream.indirect.scatter.add.f32 [tilespmem:s14], [sflag:$0x5], $0x80, s28, s13, $0xb8;
	[tilespmem:$0x1B800] =	vst v63  }
0x159: {  	_ =	swait.ge [sflag:s12], $0x3800  }
0x15a: {  	[sflag:s12] =	ssyncset.done $0x0  }
0x15b: {  	[sflag:s12] =	ssyncadd.s32 $0xFFFFC800  }
0x15c: {  	[tilespmem:s14], [sflag:$0x3] =	stream.indirect.gather [hbm4b:s4+s13], $0x80, s17, s13, $0xb8;
	[tilespmem:$0x1B800] =	vst v63  }
0x15d: {  	_ =	swait.ge [sflag:s23], $0x3800  }
0x15e: {  	[sflag:s23] =	ssyncset.done $0x0  }
0x15f: {  	[sflag:s23] =	ssyncadd.s32 $0xFFFFC800  }
0x160: {  	[spmem:s1] =	stream.indirect.scatter.add.f32 [tilespmem:s19], [sflag:$0x5], $0x80, s29, s13, $0xb8;
	[tilespmem:$0x1B800] =	vst v63  }
0x161: {  	_ =	swait.ge [sflag:s12], $0x3800  }
0x162: {  	p0 =	por $0x0, $0x0;
	s6 =	rddreg [dreg:$0x3];
	[sflag:s12] =	ssyncset.done $0x0  }
0x163: {  	s7 =	simm.s32 @!p0 $0x0;
	[sflag:s12] =	ssyncadd.s32 $0xFFFFC800;
	s6 =	sadd.s32 @!p0 $0x0, s6  }
0x164: {  	[tilespmem:s7], [sflag:$0x1] =	stream.linear.gather @!p0 [hbm4b:s6+s7], $0x400, $0x38;
	[tilespmem:$0x1B800] =	vst v63  }
0x165: {  	_ = 	snop  }
0x166: {  	[tilespmem:s19], [sflag:$0x4] =	stream.indirect.gather [hbm4b:s4+s13], $0x80, s30, s13, $0xb8;
	[tilespmem:$0x1B800] =	vst v63  }
0x167: {  	_ =	swait.ge [sflag:s20], $0x3800  }
0x168: {  	[sflag:s20] =	ssyncset.done $0x0  }
0x169: {  	[sflag:s20] =	ssyncadd.s32 $0xFFFFC800  }
0x16a: {  	[spmem:s1] =	stream.indirect.scatter.add.f32 [tilespmem:s14], [sflag:$0x5], $0x80, s31, s13, $0xb8;
	[tilespmem:$0x1B800] =	vst v63  }
0x16b: {  	_ =	swait.ge [sflag:s12], $0x3800  }
0x16c: {  	[sflag:s12] =	ssyncset.done $0x0  }
0x16d: {  	[sflag:s12] =	ssyncadd.s32 $0xFFFFC800  }
0x16e: {  	[tilespmem:s14], [sflag:$0x3] =	stream.indirect.gather [hbm4b:s4+s13], $0x80, s0, s13, $0xb8;
	[tilespmem:$0x1B800] =	vst v63  }
0x16f: {  	_ =	swait.ge [sflag:s23], $0x3800  }
0x170: {  	[sflag:s23] =	ssyncset.done $0x0  }
0x171: {  	[sflag:s23] =	ssyncadd.s32 $0xFFFFC800  }
0x172: {  	[spmem:s1] =	stream.indirect.scatter.add.f32 [tilespmem:s19], [sflag:$0x5], $0x80, s2, s13, $0xb8;
	[tilespmem:$0x1B800] =	vst v63  }
0x173: {  	_ =	swait.ge [sflag:s12], $0x3800  }
0x174: {  	s9 =	simm.s32 @p0 $0x580;
	[sflag:s12] =	ssyncset.done $0x0  }
0x175: {  	s8 =	simm.s32 @p0 $0x70;
	s6 =	simm.s32 @p0 $0x4000;
	[sflag:s12] =	ssyncadd.s32 $0xFFFFC800  }
0x176: {  	[tilespmem:s6], [sflag:$0x4] =	stream.indirect.gather @p0 [hbm4b:s4+s8], $0x80, s9, s8, $0xb8;
	[tilespmem:$0x1B800] =	vst v63  }
0x177: {  	s6 =	simm.s32 @p0 $0x3  }
0x178: {  	_ =	swait.ge @p0 [sflag:s6], $0x3800  }
0x179: {  	[sflag:s6] =	ssyncset.done @p0 $0x0  }
0x17a: {  	s9 =	simm.s32 @p0 $0x800;
	[sflag:s6] =	ssyncadd.s32 @p0 $0xFFFFC800;
	s6 =	simm.s32 @p0 $0x700  }
0x17b: {  	[spmem:s1] =	stream.indirect.scatter.add.f32 @p0 [tilespmem:s9], [sflag:$0x5], $0x80, s6, s8, $0xb8;
	[tilespmem:$0x1B800] =	vst v63  }
0x17c: {  	s6 =	simm.s32 @p0 $0x5  }
0x17d: {  	_ =	swait.ge @p0 [sflag:s6], $0x3800  }
0x17e: {  	[sflag:s6] =	ssyncset.done @p0 $0x0  }
0x17f: {  	[sflag:s6] =	ssyncadd.s32 @p0 $0xFFFFC800;
	s6 =	simm.s32 @!p0 $0x1  }
0x180: {  	_ =	swait.ge @!p0 [sflag:s6], $0x400  }
0x181: {  	s8 =	simm.s32 @!p0 $0x4000;
	[sflag:s6] =	ssyncset.done @!p0 $0x0  }
0x182: {  	s9 =	simm.s32 @!p0 $0x580;
	[sflag:s6] =	ssyncadd.s32 @!p0 $0xFFFFFC00;
	s6 =	simm.s32 @!p0 $0x70  }
0x183: {  	[tilespmem:s8], [sflag:$0x4] =	stream.indirect.gather @!p0 [hbm4b:s4+s6], $0x80, s9, s6, $0xb8;
	[tilespmem:$0x1B800] =	vst v63  }
0x184: {  	s8 =	simm.s32 @!p0 $0x3  }
0x185: {  	_ =	swait.ge @!p0 [sflag:s8], $0x3800  }
0x186: {  	[sflag:s8] =	ssyncset.done @!p0 $0x0  }
0x187: {  	s9 =	simm.s32 @!p0 $0x800;
	[sflag:s8] =	ssyncadd.s32 @!p0 $0xFFFFC800;
	s8 =	simm.s32 @!p0 $0x700  }
0x188: {  	[spmem:s1] =	stream.indirect.scatter.add.f32 @!p0 [tilespmem:s9], [sflag:$0x5], $0x80, s8, s6, $0xb8;
	[tilespmem:$0x1B800] =	vst v63  }
0x189: {  	s8 =	simm.s32 @!p0 $0x5  }
0x18a: {  	_ =	swait.ge @!p0 [sflag:s8], $0x3800  }
0x18b: {  	[sflag:s8] =	ssyncset.done @!p0 $0x0  }
0x18c: {  	[sflag:s8] =	ssyncadd.s32 @!p0 $0xFFFFC800  }
0x18d: {  	[tilespmem:s9], [sflag:$0x3] =	stream.indirect.gather @!p0 [hbm4b:s4+s6], $0x80, s7, s6, $0xb8;
	[tilespmem:$0x1B800] =	vst v63  }
0x18e: {  	_ =	swait.ge [sflag:s23], $0x3800  }
0x18f: {  	[sflag:s23] =	ssyncset.done $0x0  }
0x190: {  	[sflag:s23] =	ssyncadd.s32 $0xFFFFC800  }
0x191: {  	[spmem:s1] =	stream.indirect.scatter.add.f32 [tilespmem:s19], [sflag:$0x5], $0x80, s5, s13, $0xb8;
	[tilespmem:$0x1B800] =	vst v63  }
0x192: {  	s8 =	simm.s32 $0x100;
	_ =	swait.ge [sflag:s12], $0x3800  }
.LBB2_4:
0x193: {  	s6 =	rddreg [dreg:$0x4];
	s9 =	smov.u32 s8;
	[sflag:s12] =	ssyncset.done $0x0  }
0x194: {  	s6 =	sadd.s32 s9, s6;
	[sflag:s12] =	ssyncadd.s32 $0xFFFFC800  }
0x195: {  	[tilespmem:s17], [sflag:$0x2] =	stream.linear.gather [hbm4b:s6+s3], $0x400, $0x38;
	[tilespmem:$0x1B800] =	vst v63  }
0x196: {  	_ = 	snop  }
0x197: {  	[tilespmem:s19], [sflag:$0x4] =	stream.indirect.gather [hbm4b:s4+s13], $0x80, s18, s13, $0xb8;
	[tilespmem:$0x1B800] =	vst v63  }
0x198: {  	_ =	swait.ge [sflag:s20], $0x3800  }
0x199: {  	[sflag:s20] =	ssyncset.done $0x0  }
0x19a: {  	[sflag:s20] =	ssyncadd.s32 $0xFFFFC800  }
0x19b: {  	[spmem:s1] =	stream.indirect.scatter.add.f32 [tilespmem:s14], [sflag:$0x5], $0x80, s21, s13, $0xb8;
	[tilespmem:$0x1B800] =	vst v63  }
0x19c: {  	_ =	swait.ge [sflag:s12], $0x3800  }
0x19d: {  	[sflag:s12] =	ssyncset.done $0x0  }
0x19e: {  	[sflag:s12] =	ssyncadd.s32 $0xFFFFC800  }
0x19f: {  	[tilespmem:s14], [sflag:$0x3] =	stream.indirect.gather [hbm4b:s4+s13], $0x80, s22, s13, $0xb8;
	[tilespmem:$0x1B800] =	vst v63  }
0x1a0: {  	_ =	swait.ge [sflag:s23], $0x3800  }
0x1a1: {  	[sflag:s23] =	ssyncset.done $0x0  }
0x1a2: {  	[sflag:s23] =	ssyncadd.s32 $0xFFFFC800  }
0x1a3: {  	[spmem:s1] =	stream.indirect.scatter.add.f32 [tilespmem:s19], [sflag:$0x5], $0x80, s24, s13, $0xb8;
	[tilespmem:$0x1B800] =	vst v63  }
0x1a4: {  	_ =	swait.ge [sflag:s12], $0x3800  }
0x1a5: {  	[sflag:s12] =	ssyncset.done $0x0  }
0x1a6: {  	[sflag:s12] =	ssyncadd.s32 $0xFFFFC800  }
0x1a7: {  	_ =	swait.ge [sflag:s25], $0x400  }
0x1a8: {  	[sflag:s25] =	ssyncset.done $0x0  }
0x1a9: {  	[sflag:s25] =	ssyncadd.s32 $0xFFFFFC00  }
0x1aa: {  	[tilespmem:s19], [sflag:$0x4] =	stream.indirect.gather [hbm4b:s4+s13], $0x80, s26, s13, $0xb8;
	[tilespmem:$0x1B800] =	vst v63  }
0x1ab: {  	_ =	swait.ge [sflag:s20], $0x3800  }
0x1ac: {  	[sflag:s20] =	ssyncset.done $0x0  }
0x1ad: {  	[sflag:s20] =	ssyncadd.s32 $0xFFFFC800  }
0x1ae: {  	[spmem:s1] =	stream.indirect.scatter.add.f32 [tilespmem:s14], [sflag:$0x5], $0x80, s28, s13, $0xb8;
	[tilespmem:$0x1B800] =	vst v63  }
0x1af: {  	_ =	swait.ge [sflag:s12], $0x3800  }
0x1b0: {  	[sflag:s12] =	ssyncset.done $0x0  }
0x1b1: {  	[sflag:s12] =	ssyncadd.s32 $0xFFFFC800  }
0x1b2: {  	[tilespmem:s14], [sflag:$0x3] =	stream.indirect.gather [hbm4b:s4+s13], $0x80, s17, s13, $0xb8;
	[tilespmem:$0x1B800] =	vst v63  }
0x1b3: {  	_ =	swait.ge [sflag:s23], $0x3800  }
0x1b4: {  	[sflag:s23] =	ssyncset.done $0x0  }
0x1b5: {  	[sflag:s23] =	ssyncadd.s32 $0xFFFFC800  }
0x1b6: {  	[spmem:s1] =	stream.indirect.scatter.add.f32 [tilespmem:s19], [sflag:$0x5], $0x80, s29, s13, $0xb8;
	[tilespmem:$0x1B800] =	vst v63  }
0x1b7: {  	_ =	swait.ge [sflag:s12], $0x3800  }
0x1b8: {  	p1 =	seq.s32 s9, $0xB00;
	s6 =	rddreg [dreg:$0x3];
	[sflag:s12] =	ssyncset.done $0x0  }
0x1b9: {  	[sflag:s12] =	ssyncadd.s32 $0xFFFFC800;
	s6 =	sadd.s32 @!p1 s9, s6;
	s9 =	simm.s32 @!p1 $0x0  }
0x1ba: {  	[tilespmem:s9], [sflag:$0x1] =	stream.linear.gather @!p1 [hbm4b:s6+s9], $0x400, $0x38;
	[tilespmem:$0x1B800] =	vst v63  }
0x1bb: {  	_ = 	snop  }
0x1bc: {  	[tilespmem:s19], [sflag:$0x4] =	stream.indirect.gather [hbm4b:s4+s13], $0x80, s30, s13, $0xb8;
	[tilespmem:$0x1B800] =	vst v63  }
0x1bd: {  	_ =	swait.ge [sflag:s20], $0x3800  }
0x1be: {  	[sflag:s20] =	ssyncset.done $0x0  }
0x1bf: {  	[sflag:s20] =	ssyncadd.s32 $0xFFFFC800  }
0x1c0: {  	[spmem:s1] =	stream.indirect.scatter.add.f32 [tilespmem:s14], [sflag:$0x5], $0x80, s31, s13, $0xb8;
	[tilespmem:$0x1B800] =	vst v63  }
0x1c1: {  	_ =	swait.ge [sflag:s12], $0x3800  }
0x1c2: {  	[sflag:s12] =	ssyncset.done $0x0  }
0x1c3: {  	[sflag:s12] =	ssyncadd.s32 $0xFFFFC800  }
0x1c4: {  	[tilespmem:s14], [sflag:$0x3] =	stream.indirect.gather [hbm4b:s4+s13], $0x80, s0, s13, $0xb8;
	[tilespmem:$0x1B800] =	vst v63  }
0x1c5: {  	_ =	swait.ge [sflag:s23], $0x3800  }
0x1c6: {  	[sflag:s23] =	ssyncset.done $0x0  }
0x1c7: {  	[sflag:s23] =	ssyncadd.s32 $0xFFFFC800  }
0x1c8: {  	[spmem:s1] =	stream.indirect.scatter.add.f32 [tilespmem:s19], [sflag:$0x5], $0x80, s2, s13, $0xb8;
	[tilespmem:$0x1B800] =	vst v63  }
0x1c9: {  	_ =	swait.ge [sflag:s12], $0x3800  }
0x1ca: {  	s7 =	simm.s32 @p1 $0x3;
	s10 =	simm.s32 @p1 $0x70;
	[sflag:s12] =	ssyncset.done $0x0  }
0x1cb: {  	s15 =	simm.s32 @p1 $0x580;
	s6 =	simm.s32 @p1 $0x4000;
	[sflag:s12] =	ssyncadd.s32 $0xFFFFC800  }
0x1cc: {  	[tilespmem:s6], [sflag:$0x4] =	stream.indirect.gather @p1 [hbm4b:s4+s10], $0x80, s15, s10, $0xb8;
	[tilespmem:$0x1B800] =	vst v63  }
0x1cd: {  	_ =	swait.ge @p1 [sflag:s7], $0x3800  }
0x1ce: {  	s6 =	simm.s32 @p1 $0x5;
	[sflag:s7] =	ssyncset.done @p1 $0x0  }
0x1cf: {  	s15 =	simm.s32 @p1 $0x800;
	[sflag:s7] =	ssyncadd.s32 @p1 $0xFFFFC800;
	s7 =	simm.s32 @p1 $0x700  }
0x1d0: {  	[spmem:s1] =	stream.indirect.scatter.add.f32 @p1 [tilespmem:s15], [sflag:$0x5], $0x80, s7, s10, $0xb8;
	[tilespmem:$0x1B800] =	vst v63  }
0x1d1: {  	_ =	swait.ge @p1 [sflag:s6], $0x3800  }
0x1d2: {  	[sflag:s6] =	ssyncset.done @p1 $0x0  }
0x1d3: {  	[sflag:s6] =	ssyncadd.s32 @p1 $0xFFFFC800;
	s6 =	simm.s32 @!p1 $0x1  }
0x1d4: {  	_ =	swait.ge @!p1 [sflag:s6], $0x400  }
0x1d5: {  	s7 =	simm.s32 @!p1 $0x4000;
	s10 =	simm.s32 @!p1 $0x3;
	[sflag:s6] =	ssyncset.done @!p1 $0x0  }
0x1d6: {  	s15 =	simm.s32 @!p1 $0x580;
	[sflag:s6] =	ssyncadd.s32 @!p1 $0xFFFFFC00;
	s6 =	simm.s32 @!p1 $0x70  }
0x1d7: {  	[tilespmem:s7], [sflag:$0x4] =	stream.indirect.gather @!p1 [hbm4b:s4+s6], $0x80, s15, s6, $0xb8;
	[tilespmem:$0x1B800] =	vst v63  }
0x1d8: {  	_ =	swait.ge @!p1 [sflag:s10], $0x3800  }
0x1d9: {  	s7 =	simm.s32 @!p1 $0x5;
	[sflag:s10] =	ssyncset.done @!p1 $0x0  }
0x1da: {  	s15 =	simm.s32 @!p1 $0x800;
	[sflag:s10] =	ssyncadd.s32 @!p1 $0xFFFFC800;
	s10 =	simm.s32 @!p1 $0x700  }
0x1db: {  	[spmem:s1] =	stream.indirect.scatter.add.f32 @!p1 [tilespmem:s15], [sflag:$0x5], $0x80, s10, s6, $0xb8;
	[tilespmem:$0x1B800] =	vst v63  }
0x1dc: {  	_ =	swait.ge @!p1 [sflag:s7], $0x3800  }
0x1dd: {  	s8 =	sadd.s32 $0x100, s8;
	[sflag:s7] =	ssyncset.done @!p1 $0x0  }
0x1de: {  	p0 =	sne.s32 s8, $0xC00;
	[sflag:s7] =	ssyncadd.s32 @!p1 $0xFFFFC800  }
0x1df: {  	[tilespmem:s15], [sflag:$0x3] =	stream.indirect.gather @!p1 [hbm4b:s4+s6], $0x80, s9, s6, $0xb8;
	[tilespmem:$0x1B800] =	vst v63  }
.Ltmp1:
0x1e0: {  	_ =	swait.ge [sflag:s23], $0x3800;
	(pc) =	sbr.rel @p0 .LBB2_4-.Ltmp1, $4  }
0x1e1: {  	[sflag:s23] =	ssyncset.done $0x0  }
0x1e2: {  	[sflag:s23] =	ssyncadd.s32 $0xFFFFC800  }
0x1e3: {  	[spmem:s1] =	stream.indirect.scatter.add.f32 [tilespmem:s19], [sflag:$0x5], $0x80, s5, s13, $0xb8;
	[tilespmem:$0x1B800] =	vst v63  }
0x1e4: {  	_ =	swait.ge [sflag:s12], $0x3800  }
0x1e5: {  	[sflag:s12] =	ssyncset.done $0x0  }
0x1e6: {  	[sflag:s12] =	ssyncadd.s32 $0xFFFFC800  }
0x1e7: {  	[bflag:$0x0] =	sbarrier.arrive $0xFFFF  }
0x1e8: {  	s6 =	rddreg [dreg:$0x9]  }
0x1e9: {  	s7 =	rddreg [dreg:$0xc]  }
0x1ea: {  	[hbm:s6], [sflag:s16] =	dma.local [spmem:s7], $0x2800  }
0x1eb: {  	_ =	swait.ge [sflag:s12], $0x2800  }
0x1ec: {  	s8 =	rddreg [dreg:$0xd]  }
0x1ed: {  	s15 =	rddreg [dreg:$0xa];
	s8 =	sadd.s32 $0x1, s8  }
0x1ee: {  	p0 =	sne.s32 s8, s15  }
.Ltmp2:
0x1ef: {  	_ = 	snop;
	(pc) =	sbr.rel @p0 .LBB2_1-.Ltmp2, $3  }
0x1f0: {  	_ =	sdelay $0x1  }
0x1f1: {  	[sflag:s12] =	ssyncset.done $0x0  }
0x1f2: {  	[sflag:s12] =	ssyncadd.s32 $0xFFFFD800  }
0x1f3: {  	_ =	sfence.sel $0x180000  }
0x1f4: {  	[bflag:$0x0] =	sbarrier.arrive $0xFFFF  }
0x1f5: {  	_ =	strace $0x9000004A  }
0x1f6: {  	s0 =	stileid.u32;
	[bflag:$0x2] =	sbarrier.arrive $0xFFFF  }
0x1f7: {  	p0 =	sne.s32 s0, $0x0;
	s0 =	rddreg [dreg:$0x2]  }
0x1f8: {  	s0 =	sadd.s32 @!p0 $0x100000, s0  }
0x1f9: {  	[sflag:s0] =	ssyncadd.tile.s32 @!p0 $0x1;
	_ =	shalt  }
.Lfunc_end2:
_tile_overlayer_lowered:
.L_overlay_start_2:
0x1fa: {  	(tag) =	ssettag $0x2  }
0x1fb: {  	s0 =	rddreg [dreg:$0x0];
	s2 =	stileid.u32  }
0x1fc: {  	s1 =	rddreg [dreg:$0x1];
	p0 =	sne.s32 s2, $0x0  }
0x1fd: {  	s3 =	rddreg [dreg:$0x2];
	[bflag:$0x3] =	sbarrier.arrive $0xFFFF;
	s2 =	simm.s32 @!p0 $0x1C05  }
0x1fe: {  	[timem:s3], [sflag:s2] =	dma.local @!p0 [hbm:s0], s1  }
0x1ff: {  	s0 =	simm.s32 @!p0 $0x5  }
0x200: {  	_ =	swait.ge @!p0 [sflag:s0], s1  }
0x201: {  	s1 =	ssub.s32 @!p0 $0x0, s1;
	[sflag:s0] =	ssyncset.done @!p0 $0x0  }
0x202: {  	[sflag:s0] =	ssyncadd.s32 @!p0 s1  }
0x203: {  	[bflag:$0x3] =	sbarrier.arrive $0xFFFF  }
0x204: {  	_ =	shalt  }

// kernel: kernel.20.cloned.1.call-start
scs
__scs_entry_jumppad:
0x0: {  	(pc) =	sbr.rel $0x88, $3  }
0x1: {  	(tag) =	ssettag $0x0;
	lr =	simm.s32 $0x1  }
0x2: {  	[smem:$0x3F91] =	sst lr;
	_ =	strace $0xD0000000  }
0x3: {  	_ = 	snop  }
0x4: {  	_ = 	snop  }
0x5: {  	_ = 	snop  }
0x6: {  	_ = 	snop  }
0x7: {  	_ = 	snop  }
__scs_overlays_trampoline_lowered:
0x8: {  	[smem:$0x3FA0] =	sst s0  }
0x9: {  	[smem:$0x3FA1] =	sst s1  }
0xa: {  	[smem:$0x3FA2] =	sst s2  }
0xb: {  	[smem:$0x3FA3] =	sst s3  }
0xc: {  	[smem:$0x3FA4] =	sst s4  }
0xd: {  	[smem:$0x3FA5] =	sst s5  }
0xe: {  	[smem:$0x3FA6] =	sst s6  }
0xf: {  	[smem:$0x3FA7] =	sst s7  }
0x10: {  	[smem:$0x3FA8] =	sst s8  }
0x11: {  	[smem:$0x3FA9] =	sst s9;
	s0 =	simm.s32 @!p0 $0x0  }
0x12: {  	s1 =	sld [smem:$0x3F8F];
	s0 =	simm.s32 @p0 $0x1  }
0x13: {  	[smem:$0x3FAA] =	sst s0;
	s0 =	simm.s32 @!p1 $0x0  }
0x14: {  	s2 =	sld [smem:$0x3F8E];
	s0 =	simm.s32 @p1 $0x1  }
0x15: {  	[smem:$0x3FAB] =	sst s0;
	s0 =	simm.s32 @!p2 $0x0  }
0x16: {  	s3 =	sld [smem:$0x3FDB];
	s0 =	simm.s32 @p2 $0x1  }
0x17: {  	s4 =	simm.s32 $0x1BF5;
	[smem:$0x3FAD] =	sst s0  }
0x18: {  	s0 =	sld [smem:$0x3F90];
	_ =	swait.ge [sflag:s4], $0x0  }
0x19: {  	s7 =	sld [smem:$0x3F91]  }
0x1a: {  	s8 =	sadd.s32 $0xFFFFE003, lr  }
0x1b: {  	s9 =	sadd.s32 $0xFFFFFEF7, lr;
	s5 =	simm.s32 $0xFFFFFFFF;
	p2 =	slt.u32 s8, $0xFFFFF086  }
0x1c: {  	p1 =	slt.u32 s9, $0xF7A;
	s5 =	simm.s32 @!p2 $0x0  }
0x1d: {  	s5 =	simm.s32 @p1 $0x1;
	p0 =	seq.s32 s7, s2  }
0x1e: {  	s7 =	smul.u32 @!p0 $0xF7A, s2;
	p2 =	seq.s32 @!p0 s5, $0x0  }
0x1f: {  	s9 =	smul.u32 $0xF7A, s1;
	s8 =	simm.s32 @!p0 $0x1BF5;
	p2 =	por !p2, p0  }
0x20: {  	[sflag:s8] =	ssyncset.s32 @!p0 $0xFFFFF086;
	s6 =	sadd.s32 @!p0 s3, s7;
	s7 =	simm.s32 @!p0 $0x108  }
0x21: {  	s3 =	sadd.s32 s3, s9;
	s6 =	sadd.s32 @!p0 $0x88, s6;
	s7 =	simm.s32 @p2 $0x1082  }
0x22: {  	[simem:s7], [sflag:s8] =	dma.local @!p0 [hbm:s6], $0xF7A  }
0x23: {  	s9 =	sor.u32 $0xD0000000, s2;
	s6 =	simm.s32 $0x108;
	_ =	swait.ge @!p0 [sflag:s8], $0x0  }
0x24: {  	s3 =	sadd.s32 $0x88, s3;
	s6 =	simm.s32 @!p1 $0x1082;
	[sflag:s4] =	ssyncset.s32 $0xFFFFF086  }
0x25: {  	[simem:s6], [sflag:s4] =	dma.local [hbm:s3], $0xF7A  }
0x26: {  	[smem:$0x3F91] =	sst s1;
	(tag) =	ssettag s2;
	_ =	strace s9  }
0x27: {  	s1 =	sld [smem:$0x3FA1]  }
0x28: {  	s2 =	sld [smem:$0x3FA2]  }
0x29: {  	s4 =	sld [smem:$0x3FA4]  }
0x2a: {  	p0 =	seq.s32 s5, $0x0;
	s5 =	sld [smem:$0x3FA5]  }
0x2b: {  	s6 =	sld [smem:$0x3FA6]  }
0x2c: {  	s7 =	sld [smem:$0x3FA7]  }
0x2d: {  	s3 =	simm.s32 $0x108;
	s8 =	sld [smem:$0x3FA8]  }
0x2e: {  	s3 =	simm.s32 @!p0 $0x1082;
	s9 =	sld [smem:$0x3FA9]  }
0x2f: {  	lr =	sadd.s32 s0, s3;
	s0 =	sld [smem:$0x3FA0]  }
0x30: {  	s3 =	sld [smem:$0x3FA3]  }
0x31: {  	[smem:$0x3FAC] =	sst s10  }
0x32: {  	s10 =	sld [smem:$0x3FAA];
	_ =	sdelay $0x3  }
0x33: {  	p0 =	seq.s32 s10, $0x1;
	s10 =	sld [smem:$0x3FAC];
	_ =	sdelay $0x3  }
0x34: {  	[smem:$0x3FAC] =	sst s10  }
0x35: {  	s10 =	sld [smem:$0x3FAB];
	_ =	sdelay $0x3  }
0x36: {  	p1 =	seq.s32 s10, $0x1;
	s10 =	sld [smem:$0x3FAC];
	_ =	sdelay $0x3  }
0x37: {  	[smem:$0x3FAC] =	sst s10  }
0x38: {  	s10 =	sld [smem:$0x3FAD]  }
0x39: {  	_ = 	snop;
	(pc) =	sbr.ind lr, $3  }
0x3a: {  	_ = 	snop  }
0x3b: {  	_ = 	snop  }
0x3c: {  	p2 =	seq.s32 s10, $0x1;
	s10 =	sld [smem:$0x3FAC]  }
0x3d: {  	_ =	shalt  }
0x3e: {  	_ =	shalt  }
0x3f: {  	_ =	shalt  }
0x40: {  	_ =	shalt  }
0x41: {  	_ =	shalt  }
0x42: {  	_ =	shalt  }
0x43: {  	_ =	shalt  }
0x44: {  	_ =	shalt  }
0x45: {  	_ =	shalt  }
0x46: {  	_ =	shalt  }
0x47: {  	_ =	shalt  }
0x48: {  	_ =	shalt  }
0x49: {  	_ =	shalt  }
0x4a: {  	_ =	shalt  }
0x4b: {  	_ =	shalt  }
0x4c: {  	_ =	shalt  }
0x4d: {  	_ =	shalt  }
0x4e: {  	_ =	shalt  }
0x4f: {  	_ =	shalt  }
0x50: {  	_ =	shalt  }
0x51: {  	_ =	shalt  }
0x52: {  	_ =	shalt  }
0x53: {  	_ =	shalt  }
0x54: {  	_ =	shalt  }
0x55: {  	_ =	shalt  }
0x56: {  	_ =	shalt  }
0x57: {  	_ =	shalt  }
0x58: {  	_ =	shalt  }
0x59: {  	_ =	shalt  }
0x5a: {  	_ =	shalt  }
0x5b: {  	_ =	shalt  }
0x5c: {  	_ =	shalt  }
0x5d: {  	_ =	shalt  }
0x5e: {  	_ =	shalt  }
0x5f: {  	_ =	shalt  }
0x60: {  	_ =	shalt  }
0x61: {  	_ =	shalt  }
0x62: {  	_ =	shalt  }
0x63: {  	_ =	shalt  }
0x64: {  	_ =	shalt  }
0x65: {  	_ =	shalt  }
0x66: {  	_ =	shalt  }
0x67: {  	_ =	shalt  }
0x68: {  	_ =	shalt  }
0x69: {  	_ =	shalt  }
0x6a: {  	_ =	shalt  }
0x6b: {  	_ =	shalt  }
0x6c: {  	_ =	shalt  }
0x6d: {  	_ =	shalt  }
0x6e: {  	_ =	shalt  }
0x6f: {  	_ =	shalt  }
0x70: {  	_ =	shalt  }
0x71: {  	_ =	shalt  }
0x72: {  	_ =	shalt  }
0x73: {  	_ =	shalt  }
0x74: {  	_ =	shalt  }
0x75: {  	_ =	shalt  }
0x76: {  	_ =	shalt  }
0x77: {  	_ =	shalt  }
0x78: {  	_ =	shalt  }
0x79: {  	_ =	shalt  }
0x7a: {  	_ =	shalt  }
0x7b: {  	_ =	shalt  }
0x7c: {  	_ =	shalt  }
0x7d: {  	_ =	shalt  }
0x7e: {  	_ =	shalt  }
0x7f: {  	_ =	shalt  }
0x80: {  	_ =	shalt  }
0x81: {  	_ =	shalt  }
0x82: {  	_ =	shalt  }
0x83: {  	_ =	shalt  }
0x84: {  	_ =	shalt  }
0x85: {  	_ =	shalt  }
0x86: {  	_ =	shalt  }
0x87: {  	_ =	shalt  }
.Lfunc_end0:
.L_simem_size_0:
called_computation.2_lowered:
.L_overlay_start_0:
0x88: {  	s2 =	sld [smem:$0x3FD9]  }
0x89: {  	s3 =	sld [smem:$0x3FFE];
	_ =	sdelay $0x1  }
0x8a: {  	s1 =	srdreg.scid  }
0x8b: {  	s0 =	sand.u32 $0x1, s1  }
0x8c: {  	s16 =	sshll.u32 s0, $0xA;
	s2 =	sadd.s32 s3, s2  }
0x8d: {  	s2 =	sadd.s32 s2, s16  }
0x8e: {  	[smem:$0x3FB8] =	sst s2  }
0x8f: {  	_ = 	snop  }
0x90: {  	(tm) =	ssettm $0x1  }
0x91: {  	s17 =	sld [smem:$0x3FFB];
	_ =	sdelay $0x3  }
0x92: {  	_ =	strace s17  }
0x93: {  	s2 =	sld [smem:$0x3FFC];
	_ =	sdelay $0x3  }
0x94: {  	_ =	strace s2  }
0x95: {  	s2 =	sld [smem:$0x3FFD];
	_ =	sdelay $0x3  }
0x96: {  	_ =	strace s2  }
0x97: {  	_ =	strace $0x8FFFFFFF  }
0x98: {  	s18 =	sld [smem:$0x3FDB];
	_ =	sdelay $0x1  }
0x99: {  	s19 =	simm.s32 $_scs_section_size  }
0x9a: {  	s4 =	simm.s32 $_size__tile_overlayer_lowered;
	s5 =	simm.s32 $_tile_overlayer_lowered  }
0x9b: {  	s22 =	simm.s32 $0x1BFF;
	s21 =	sshll.u32 s5, $0x1;
	s2 =	sadd.s32 s19, s18  }
0x9c: {  	s6 =	simm.s32 $0x0;
	s20 =	sshll.u32 s4, $0x1;
	s4 =	sadd.s32 s21, s2  }
0x9d: {  	[timem:s6], [sflag:s22] =	dma.local [hbm:s4], s20  }
0x9e: {  	_ =	swait.ge [sflag:s22], s20  }
0x9f: {  	s3 =	ssub.s32 $0x0, s20;
	[sflag:s22] =	ssyncset.done $0x0  }
0xa0: {  	[sflag:s22] =	ssyncadd.s32 s3;
	_ =	sdelay $0x1  }
0xa1: {  	s23 =	simm.s32 $0x1B8B  }
0xa2: {  	_ =	swait.ge [sflag:s23], $0x1  }
0xa3: {  	[sflag:s23] =	ssyncset.done $0x0  }
0xa4: {  	s25 =	simm.s32 $0x1B8E;
	s24 =	sld [smem:$0x3FFE];
	[sflag:s23] =	ssyncadd.s32 $0xFFFFFFFF  }
0xa5: {  	s26 =	simm.s32 $execute0_lowered;
	[smem:$0x3FD2] =	sst s25  }
0xa6: {  	s4 =	sshll.u32 s26, $0x1;
	_ =	strace $0x8000004C;
	[dreg:$0x1] =	wrdreg $0xFFFFFFFF  }
0xa7: {  	s28 =	simm.s32 $_size_execute0_lowered;
	s2 =	sadd.s32 s2, s4;
	[dreg:$0x0] =	wrdreg $0x0  }
0xa8: {  	s4 =	sshll.u32 s28, $0x1;
	[dreg:$0x2] =	wrdreg s2  }
0xa9: {  	[dreg:$0x3] =	wrdreg s4  }
0xaa: {  	[dreg:$0x4] =	wrdreg $0xC0  }
0xab: {  	_ =	task [dreg:s6], $0x5FFFF  }
0xac: {  	[dreg:$0x1] =	wrdreg $0xFFFFFFFF  }
0xad: {  	[dreg:$0x0] =	wrdreg $0x60  }
0xae: {  	[dreg:$0x2] =	wrdreg s24  }
0xaf: {  	[dreg:$0x3] =	wrdreg $0x78000  }
0xb0: {  	[dreg:$0x4] =	wrdreg $0x9  }
0xb1: {  	_ =	task.clear_ibuf [dreg:s6], $0x5FFFF;
	_ =	strace $0x9000004C  }
0xb2: {  	s29 =	simm.s32 $0x9;
	_ =	strace $0x8000004E  }
0xb3: {  	_ =	swait.ge [sflag:s29], $0x1  }
0xb4: {  	[sflag:s29] =	ssyncadd.s32 $0xFFFFFFFF  }
0xb5: {  	_ =	strace $0x9000004E  }
0xb6: {  	_ =	sfence  }
0xb7: {  	s30 =	sld [smem:$0x0];
	_ =	sdelay $0x2  }
0xb8: {  	s31 =	sshll.u32 s1, $0xD;
	s1 =	sshrl.u32 s1, $0x2  }
0xb9: {  	s3 =	sand.u32 $0x4000, s31;
	s1 =	sadd.s32 s1, s30  }
0xba: {  	s0 =	sor.u32 s3, s0;
	s1 =	sshll.u32 s1, $0x11  }
0xbb: {  	s0 =	sor.u32 s1, s0  }
0xbc: {  	s0 =	sadd.s32 $0x8F2B, s0  }
0xbd: {  	[sflag:s0] =	ssyncadd.remote.s32 $0x1  }
0xbe: {  	_ =	sfence.sel $0xFFFF  }
0xbf: {  	[dreg:$0x0] =	wrdreg $0xFFFFFFFF;
	(pc) =	sbr.abs _section_cstart, $3  }
0xc0: {  	[dreg:$0x1] =	wrdreg $0xFFFFFFFF  }
0xc1: {  	_ =	task.clear_ibuf [dreg:s6], $0x2FFFF;
	_ =	strace $0x9FFFFFFF  }
0xc2: {  	(tm) =	ssettm $0x7FFFFFFF  }
0xc3: {  	_ =	shalt  }
tec
execute0_lowered:
.L_overlay_start_1:
0x0: {  	(tag) =	ssettag $0x1  }
0x1: {  	s0 =	rddreg [dreg:$0x0];
	s15 =	stileid.u32  }
0x2: {  	s1 =	rddreg [dreg:$0x1];
	s5 =	smul.u32 $0x2800, s15  }
0x3: {  	s2 =	srdreg.scid;
	s7 =	smul.u32 $0x280, s15  }
0x4: {  	s3 =	simm.s32 $0x0;
	s28 =	simm.s32 $0x300;
	s10 =	smul.u32 $0x50000, s15  }
0x5: {  	s29 =	simm.s32 $0x380;
	s30 =	simm.s32 $0x480;
	s24 =	smul.u32 $0x6000, s15  }
0x6: {  	s31 =	simm.s32 $0x600;
	s2 =	sand.u32 $0x1, s2;
	s18 =	smul.u32 $0x18, s15  }
0x7: {  	[smem:$0x7FF] =	sst s3;
	s9 =	sadd.s32 $0x11C600, s0;
	s13 =	smul.u32 $0x5000, s2  }
0x8: {  	s4 =	sshll.u32 s2, $0x5;
	_ =	strace $0x8000004D;
	s23 =	smul.u32 $0xC0000, s2  }
0x9: {  	s8 =	sshllo.u32 s2, $0x1;
	s12 =	ssub.s32 $0x2, s2;
	s26 =	smul.u32 $0x300, s2  }
0xa: {  	s2 =	smul.u32 $0x18000, s2;
	s4 =	sor.u32 s15, s4;
	s11 =	sshll.u32 s8, $0x4  }
0xb: {  	s5 =	sadd.s32 s5, s0;
	s14 =	sshrl.u32 s12, $0x1;
	s8 =	smul.u32 $0x2800, s8  }
0xc: {  	s22 =	sshrl.u32 s10, $0x2;
	s6 =	smul.u32 $0xC00, s4;
	s4 =	sadd.s32 $0x2C600, s0  }
0xd: {  	s11 =	sor.u32 s15, s11;
	s0 =	sadd.s32 $0x14C600, s0;
	s12 =	ssub.s32 s12, s14  }
0xe: {  	s16 =	sadd.s32 s22, s1;
	s13 =	sadd.s32 s7, s13;
	s5 =	sadd.s32 $0x4600, s5  }
0xf: {  	s20 =	sadd.s32 s24, s23;
	s22 =	sadd.s32 s18, s26;
	s23 =	smul.u32 $0xC00, s15  }
0x10: {  	s2 =	sadd.s32 s2, s9;
	s26 =	sshll.u32 s15, $0x6;
	s14 =	simm.s32 $0x800  }
0x11: {  	s18 =	simm.s32 $0x80;
	s11 =	smul.u32 $0xC00, s11;
	[dreg:$0x6] =	wrdreg s5  }
0x12: {  	s25 =	sshll.u32 s13, $0x4;
	s17 =	sadd.s32 s7, s8;
	s21 =	sadd.s32 $0x60800, s20  }
0x13: {  	s13 =	simm.s32 $0x70;
	s7 =	sshrl.u32 s16, $0x3;
	s20 =	simm.s32 $0x3  }
0x14: {  	s8 =	simm.s32 $0x0;
	s6 =	sadd.s32 s9, s6;
	[dreg:$0xc] =	wrdreg s7  }
0x15: {  	s5 =	sadd.s32 s0, s25;
	s25 =	smax.u32 s12, $0x1;
	[dreg:$0x5] =	wrdreg s6  }
0x16: {  	s12 =	simm.s32 $0x5;
	[dreg:$0x7] =	wrdreg s5;
	s19 =	sadd.s32 s9, s11  }
0x17: {  	s5 =	sshll.u32 s17, $0x4;
	[dreg:$0xa] =	wrdreg s25;
	s11 =	sadd.s32 s23, s2  }
0x18: {  	s17 =	simm.s32 $0x400;
	s23 =	simm.s32 $0x4;
	s25 =	simm.s32 $0x2  }
0x19: {  	s2 =	simm.s32 $0x680;
	[dreg:$0x8] =	wrdreg s19;
	s0 =	sadd.s32 s0, s5  }
0x1a: {  	s5 =	sshll.u32 s22, $0x7;
	s19 =	simm.s32 $0x4000;
	s22 =	simm.s32 $0x100  }
0x1b: {  	[dreg:$0x9] =	wrdreg s0;
	s0 =	sshrl.u32 s21, $0x3;
	s5 =	sadd.s32 s9, s5  }
0x1c: {  	s21 =	simm.s32 $0x200;
	s0 =	sadd.s32 s0, s9;
	s24 =	sadd.s32 $0xC080, s5  }
0x1d: {  	s5 =	simm.s32 $0x780;
	[dreg:$0x3] =	wrdreg s0;
	s0 =	sor.u32 $0x1C05, s26  }
0x1e: {  	[dreg:$0x4] =	wrdreg s24;
	s24 =	simm.s32 $0x280;
	s16 =	smov.u32 s0  }
0x1f: {  	s26 =	simm.s32 $0x180;
	s0 =	simm.s32 $0x500;
	[dreg:$0xb] =	wrdreg s16  }
.LBB2_1:
0x20: {  	[dreg:$0xd] =	wrdreg s8  }
0x21: {  	s6 =	rddreg [dreg:$0x5]  }
0x22: {  	[tilespmem:s3], [sflag:$0x5] =	stream.linear.gather [hbm4b:s6+s3], $0x400, $0x38;
	[tilespmem:$0x1B800] =	vst v63  }
0x23: {  	_ =	swait.ge [sflag:s12], $0x400  }
0x24: {  	[sflag:s12] =	ssyncset.done $0x0  }
0x25: {  	s15 =	rddreg [dreg:$0x6];
	[sflag:s12] =	ssyncadd.s32 $0xFFFFFC00  }
0x26: {  	[tilespmem:s14], [sflag:$0x3] =	stream.indirect.gather [hbm4b:s4+s13], $0x80, s3, s13, $0xb8;
	[tilespmem:$0x1B800] =	vst v63  }
0x27: {  	[spmem:s7], [sflag:s16] =	dma.local [hbm:s15], $0x2800  }
0x28: {  	_ =	swait.ge [sflag:s12], $0x2800  }
0x29: {  	[sflag:s12] =	ssyncset.done $0x0  }
0x2a: {  	s16 =	sadd.s32 $0xFFFFF400, s11;
	[sflag:s12] =	ssyncadd.s32 $0xFFFFD800  }
0x2b: {  	s8 =	sadd.s32 $0xC80, s16;
	[bflag:$0x0] =	sbarrier.arrive $0xFFFF  }
0x2c: {  	[tilespmem:s17], [sflag:$0x2] =	stream.linear.gather [hbm4b:s8+s3], $0x400, $0x38;
	[tilespmem:$0x1B800] =	vst v63  }
0x2d: {  	_ = 	snop  }
0x2e: {  	[tilespmem:s19], [sflag:$0x4] =	stream.indirect.gather [hbm4b:s4+s13], $0x80, s18, s13, $0xb8;
	[tilespmem:$0x1B800] =	vst v63  }
0x2f: {  	_ =	swait.ge [sflag:s20], $0x3800  }
0x30: {  	[sflag:s20] =	ssyncset.done $0x0  }
0x31: {  	[sflag:s20] =	ssyncadd.s32 $0xFFFFC800  }
0x32: {  	[spmem:s1] =	stream.indirect.scatter.add.f32 [tilespmem:s14], [sflag:$0x5], $0x80, s21, s13, $0xb8;
	[tilespmem:$0x1B800] =	vst v63  }
0x33: {  	_ =	swait.ge [sflag:s12], $0x3800  }
0x34: {  	[sflag:s12] =	ssyncset.done $0x0  }
0x35: {  	[sflag:s12] =	ssyncadd.s32 $0xFFFFC800  }
0x36: {  	[tilespmem:s14], [sflag:$0x3] =	stream.indirect.gather [hbm4b:s4+s13], $0x80, s22, s13, $0xb8;
	[tilespmem:$0x1B800] =	vst v63  }
0x37: {  	_ =	swait.ge [sflag:s23], $0x3800  }
0x38: {  	[sflag:s23] =	ssyncset.done $0x0  }
0x39: {  	[sflag:s23] =	ssyncadd.s32 $0xFFFFC800  }
0x3a: {  	[spmem:s1] =	stream.indirect.scatter.add.f32 [tilespmem:s19], [sflag:$0x5], $0x80, s24, s13, $0xb8;
	[tilespmem:$0x1B800] =	vst v63  }
0x3b: {  	_ =	swait.ge [sflag:s12], $0x3800  }
0x3c: {  	[sflag:s12] =	ssyncset.done $0x0  }
0x3d: {  	[sflag:s12] =	ssyncadd.s32 $0xFFFFC800  }
0x3e: {  	_ =	swait.ge [sflag:s25], $0x400  }
0x3f: {  	[sflag:s25] =	ssyncset.done $0x0  }
0x40: {  	[sflag:s25] =	ssyncadd.s32 $0xFFFFFC00  }
0x41: {  	[tilespmem:s19], [sflag:$0x4] =	stream.indirect.gather [hbm4b:s4+s13], $0x80, s26, s13, $0xb8;
	[tilespmem:$0x1B800] =	vst v63  }
0x42: {  	_ =	swait.ge [sflag:s20], $0x3800  }
0x43: {  	[sflag:s20] =	ssyncset.done $0x0  }
0x44: {  	[sflag:s20] =	ssyncadd.s32 $0xFFFFC800  }
0x45: {  	[spmem:s1] =	stream.indirect.scatter.add.f32 [tilespmem:s14], [sflag:$0x5], $0x80, s28, s13, $0xb8;
	[tilespmem:$0x1B800] =	vst v63  }
0x46: {  	_ =	swait.ge [sflag:s12], $0x3800  }
0x47: {  	[sflag:s12] =	ssyncset.done $0x0  }
0x48: {  	[sflag:s12] =	ssyncadd.s32 $0xFFFFC800  }
0x49: {  	[tilespmem:s14], [sflag:$0x3] =	stream.indirect.gather [hbm4b:s4+s13], $0x80, s17, s13, $0xb8;
	[tilespmem:$0x1B800] =	vst v63  }
0x4a: {  	_ =	swait.ge [sflag:s23], $0x3800  }
0x4b: {  	[sflag:s23] =	ssyncset.done $0x0  }
0x4c: {  	[sflag:s23] =	ssyncadd.s32 $0xFFFFC800  }
0x4d: {  	[spmem:s1] =	stream.indirect.scatter.add.f32 [tilespmem:s19], [sflag:$0x5], $0x80, s29, s13, $0xb8;
	[tilespmem:$0x1B800] =	vst v63  }
0x4e: {  	p0 =	por $0x0, $0x0;
	_ =	swait.ge [sflag:s12], $0x3800  }
0x4f: {  	s8 =	sadd.s32 @!p0 $0xFFFFF400, s11;
	[sflag:s12] =	ssyncset.done $0x0  }
0x50: {  	s9 =	simm.s32 @!p0 $0x0;
	s8 =	sadd.s32 @!p0 $0xD00, s8;
	[sflag:s12] =	ssyncadd.s32 $0xFFFFC800  }
0x51: {  	[tilespmem:s9], [sflag:$0x1] =	stream.linear.gather @!p0 [hbm4b:s8+s9], $0x400, $0x38;
	[tilespmem:$0x1B800] =	vst v63  }
0x52: {  	_ = 	snop  }
0x53: {  	[tilespmem:s19], [sflag:$0x4] =	stream.indirect.gather [hbm4b:s4+s13], $0x80, s30, s13, $0xb8;
	[tilespmem:$0x1B800] =	vst v63  }
0x54: {  	_ =	swait.ge [sflag:s20], $0x3800  }
0x55: {  	[sflag:s20] =	ssyncset.done $0x0  }
0x56: {  	[sflag:s20] =	ssyncadd.s32 $0xFFFFC800  }
0x57: {  	[spmem:s1] =	stream.indirect.scatter.add.f32 [tilespmem:s14], [sflag:$0x5], $0x80, s31, s13, $0xb8;
	[tilespmem:$0x1B800] =	vst v63  }
0x58: {  	_ =	swait.ge [sflag:s12], $0x3800  }
0x59: {  	[sflag:s12] =	ssyncset.done $0x0  }
0x5a: {  	[sflag:s12] =	ssyncadd.s32 $0xFFFFC800  }
0x5b: {  	[tilespmem:s14], [sflag:$0x3] =	stream.indirect.gather [hbm4b:s4+s13], $0x80, s0, s13, $0xb8;
	[tilespmem:$0x1B800] =	vst v63  }
0x5c: {  	_ =	swait.ge [sflag:s23], $0x3800  }
0x5d: {  	[sflag:s23] =	ssyncset.done $0x0  }
0x5e: {  	[sflag:s23] =	ssyncadd.s32 $0xFFFFC800  }
0x5f: {  	[spmem:s1] =	stream.indirect.scatter.add.f32 [tilespmem:s19], [sflag:$0x5], $0x80, s2, s13, $0xb8;
	[tilespmem:$0x1B800] =	vst v63  }
0x60: {  	_ =	swait.ge [sflag:s12], $0x3800  }
0x61: {  	s10 =	simm.s32 @p0 $0x70;
	[sflag:s12] =	ssyncset.done $0x0  }
0x62: {  	s6 =	simm.s32 @p0 $0x580;
	s8 =	simm.s32 @p0 $0x4000;
	[sflag:s12] =	ssyncadd.s32 $0xFFFFC800  }
0x63: {  	[tilespmem:s8], [sflag:$0x4] =	stream.indirect.gather @p0 [hbm4b:s4+s10], $0x80, s6, s10, $0xb8;
	[tilespmem:$0x1B800] =	vst v63  }
0x64: {  	s6 =	simm.s32 @p0 $0x3  }
0x65: {  	_ =	swait.ge @p0 [sflag:s6], $0x3800  }
0x66: {  	[sflag:s6] =	ssyncset.done @p0 $0x0  }
0x67: {  	s8 =	simm.s32 @p0 $0x800;
	[sflag:s6] =	ssyncadd.s32 @p0 $0xFFFFC800;
	s6 =	simm.s32 @p0 $0x700  }
0x68: {  	[spmem:s1] =	stream.indirect.scatter.add.f32 @p0 [tilespmem:s8], [sflag:$0x5], $0x80, s6, s10, $0xb8;
	[tilespmem:$0x1B800] =	vst v63  }
0x69: {  	s6 =	simm.s32 @p0 $0x5  }
0x6a: {  	_ =	swait.ge @p0 [sflag:s6], $0x3800  }
0x6b: {  	[sflag:s6] =	ssyncset.done @p0 $0x0  }
0x6c: {  	[sflag:s6] =	ssyncadd.s32 @p0 $0xFFFFC800;
	s6 =	simm.s32 @!p0 $0x1  }
0x6d: {  	_ =	swait.ge @!p0 [sflag:s6], $0x400  }
0x6e: {  	s8 =	simm.s32 @!p0 $0x4000;
	[sflag:s6] =	ssyncset.done @!p0 $0x0  }
0x6f: {  	s10 =	simm.s32 @!p0 $0x580;
	[sflag:s6] =	ssyncadd.s32 @!p0 $0xFFFFFC00;
	s6 =	simm.s32 @!p0 $0x70  }
0x70: {  	[tilespmem:s8], [sflag:$0x4] =	stream.indirect.gather @!p0 [hbm4b:s4+s6], $0x80, s10, s6, $0xb8;
	[tilespmem:$0x1B800] =	vst v63  }
0x71: {  	s8 =	simm.s32 @!p0 $0x3  }
0x72: {  	_ =	swait.ge @!p0 [sflag:s8], $0x3800  }
0x73: {  	[sflag:s8] =	ssyncset.done @!p0 $0x0  }
0x74: {  	s10 =	simm.s32 @!p0 $0x800;
	[sflag:s8] =	ssyncadd.s32 @!p0 $0xFFFFC800;
	s8 =	simm.s32 @!p0 $0x700  }
0x75: {  	[spmem:s1] =	stream.indirect.scatter.add.f32 @!p0 [tilespmem:s10], [sflag:$0x5], $0x80, s8, s6, $0xb8;
	[tilespmem:$0x1B800] =	vst v63  }
0x76: {  	s8 =	simm.s32 @!p0 $0x5  }
0x77: {  	_ =	swait.ge @!p0 [sflag:s8], $0x3800  }
0x78: {  	[sflag:s8] =	ssyncset.done @!p0 $0x0  }
0x79: {  	[sflag:s8] =	ssyncadd.s32 @!p0 $0xFFFFC800  }
0x7a: {  	[tilespmem:s10], [sflag:$0x3] =	stream.indirect.gather @!p0 [hbm4b:s4+s6], $0x80, s9, s6, $0xb8;
	[tilespmem:$0x1B800] =	vst v63  }
0x7b: {  	_ =	swait.ge [sflag:s23], $0x3800  }
0x7c: {  	[sflag:s23] =	ssyncset.done $0x0  }
0x7d: {  	[sflag:s23] =	ssyncadd.s32 $0xFFFFC800  }
0x7e: {  	[spmem:s1] =	stream.indirect.scatter.add.f32 [tilespmem:s19], [sflag:$0x5], $0x80, s5, s13, $0xb8;
	[tilespmem:$0x1B800] =	vst v63  }
0x7f: {  	s8 =	simm.s32 $0xFFFFF500;
	_ =	swait.ge [sflag:s12], $0x3800  }
0x80: {  	s9 =	simm.s32 $0xFFFFF600;
	s10 =	sadd.s32 $0xFFFFF500, s11;
	[sflag:s12] =	ssyncset.done $0x0  }
.LBB2_2:
0x81: {  	s6 =	sadd.s32 $0xC80, s10  }
0x82: {  	[sflag:s12] =	ssyncadd.s32 $0xFFFFC800;
	s10 =	smov.u32 s9;
	s9 =	sadd.s32 $0x100, s9  }
0x83: {  	[tilespmem:s17], [sflag:$0x2] =	stream.linear.gather [hbm4b:s6+s3], $0x400, $0x38;
	[tilespmem:$0x1B800] =	vst v63  }
0x84: {  	p0 =	sne.s32 s9, $0x0  }
0x85: {  	[tilespmem:s19], [sflag:$0x4] =	stream.indirect.gather [hbm4b:s4+s13], $0x80, s18, s13, $0xb8;
	[tilespmem:$0x1B800] =	vst v63  }
0x86: {  	_ =	swait.ge [sflag:s20], $0x3800  }
0x87: {  	[sflag:s20] =	ssyncset.done $0x0  }
0x88: {  	[sflag:s20] =	ssyncadd.s32 $0xFFFFC800  }
0x89: {  	[spmem:s1] =	stream.indirect.scatter.add.f32 [tilespmem:s14], [sflag:$0x5], $0x80, s21, s13, $0xb8;
	[tilespmem:$0x1B800] =	vst v63  }
0x8a: {  	_ =	swait.ge [sflag:s12], $0x3800  }
0x8b: {  	[sflag:s12] =	ssyncset.done $0x0  }
0x8c: {  	[sflag:s12] =	ssyncadd.s32 $0xFFFFC800  }
0x8d: {  	[tilespmem:s14], [sflag:$0x3] =	stream.indirect.gather [hbm4b:s4+s13], $0x80, s22, s13, $0xb8;
	[tilespmem:$0x1B800] =	vst v63  }
0x8e: {  	_ =	swait.ge [sflag:s23], $0x3800  }
0x8f: {  	[sflag:s23] =	ssyncset.done $0x0  }
0x90: {  	[sflag:s23] =	ssyncadd.s32 $0xFFFFC800  }
0x91: {  	[spmem:s1] =	stream.indirect.scatter.add.f32 [tilespmem:s19], [sflag:$0x5], $0x80, s24, s13, $0xb8;
	[tilespmem:$0x1B800] =	vst v63  }
0x92: {  	_ =	swait.ge [sflag:s12], $0x3800  }
0x93: {  	[sflag:s12] =	ssyncset.done $0x0  }
0x94: {  	[sflag:s12] =	ssyncadd.s32 $0xFFFFC800  }
0x95: {  	_ =	swait.ge [sflag:s25], $0x400  }
0x96: {  	[sflag:s25] =	ssyncset.done $0x0  }
0x97: {  	[sflag:s25] =	ssyncadd.s32 $0xFFFFFC00  }
0x98: {  	[tilespmem:s19], [sflag:$0x4] =	stream.indirect.gather [hbm4b:s4+s13], $0x80, s26, s13, $0xb8;
	[tilespmem:$0x1B800] =	vst v63  }
0x99: {  	_ =	swait.ge [sflag:s20], $0x3800  }
0x9a: {  	[sflag:s20] =	ssyncset.done $0x0  }
0x9b: {  	[sflag:s20] =	ssyncadd.s32 $0xFFFFC800  }
0x9c: {  	[spmem:s1] =	stream.indirect.scatter.add.f32 [tilespmem:s14], [sflag:$0x5], $0x80, s28, s13, $0xb8;
	[tilespmem:$0x1B800] =	vst v63  }
0x9d: {  	_ =	swait.ge [sflag:s12], $0x3800  }
0x9e: {  	[sflag:s12] =	ssyncset.done $0x0  }
0x9f: {  	[sflag:s12] =	ssyncadd.s32 $0xFFFFC800  }
0xa0: {  	[tilespmem:s14], [sflag:$0x3] =	stream.indirect.gather [hbm4b:s4+s13], $0x80, s17, s13, $0xb8;
	[tilespmem:$0x1B800] =	vst v63  }
0xa1: {  	_ =	swait.ge [sflag:s23], $0x3800  }
0xa2: {  	[sflag:s23] =	ssyncset.done $0x0  }
0xa3: {  	[sflag:s23] =	ssyncadd.s32 $0xFFFFC800  }
0xa4: {  	[spmem:s1] =	stream.indirect.scatter.add.f32 [tilespmem:s19], [sflag:$0x5], $0x80, s29, s13, $0xb8;
	[tilespmem:$0x1B800] =	vst v63  }
0xa5: {  	p1 =	seq.s32 s8, $0xFFFFFF00;
	_ =	swait.ge [sflag:s12], $0x3800  }
0xa6: {  	s6 =	sadd.s32 @!p1 s8, s11;
	s8 =	smov.u32 s10;
	[sflag:s12] =	ssyncset.done $0x0  }
0xa7: {  	s10 =	simm.s32 @!p1 $0x0;
	s6 =	sadd.s32 @!p1 $0xD00, s6;
	[sflag:s12] =	ssyncadd.s32 $0xFFFFC800  }
0xa8: {  	[tilespmem:s10], [sflag:$0x1] =	stream.linear.gather @!p1 [hbm4b:s6+s10], $0x400, $0x38;
	[tilespmem:$0x1B800] =	vst v63  }
0xa9: {  	_ = 	snop  }
0xaa: {  	[tilespmem:s19], [sflag:$0x4] =	stream.indirect.gather [hbm4b:s4+s13], $0x80, s30, s13, $0xb8;
	[tilespmem:$0x1B800] =	vst v63  }
0xab: {  	_ =	swait.ge [sflag:s20], $0x3800  }
0xac: {  	[sflag:s20] =	ssyncset.done $0x0  }
0xad: {  	[sflag:s20] =	ssyncadd.s32 $0xFFFFC800  }
0xae: {  	[spmem:s1] =	stream.indirect.scatter.add.f32 [tilespmem:s14], [sflag:$0x5], $0x80, s31, s13, $0xb8;
	[tilespmem:$0x1B800] =	vst v63  }
0xaf: {  	_ =	swait.ge [sflag:s12], $0x3800  }
0xb0: {  	[sflag:s12] =	ssyncset.done $0x0  }
0xb1: {  	[sflag:s12] =	ssyncadd.s32 $0xFFFFC800  }
0xb2: {  	[tilespmem:s14], [sflag:$0x3] =	stream.indirect.gather [hbm4b:s4+s13], $0x80, s0, s13, $0xb8;
	[tilespmem:$0x1B800] =	vst v63  }
0xb3: {  	_ =	swait.ge [sflag:s23], $0x3800  }
0xb4: {  	[sflag:s23] =	ssyncset.done $0x0  }
0xb5: {  	[sflag:s23] =	ssyncadd.s32 $0xFFFFC800  }
0xb6: {  	[spmem:s1] =	stream.indirect.scatter.add.f32 [tilespmem:s19], [sflag:$0x5], $0x80, s2, s13, $0xb8;
	[tilespmem:$0x1B800] =	vst v63  }
0xb7: {  	_ =	swait.ge [sflag:s12], $0x3800  }
0xb8: {  	s15 =	simm.s32 @p1 $0x3;
	s6 =	simm.s32 @p1 $0x4000;
	[sflag:s12] =	ssyncset.done $0x0  }
0xb9: {  	s16 =	simm.s32 @p1 $0x70;
	s7 =	simm.s32 @p1 $0x580;
	[sflag:s12] =	ssyncadd.s32 $0xFFFFC800  }
0xba: {  	[tilespmem:s6], [sflag:$0x4] =	stream.indirect.gather @p1 [hbm4b:s4+s16], $0x80, s7, s16, $0xb8;
	[tilespmem:$0x1B800] =	vst v63  }
0xbb: {  	_ =	swait.ge @p1 [sflag:s15], $0x3800  }
0xbc: {  	s6 =	simm.s32 @p1 $0x5;
	[sflag:s15] =	ssyncset.done @p1 $0x0  }
0xbd: {  	s7 =	simm.s32 @p1 $0x700;
	[sflag:s15] =	ssyncadd.s32 @p1 $0xFFFFC800;
	s15 =	simm.s32 @p1 $0x800  }
0xbe: {  	[spmem:s1] =	stream.indirect.scatter.add.f32 @p1 [tilespmem:s15], [sflag:$0x5], $0x80, s7, s16, $0xb8;
	[tilespmem:$0x1B800] =	vst v63  }
0xbf: {  	_ =	swait.ge @p1 [sflag:s6], $0x3800  }
0xc0: {  	[sflag:s6] =	ssyncset.done @p1 $0x0  }
0xc1: {  	[sflag:s6] =	ssyncadd.s32 @p1 $0xFFFFC800;
	s6 =	simm.s32 @!p1 $0x1  }
0xc2: {  	_ =	swait.ge @!p1 [sflag:s6], $0x400  }
0xc3: {  	s7 =	simm.s32 @!p1 $0x4000;
	s15 =	simm.s32 @!p1 $0x3;
	[sflag:s6] =	ssyncset.done @!p1 $0x0  }
0xc4: {  	s16 =	simm.s32 @!p1 $0x580;
	[sflag:s6] =	ssyncadd.s32 @!p1 $0xFFFFFC00;
	s6 =	simm.s32 @!p1 $0x70  }
0xc5: {  	[tilespmem:s7], [sflag:$0x4] =	stream.indirect.gather @!p1 [hbm4b:s4+s6], $0x80, s16, s6, $0xb8;
	[tilespmem:$0x1B800] =	vst v63  }
0xc6: {  	_ =	swait.ge @!p1 [sflag:s15], $0x3800  }
0xc7: {  	s7 =	simm.s32 @!p1 $0x5;
	[sflag:s15] =	ssyncset.done @!p1 $0x0  }
0xc8: {  	s16 =	simm.s32 @!p1 $0x800;
	[sflag:s15] =	ssyncadd.s32 @!p1 $0xFFFFC800;
	s15 =	simm.s32 @!p1 $0x700  }
0xc9: {  	[spmem:s1] =	stream.indirect.scatter.add.f32 @!p1 [tilespmem:s16], [sflag:$0x5], $0x80, s15, s6, $0xb8;
	[tilespmem:$0x1B800] =	vst v63  }
0xca: {  	_ =	swait.ge @!p1 [sflag:s7], $0x3800  }
0xcb: {  	[sflag:s7] =	ssyncset.done @!p1 $0x0  }
0xcc: {  	[sflag:s7] =	ssyncadd.s32 @!p1 $0xFFFFC800  }
0xcd: {  	[tilespmem:s16], [sflag:$0x3] =	stream.indirect.gather @!p1 [hbm4b:s4+s6], $0x80, s10, s6, $0xb8;
	[tilespmem:$0x1B800] =	vst v63  }
0xce: {  	_ =	swait.ge [sflag:s23], $0x3800  }
.Ltmp0:
0xcf: {  	[sflag:s23] =	ssyncset.done $0x0;
	(pc) =	sbr.rel @p0 .LBB2_2-.Ltmp0, $4  }
0xd0: {  	[sflag:s23] =	ssyncadd.s32 $0xFFFFC800  }
0xd1: {  	[spmem:s1] =	stream.indirect.scatter.add.f32 [tilespmem:s19], [sflag:$0x5], $0x80, s5, s13, $0xb8;
	[tilespmem:$0x1B800] =	vst v63  }
0xd2: {  	_ =	swait.ge [sflag:s12], $0x3800  }
0xd3: {  	s10 =	sadd.s32 s8, s11;
	[sflag:s12] =	ssyncset.done $0x0  }
0xd4: {  	s6 =	sadd.s32 $0xC80, s10;
	[sflag:s12] =	ssyncadd.s32 $0xFFFFC800  }
0xd5: {  	[tilespmem:s17], [sflag:$0x2] =	stream.linear.gather [hbm4b:s6+s3], $0x400, $0x38;
	[tilespmem:$0x1B800] =	vst v63  }
0xd6: {  	_ = 	snop  }
0xd7: {  	[tilespmem:s19], [sflag:$0x4] =	stream.indirect.gather [hbm4b:s4+s13], $0x80, s18, s13, $0xb8;
	[tilespmem:$0x1B800] =	vst v63  }
0xd8: {  	_ =	swait.ge [sflag:s20], $0x3800  }
0xd9: {  	[sflag:s20] =	ssyncset.done $0x0  }
0xda: {  	[sflag:s20] =	ssyncadd.s32 $0xFFFFC800  }
0xdb: {  	[spmem:s1] =	stream.indirect.scatter.add.f32 [tilespmem:s14], [sflag:$0x5], $0x80, s21, s13, $0xb8;
	[tilespmem:$0x1B800] =	vst v63  }
0xdc: {  	_ =	swait.ge [sflag:s12], $0x3800  }
0xdd: {  	[sflag:s12] =	ssyncset.done $0x0  }
0xde: {  	[sflag:s12] =	ssyncadd.s32 $0xFFFFC800  }
0xdf: {  	[tilespmem:s14], [sflag:$0x3] =	stream.indirect.gather [hbm4b:s4+s13], $0x80, s22, s13, $0xb8;
	[tilespmem:$0x1B800] =	vst v63  }
0xe0: {  	_ =	swait.ge [sflag:s23], $0x3800  }
0xe1: {  	[sflag:s23] =	ssyncset.done $0x0  }
0xe2: {  	[sflag:s23] =	ssyncadd.s32 $0xFFFFC800  }
0xe3: {  	[spmem:s1] =	stream.indirect.scatter.add.f32 [tilespmem:s19], [sflag:$0x5], $0x80, s24, s13, $0xb8;
	[tilespmem:$0x1B800] =	vst v63  }
0xe4: {  	_ =	swait.ge [sflag:s12], $0x3800  }
0xe5: {  	[sflag:s12] =	ssyncset.done $0x0  }
0xe6: {  	[sflag:s12] =	ssyncadd.s32 $0xFFFFC800  }
0xe7: {  	_ =	swait.ge [sflag:s25], $0x400  }
0xe8: {  	[sflag:s25] =	ssyncset.done $0x0  }
0xe9: {  	[sflag:s25] =	ssyncadd.s32 $0xFFFFFC00  }
0xea: {  	[tilespmem:s19], [sflag:$0x4] =	stream.indirect.gather [hbm4b:s4+s13], $0x80, s26, s13, $0xb8;
	[tilespmem:$0x1B800] =	vst v63  }
0xeb: {  	_ =	swait.ge [sflag:s20], $0x3800  }
0xec: {  	[sflag:s20] =	ssyncset.done $0x0  }
0xed: {  	[sflag:s20] =	ssyncadd.s32 $0xFFFFC800  }
0xee: {  	[spmem:s1] =	stream.indirect.scatter.add.f32 [tilespmem:s14], [sflag:$0x5], $0x80, s28, s13, $0xb8;
	[tilespmem:$0x1B800] =	vst v63  }
0xef: {  	_ =	swait.ge [sflag:s12], $0x3800  }
0xf0: {  	[sflag:s12] =	ssyncset.done $0x0  }
0xf1: {  	[sflag:s12] =	ssyncadd.s32 $0xFFFFC800  }
0xf2: {  	[tilespmem:s14], [sflag:$0x3] =	stream.indirect.gather [hbm4b:s4+s13], $0x80, s17, s13, $0xb8;
	[tilespmem:$0x1B800] =	vst v63  }
0xf3: {  	_ =	swait.ge [sflag:s23], $0x3800  }
0xf4: {  	[sflag:s23] =	ssyncset.done $0x0  }
0xf5: {  	[sflag:s23] =	ssyncadd.s32 $0xFFFFC800  }
0xf6: {  	[spmem:s1] =	stream.indirect.scatter.add.f32 [tilespmem:s19], [sflag:$0x5], $0x80, s29, s13, $0xb8;
	[tilespmem:$0x1B800] =	vst v63  }
0xf7: {  	p0 =	seq.s32 s8, $0xFFFFFF00;
	_ =	swait.ge [sflag:s12], $0x3800  }
0xf8: {  	s6 =	sadd.s32 @!p0 s8, s11;
	[sflag:s12] =	ssyncset.done $0x0  }
0xf9: {  	s7 =	simm.s32 @!p0 $0x0;
	s6 =	sadd.s32 @!p0 $0xD00, s6;
	[sflag:s12] =	ssyncadd.s32 $0xFFFFC800  }
0xfa: {  	[tilespmem:s7], [sflag:$0x1] =	stream.linear.gather @!p0 [hbm4b:s6+s7], $0x400, $0x38;
	[tilespmem:$0x1B800] =	vst v63  }
0xfb: {  	_ = 	snop  }
0xfc: {  	[tilespmem:s19], [sflag:$0x4] =	stream.indirect.gather [hbm4b:s4+s13], $0x80, s30, s13, $0xb8;
	[tilespmem:$0x1B800] =	vst v63  }
0xfd: {  	_ =	swait.ge [sflag:s20], $0x3800  }
0xfe: {  	[sflag:s20] =	ssyncset.done $0x0  }
0xff: {  	[sflag:s20] =	ssyncadd.s32 $0xFFFFC800  }
0x100: {  	[spmem:s1] =	stream.indirect.scatter.add.f32 [tilespmem:s14], [sflag:$0x5], $0x80, s31, s13, $0xb8;
	[tilespmem:$0x1B800] =	vst v63  }
0x101: {  	_ =	swait.ge [sflag:s12], $0x3800  }
0x102: {  	[sflag:s12] =	ssyncset.done $0x0  }
0x103: {  	[sflag:s12] =	ssyncadd.s32 $0xFFFFC800  }
0x104: {  	[tilespmem:s14], [sflag:$0x3] =	stream.indirect.gather [hbm4b:s4+s13], $0x80, s0, s13, $0xb8;
	[tilespmem:$0x1B800] =	vst v63  }
0x105: {  	_ =	swait.ge [sflag:s23], $0x3800  }
0x106: {  	[sflag:s23] =	ssyncset.done $0x0  }
0x107: {  	[sflag:s23] =	ssyncadd.s32 $0xFFFFC800  }
0x108: {  	[spmem:s1] =	stream.indirect.scatter.add.f32 [tilespmem:s19], [sflag:$0x5], $0x80, s2, s13, $0xb8;
	[tilespmem:$0x1B800] =	vst v63  }
0x109: {  	_ =	swait.ge [sflag:s12], $0x3800  }
0x10a: {  	s8 =	simm.s32 @p0 $0x70;
	[sflag:s12] =	ssyncset.done $0x0  }
0x10b: {  	s9 =	simm.s32 @p0 $0x580;
	s6 =	simm.s32 @p0 $0x4000;
	[sflag:s12] =	ssyncadd.s32 $0xFFFFC800  }
0x10c: {  	[tilespmem:s6], [sflag:$0x4] =	stream.indirect.gather @p0 [hbm4b:s4+s8], $0x80, s9, s8, $0xb8;
	[tilespmem:$0x1B800] =	vst v63  }
0x10d: {  	s6 =	simm.s32 @p0 $0x3  }
0x10e: {  	_ =	swait.ge @p0 [sflag:s6], $0x3800  }
0x10f: {  	[sflag:s6] =	ssyncset.done @p0 $0x0  }
0x110: {  	s9 =	simm.s32 @p0 $0x800;
	[sflag:s6] =	ssyncadd.s32 @p0 $0xFFFFC800;
	s6 =	simm.s32 @p0 $0x700  }
0x111: {  	[spmem:s1] =	stream.indirect.scatter.add.f32 @p0 [tilespmem:s9], [sflag:$0x5], $0x80, s6, s8, $0xb8;
	[tilespmem:$0x1B800] =	vst v63  }
0x112: {  	s6 =	simm.s32 @p0 $0x5  }
0x113: {  	_ =	swait.ge @p0 [sflag:s6], $0x3800  }
0x114: {  	[sflag:s6] =	ssyncset.done @p0 $0x0  }
0x115: {  	[sflag:s6] =	ssyncadd.s32 @p0 $0xFFFFC800;
	s6 =	simm.s32 @!p0 $0x1  }
0x116: {  	_ =	swait.ge @!p0 [sflag:s6], $0x400  }
0x117: {  	s8 =	simm.s32 @!p0 $0x4000;
	[sflag:s6] =	ssyncset.done @!p0 $0x0  }
0x118: {  	s9 =	simm.s32 @!p0 $0x580;
	[sflag:s6] =	ssyncadd.s32 @!p0 $0xFFFFFC00;
	s6 =	simm.s32 @!p0 $0x70  }
0x119: {  	[tilespmem:s8], [sflag:$0x4] =	stream.indirect.gather @!p0 [hbm4b:s4+s6], $0x80, s9, s6, $0xb8;
	[tilespmem:$0x1B800] =	vst v63  }
0x11a: {  	s8 =	simm.s32 @!p0 $0x3  }
0x11b: {  	_ =	swait.ge @!p0 [sflag:s8], $0x3800  }
0x11c: {  	[sflag:s8] =	ssyncset.done @!p0 $0x0  }
0x11d: {  	s9 =	simm.s32 @!p0 $0x800;
	[sflag:s8] =	ssyncadd.s32 @!p0 $0xFFFFC800;
	s8 =	simm.s32 @!p0 $0x700  }
0x11e: {  	[spmem:s1] =	stream.indirect.scatter.add.f32 @!p0 [tilespmem:s9], [sflag:$0x5], $0x80, s8, s6, $0xb8;
	[tilespmem:$0x1B800] =	vst v63  }
0x11f: {  	s8 =	simm.s32 @!p0 $0x5  }
0x120: {  	_ =	swait.ge @!p0 [sflag:s8], $0x3800  }
0x121: {  	[sflag:s8] =	ssyncset.done @!p0 $0x0  }
0x122: {  	[sflag:s8] =	ssyncadd.s32 @!p0 $0xFFFFC800  }
0x123: {  	[tilespmem:s9], [sflag:$0x3] =	stream.indirect.gather @!p0 [hbm4b:s4+s6], $0x80, s7, s6, $0xb8;
	[tilespmem:$0x1B800] =	vst v63  }
0x124: {  	_ =	swait.ge [sflag:s23], $0x3800  }
0x125: {  	[sflag:s23] =	ssyncset.done $0x0  }
0x126: {  	[sflag:s23] =	ssyncadd.s32 $0xFFFFC800  }
0x127: {  	[spmem:s1] =	stream.indirect.scatter.add.f32 [tilespmem:s19], [sflag:$0x5], $0x80, s5, s13, $0xb8;
	[tilespmem:$0x1B800] =	vst v63  }
0x128: {  	_ =	swait.ge [sflag:s12], $0x3800  }
0x129: {  	[sflag:s12] =	ssyncset.done $0x0  }
0x12a: {  	[sflag:s12] =	ssyncadd.s32 $0xFFFFC800  }
0x12b: {  	[bflag:$0x0] =	sbarrier.arrive $0xFFFF  }
0x12c: {  	s10 =	rddreg [dreg:$0x7]  }
0x12d: {  	s16 =	rddreg [dreg:$0xb]  }
0x12e: {  	s8 =	rddreg [dreg:$0xc]  }
0x12f: {  	[hbm:s10], [sflag:s16] =	dma.local [spmem:s8], $0x2800  }
0x130: {  	_ =	swait.ge [sflag:s12], $0x2800  }
0x131: {  	[sflag:s12] =	ssyncset.done $0x0  }
0x132: {  	s15 =	simm.s32 $0x0;
	s9 =	rddreg [dreg:$0x8];
	[sflag:s12] =	ssyncadd.s32 $0xFFFFD800  }
0x133: {  	[tilespmem:s15], [sflag:$0x5] =	stream.linear.gather [hbm4b:s9+s15], $0x400, $0x38;
	[tilespmem:$0x1B800] =	vst v63  }
0x134: {  	_ =	swait.ge [sflag:s12], $0x400  }
0x135: {  	[sflag:s12] =	ssyncset.done $0x0  }
0x136: {  	s10 =	rddreg [dreg:$0x6];
	[sflag:s12] =	ssyncadd.s32 $0xFFFFFC00  }
0x137: {  	[tilespmem:s14], [sflag:$0x3] =	stream.indirect.gather [hbm4b:s4+s13], $0x80, s15, s13, $0xb8;
	[tilespmem:$0x1B800] =	vst v63  }
0x138: {  	[spmem:s8], [sflag:s16] =	dma.local [hbm:s10], $0x2800  }
0x139: {  	_ =	swait.ge [sflag:s12], $0x2800  }
0x13a: {  	[sflag:s12] =	ssyncset.done $0x0  }
0x13b: {  	[sflag:s12] =	ssyncadd.s32 $0xFFFFD800  }
0x13c: {  	[bflag:$0x0] =	sbarrier.arrive $0xFFFF  }
0x13d: {  	s15 =	rddreg [dreg:$0x4]  }
0x13e: {  	s6 =	sadd.s32 $0x0, s15  }
0x13f: {  	[tilespmem:s17], [sflag:$0x2] =	stream.linear.gather [hbm4b:s6+s3], $0x400, $0x38;
	[tilespmem:$0x1B800] =	vst v63  }
0x140: {  	_ = 	snop  }
0x141: {  	[tilespmem:s19], [sflag:$0x4] =	stream.indirect.gather [hbm4b:s4+s13], $0x80, s18, s13, $0xb8;
	[tilespmem:$0x1B800] =	vst v63  }
0x142: {  	_ =	swait.ge [sflag:s20], $0x3800  }
0x143: {  	[sflag:s20] =	ssyncset.done $0x0  }
0x144: {  	[sflag:s20] =	ssyncadd.s32 $0xFFFFC800  }
0x145: {  	[spmem:s1] =	stream.indirect.scatter.add.f32 [tilespmem:s14], [sflag:$0x5], $0x80, s21, s13, $0xb8;
	[tilespmem:$0x1B800] =	vst v63  }
0x146: {  	_ =	swait.ge [sflag:s12], $0x3800  }
0x147: {  	[sflag:s12] =	ssyncset.done $0x0  }
0x148: {  	[sflag:s12] =	ssyncadd.s32 $0xFFFFC800  }
0x149: {  	[tilespmem:s14], [sflag:$0x3] =	stream.indirect.gather [hbm4b:s4+s13], $0x80, s22, s13, $0xb8;
	[tilespmem:$0x1B800] =	vst v63  }
0x14a: {  	_ =	swait.ge [sflag:s23], $0x3800  }
0x14b: {  	[sflag:s23] =	ssyncset.done $0x0  }
0x14c: {  	[sflag:s23] =	ssyncadd.s32 $0xFFFFC800  }
0x14d: {  	[spmem:s1] =	stream.indirect.scatter.add.f32 [tilespmem:s19], [sflag:$0x5], $0x80, s24, s13, $0xb8;
	[tilespmem:$0x1B800] =	vst v63  }
0x14e: {  	_ =	swait.ge [sflag:s12], $0x3800  }
0x14f: {  	[sflag:s12] =	ssyncset.done $0x0  }
0x150: {  	[sflag:s12] =	ssyncadd.s32 $0xFFFFC800  }
0x151: {  	_ =	swait.ge [sflag:s25], $0x400  }
0x152: {  	[sflag:s25] =	ssyncset.done $0x0  }
0x153: {  	[sflag:s25] =	ssyncadd.s32 $0xFFFFFC00  }
0x154: {  	[tilespmem:s19], [sflag:$0x4] =	stream.indirect.gather [hbm4b:s4+s13], $0x80, s26, s13, $0xb8;
	[tilespmem:$0x1B800] =	vst v63  }
0x155: {  	_ =	swait.ge [sflag:s20], $0x3800  }
0x156: {  	[sflag:s20] =	ssyncset.done $0x0  }
0x157: {  	[sflag:s20] =	ssyncadd.s32 $0xFFFFC800  }
0x158: {  	[spmem:s1] =	stream.indirect.scatter.add.f32 [tilespmem:s14], [sflag:$0x5], $0x80, s28, s13, $0xb8;
	[tilespmem:$0x1B800] =	vst v63  }
0x159: {  	_ =	swait.ge [sflag:s12], $0x3800  }
0x15a: {  	[sflag:s12] =	ssyncset.done $0x0  }
0x15b: {  	[sflag:s12] =	ssyncadd.s32 $0xFFFFC800  }
0x15c: {  	[tilespmem:s14], [sflag:$0x3] =	stream.indirect.gather [hbm4b:s4+s13], $0x80, s17, s13, $0xb8;
	[tilespmem:$0x1B800] =	vst v63  }
0x15d: {  	_ =	swait.ge [sflag:s23], $0x3800  }
0x15e: {  	[sflag:s23] =	ssyncset.done $0x0  }
0x15f: {  	[sflag:s23] =	ssyncadd.s32 $0xFFFFC800  }
0x160: {  	[spmem:s1] =	stream.indirect.scatter.add.f32 [tilespmem:s19], [sflag:$0x5], $0x80, s29, s13, $0xb8;
	[tilespmem:$0x1B800] =	vst v63  }
0x161: {  	_ =	swait.ge [sflag:s12], $0x3800  }
0x162: {  	p0 =	por $0x0, $0x0;
	s6 =	rddreg [dreg:$0x3];
	[sflag:s12] =	ssyncset.done $0x0  }
0x163: {  	s7 =	simm.s32 @!p0 $0x0;
	[sflag:s12] =	ssyncadd.s32 $0xFFFFC800;
	s6 =	sadd.s32 @!p0 $0x0, s6  }
0x164: {  	[tilespmem:s7], [sflag:$0x1] =	stream.linear.gather @!p0 [hbm4b:s6+s7], $0x400, $0x38;
	[tilespmem:$0x1B800] =	vst v63  }
0x165: {  	_ = 	snop  }
0x166: {  	[tilespmem:s19], [sflag:$0x4] =	stream.indirect.gather [hbm4b:s4+s13], $0x80, s30, s13, $0xb8;
	[tilespmem:$0x1B800] =	vst v63  }
0x167: {  	_ =	swait.ge [sflag:s20], $0x3800  }
0x168: {  	[sflag:s20] =	ssyncset.done $0x0  }
0x169: {  	[sflag:s20] =	ssyncadd.s32 $0xFFFFC800  }
0x16a: {  	[spmem:s1] =	stream.indirect.scatter.add.f32 [tilespmem:s14], [sflag:$0x5], $0x80, s31, s13, $0xb8;
	[tilespmem:$0x1B800] =	vst v63  }
0x16b: {  	_ =	swait.ge [sflag:s12], $0x3800  }
0x16c: {  	[sflag:s12] =	ssyncset.done $0x0  }
0x16d: {  	[sflag:s12] =	ssyncadd.s32 $0xFFFFC800  }
0x16e: {  	[tilespmem:s14], [sflag:$0x3] =	stream.indirect.gather [hbm4b:s4+s13], $0x80, s0, s13, $0xb8;
	[tilespmem:$0x1B800] =	vst v63  }
0x16f: {  	_ =	swait.ge [sflag:s23], $0x3800  }
0x170: {  	[sflag:s23] =	ssyncset.done $0x0  }
0x171: {  	[sflag:s23] =	ssyncadd.s32 $0xFFFFC800  }
0x172: {  	[spmem:s1] =	stream.indirect.scatter.add.f32 [tilespmem:s19], [sflag:$0x5], $0x80, s2, s13, $0xb8;
	[tilespmem:$0x1B800] =	vst v63  }
0x173: {  	_ =	swait.ge [sflag:s12], $0x3800  }
0x174: {  	s9 =	simm.s32 @p0 $0x580;
	[sflag:s12] =	ssyncset.done $0x0  }
0x175: {  	s8 =	simm.s32 @p0 $0x70;
	s6 =	simm.s32 @p0 $0x4000;
	[sflag:s12] =	ssyncadd.s32 $0xFFFFC800  }
0x176: {  	[tilespmem:s6], [sflag:$0x4] =	stream.indirect.gather @p0 [hbm4b:s4+s8], $0x80, s9, s8, $0xb8;
	[tilespmem:$0x1B800] =	vst v63  }
0x177: {  	s6 =	simm.s32 @p0 $0x3  }
0x178: {  	_ =	swait.ge @p0 [sflag:s6], $0x3800  }
0x179: {  	[sflag:s6] =	ssyncset.done @p0 $0x0  }
0x17a: {  	s9 =	simm.s32 @p0 $0x800;
	[sflag:s6] =	ssyncadd.s32 @p0 $0xFFFFC800;
	s6 =	simm.s32 @p0 $0x700  }
0x17b: {  	[spmem:s1] =	stream.indirect.scatter.add.f32 @p0 [tilespmem:s9], [sflag:$0x5], $0x80, s6, s8, $0xb8;
	[tilespmem:$0x1B800] =	vst v63  }
0x17c: {  	s6 =	simm.s32 @p0 $0x5  }
0x17d: {  	_ =	swait.ge @p0 [sflag:s6], $0x3800  }
0x17e: {  	[sflag:s6] =	ssyncset.done @p0 $0x0  }
0x17f: {  	[sflag:s6] =	ssyncadd.s32 @p0 $0xFFFFC800;
	s6 =	simm.s32 @!p0 $0x1  }
0x180: {  	_ =	swait.ge @!p0 [sflag:s6], $0x400  }
0x181: {  	s8 =	simm.s32 @!p0 $0x4000;
	[sflag:s6] =	ssyncset.done @!p0 $0x0  }
0x182: {  	s9 =	simm.s32 @!p0 $0x580;
	[sflag:s6] =	ssyncadd.s32 @!p0 $0xFFFFFC00;
	s6 =	simm.s32 @!p0 $0x70  }
0x183: {  	[tilespmem:s8], [sflag:$0x4] =	stream.indirect.gather @!p0 [hbm4b:s4+s6], $0x80, s9, s6, $0xb8;
	[tilespmem:$0x1B800] =	vst v63  }
0x184: {  	s8 =	simm.s32 @!p0 $0x3  }
0x185: {  	_ =	swait.ge @!p0 [sflag:s8], $0x3800  }
0x186: {  	[sflag:s8] =	ssyncset.done @!p0 $0x0  }
0x187: {  	s9 =	simm.s32 @!p0 $0x800;
	[sflag:s8] =	ssyncadd.s32 @!p0 $0xFFFFC800;
	s8 =	simm.s32 @!p0 $0x700  }
0x188: {  	[spmem:s1] =	stream.indirect.scatter.add.f32 @!p0 [tilespmem:s9], [sflag:$0x5], $0x80, s8, s6, $0xb8;
	[tilespmem:$0x1B800] =	vst v63  }
0x189: {  	s8 =	simm.s32 @!p0 $0x5  }
0x18a: {  	_ =	swait.ge @!p0 [sflag:s8], $0x3800  }
0x18b: {  	[sflag:s8] =	ssyncset.done @!p0 $0x0  }
0x18c: {  	[sflag:s8] =	ssyncadd.s32 @!p0 $0xFFFFC800  }
0x18d: {  	[tilespmem:s9], [sflag:$0x3] =	stream.indirect.gather @!p0 [hbm4b:s4+s6], $0x80, s7, s6, $0xb8;
	[tilespmem:$0x1B800] =	vst v63  }
0x18e: {  	_ =	swait.ge [sflag:s23], $0x3800  }
0x18f: {  	[sflag:s23] =	ssyncset.done $0x0  }
0x190: {  	[sflag:s23] =	ssyncadd.s32 $0xFFFFC800  }
0x191: {  	[spmem:s1] =	stream.indirect.scatter.add.f32 [tilespmem:s19], [sflag:$0x5], $0x80, s5, s13, $0xb8;
	[tilespmem:$0x1B800] =	vst v63  }
0x192: {  	s8 =	simm.s32 $0x100;
	_ =	swait.ge [sflag:s12], $0x3800  }
.LBB2_4:
0x193: {  	s6 =	rddreg [dreg:$0x4];
	s9 =	smov.u32 s8;
	[sflag:s12] =	ssyncset.done $0x0  }
0x194: {  	s6 =	sadd.s32 s9, s6;
	[sflag:s12] =	ssyncadd.s32 $0xFFFFC800  }
0x195: {  	[tilespmem:s17], [sflag:$0x2] =	stream.linear.gather [hbm4b:s6+s3], $0x400, $0x38;
	[tilespmem:$0x1B800] =	vst v63  }
0x196: {  	_ = 	snop  }
0x197: {  	[tilespmem:s19], [sflag:$0x4] =	stream.indirect.gather [hbm4b:s4+s13], $0x80, s18, s13, $0xb8;
	[tilespmem:$0x1B800] =	vst v63  }
0x198: {  	_ =	swait.ge [sflag:s20], $0x3800  }
0x199: {  	[sflag:s20] =	ssyncset.done $0x0  }
0x19a: {  	[sflag:s20] =	ssyncadd.s32 $0xFFFFC800  }
0x19b: {  	[spmem:s1] =	stream.indirect.scatter.add.f32 [tilespmem:s14], [sflag:$0x5], $0x80, s21, s13, $0xb8;
	[tilespmem:$0x1B800] =	vst v63  }
0x19c: {  	_ =	swait.ge [sflag:s12], $0x3800  }
0x19d: {  	[sflag:s12] =	ssyncset.done $0x0  }
0x19e: {  	[sflag:s12] =	ssyncadd.s32 $0xFFFFC800  }
0x19f: {  	[tilespmem:s14], [sflag:$0x3] =	stream.indirect.gather [hbm4b:s4+s13], $0x80, s22, s13, $0xb8;
	[tilespmem:$0x1B800] =	vst v63  }
0x1a0: {  	_ =	swait.ge [sflag:s23], $0x3800  }
0x1a1: {  	[sflag:s23] =	ssyncset.done $0x0  }
0x1a2: {  	[sflag:s23] =	ssyncadd.s32 $0xFFFFC800  }
0x1a3: {  	[spmem:s1] =	stream.indirect.scatter.add.f32 [tilespmem:s19], [sflag:$0x5], $0x80, s24, s13, $0xb8;
	[tilespmem:$0x1B800] =	vst v63  }
0x1a4: {  	_ =	swait.ge [sflag:s12], $0x3800  }
0x1a5: {  	[sflag:s12] =	ssyncset.done $0x0  }
0x1a6: {  	[sflag:s12] =	ssyncadd.s32 $0xFFFFC800  }
0x1a7: {  	_ =	swait.ge [sflag:s25], $0x400  }
0x1a8: {  	[sflag:s25] =	ssyncset.done $0x0  }
0x1a9: {  	[sflag:s25] =	ssyncadd.s32 $0xFFFFFC00  }
0x1aa: {  	[tilespmem:s19], [sflag:$0x4] =	stream.indirect.gather [hbm4b:s4+s13], $0x80, s26, s13, $0xb8;
	[tilespmem:$0x1B800] =	vst v63  }
0x1ab: {  	_ =	swait.ge [sflag:s20], $0x3800  }
0x1ac: {  	[sflag:s20] =	ssyncset.done $0x0  }
0x1ad: {  	[sflag:s20] =	ssyncadd.s32 $0xFFFFC800  }
0x1ae: {  	[spmem:s1] =	stream.indirect.scatter.add.f32 [tilespmem:s14], [sflag:$0x5], $0x80, s28, s13, $0xb8;
	[tilespmem:$0x1B800] =	vst v63  }
0x1af: {  	_ =	swait.ge [sflag:s12], $0x3800  }
0x1b0: {  	[sflag:s12] =	ssyncset.done $0x0  }
0x1b1: {  	[sflag:s12] =	ssyncadd.s32 $0xFFFFC800  }
0x1b2: {  	[tilespmem:s14], [sflag:$0x3] =	stream.indirect.gather [hbm4b:s4+s13], $0x80, s17, s13, $0xb8;
	[tilespmem:$0x1B800] =	vst v63  }
0x1b3: {  	_ =	swait.ge [sflag:s23], $0x3800  }
0x1b4: {  	[sflag:s23] =	ssyncset.done $0x0  }
0x1b5: {  	[sflag:s23] =	ssyncadd.s32 $0xFFFFC800  }
0x1b6: {  	[spmem:s1] =	stream.indirect.scatter.add.f32 [tilespmem:s19], [sflag:$0x5], $0x80, s29, s13, $0xb8;
	[tilespmem:$0x1B800] =	vst v63  }
0x1b7: {  	_ =	swait.ge [sflag:s12], $0x3800  }
0x1b8: {  	p1 =	seq.s32 s9, $0xB00;
	s6 =	rddreg [dreg:$0x3];
	[sflag:s12] =	ssyncset.done $0x0  }
0x1b9: {  	[sflag:s12] =	ssyncadd.s32 $0xFFFFC800;
	s6 =	sadd.s32 @!p1 s9, s6;
	s9 =	simm.s32 @!p1 $0x0  }
0x1ba: {  	[tilespmem:s9], [sflag:$0x1] =	stream.linear.gather @!p1 [hbm4b:s6+s9], $0x400, $0x38;
	[tilespmem:$0x1B800] =	vst v63  }
0x1bb: {  	_ = 	snop  }
0x1bc: {  	[tilespmem:s19], [sflag:$0x4] =	stream.indirect.gather [hbm4b:s4+s13], $0x80, s30, s13, $0xb8;
	[tilespmem:$0x1B800] =	vst v63  }
0x1bd: {  	_ =	swait.ge [sflag:s20], $0x3800  }
0x1be: {  	[sflag:s20] =	ssyncset.done $0x0  }
0x1bf: {  	[sflag:s20] =	ssyncadd.s32 $0xFFFFC800  }
0x1c0: {  	[spmem:s1] =	stream.indirect.scatter.add.f32 [tilespmem:s14], [sflag:$0x5], $0x80, s31, s13, $0xb8;
	[tilespmem:$0x1B800] =	vst v63  }
0x1c1: {  	_ =	swait.ge [sflag:s12], $0x3800  }
0x1c2: {  	[sflag:s12] =	ssyncset.done $0x0  }
0x1c3: {  	[sflag:s12] =	ssyncadd.s32 $0xFFFFC800  }
0x1c4: {  	[tilespmem:s14], [sflag:$0x3] =	stream.indirect.gather [hbm4b:s4+s13], $0x80, s0, s13, $0xb8;
	[tilespmem:$0x1B800] =	vst v63  }
0x1c5: {  	_ =	swait.ge [sflag:s23], $0x3800  }
0x1c6: {  	[sflag:s23] =	ssyncset.done $0x0  }
0x1c7: {  	[sflag:s23] =	ssyncadd.s32 $0xFFFFC800  }
0x1c8: {  	[spmem:s1] =	stream.indirect.scatter.add.f32 [tilespmem:s19], [sflag:$0x5], $0x80, s2, s13, $0xb8;
	[tilespmem:$0x1B800] =	vst v63  }
0x1c9: {  	_ =	swait.ge [sflag:s12], $0x3800  }
0x1ca: {  	s7 =	simm.s32 @p1 $0x3;
	s10 =	simm.s32 @p1 $0x70;
	[sflag:s12] =	ssyncset.done $0x0  }
0x1cb: {  	s15 =	simm.s32 @p1 $0x580;
	s6 =	simm.s32 @p1 $0x4000;
	[sflag:s12] =	ssyncadd.s32 $0xFFFFC800  }
0x1cc: {  	[tilespmem:s6], [sflag:$0x4] =	stream.indirect.gather @p1 [hbm4b:s4+s10], $0x80, s15, s10, $0xb8;
	[tilespmem:$0x1B800] =	vst v63  }
0x1cd: {  	_ =	swait.ge @p1 [sflag:s7], $0x3800  }
0x1ce: {  	s6 =	simm.s32 @p1 $0x5;
	[sflag:s7] =	ssyncset.done @p1 $0x0  }
0x1cf: {  	s15 =	simm.s32 @p1 $0x800;
	[sflag:s7] =	ssyncadd.s32 @p1 $0xFFFFC800;
	s7 =	simm.s32 @p1 $0x700  }
0x1d0: {  	[spmem:s1] =	stream.indirect.scatter.add.f32 @p1 [tilespmem:s15], [sflag:$0x5], $0x80, s7, s10, $0xb8;
	[tilespmem:$0x1B800] =	vst v63  }
0x1d1: {  	_ =	swait.ge @p1 [sflag:s6], $0x3800  }
0x1d2: {  	[sflag:s6] =	ssyncset.done @p1 $0x0  }
0x1d3: {  	[sflag:s6] =	ssyncadd.s32 @p1 $0xFFFFC800;
	s6 =	simm.s32 @!p1 $0x1  }
0x1d4: {  	_ =	swait.ge @!p1 [sflag:s6], $0x400  }
0x1d5: {  	s7 =	simm.s32 @!p1 $0x4000;
	s10 =	simm.s32 @!p1 $0x3;
	[sflag:s6] =	ssyncset.done @!p1 $0x0  }
0x1d6: {  	s15 =	simm.s32 @!p1 $0x580;
	[sflag:s6] =	ssyncadd.s32 @!p1 $0xFFFFFC00;
	s6 =	simm.s32 @!p1 $0x70  }
0x1d7: {  	[tilespmem:s7], [sflag:$0x4] =	stream.indirect.gather @!p1 [hbm4b:s4+s6], $0x80, s15, s6, $0xb8;
	[tilespmem:$0x1B800] =	vst v63  }
0x1d8: {  	_ =	swait.ge @!p1 [sflag:s10], $0x3800  }
0x1d9: {  	s7 =	simm.s32 @!p1 $0x5;
	[sflag:s10] =	ssyncset.done @!p1 $0x0  }
0x1da: {  	s15 =	simm.s32 @!p1 $0x800;
	[sflag:s10] =	ssyncadd.s32 @!p1 $0xFFFFC800;
	s10 =	simm.s32 @!p1 $0x700  }
0x1db: {  	[spmem:s1] =	stream.indirect.scatter.add.f32 @!p1 [tilespmem:s15], [sflag:$0x5], $0x80, s10, s6, $0xb8;
	[tilespmem:$0x1B800] =	vst v63  }
0x1dc: {  	_ =	swait.ge @!p1 [sflag:s7], $0x3800  }
0x1dd: {  	s8 =	sadd.s32 $0x100, s8;
	[sflag:s7] =	ssyncset.done @!p1 $0x0  }
0x1de: {  	p0 =	sne.s32 s8, $0xC00;
	[sflag:s7] =	ssyncadd.s32 @!p1 $0xFFFFC800  }
0x1df: {  	[tilespmem:s15], [sflag:$0x3] =	stream.indirect.gather @!p1 [hbm4b:s4+s6], $0x80, s9, s6, $0xb8;
	[tilespmem:$0x1B800] =	vst v63  }
.Ltmp1:
0x1e0: {  	_ =	swait.ge [sflag:s23], $0x3800;
	(pc) =	sbr.rel @p0 .LBB2_4-.Ltmp1, $4  }
0x1e1: {  	[sflag:s23] =	ssyncset.done $0x0  }
0x1e2: {  	[sflag:s23] =	ssyncadd.s32 $0xFFFFC800  }
0x1e3: {  	[spmem:s1] =	stream.indirect.scatter.add.f32 [tilespmem:s19], [sflag:$0x5], $0x80, s5, s13, $0xb8;
	[tilespmem:$0x1B800] =	vst v63  }
0x1e4: {  	_ =	swait.ge [sflag:s12], $0x3800  }
0x1e5: {  	[sflag:s12] =	ssyncset.done $0x0  }
0x1e6: {  	[sflag:s12] =	ssyncadd.s32 $0xFFFFC800  }
0x1e7: {  	[bflag:$0x0] =	sbarrier.arrive $0xFFFF  }
0x1e8: {  	s6 =	rddreg [dreg:$0x9]  }
0x1e9: {  	s7 =	rddreg [dreg:$0xc]  }
0x1ea: {  	[hbm:s6], [sflag:s16] =	dma.local [spmem:s7], $0x2800  }
0x1eb: {  	_ =	swait.ge [sflag:s12], $0x2800  }
0x1ec: {  	s8 =	rddreg [dreg:$0xd]  }
0x1ed: {  	s15 =	rddreg [dreg:$0xa];
	s8 =	sadd.s32 $0x1, s8  }
0x1ee: {  	p0 =	sne.s32 s8, s15  }
.Ltmp2:
0x1ef: {  	_ = 	snop;
	(pc) =	sbr.rel @p0 .LBB2_1-.Ltmp2, $3  }
0x1f0: {  	_ =	sdelay $0x1  }
0x1f1: {  	[sflag:s12] =	ssyncset.done $0x0  }
0x1f2: {  	[sflag:s12] =	ssyncadd.s32 $0xFFFFD800  }
0x1f3: {  	_ =	sfence.sel $0x180000  }
0x1f4: {  	[bflag:$0x0] =	sbarrier.arrive $0xFFFF  }
0x1f5: {  	_ =	strace $0x9000004D  }
0x1f6: {  	s0 =	stileid.u32;
	[bflag:$0x2] =	sbarrier.arrive $0xFFFF  }
0x1f7: {  	p0 =	sne.s32 s0, $0x0;
	s0 =	rddreg [dreg:$0x2]  }
0x1f8: {  	s0 =	sadd.s32 @!p0 $0x100000, s0  }
0x1f9: {  	[sflag:s0] =	ssyncadd.tile.s32 @!p0 $0x1;
	_ =	shalt  }
.Lfunc_end2:
_tile_overlayer_lowered:
.L_overlay_start_2:
0x1fa: {  	(tag) =	ssettag $0x2  }
0x1fb: {  	s0 =	rddreg [dreg:$0x0];
	s2 =	stileid.u32  }
0x1fc: {  	s1 =	rddreg [dreg:$0x1];
	p0 =	sne.s32 s2, $0x0  }
0x1fd: {  	s3 =	rddreg [dreg:$0x2];
	[bflag:$0x3] =	sbarrier.arrive $0xFFFF;
	s2 =	simm.s32 @!p0 $0x1C05  }
0x1fe: {  	[timem:s3], [sflag:s2] =	dma.local @!p0 [hbm:s0], s1  }
0x1ff: {  	s0 =	simm.s32 @!p0 $0x5  }
0x200: {  	_ =	swait.ge @!p0 [sflag:s0], s1  }
0x201: {  	s1 =	ssub.s32 @!p0 $0x0, s1;
	[sflag:s0] =	ssyncset.done @!p0 $0x0  }
0x202: {  	[sflag:s0] =	ssyncadd.s32 @!p0 s1  }
0x203: {  	[bflag:$0x3] =	sbarrier.arrive $0xFFFF  }
0x204: {  	_ =	shalt  }

// kernel: kernel.23.cloned.1.call-start
scs
__scs_entry_jumppad:
0x0: {  	(pc) =	sbr.rel $0x88, $3  }
0x1: {  	(tag) =	ssettag $0x0;
	lr =	simm.s32 $0x1  }
0x2: {  	[smem:$0x3F91] =	sst lr;
	_ =	strace $0xD0000000  }
0x3: {  	_ = 	snop  }
0x4: {  	_ = 	snop  }
0x5: {  	_ = 	snop  }
0x6: {  	_ = 	snop  }
0x7: {  	_ = 	snop  }
__scs_overlays_trampoline_lowered:
0x8: {  	[smem:$0x3FA0] =	sst s0  }
0x9: {  	[smem:$0x3FA1] =	sst s1  }
0xa: {  	[smem:$0x3FA2] =	sst s2  }
0xb: {  	[smem:$0x3FA3] =	sst s3  }
0xc: {  	[smem:$0x3FA4] =	sst s4  }
0xd: {  	[smem:$0x3FA5] =	sst s5  }
0xe: {  	[smem:$0x3FA6] =	sst s6  }
0xf: {  	[smem:$0x3FA7] =	sst s7  }
0x10: {  	[smem:$0x3FA8] =	sst s8  }
0x11: {  	[smem:$0x3FA9] =	sst s9;
	s0 =	simm.s32 @!p0 $0x0  }
0x12: {  	s1 =	sld [smem:$0x3F8F];
	s0 =	simm.s32 @p0 $0x1  }
0x13: {  	[smem:$0x3FAA] =	sst s0;
	s0 =	simm.s32 @!p1 $0x0  }
0x14: {  	s2 =	sld [smem:$0x3F8E];
	s0 =	simm.s32 @p1 $0x1  }
0x15: {  	[smem:$0x3FAB] =	sst s0;
	s0 =	simm.s32 @!p2 $0x0  }
0x16: {  	s3 =	sld [smem:$0x3FDB];
	s0 =	simm.s32 @p2 $0x1  }
0x17: {  	s4 =	simm.s32 $0x1BF5;
	[smem:$0x3FAD] =	sst s0  }
0x18: {  	s0 =	sld [smem:$0x3F90];
	_ =	swait.ge [sflag:s4], $0x0  }
0x19: {  	s7 =	sld [smem:$0x3F91]  }
0x1a: {  	s8 =	sadd.s32 $0xFFFFE003, lr  }
0x1b: {  	s9 =	sadd.s32 $0xFFFFFEF7, lr;
	s5 =	simm.s32 $0xFFFFFFFF;
	p2 =	slt.u32 s8, $0xFFFFF086  }
0x1c: {  	p1 =	slt.u32 s9, $0xF7A;
	s5 =	simm.s32 @!p2 $0x0  }
0x1d: {  	s5 =	simm.s32 @p1 $0x1;
	p0 =	seq.s32 s7, s2  }
0x1e: {  	s7 =	smul.u32 @!p0 $0xF7A, s2;
	p2 =	seq.s32 @!p0 s5, $0x0  }
0x1f: {  	s9 =	smul.u32 $0xF7A, s1;
	s8 =	simm.s32 @!p0 $0x1BF5;
	p2 =	por !p2, p0  }
0x20: {  	[sflag:s8] =	ssyncset.s32 @!p0 $0xFFFFF086;
	s6 =	sadd.s32 @!p0 s3, s7;
	s7 =	simm.s32 @!p0 $0x108  }
0x21: {  	s3 =	sadd.s32 s3, s9;
	s6 =	sadd.s32 @!p0 $0x88, s6;
	s7 =	simm.s32 @p2 $0x1082  }
0x22: {  	[simem:s7], [sflag:s8] =	dma.local @!p0 [hbm:s6], $0xF7A  }
0x23: {  	s9 =	sor.u32 $0xD0000000, s2;
	s6 =	simm.s32 $0x108;
	_ =	swait.ge @!p0 [sflag:s8], $0x0  }
0x24: {  	s3 =	sadd.s32 $0x88, s3;
	s6 =	simm.s32 @!p1 $0x1082;
	[sflag:s4] =	ssyncset.s32 $0xFFFFF086  }
0x25: {  	[simem:s6], [sflag:s4] =	dma.local [hbm:s3], $0xF7A  }
0x26: {  	[smem:$0x3F91] =	sst s1;
	(tag) =	ssettag s2;
	_ =	strace s9  }
0x27: {  	s1 =	sld [smem:$0x3FA1]  }
0x28: {  	s2 =	sld [smem:$0x3FA2]  }
0x29: {  	s4 =	sld [smem:$0x3FA4]  }
0x2a: {  	p0 =	seq.s32 s5, $0x0;
	s5 =	sld [smem:$0x3FA5]  }
0x2b: {  	s6 =	sld [smem:$0x3FA6]  }
0x2c: {  	s7 =	sld [smem:$0x3FA7]  }
0x2d: {  	s3 =	simm.s32 $0x108;
	s8 =	sld [smem:$0x3FA8]  }
0x2e: {  	s3 =	simm.s32 @!p0 $0x1082;
	s9 =	sld [smem:$0x3FA9]  }
0x2f: {  	lr =	sadd.s32 s0, s3;
	s0 =	sld [smem:$0x3FA0]  }
0x30: {  	s3 =	sld [smem:$0x3FA3]  }
0x31: {  	[smem:$0x3FAC] =	sst s10  }
0x32: {  	s10 =	sld [smem:$0x3FAA];
	_ =	sdelay $0x3  }
0x33: {  	p0 =	seq.s32 s10, $0x1;
	s10 =	sld [smem:$0x3FAC];
	_ =	sdelay $0x3  }
0x34: {  	[smem:$0x3FAC] =	sst s10  }
0x35: {  	s10 =	sld [smem:$0x3FAB];
	_ =	sdelay $0x3  }
0x36: {  	p1 =	seq.s32 s10, $0x1;
	s10 =	sld [smem:$0x3FAC];
	_ =	sdelay $0x3  }
0x37: {  	[smem:$0x3FAC] =	sst s10  }
0x38: {  	s10 =	sld [smem:$0x3FAD]  }
0x39: {  	_ = 	snop;
	(pc) =	sbr.ind lr, $3  }
0x3a: {  	_ = 	snop  }
0x3b: {  	_ = 	snop  }
0x3c: {  	p2 =	seq.s32 s10, $0x1;
	s10 =	sld [smem:$0x3FAC]  }
0x3d: {  	_ =	shalt  }
0x3e: {  	_ =	shalt  }
0x3f: {  	_ =	shalt  }
0x40: {  	_ =	shalt  }
0x41: {  	_ =	shalt  }
0x42: {  	_ =	shalt  }
0x43: {  	_ =	shalt  }
0x44: {  	_ =	shalt  }
0x45: {  	_ =	shalt  }
0x46: {  	_ =	shalt  }
0x47: {  	_ =	shalt  }
0x48: {  	_ =	shalt  }
0x49: {  	_ =	shalt  }
0x4a: {  	_ =	shalt  }
0x4b: {  	_ =	shalt  }
0x4c: {  	_ =	shalt  }
0x4d: {  	_ =	shalt  }
0x4e: {  	_ =	shalt  }
0x4f: {  	_ =	shalt  }
0x50: {  	_ =	shalt  }
0x51: {  	_ =	shalt  }
0x52: {  	_ =	shalt  }
0x53: {  	_ =	shalt  }
0x54: {  	_ =	shalt  }
0x55: {  	_ =	shalt  }
0x56: {  	_ =	shalt  }
0x57: {  	_ =	shalt  }
0x58: {  	_ =	shalt  }
0x59: {  	_ =	shalt  }
0x5a: {  	_ =	shalt  }
0x5b: {  	_ =	shalt  }
0x5c: {  	_ =	shalt  }
0x5d: {  	_ =	shalt  }
0x5e: {  	_ =	shalt  }
0x5f: {  	_ =	shalt  }
0x60: {  	_ =	shalt  }
0x61: {  	_ =	shalt  }
0x62: {  	_ =	shalt  }
0x63: {  	_ =	shalt  }
0x64: {  	_ =	shalt  }
0x65: {  	_ =	shalt  }
0x66: {  	_ =	shalt  }
0x67: {  	_ =	shalt  }
0x68: {  	_ =	shalt  }
0x69: {  	_ =	shalt  }
0x6a: {  	_ =	shalt  }
0x6b: {  	_ =	shalt  }
0x6c: {  	_ =	shalt  }
0x6d: {  	_ =	shalt  }
0x6e: {  	_ =	shalt  }
0x6f: {  	_ =	shalt  }
0x70: {  	_ =	shalt  }
0x71: {  	_ =	shalt  }
0x72: {  	_ =	shalt  }
0x73: {  	_ =	shalt  }
0x74: {  	_ =	shalt  }
0x75: {  	_ =	shalt  }
0x76: {  	_ =	shalt  }
0x77: {  	_ =	shalt  }
0x78: {  	_ =	shalt  }
0x79: {  	_ =	shalt  }
0x7a: {  	_ =	shalt  }
0x7b: {  	_ =	shalt  }
0x7c: {  	_ =	shalt  }
0x7d: {  	_ =	shalt  }
0x7e: {  	_ =	shalt  }
0x7f: {  	_ =	shalt  }
0x80: {  	_ =	shalt  }
0x81: {  	_ =	shalt  }
0x82: {  	_ =	shalt  }
0x83: {  	_ =	shalt  }
0x84: {  	_ =	shalt  }
0x85: {  	_ =	shalt  }
0x86: {  	_ =	shalt  }
0x87: {  	_ =	shalt  }
.Lfunc_end0:
.L_simem_size_0:
called_computation.3_lowered:
.L_overlay_start_0:
0x88: {  	s2 =	sld [smem:$0x3FD9]  }
0x89: {  	s3 =	sld [smem:$0x3FFE];
	_ =	sdelay $0x1  }
0x8a: {  	s1 =	srdreg.scid  }
0x8b: {  	s0 =	sand.u32 $0x1, s1  }
0x8c: {  	s16 =	sshll.u32 s0, $0xA;
	s2 =	sadd.s32 s3, s2  }
0x8d: {  	s2 =	sadd.s32 s2, s16  }
0x8e: {  	[smem:$0x3FB8] =	sst s2  }
0x8f: {  	_ = 	snop  }
0x90: {  	(tm) =	ssettm $0x1  }
0x91: {  	s17 =	sld [smem:$0x3FFB];
	_ =	sdelay $0x3  }
0x92: {  	_ =	strace s17  }
0x93: {  	s2 =	sld [smem:$0x3FFC];
	_ =	sdelay $0x3  }
0x94: {  	_ =	strace s2  }
0x95: {  	s2 =	sld [smem:$0x3FFD];
	_ =	sdelay $0x3  }
0x96: {  	_ =	strace s2  }
0x97: {  	_ =	strace $0x8FFFFFFF  }
0x98: {  	s18 =	sld [smem:$0x3FDB];
	_ =	sdelay $0x1  }
0x99: {  	s19 =	simm.s32 $_scs_section_size  }
0x9a: {  	s4 =	simm.s32 $_size__tile_overlayer_lowered;
	s5 =	simm.s32 $_tile_overlayer_lowered  }
0x9b: {  	s22 =	simm.s32 $0x1BFF;
	s21 =	sshll.u32 s5, $0x1;
	s2 =	sadd.s32 s19, s18  }
0x9c: {  	s6 =	simm.s32 $0x0;
	s20 =	sshll.u32 s4, $0x1;
	s4 =	sadd.s32 s21, s2  }
0x9d: {  	[timem:s6], [sflag:s22] =	dma.local [hbm:s4], s20  }
0x9e: {  	_ =	swait.ge [sflag:s22], s20  }
0x9f: {  	s3 =	ssub.s32 $0x0, s20;
	[sflag:s22] =	ssyncset.done $0x0  }
0xa0: {  	[sflag:s22] =	ssyncadd.s32 s3;
	_ =	sdelay $0x1  }
0xa1: {  	s23 =	simm.s32 $0x1B8B  }
0xa2: {  	_ =	swait.ge [sflag:s23], $0x1  }
0xa3: {  	[sflag:s23] =	ssyncset.done $0x0  }
0xa4: {  	s25 =	simm.s32 $0x1B8E;
	s24 =	sld [smem:$0x3FFE];
	[sflag:s23] =	ssyncadd.s32 $0xFFFFFFFF  }
0xa5: {  	s26 =	simm.s32 $execute0_lowered;
	[smem:$0x3FD2] =	sst s25  }
0xa6: {  	s4 =	sshll.u32 s26, $0x1;
	_ =	strace $0x8000004F;
	[dreg:$0x1] =	wrdreg $0xFFFFFFFF  }
0xa7: {  	s28 =	simm.s32 $_size_execute0_lowered;
	s2 =	sadd.s32 s2, s4;
	[dreg:$0x0] =	wrdreg $0x0  }
0xa8: {  	s4 =	sshll.u32 s28, $0x1;
	[dreg:$0x2] =	wrdreg s2  }
0xa9: {  	[dreg:$0x3] =	wrdreg s4  }
0xaa: {  	[dreg:$0x4] =	wrdreg $0xC0  }
0xab: {  	_ =	task [dreg:s6], $0x5FFFF  }
0xac: {  	[dreg:$0x1] =	wrdreg $0xFFFFFFFF  }
0xad: {  	[dreg:$0x0] =	wrdreg $0x60  }
0xae: {  	[dreg:$0x2] =	wrdreg s24  }
0xaf: {  	[dreg:$0x3] =	wrdreg $0x78000  }
0xb0: {  	[dreg:$0x4] =	wrdreg $0x9  }
0xb1: {  	_ =	task.clear_ibuf [dreg:s6], $0x5FFFF;
	_ =	strace $0x9000004F  }
0xb2: {  	s29 =	simm.s32 $0x9;
	_ =	strace $0x80000051  }
0xb3: {  	_ =	swait.ge [sflag:s29], $0x1  }
0xb4: {  	[sflag:s29] =	ssyncadd.s32 $0xFFFFFFFF  }
0xb5: {  	_ =	strace $0x90000051  }
0xb6: {  	_ =	sfence  }
0xb7: {  	s30 =	sld [smem:$0x0];
	_ =	sdelay $0x2  }
0xb8: {  	s31 =	sshll.u32 s1, $0xD;
	s1 =	sshrl.u32 s1, $0x2  }
0xb9: {  	s3 =	sand.u32 $0x4000, s31;
	s1 =	sadd.s32 s1, s30  }
0xba: {  	s0 =	sor.u32 s3, s0;
	s1 =	sshll.u32 s1, $0x11  }
0xbb: {  	s0 =	sor.u32 s1, s0  }
0xbc: {  	s0 =	sadd.s32 $0x8F2B, s0  }
0xbd: {  	[sflag:s0] =	ssyncadd.remote.s32 $0x1  }
0xbe: {  	_ =	sfence.sel $0xFFFF  }
0xbf: {  	[dreg:$0x0] =	wrdreg $0xFFFFFFFF;
	(pc) =	sbr.abs _section_cstart, $3  }
0xc0: {  	[dreg:$0x1] =	wrdreg $0xFFFFFFFF  }
0xc1: {  	_ =	task.clear_ibuf [dreg:s6], $0x2FFFF;
	_ =	strace $0x9FFFFFFF  }
0xc2: {  	(tm) =	ssettm $0x7FFFFFFF  }
0xc3: {  	_ =	shalt  }
tec
execute0_lowered:
.L_overlay_start_1:
0x0: {  	(tag) =	ssettag $0x1  }
0x1: {  	s5 =	rddreg [dreg:$0x0]  }
0x2: {  	s1 =	rddreg [dreg:$0x1]  }
0x3: {  	s0 =	rddreg [dreg:$0x2];
	s3 =	simm.s32 $0x0;
	s4 =	srdreg.scid  }
0x4: {  	s2 =	stileid.u32;
	s25 =	simm.s32 $0x80;
	s26 =	simm.s32 $0x200  }
0x5: {  	s28 =	simm.s32 $0x100;
	s16 =	simm.s32 $0x280;
	s29 =	simm.s32 $0x180  }
0x6: {  	s30 =	simm.s32 $0x300;
	s17 =	simm.s32 $0x380;
	[smem:$0x7FF] =	sst s3  }
0x7: {  	s18 =	simm.s32 $0x480;
	_ =	strace $0x80000050;
	[dreg:$0x3] =	wrdreg s25  }
0x8: {  	s19 =	simm.s32 $0x600;
	s20 =	simm.s32 $0x500;
	[dreg:$0x4] =	wrdreg s26  }
0x9: {  	s31 =	simm.s32 $0x680;
	s6 =	sand.u32 $0x1, s4;
	[dreg:$0x5] =	wrdreg s28  }
0xa: {  	s7 =	smul.u32 $0x2800, s2;
	s4 =	sadd.s32 $0x2C600, s5;
	[dreg:$0x6] =	wrdreg s16  }
0xb: {  	s10 =	sadd.s32 $0xCC600, s5;
	s13 =	smul.u32 $0x50000, s2;
	[dreg:$0x7] =	wrdreg s29  }
0xc: {  	s23 =	smul.u32 $0xC00, s2;
	s15 =	sshll.u32 s2, $0x6;
	[dreg:$0x8] =	wrdreg s30  }
0xd: {  	s8 =	sshll.u32 s6, $0x4;
	s9 =	smul.u32 $0x28000, s6;
	[dreg:$0x9] =	wrdreg s17  }
0xe: {  	s11 =	ssub.s32 $0x2, s6;
	s22 =	smul.u32 $0xC000, s6;
	[dreg:$0xa] =	wrdreg s18  }
0xf: {  	s16 =	simm.s32 $0x4000;
	s17 =	simm.s32 $0x3;
	[dreg:$0xb] =	wrdreg s19  }
0x10: {  	s18 =	simm.s32 $0x4;
	s19 =	simm.s32 $0x2;
	[dreg:$0xc] =	wrdreg s20  }
0x11: {  	[dreg:$0xd] =	wrdreg s31;
	s20 =	simm.s32 $0x780;
	s8 =	sor.u32 s2, s8  }
0x12: {  	s12 =	sshrl.u32 s11, $0x1;
	s21 =	sshrl.u32 s13, $0x2;
	s13 =	sor.u32 $0x1C05, s15  }
0x13: {  	s15 =	simm.s32 $0x400;
	s8 =	smul.u32 $0xC00, s8;
	s9 =	sadd.s32 s7, s9  }
0x14: {  	s7 =	sadd.s32 s7, s5;
	s11 =	ssub.s32 s11, s12;
	s14 =	sadd.s32 s21, s1  }
0x15: {  	s24 =	sadd.s32 s22, s10;
	s12 =	simm.s32 $0x800;
	s21 =	simm.s32 $0x0  }
0x16: {  	s9 =	sadd.s32 s9, s5;
	s6 =	sadd.s32 $0x4600, s7;
	s14 =	sshrl.u32 s14, $0x3  }
0x17: {  	s5 =	sadd.s32 s10, s8;
	s7 =	sadd.s32 $0x7C600, s9;
	s8 =	smax.u32 s11, $0x1  }
0x18: {  	s9 =	sadd.s32 s23, s24;
	s10 =	simm.s32 $0x5;
	s11 =	simm.s32 $0x70  }
.LBB2_1:
0x19: {  	[tilespmem:s3], [sflag:$0x5] =	stream.linear.gather [hbm4b:s5+s3], $0x400, $0x38;
	[tilespmem:$0x1B800] =	vst v63  }
0x1a: {  	_ =	swait.ge [sflag:s10], $0x400  }
0x1b: {  	[sflag:s10] =	ssyncset.done $0x0  }
0x1c: {  	[sflag:s10] =	ssyncadd.s32 $0xFFFFFC00  }
0x1d: {  	[tilespmem:s12], [sflag:$0x3] =	stream.indirect.gather [hbm4b:s4+s11], $0x80, s3, s11, $0xb8;
	[tilespmem:$0x1B800] =	vst v63  }
0x1e: {  	[spmem:s14], [sflag:s13] =	dma.local [hbm:s6], $0x2800  }
0x1f: {  	_ =	swait.ge [sflag:s10], $0x2800  }
0x20: {  	[sflag:s10] =	ssyncset.done $0x0  }
0x21: {  	s22 =	sadd.s32 $0xFFFFF400, s9;
	[sflag:s10] =	ssyncadd.s32 $0xFFFFD800  }
0x22: {  	s22 =	sadd.s32 $0xC80, s22;
	[bflag:$0x0] =	sbarrier.arrive $0xFFFF  }
0x23: {  	[tilespmem:s15], [sflag:$0x2] =	stream.linear.gather [hbm4b:s22+s3], $0x400, $0x38;
	[tilespmem:$0x1B800] =	vst v63  }
0x24: {  	s23 =	rddreg [dreg:$0x3]  }
0x25: {  	[tilespmem:s16], [sflag:$0x4] =	stream.indirect.gather [hbm4b:s4+s11], $0x80, s23, s11, $0xb8;
	[tilespmem:$0x1B800] =	vst v63  }
0x26: {  	_ =	swait.ge [sflag:s17], $0x3800  }
0x27: {  	[sflag:s17] =	ssyncset.done $0x0  }
0x28: {  	s31 =	rddreg [dreg:$0x4];
	[sflag:s17] =	ssyncadd.s32 $0xFFFFC800  }
0x29: {  	[spmem:s1] =	stream.indirect.scatter.add.f32 [tilespmem:s12], [sflag:$0x5], $0x80, s31, s11, $0xb8;
	[tilespmem:$0x1B800] =	vst v63  }
0x2a: {  	_ =	swait.ge [sflag:s10], $0x3800  }
0x2b: {  	[sflag:s10] =	ssyncset.done $0x0  }
0x2c: {  	s23 =	rddreg [dreg:$0x5];
	[sflag:s10] =	ssyncadd.s32 $0xFFFFC800  }
0x2d: {  	[tilespmem:s12], [sflag:$0x3] =	stream.indirect.gather [hbm4b:s4+s11], $0x80, s23, s11, $0xb8;
	[tilespmem:$0x1B800] =	vst v63  }
0x2e: {  	_ =	swait.ge [sflag:s18], $0x3800  }
0x2f: {  	[sflag:s18] =	ssyncset.done $0x0  }
0x30: {  	s24 =	rddreg [dreg:$0x6];
	[sflag:s18] =	ssyncadd.s32 $0xFFFFC800  }
0x31: {  	[spmem:s1] =	stream.indirect.scatter.add.f32 [tilespmem:s16], [sflag:$0x5], $0x80, s24, s11, $0xb8;
	[tilespmem:$0x1B800] =	vst v63  }
0x32: {  	_ =	swait.ge [sflag:s10], $0x3800  }
0x33: {  	[sflag:s10] =	ssyncset.done $0x0  }
0x34: {  	[sflag:s10] =	ssyncadd.s32 $0xFFFFC800  }
0x35: {  	_ =	swait.ge [sflag:s19], $0x400  }
0x36: {  	[sflag:s19] =	ssyncset.done $0x0  }
0x37: {  	s25 =	rddreg [dreg:$0x7];
	[sflag:s19] =	ssyncadd.s32 $0xFFFFFC00  }
0x38: {  	[tilespmem:s16], [sflag:$0x4] =	stream.indirect.gather [hbm4b:s4+s11], $0x80, s25, s11, $0xb8;
	[tilespmem:$0x1B800] =	vst v63  }
0x39: {  	_ =	swait.ge [sflag:s17], $0x3800  }
0x3a: {  	[sflag:s17] =	ssyncset.done $0x0  }
0x3b: {  	s26 =	rddreg [dreg:$0x8];
	[sflag:s17] =	ssyncadd.s32 $0xFFFFC800  }
0x3c: {  	[spmem:s1] =	stream.indirect.scatter.add.f32 [tilespmem:s12], [sflag:$0x5], $0x80, s26, s11, $0xb8;
	[tilespmem:$0x1B800] =	vst v63  }
0x3d: {  	_ =	swait.ge [sflag:s10], $0x3800  }
0x3e: {  	[sflag:s10] =	ssyncset.done $0x0  }
0x3f: {  	[sflag:s10] =	ssyncadd.s32 $0xFFFFC800  }
0x40: {  	[tilespmem:s12], [sflag:$0x3] =	stream.indirect.gather [hbm4b:s4+s11], $0x80, s15, s11, $0xb8;
	[tilespmem:$0x1B800] =	vst v63  }
0x41: {  	_ =	swait.ge [sflag:s18], $0x3800  }
0x42: {  	[sflag:s18] =	ssyncset.done $0x0  }
0x43: {  	s28 =	rddreg [dreg:$0x9];
	[sflag:s18] =	ssyncadd.s32 $0xFFFFC800  }
0x44: {  	[spmem:s1] =	stream.indirect.scatter.add.f32 [tilespmem:s16], [sflag:$0x5], $0x80, s28, s11, $0xb8;
	[tilespmem:$0x1B800] =	vst v63  }
0x45: {  	p0 =	por $0x0, $0x0;
	_ =	swait.ge [sflag:s10], $0x3800  }
0x46: {  	s22 =	sadd.s32 @!p0 $0xFFFFF400, s9;
	[sflag:s10] =	ssyncset.done $0x0  }
0x47: {  	s22 =	sadd.s32 @!p0 $0xD00, s22;
	s23 =	simm.s32 @!p0 $0x0;
	[sflag:s10] =	ssyncadd.s32 $0xFFFFC800  }
0x48: {  	[tilespmem:s23], [sflag:$0x1] =	stream.linear.gather @!p0 [hbm4b:s22+s23], $0x400, $0x38;
	[tilespmem:$0x1B800] =	vst v63  }
0x49: {  	s24 =	rddreg [dreg:$0xa]  }
0x4a: {  	[tilespmem:s16], [sflag:$0x4] =	stream.indirect.gather [hbm4b:s4+s11], $0x80, s24, s11, $0xb8;
	[tilespmem:$0x1B800] =	vst v63  }
0x4b: {  	_ =	swait.ge [sflag:s17], $0x3800  }
0x4c: {  	[sflag:s17] =	ssyncset.done $0x0  }
0x4d: {  	s29 =	rddreg [dreg:$0xb];
	[sflag:s17] =	ssyncadd.s32 $0xFFFFC800  }
0x4e: {  	[spmem:s1] =	stream.indirect.scatter.add.f32 [tilespmem:s12], [sflag:$0x5], $0x80, s29, s11, $0xb8;
	[tilespmem:$0x1B800] =	vst v63  }
0x4f: {  	_ =	swait.ge [sflag:s10], $0x3800  }
0x50: {  	[sflag:s10] =	ssyncset.done $0x0  }
0x51: {  	s30 =	rddreg [dreg:$0xc];
	[sflag:s10] =	ssyncadd.s32 $0xFFFFC800  }
0x52: {  	[tilespmem:s12], [sflag:$0x3] =	stream.indirect.gather [hbm4b:s4+s11], $0x80, s30, s11, $0xb8;
	[tilespmem:$0x1B800] =	vst v63  }
0x53: {  	_ =	swait.ge [sflag:s18], $0x3800  }
0x54: {  	[sflag:s18] =	ssyncset.done $0x0  }
0x55: {  	s31 =	rddreg [dreg:$0xd];
	[sflag:s18] =	ssyncadd.s32 $0xFFFFC800  }
0x56: {  	[spmem:s1] =	stream.indirect.scatter.add.f32 [tilespmem:s16], [sflag:$0x5], $0x80, s31, s11, $0xb8;
	[tilespmem:$0x1B800] =	vst v63  }
0x57: {  	_ =	swait.ge [sflag:s10], $0x3800  }
0x58: {  	s25 =	simm.s32 @p0 $0x70;
	s26 =	simm.s32 @p0 $0x580;
	[sflag:s10] =	ssyncset.done $0x0  }
0x59: {  	s22 =	simm.s32 @p0 $0x4000;
	s24 =	simm.s32 @p0 $0x3;
	[sflag:s10] =	ssyncadd.s32 $0xFFFFC800  }
0x5a: {  	[tilespmem:s22], [sflag:$0x4] =	stream.indirect.gather @p0 [hbm4b:s4+s25], $0x80, s26, s25, $0xb8;
	[tilespmem:$0x1B800] =	vst v63  }
0x5b: {  	_ =	swait.ge @p0 [sflag:s24], $0x3800  }
0x5c: {  	s22 =	simm.s32 @p0 $0x5;
	[sflag:s24] =	ssyncset.done @p0 $0x0  }
0x5d: {  	s26 =	simm.s32 @p0 $0x800;
	[sflag:s24] =	ssyncadd.s32 @p0 $0xFFFFC800;
	s24 =	simm.s32 @p0 $0x700  }
0x5e: {  	[spmem:s1] =	stream.indirect.scatter.add.f32 @p0 [tilespmem:s26], [sflag:$0x5], $0x80, s24, s25, $0xb8;
	[tilespmem:$0x1B800] =	vst v63  }
0x5f: {  	_ =	swait.ge @p0 [sflag:s22], $0x3800  }
0x60: {  	[sflag:s22] =	ssyncset.done @p0 $0x0  }
0x61: {  	[sflag:s22] =	ssyncadd.s32 @p0 $0xFFFFC800;
	s22 =	simm.s32 @!p0 $0x1  }
0x62: {  	_ =	swait.ge @!p0 [sflag:s22], $0x400  }
0x63: {  	s24 =	simm.s32 @!p0 $0x4000;
	s25 =	simm.s32 @!p0 $0x3;
	[sflag:s22] =	ssyncset.done @!p0 $0x0  }
0x64: {  	s26 =	simm.s32 @!p0 $0x580;
	[sflag:s22] =	ssyncadd.s32 @!p0 $0xFFFFFC00;
	s22 =	simm.s32 @!p0 $0x70  }
0x65: {  	[tilespmem:s24], [sflag:$0x4] =	stream.indirect.gather @!p0 [hbm4b:s4+s22], $0x80, s26, s22, $0xb8;
	[tilespmem:$0x1B800] =	vst v63  }
0x66: {  	_ =	swait.ge @!p0 [sflag:s25], $0x3800  }
0x67: {  	s24 =	simm.s32 @!p0 $0x5;
	[sflag:s25] =	ssyncset.done @!p0 $0x0  }
0x68: {  	s26 =	simm.s32 @!p0 $0x800;
	[sflag:s25] =	ssyncadd.s32 @!p0 $0xFFFFC800;
	s25 =	simm.s32 @!p0 $0x700  }
0x69: {  	[spmem:s1] =	stream.indirect.scatter.add.f32 @!p0 [tilespmem:s26], [sflag:$0x5], $0x80, s25, s22, $0xb8;
	[tilespmem:$0x1B800] =	vst v63  }
0x6a: {  	_ =	swait.ge @!p0 [sflag:s24], $0x3800  }
0x6b: {  	[sflag:s24] =	ssyncset.done @!p0 $0x0  }
0x6c: {  	[sflag:s24] =	ssyncadd.s32 @!p0 $0xFFFFC800  }
0x6d: {  	[tilespmem:s26], [sflag:$0x3] =	stream.indirect.gather @!p0 [hbm4b:s4+s22], $0x80, s23, s22, $0xb8;
	[tilespmem:$0x1B800] =	vst v63  }
0x6e: {  	_ =	swait.ge [sflag:s18], $0x3800  }
0x6f: {  	[sflag:s18] =	ssyncset.done $0x0  }
0x70: {  	[sflag:s18] =	ssyncadd.s32 $0xFFFFC800  }
0x71: {  	[spmem:s1] =	stream.indirect.scatter.add.f32 [tilespmem:s16], [sflag:$0x5], $0x80, s20, s11, $0xb8;
	[tilespmem:$0x1B800] =	vst v63  }
0x72: {  	s25 =	sadd.s32 $0xFFFFF500, s9;
	s22 =	simm.s32 $0xFFFFF500;
	_ =	swait.ge [sflag:s10], $0x3800  }
0x73: {  	s23 =	simm.s32 $0xFFFFF600;
	s24 =	rddreg [dreg:$0x3];
	[sflag:s10] =	ssyncset.done $0x0  }
.LBB2_2:
0x74: {  	s26 =	sadd.s32 $0xC80, s25;
	[sflag:s10] =	ssyncadd.s32 $0xFFFFC800  }
0x75: {  	[tilespmem:s15], [sflag:$0x2] =	stream.linear.gather [hbm4b:s26+s3], $0x400, $0x38;
	[tilespmem:$0x1B800] =	vst v63  }
0x76: {  	_ = 	snop  }
0x77: {  	[tilespmem:s16], [sflag:$0x4] =	stream.indirect.gather [hbm4b:s4+s11], $0x80, s24, s11, $0xb8;
	[tilespmem:$0x1B800] =	vst v63  }
0x78: {  	_ =	swait.ge [sflag:s17], $0x3800  }
0x79: {  	[sflag:s17] =	ssyncset.done $0x0  }
0x7a: {  	s26 =	rddreg [dreg:$0x4];
	[sflag:s17] =	ssyncadd.s32 $0xFFFFC800  }
0x7b: {  	[spmem:s1] =	stream.indirect.scatter.add.f32 [tilespmem:s12], [sflag:$0x5], $0x80, s26, s11, $0xb8;
	[tilespmem:$0x1B800] =	vst v63  }
0x7c: {  	_ =	swait.ge [sflag:s10], $0x3800  }
0x7d: {  	[sflag:s10] =	ssyncset.done $0x0  }
0x7e: {  	s28 =	rddreg [dreg:$0x5];
	[sflag:s10] =	ssyncadd.s32 $0xFFFFC800  }
0x7f: {  	[tilespmem:s12], [sflag:$0x3] =	stream.indirect.gather [hbm4b:s4+s11], $0x80, s28, s11, $0xb8;
	[tilespmem:$0x1B800] =	vst v63  }
0x80: {  	_ =	swait.ge [sflag:s18], $0x3800  }
0x81: {  	[sflag:s18] =	ssyncset.done $0x0  }
0x82: {  	s29 =	rddreg [dreg:$0x6];
	[sflag:s18] =	ssyncadd.s32 $0xFFFFC800  }
0x83: {  	[spmem:s1] =	stream.indirect.scatter.add.f32 [tilespmem:s16], [sflag:$0x5], $0x80, s29, s11, $0xb8;
	[tilespmem:$0x1B800] =	vst v63  }
0x84: {  	_ =	swait.ge [sflag:s10], $0x3800  }
0x85: {  	[sflag:s10] =	ssyncset.done $0x0  }
0x86: {  	[sflag:s10] =	ssyncadd.s32 $0xFFFFC800  }
0x87: {  	_ =	swait.ge [sflag:s19], $0x400  }
0x88: {  	[sflag:s19] =	ssyncset.done $0x0  }
0x89: {  	s30 =	rddreg [dreg:$0x7];
	[sflag:s19] =	ssyncadd.s32 $0xFFFFFC00  }
0x8a: {  	[tilespmem:s16], [sflag:$0x4] =	stream.indirect.gather [hbm4b:s4+s11], $0x80, s30, s11, $0xb8;
	[tilespmem:$0x1B800] =	vst v63  }
0x8b: {  	_ =	swait.ge [sflag:s17], $0x3800  }
0x8c: {  	[sflag:s17] =	ssyncset.done $0x0  }
0x8d: {  	s31 =	rddreg [dreg:$0x8];
	[sflag:s17] =	ssyncadd.s32 $0xFFFFC800  }
0x8e: {  	[spmem:s1] =	stream.indirect.scatter.add.f32 [tilespmem:s12], [sflag:$0x5], $0x80, s31, s11, $0xb8;
	[tilespmem:$0x1B800] =	vst v63  }
0x8f: {  	_ =	swait.ge [sflag:s10], $0x3800  }
0x90: {  	[sflag:s10] =	ssyncset.done $0x0  }
0x91: {  	[sflag:s10] =	ssyncadd.s32 $0xFFFFC800  }
0x92: {  	[tilespmem:s12], [sflag:$0x3] =	stream.indirect.gather [hbm4b:s4+s11], $0x80, s15, s11, $0xb8;
	[tilespmem:$0x1B800] =	vst v63  }
0x93: {  	_ =	swait.ge [sflag:s18], $0x3800  }
0x94: {  	[sflag:s18] =	ssyncset.done $0x0  }
0x95: {  	s26 =	rddreg [dreg:$0x9];
	[sflag:s18] =	ssyncadd.s32 $0xFFFFC800  }
0x96: {  	[spmem:s1] =	stream.indirect.scatter.add.f32 [tilespmem:s16], [sflag:$0x5], $0x80, s26, s11, $0xb8;
	[tilespmem:$0x1B800] =	vst v63  }
0x97: {  	p1 =	seq.s32 s22, $0xFFFFFF00;
	_ =	swait.ge [sflag:s10], $0x3800  }
0x98: {  	s22 =	sadd.s32 @!p1 s22, s9;
	[sflag:s10] =	ssyncset.done $0x0  }
0x99: {  	s22 =	sadd.s32 @!p1 $0xD00, s22;
	s24 =	simm.s32 @!p1 $0x0;
	[sflag:s10] =	ssyncadd.s32 $0xFFFFC800  }
0x9a: {  	[tilespmem:s24], [sflag:$0x1] =	stream.linear.gather @!p1 [hbm4b:s22+s24], $0x400, $0x38;
	[tilespmem:$0x1B800] =	vst v63  }
0x9b: {  	s28 =	rddreg [dreg:$0xa]  }
0x9c: {  	[tilespmem:s16], [sflag:$0x4] =	stream.indirect.gather [hbm4b:s4+s11], $0x80, s28, s11, $0xb8;
	[tilespmem:$0x1B800] =	vst v63  }
0x9d: {  	_ =	swait.ge [sflag:s17], $0x3800  }
0x9e: {  	[sflag:s17] =	ssyncset.done $0x0  }
0x9f: {  	s29 =	rddreg [dreg:$0xb];
	[sflag:s17] =	ssyncadd.s32 $0xFFFFC800  }
0xa0: {  	[spmem:s1] =	stream.indirect.scatter.add.f32 [tilespmem:s12], [sflag:$0x5], $0x80, s29, s11, $0xb8;
	[tilespmem:$0x1B800] =	vst v63  }
0xa1: {  	_ =	swait.ge [sflag:s10], $0x3800  }
0xa2: {  	[sflag:s10] =	ssyncset.done $0x0  }
0xa3: {  	s30 =	rddreg [dreg:$0xc];
	[sflag:s10] =	ssyncadd.s32 $0xFFFFC800  }
0xa4: {  	[tilespmem:s12], [sflag:$0x3] =	stream.indirect.gather [hbm4b:s4+s11], $0x80, s30, s11, $0xb8;
	[tilespmem:$0x1B800] =	vst v63  }
0xa5: {  	_ =	swait.ge [sflag:s18], $0x3800  }
0xa6: {  	[sflag:s18] =	ssyncset.done $0x0  }
0xa7: {  	s31 =	rddreg [dreg:$0xd];
	[sflag:s18] =	ssyncadd.s32 $0xFFFFC800  }
0xa8: {  	[spmem:s1] =	stream.indirect.scatter.add.f32 [tilespmem:s16], [sflag:$0x5], $0x80, s31, s11, $0xb8;
	[tilespmem:$0x1B800] =	vst v63  }
0xa9: {  	s25 =	smov.u32 s23;
	s26 =	simm.s32 @p1 $0x3;
	_ =	swait.ge [sflag:s10], $0x3800  }
0xaa: {  	s22 =	smov.u32 s25;
	s25 =	simm.s32 @p1 $0x4000;
	[sflag:s10] =	ssyncset.done $0x0  }
0xab: {  	s28 =	simm.s32 @p1 $0x70;
	s29 =	simm.s32 @p1 $0x580;
	[sflag:s10] =	ssyncadd.s32 $0xFFFFC800  }
0xac: {  	[tilespmem:s25], [sflag:$0x4] =	stream.indirect.gather @p1 [hbm4b:s4+s28], $0x80, s29, s28, $0xb8;
	[tilespmem:$0x1B800] =	vst v63  }
0xad: {  	_ =	swait.ge @p1 [sflag:s26], $0x3800  }
0xae: {  	s25 =	simm.s32 @p1 $0x5;
	[sflag:s26] =	ssyncset.done @p1 $0x0  }
0xaf: {  	s29 =	simm.s32 @p1 $0x800;
	[sflag:s26] =	ssyncadd.s32 @p1 $0xFFFFC800;
	s26 =	simm.s32 @p1 $0x700  }
0xb0: {  	[spmem:s1] =	stream.indirect.scatter.add.f32 @p1 [tilespmem:s29], [sflag:$0x5], $0x80, s26, s28, $0xb8;
	[tilespmem:$0x1B800] =	vst v63  }
0xb1: {  	_ =	swait.ge @p1 [sflag:s25], $0x3800  }
0xb2: {  	[sflag:s25] =	ssyncset.done @p1 $0x0  }
0xb3: {  	[sflag:s25] =	ssyncadd.s32 @p1 $0xFFFFC800;
	s25 =	simm.s32 @!p1 $0x1  }
0xb4: {  	_ =	swait.ge @!p1 [sflag:s25], $0x400  }
0xb5: {  	s26 =	simm.s32 @!p1 $0x4000;
	s28 =	simm.s32 @!p1 $0x3;
	[sflag:s25] =	ssyncset.done @!p1 $0x0  }
0xb6: {  	s29 =	simm.s32 @!p1 $0x580;
	[sflag:s25] =	ssyncadd.s32 @!p1 $0xFFFFFC00;
	s25 =	simm.s32 @!p1 $0x70  }
0xb7: {  	[tilespmem:s26], [sflag:$0x4] =	stream.indirect.gather @!p1 [hbm4b:s4+s25], $0x80, s29, s25, $0xb8;
	[tilespmem:$0x1B800] =	vst v63  }
0xb8: {  	_ =	swait.ge @!p1 [sflag:s28], $0x3800  }
0xb9: {  	s26 =	simm.s32 @!p1 $0x5;
	[sflag:s28] =	ssyncset.done @!p1 $0x0  }
0xba: {  	s29 =	simm.s32 @!p1 $0x800;
	[sflag:s28] =	ssyncadd.s32 @!p1 $0xFFFFC800;
	s28 =	simm.s32 @!p1 $0x700  }
0xbb: {  	[spmem:s1] =	stream.indirect.scatter.add.f32 @!p1 [tilespmem:s29], [sflag:$0x5], $0x80, s28, s25, $0xb8;
	[tilespmem:$0x1B800] =	vst v63  }
0xbc: {  	_ =	swait.ge @!p1 [sflag:s26], $0x3800  }
0xbd: {  	[sflag:s26] =	ssyncset.done @!p1 $0x0  }
0xbe: {  	s23 =	sadd.s32 $0x100, s23;
	[sflag:s26] =	ssyncadd.s32 @!p1 $0xFFFFC800  }
0xbf: {  	[tilespmem:s29], [sflag:$0x3] =	stream.indirect.gather @!p1 [hbm4b:s4+s25], $0x80, s24, s25, $0xb8;
	[tilespmem:$0x1B800] =	vst v63  }
0xc0: {  	p0 =	sne.s32 s23, $0x0;
	_ =	swait.ge [sflag:s18], $0x3800  }
.Ltmp0:
0xc1: {  	[sflag:s18] =	ssyncset.done $0x0;
	(pc) =	sbr.rel @p0 .LBB2_2-.Ltmp0, $4  }
0xc2: {  	[sflag:s18] =	ssyncadd.s32 $0xFFFFC800  }
0xc3: {  	[spmem:s1] =	stream.indirect.scatter.add.f32 [tilespmem:s16], [sflag:$0x5], $0x80, s20, s11, $0xb8;
	[tilespmem:$0x1B800] =	vst v63  }
0xc4: {  	_ =	swait.ge [sflag:s10], $0x3800  }
0xc5: {  	s25 =	sadd.s32 s22, s9;
	s24 =	rddreg [dreg:$0x3];
	[sflag:s10] =	ssyncset.done $0x0  }
0xc6: {  	s23 =	sadd.s32 $0xC80, s25;
	[sflag:s10] =	ssyncadd.s32 $0xFFFFC800  }
0xc7: {  	[tilespmem:s15], [sflag:$0x2] =	stream.linear.gather [hbm4b:s23+s3], $0x400, $0x38;
	[tilespmem:$0x1B800] =	vst v63  }
0xc8: {  	_ = 	snop  }
0xc9: {  	[tilespmem:s16], [sflag:$0x4] =	stream.indirect.gather [hbm4b:s4+s11], $0x80, s24, s11, $0xb8;
	[tilespmem:$0x1B800] =	vst v63  }
0xca: {  	_ =	swait.ge [sflag:s17], $0x3800  }
0xcb: {  	[sflag:s17] =	ssyncset.done $0x0  }
0xcc: {  	s29 =	rddreg [dreg:$0x4];
	[sflag:s17] =	ssyncadd.s32 $0xFFFFC800  }
0xcd: {  	[spmem:s1] =	stream.indirect.scatter.add.f32 [tilespmem:s12], [sflag:$0x5], $0x80, s29, s11, $0xb8;
	[tilespmem:$0x1B800] =	vst v63  }
0xce: {  	_ =	swait.ge [sflag:s10], $0x3800  }
0xcf: {  	[sflag:s10] =	ssyncset.done $0x0  }
0xd0: {  	s30 =	rddreg [dreg:$0x5];
	[sflag:s10] =	ssyncadd.s32 $0xFFFFC800  }
0xd1: {  	[tilespmem:s12], [sflag:$0x3] =	stream.indirect.gather [hbm4b:s4+s11], $0x80, s30, s11, $0xb8;
	[tilespmem:$0x1B800] =	vst v63  }
0xd2: {  	_ =	swait.ge [sflag:s18], $0x3800  }
0xd3: {  	[sflag:s18] =	ssyncset.done $0x0  }
0xd4: {  	s31 =	rddreg [dreg:$0x6];
	[sflag:s18] =	ssyncadd.s32 $0xFFFFC800  }
0xd5: {  	[spmem:s1] =	stream.indirect.scatter.add.f32 [tilespmem:s16], [sflag:$0x5], $0x80, s31, s11, $0xb8;
	[tilespmem:$0x1B800] =	vst v63  }
0xd6: {  	_ =	swait.ge [sflag:s10], $0x3800  }
0xd7: {  	[sflag:s10] =	ssyncset.done $0x0  }
0xd8: {  	[sflag:s10] =	ssyncadd.s32 $0xFFFFC800  }
0xd9: {  	_ =	swait.ge [sflag:s19], $0x400  }
0xda: {  	[sflag:s19] =	ssyncset.done $0x0  }
0xdb: {  	s24 =	rddreg [dreg:$0x7];
	[sflag:s19] =	ssyncadd.s32 $0xFFFFFC00  }
0xdc: {  	[tilespmem:s16], [sflag:$0x4] =	stream.indirect.gather [hbm4b:s4+s11], $0x80, s24, s11, $0xb8;
	[tilespmem:$0x1B800] =	vst v63  }
0xdd: {  	_ =	swait.ge [sflag:s17], $0x3800  }
0xde: {  	[sflag:s17] =	ssyncset.done $0x0  }
0xdf: {  	s25 =	rddreg [dreg:$0x8];
	[sflag:s17] =	ssyncadd.s32 $0xFFFFC800  }
0xe0: {  	[spmem:s1] =	stream.indirect.scatter.add.f32 [tilespmem:s12], [sflag:$0x5], $0x80, s25, s11, $0xb8;
	[tilespmem:$0x1B800] =	vst v63  }
0xe1: {  	_ =	swait.ge [sflag:s10], $0x3800  }
0xe2: {  	[sflag:s10] =	ssyncset.done $0x0  }
0xe3: {  	[sflag:s10] =	ssyncadd.s32 $0xFFFFC800  }
0xe4: {  	[tilespmem:s12], [sflag:$0x3] =	stream.indirect.gather [hbm4b:s4+s11], $0x80, s15, s11, $0xb8;
	[tilespmem:$0x1B800] =	vst v63  }
0xe5: {  	_ =	swait.ge [sflag:s18], $0x3800  }
0xe6: {  	[sflag:s18] =	ssyncset.done $0x0  }
0xe7: {  	s26 =	rddreg [dreg:$0x9];
	[sflag:s18] =	ssyncadd.s32 $0xFFFFC800  }
0xe8: {  	[spmem:s1] =	stream.indirect.scatter.add.f32 [tilespmem:s16], [sflag:$0x5], $0x80, s26, s11, $0xb8;
	[tilespmem:$0x1B800] =	vst v63  }
0xe9: {  	p0 =	seq.s32 s22, $0xFFFFFF00;
	_ =	swait.ge [sflag:s10], $0x3800  }
0xea: {  	s22 =	sadd.s32 @!p0 s22, s9;
	[sflag:s10] =	ssyncset.done $0x0  }
0xeb: {  	s23 =	simm.s32 @!p0 $0x0;
	s22 =	sadd.s32 @!p0 $0xD00, s22;
	[sflag:s10] =	ssyncadd.s32 $0xFFFFC800  }
0xec: {  	[tilespmem:s23], [sflag:$0x1] =	stream.linear.gather @!p0 [hbm4b:s22+s23], $0x400, $0x38;
	[tilespmem:$0x1B800] =	vst v63  }
0xed: {  	s28 =	rddreg [dreg:$0xa]  }
0xee: {  	[tilespmem:s16], [sflag:$0x4] =	stream.indirect.gather [hbm4b:s4+s11], $0x80, s28, s11, $0xb8;
	[tilespmem:$0x1B800] =	vst v63  }
0xef: {  	_ =	swait.ge [sflag:s17], $0x3800  }
0xf0: {  	[sflag:s17] =	ssyncset.done $0x0  }
0xf1: {  	s29 =	rddreg [dreg:$0xb];
	[sflag:s17] =	ssyncadd.s32 $0xFFFFC800  }
0xf2: {  	[spmem:s1] =	stream.indirect.scatter.add.f32 [tilespmem:s12], [sflag:$0x5], $0x80, s29, s11, $0xb8;
	[tilespmem:$0x1B800] =	vst v63  }
0xf3: {  	_ =	swait.ge [sflag:s10], $0x3800  }
0xf4: {  	[sflag:s10] =	ssyncset.done $0x0  }
0xf5: {  	s30 =	rddreg [dreg:$0xc];
	[sflag:s10] =	ssyncadd.s32 $0xFFFFC800  }
0xf6: {  	[tilespmem:s12], [sflag:$0x3] =	stream.indirect.gather [hbm4b:s4+s11], $0x80, s30, s11, $0xb8;
	[tilespmem:$0x1B800] =	vst v63  }
0xf7: {  	_ =	swait.ge [sflag:s18], $0x3800  }
0xf8: {  	[sflag:s18] =	ssyncset.done $0x0  }
0xf9: {  	s31 =	rddreg [dreg:$0xd];
	[sflag:s18] =	ssyncadd.s32 $0xFFFFC800  }
0xfa: {  	[spmem:s1] =	stream.indirect.scatter.add.f32 [tilespmem:s16], [sflag:$0x5], $0x80, s31, s11, $0xb8;
	[tilespmem:$0x1B800] =	vst v63  }
0xfb: {  	_ =	swait.ge [sflag:s10], $0x3800  }
0xfc: {  	s24 =	simm.s32 @p0 $0x3;
	s25 =	simm.s32 @p0 $0x70;
	[sflag:s10] =	ssyncset.done $0x0  }
0xfd: {  	s26 =	simm.s32 @p0 $0x580;
	s22 =	simm.s32 @p0 $0x4000;
	[sflag:s10] =	ssyncadd.s32 $0xFFFFC800  }
0xfe: {  	[tilespmem:s22], [sflag:$0x4] =	stream.indirect.gather @p0 [hbm4b:s4+s25], $0x80, s26, s25, $0xb8;
	[tilespmem:$0x1B800] =	vst v63  }
0xff: {  	_ =	swait.ge @p0 [sflag:s24], $0x3800  }
0x100: {  	s22 =	simm.s32 @p0 $0x5;
	[sflag:s24] =	ssyncset.done @p0 $0x0  }
0x101: {  	s26 =	simm.s32 @p0 $0x800;
	[sflag:s24] =	ssyncadd.s32 @p0 $0xFFFFC800;
	s24 =	simm.s32 @p0 $0x700  }
0x102: {  	[spmem:s1] =	stream.indirect.scatter.add.f32 @p0 [tilespmem:s26], [sflag:$0x5], $0x80, s24, s25, $0xb8;
	[tilespmem:$0x1B800] =	vst v63  }
0x103: {  	_ =	swait.ge @p0 [sflag:s22], $0x3800  }
0x104: {  	[sflag:s22] =	ssyncset.done @p0 $0x0  }
0x105: {  	[sflag:s22] =	ssyncadd.s32 @p0 $0xFFFFC800;
	s22 =	simm.s32 @!p0 $0x1  }
0x106: {  	_ =	swait.ge @!p0 [sflag:s22], $0x400  }
0x107: {  	s24 =	simm.s32 @!p0 $0x4000;
	s25 =	simm.s32 @!p0 $0x3;
	[sflag:s22] =	ssyncset.done @!p0 $0x0  }
0x108: {  	s26 =	simm.s32 @!p0 $0x580;
	[sflag:s22] =	ssyncadd.s32 @!p0 $0xFFFFFC00;
	s22 =	simm.s32 @!p0 $0x70  }
0x109: {  	[tilespmem:s24], [sflag:$0x4] =	stream.indirect.gather @!p0 [hbm4b:s4+s22], $0x80, s26, s22, $0xb8;
	[tilespmem:$0x1B800] =	vst v63  }
0x10a: {  	_ =	swait.ge @!p0 [sflag:s25], $0x3800  }
0x10b: {  	s24 =	simm.s32 @!p0 $0x5;
	[sflag:s25] =	ssyncset.done @!p0 $0x0  }
0x10c: {  	s26 =	simm.s32 @!p0 $0x800;
	[sflag:s25] =	ssyncadd.s32 @!p0 $0xFFFFC800;
	s25 =	simm.s32 @!p0 $0x700  }
0x10d: {  	[spmem:s1] =	stream.indirect.scatter.add.f32 @!p0 [tilespmem:s26], [sflag:$0x5], $0x80, s25, s22, $0xb8;
	[tilespmem:$0x1B800] =	vst v63  }
0x10e: {  	_ =	swait.ge @!p0 [sflag:s24], $0x3800  }
0x10f: {  	[sflag:s24] =	ssyncset.done @!p0 $0x0  }
0x110: {  	[sflag:s24] =	ssyncadd.s32 @!p0 $0xFFFFC800  }
0x111: {  	[tilespmem:s26], [sflag:$0x3] =	stream.indirect.gather @!p0 [hbm4b:s4+s22], $0x80, s23, s22, $0xb8;
	[tilespmem:$0x1B800] =	vst v63  }
0x112: {  	_ =	swait.ge [sflag:s18], $0x3800  }
0x113: {  	[sflag:s18] =	ssyncset.done $0x0  }
0x114: {  	[sflag:s18] =	ssyncadd.s32 $0xFFFFC800  }
0x115: {  	[spmem:s1] =	stream.indirect.scatter.add.f32 [tilespmem:s16], [sflag:$0x5], $0x80, s20, s11, $0xb8;
	[tilespmem:$0x1B800] =	vst v63  }
0x116: {  	_ =	swait.ge [sflag:s10], $0x3800  }
0x117: {  	s21 =	sadd.s32 $0x1, s21;
	[sflag:s10] =	ssyncset.done $0x0  }
0x118: {  	p0 =	sne.s32 s21, s8;
	[sflag:s10] =	ssyncadd.s32 $0xFFFFC800  }
.Ltmp1:
0x119: {  	[bflag:$0x0] =	sbarrier.arrive $0xFFFF;
	(pc) =	sbr.rel @p0 .LBB2_1-.Ltmp1, $4  }
0x11a: {  	[hbm:s7], [sflag:s13] =	dma.local [spmem:s14], $0x2800  }
0x11b: {  	_ =	swait.ge [sflag:s10], $0x2800  }
0x11c: {  	[sflag:s10] =	ssyncset.done $0x0  }
0x11d: {  	[sflag:s10] =	ssyncadd.s32 $0xFFFFD800  }
0x11e: {  	_ =	sfence.sel $0x180000  }
0x11f: {  	[bflag:$0x0] =	sbarrier.arrive $0xFFFF  }
0x120: {  	p0 =	sne.s32 s2, $0x0;
	_ =	strace $0x90000050  }
0x121: {  	s0 =	sadd.s32 @!p0 $0x100000, s0;
	[bflag:$0x2] =	sbarrier.arrive $0xFFFF  }
0x122: {  	[sflag:s0] =	ssyncadd.tile.s32 @!p0 $0x1;
	_ =	shalt  }
.Lfunc_end2:
_tile_overlayer_lowered:
.L_overlay_start_2:
0x123: {  	(tag) =	ssettag $0x2  }
0x124: {  	s0 =	rddreg [dreg:$0x0];
	s2 =	stileid.u32  }
0x125: {  	s1 =	rddreg [dreg:$0x1];
	p0 =	sne.s32 s2, $0x0  }
0x126: {  	s3 =	rddreg [dreg:$0x2];
	[bflag:$0x3] =	sbarrier.arrive $0xFFFF;
	s2 =	simm.s32 @!p0 $0x1C05  }
0x127: {  	[timem:s3], [sflag:s2] =	dma.local @!p0 [hbm:s0], s1  }
0x128: {  	s0 =	simm.s32 @!p0 $0x5  }
0x129: {  	_ =	swait.ge @!p0 [sflag:s0], s1  }
0x12a: {  	s1 =	ssub.s32 @!p0 $0x0, s1;
	[sflag:s0] =	ssyncset.done @!p0 $0x0  }
0x12b: {  	[sflag:s0] =	ssyncadd.s32 @!p0 s1  }
0x12c: {  	[bflag:$0x3] =	sbarrier.arrive $0xFFFF  }
0x12d: {  	_ =	shalt  }

</sc_bundles>
